<compile_context>
chip_gen: v7x
topology: tpu7x:2x2x1
jax: 0.10.2.dev20260603
libtpu: 0.0.44.dev20260713+nightly
codegen_flags: <defaults>
</compile_context>

<pallas_src>
import functools

import jax
import jax.numpy as jnp
from jax import lax
from jax.experimental import pallas as pl
from jax.experimental.pallas import tpu as pltpu
from jax.experimental.pallas import tpu_sc as plsc

_EPS = 1e-7
_MAXNORM = 1.0 - 4e-3

_N = 10000
_D = 128
_NC = 2
_NS = 16
_EB = 24
_NSLOT = 8
_ROWS_PER_TILE = 632
_N_PAD = _NS * _ROWS_PER_TILE
_TRASH = _N



def _norm(x):
    return jnp.sqrt(jnp.clip(jnp.sum(x * x, axis=-1, keepdims=True), 1e-15, None))


def _project(x):
    n = _norm(x)
    return jnp.where(n > _MAXNORM, x / n * _MAXNORM, x)


def _artanh(z):
    z = jnp.clip(z, -1.0 + _EPS, 1.0 - _EPS)
    return 0.5 * jnp.log((1.0 + z) / (1.0 - z))


def _expmap0(u):
    n = _norm(u)
    return _project(jnp.tanh(n) * u / n)


def _logmap0(y):
    n = _norm(y)
    return _artanh(n) * y / n


def _mobius_matvec(W, x):
    mv = lax.dot_general(x, W, (((1,), (1,)), ((), ())),
                         preferred_element_type=jnp.float32)
    x_n = _norm(x)
    mv_n = _norm(mv)
    res = jnp.tanh(mv_n / x_n * _artanh(x_n)) * mv / mv_n
    return _project(res)


def _mobius_add(x, y):
    x2 = jnp.sum(x * x, -1, keepdims=True)
    y2 = jnp.sum(y * y, -1, keepdims=True)
    xy = jnp.sum(x * y, -1, keepdims=True)
    num = (1.0 + 2.0 * xy + y2) * x + (1.0 - x2) * y
    den = 1.0 + 2.0 * xy + x2 * y2
    return _project(num / jnp.clip(den, 1e-15, None))


def _kappa_linear(x, W, b):
    return _mobius_add(_mobius_matvec(W, x), _expmap0(b))


def _dis_from_degp(degp):
    deg = jnp.max(degp[0] + degp[1], axis=-1, keepdims=True) + 1.0
    return lax.rsqrt(deg)



def _dense1_body(x_ref, w_ref, b_ref, degp_ref, y_ref):
    dis = _dis_from_degp(degp_ref[...])
    xm = _expmap0(x_ref[...])
    h = _kappa_linear(xm, w_ref[...], b_ref[...])
    y_ref[...] = dis * _logmap0(h)


def _dense2_body(accp_ref, y1_ref, degp_ref, w_ref, b_ref, y2_ref):
    dis = _dis_from_degp(degp_ref[...])
    agg = accp_ref[0] + accp_ref[1] + y1_ref[...]
    out1 = _expmap0(dis * agg)
    h = _kappa_linear(out1, w_ref[...], b_ref[...])
    y2_ref[...] = dis * _logmap0(h)


def _final_body(accp_ref, y2_ref, degp_ref, out_ref):
    dis = _dis_from_degp(degp_ref[...])
    agg = accp_ref[0] + accp_ref[1] + y2_ref[...]
    out_ref[...] = _expmap0(dis * agg)


_RB = 1000


def _row_spec(i):
    return (i, 0)


def _fixed_spec(i):
    return (0, 0)


def _part_spec(i):
    return (0, i, 0)


def _dense1(x, W, b2d, degp):
    return pl.pallas_call(
        _dense1_body,
        grid=(_N // _RB,),
        in_specs=[
            pl.BlockSpec((_RB, _D), _row_spec),
            pl.BlockSpec((_D, _D), _fixed_spec),
            pl.BlockSpec((1, _D), _fixed_spec),
            pl.BlockSpec((_NC, _RB, _D), _part_spec),
        ],
        out_specs=pl.BlockSpec((_RB, _D), _row_spec),
        out_shape=jax.ShapeDtypeStruct((_N, _D), jnp.float32),
    )(x, W, b2d, degp)


def _dense2(accp, y1, degp, W, b2d):
    return pl.pallas_call(
        _dense2_body,
        grid=(_N // _RB,),
        in_specs=[
            pl.BlockSpec((_NC, _RB, _D), _part_spec),
            pl.BlockSpec((_RB, _D), _row_spec),
            pl.BlockSpec((_NC, _RB, _D), _part_spec),
            pl.BlockSpec((_D, _D), _fixed_spec),
            pl.BlockSpec((1, _D), _fixed_spec),
        ],
        out_specs=pl.BlockSpec((_RB, _D), _row_spec),
        out_shape=jax.ShapeDtypeStruct((_N, _D), jnp.float32),
    )(accp, y1, degp, W, b2d)


def _final(accp, y2, degp):
    return pl.pallas_call(
        _final_body,
        grid=(_N // _RB,),
        in_specs=[
            pl.BlockSpec((_NC, _RB, _D), _part_spec),
            pl.BlockSpec((_RB, _D), _row_spec),
            pl.BlockSpec((_NC, _RB, _D), _part_spec),
        ],
        out_specs=pl.BlockSpec((_RB, _D), _row_spec),
        out_shape=jax.ShapeDtypeStruct((_N, _D), jnp.float32),
    )(accp, y2, degp)



def _edge_layout(n_edges_padded):
    per_tile = n_edges_padded // (_NC * _NS)
    return per_tile // _EB


def _idx(a, b):
    return a.at[pl.ds(b * _EB, _EB)]


def _deg_body(nblk, colp_hbm, zdeg_hbm, ones_hbm, degp_hbm, *scr):
    cidx_a, ones_v = scr[0], scr[1]
    ssem = scr[2:2 + _NSLOT]
    deg_sh = scr[-1]
    ns = _NSLOT
    c = lax.axis_index("c")
    s = lax.axis_index("s")
    wid = s * _NC + c
    pltpu.sync_copy(ones_hbm, ones_v)
    pltpu.sync_copy(zdeg_hbm, deg_sh.at[pl.ds(s * _ROWS_PER_TILE, _ROWS_PER_TILE)])
    pltpu.sync_copy(colp_hbm.at[wid], cidx_a)
    plsc.subcore_barrier()

    def s_wait(b, slot):
        pltpu.make_async_copy(ones_v, deg_sh.at[_idx(cidx_a, b)], ssem[slot]).wait()

    def fire(b, slot):
        pltpu.async_copy(ones_v, deg_sh.at[_idx(cidx_a, b)], ssem[slot], add=True)

    for b0 in range(ns):
        fire(b0, b0)

    def body(i, carry):
        b = ns + ns * i
        for j in range(ns):
            s_wait(b + j - ns, j)
            fire(b + j, j)
        return carry

    lax.fori_loop(0, (nblk - ns - 1) // ns, body, 0)
    s_wait(nblk - 1 - ns, (nblk - 1) % ns)
    fire(nblk - 1, (nblk - 1) % ns)
    for b0 in range(nblk - ns, nblk):
        s_wait(b0, b0 % ns)
    plsc.subcore_barrier()
    pltpu.sync_copy(deg_sh.at[pl.ds(s * _ROWS_PER_TILE, _ROWS_PER_TILE)],
                    degp_hbm.at[c, pl.ds(s * _ROWS_PER_TILE, _ROWS_PER_TILE)])


def _scat_body(nblk, rowp_hbm, colp_hbm, y_hbm, zacc_hbm, accp_hbm, *scr):
    ridx_a, cidx_a = scr[0], scr[1]
    rows = scr[2:2 + _NSLOT]
    gsem = scr[2 + _NSLOT:2 + 2 * _NSLOT]
    ssem = scr[2 + 2 * _NSLOT:2 + 3 * _NSLOT]
    acc_sh = scr[-1]
    ns = _NSLOT
    c = lax.axis_index("c")
    s = lax.axis_index("s")
    wid = s * _NC + c
    pltpu.sync_copy(zacc_hbm, acc_sh.at[pl.ds(s * _ROWS_PER_TILE, _ROWS_PER_TILE)])
    pltpu.sync_copy(rowp_hbm.at[wid], ridx_a)
    pltpu.sync_copy(colp_hbm.at[wid], cidx_a)
    plsc.subcore_barrier()

    def g_copy(b, slot):
        return pltpu.make_async_copy(y_hbm.at[_idx(ridx_a, b)], rows[slot], gsem[slot])

    def s_wait(b, slot):
        pltpu.make_async_copy(rows[slot], acc_sh.at[_idx(cidx_a, b)], ssem[slot]).wait()

    def scat(b, slot):
        pltpu.async_copy(rows[slot], acc_sh.at[_idx(cidx_a, b)], ssem[slot], add=True)

    for b0 in range(ns):
        g_copy(b0, b0).start()
    g_copy(0, 0).wait()
    scat(0, 0)

    def body(i, carry):
        b = 1 + ns * i
        for j in range(ns):
            sl = (1 + j) % ns
            s_wait(b + j - 1, j % ns)
            g_copy(b + j + ns - 1, j % ns).start()
            g_copy(b + j, sl).wait()
            scat(b + j, sl)
        return carry

    lax.fori_loop(0, (nblk - ns - 1) // ns, body, 0)
    b = nblk - ns
    s_wait(b - 1, 0)
    g_copy(nblk - 1, 0).start()
    for j in range(ns):
        sl = (1 + j) % ns
        if j > 0:
            s_wait(b + j - 1, j % ns)
        g_copy(b + j, sl).wait()
        scat(b + j, sl)
    s_wait(nblk - 1, (nblk - 1) % ns)
    plsc.subcore_barrier()
    pltpu.sync_copy(acc_sh.at[pl.ds(s * _ROWS_PER_TILE, _ROWS_PER_TILE)],
                    accp_hbm.at[c, pl.ds(s * _ROWS_PER_TILE, _ROWS_PER_TILE)])


def _sc_mesh():
    return plsc.VectorSubcoreMesh(core_axis_name="c", subcore_axis_name="s")


def _sc_degree(colp, zdeg, ones, nblk):
    return pl.kernel(
        functools.partial(_deg_body, nblk),
        out_type=jax.ShapeDtypeStruct((_NC, _N_PAD, _D), jnp.float32),
        mesh=_sc_mesh(),
        scratch_types=(
            [pltpu.VMEM((nblk * _EB,), jnp.int32),
             pltpu.VMEM((_EB, _D), jnp.float32)]
            + [pltpu.SemaphoreType.DMA] * _NSLOT
            + [pltpu.VMEM_SHARED((_N_PAD, _D), jnp.float32)]
        ),
    )(colp, zdeg, ones)


def _sc_scatter(rowp, colp, y, zacc, nblk):
    return pl.kernel(
        functools.partial(_scat_body, nblk),
        out_type=jax.ShapeDtypeStruct((_NC, _N_PAD, _D), jnp.float32),
        mesh=_sc_mesh(),
        scratch_types=(
            [pltpu.VMEM((nblk * _EB,), jnp.int32)] * 2
            + [pltpu.VMEM((_EB, _D), jnp.float32)] * _NSLOT
            + [pltpu.SemaphoreType.DMA] * (2 * _NSLOT)
            + [pltpu.VMEM_SHARED((_N_PAD, _D), jnp.float32)]
        ),
    )(rowp, colp, y, zacc)



def kernel(x, edge_index, W1, b1, W2, b2):
    n, d = x.shape
    assert n == _N and d == _D
    ei = edge_index.astype(jnp.int32)
    row, col = ei[0], ei[1]
    e = row.shape[0]
    chunk = _NC * _NS * _EB
    e_pad = ((e + chunk - 1) // chunk) * chunk
    pad = e_pad - e
    nblk = _edge_layout(e_pad)
    assert nblk >= 2 * _NSLOT + 1 and nblk % 2 == 1 and nblk % _NSLOT == 1
    nw = _NC * _NS
    rowp = jnp.concatenate([row, jnp.zeros((pad,), jnp.int32)]).reshape(nw, nblk * _EB)
    colp = jnp.concatenate([col, jnp.full((pad,), _TRASH, jnp.int32)]).reshape(nw, nblk * _EB)

    zacc = jnp.zeros((_ROWS_PER_TILE, _D), jnp.float32)
    ones = jnp.ones((_EB, _D), jnp.float32)
    b1_2d = b1.reshape(1, _D).astype(jnp.float32)
    b2_2d = b2.reshape(1, _D).astype(jnp.float32)

    degp = _sc_degree(colp, zacc, ones, nblk)
    y1 = _dense1(x, W1, b1_2d, degp)
    accp1 = _sc_scatter(rowp, colp, y1, zacc, nblk)
    y2 = _dense2(accp1, y1, degp, W2, b2_2d)
    accp2 = _sc_scatter(rowp, colp, y2, zacc, nblk)
    return _final(accp2, y2, degp)

# --- scband reference (transcript-rebuilt; emitter-appended) ---
"""Pipeline reference for scband-encoder-12790412607643 (READ-ONLY COPY).

The authoritative reference and input builder live on the scoring server;
editing this copy changes nothing except your own understanding.
"""

import jax, jax.numpy as jnp
import numpy as np

K = -1.0
EPS = 1e-7
PROJ_EPS = 4e-3
N_NODES = 10000
N_EDGES = 320000
D = 128

def _norm(x):
    return jnp.sqrt(jnp.clip(jnp.sum(x * x, axis=-1, keepdims=True), 1e-15, None))

def _project(x):
    maxnorm = (1.0 - PROJ_EPS) / jnp.sqrt(-K)
    n = _norm(x)
    return jnp.where(n > maxnorm, x / n * maxnorm, x)

def _tan_k(u):
    sk = jnp.sqrt(-K)
    return jnp.tanh(sk * u) / sk

def _artan_k(u):
    sk = jnp.sqrt(-K)
    return jnp.arctanh(jnp.clip(sk * u, -1.0 + EPS, 1.0 - EPS)) / sk

def expmap0(u, project=True):
    n = _norm(u)
    res = _tan_k(n) * u / n
    return _project(res) if project else res

def logmap0(y):
    n = _norm(y)
    return _artan_k(n) * y / n

def mobius_add(x, y, project=True):
    x2 = jnp.sum(x * x, -1, keepdims=True)
    y2 = jnp.sum(y * y, -1, keepdims=True)
    xy = jnp.sum(x * y, -1, keepdims=True)
    num = (1.0 - 2.0 * K * xy - K * y2) * x + (1.0 + K * x2) * y
    den = 1.0 - 2.0 * K * xy + K * K * x2 * y2
    res = num / jnp.clip(den, 1e-15, None)
    return _project(res) if project else res

def mobius_matvec(W, x, project=True):
    mv = x @ W.T
    x_n = _norm(x)
    mv_n = _norm(mv)
    res = _tan_k(mv_n / x_n * _artan_k(x_n)) * mv / mv_n
    return _project(res) if project else res

def kappa_linear(x, W, b):
    res = mobius_matvec(W, x)
    kb = expmap0(b)
    return mobius_add(res, kb)

def gcn_conv(x, row, col, W, b):
    n_nodes = x.shape[0]
    x = kappa_linear(x, W, b)
    x_tan0 = logmap0(x)
    deg = jnp.zeros((n_nodes,), x.dtype).at[col].add(1.0)
    dis = jnp.where(deg > 0, jnp.where(deg > 0, deg, 1.0) ** -0.5, 0.0)
    norm = dis[row] * dis[col]
    msg = norm[:, None] * x_tan0[row]
    out = jnp.zeros_like(x_tan0).at[col].add(msg)
    return expmap0(out)

def setup_inputs(seed: int = 0):
    key = jax.random.key(seed)
    k1, k2, k3, k4 = jax.random.split(key, 4)
    x = jax.random.normal(k1, (N_NODES, D), dtype=jnp.float32)
    edge_index = jax.random.randint(k2, (2, N_EDGES), 0, N_NODES).astype(jnp.int64)
    lim = float(np.sqrt(6.0 / (D + D)))
    W1 = jax.random.uniform(k3, (D, D), dtype=jnp.float32, minval=-lim, maxval=lim)
    W2 = jax.random.uniform(k4, (D, D), dtype=jnp.float32, minval=-lim, maxval=lim)
    b1 = jnp.zeros((D,), dtype=jnp.float32)
    b2 = jnp.zeros((D,), dtype=jnp.float32)
    return {"x": x, "edge_index": edge_index, "W1": W1, "b1": b1, "W2": W2, "b2": b2}

def reference(x, edge_index, W1, b1, W2, b2):
    n_nodes = x.shape[0]
    loops = jnp.arange(n_nodes, dtype=edge_index.dtype)
    row = jnp.concatenate([edge_index[0], loops])
    col = jnp.concatenate([edge_index[1], loops])
    xm = expmap0(x)
    xm = gcn_conv(xm, row, col, W1, b1)
    xm = gcn_conv(xm, row, col, W2, b2)
    return xm

if __name__ == "__main__":
    import jax
    _d = setup_inputs()
    print(jax.jit(kernel)(*tuple(_d.values())))

</pallas_src>

<mosaic_0001>
#map = affine_map<(d0, d1) -> (0, 0)>
#map1 = affine_map<(d0, d1) -> (0, 0, 0)>
module attributes {stable_mosaic.version = 14 : i64} {
  func.func @_scat_body(%arg0: i32, %arg1: i32, %arg2: memref<32x10008xi32, #tpu.memory_space<hbm>>, %arg3: memref<32x10008xi32, #tpu.memory_space<hbm>>, %arg4: memref<10000x128xf32, #tpu.memory_space<hbm>>, %arg5: memref<632x128xf32, #tpu.memory_space<hbm>>, %arg6: memref<2x10112x128xf32, #tpu.memory_space<hbm>>, %arg7: memref<10008xi32, #tpu.memory_space<vmem>>, %arg8: memref<10008xi32, #tpu.memory_space<vmem>>, %arg9: memref<24x128xf32, #tpu.memory_space<vmem>>, %arg10: memref<24x128xf32, #tpu.memory_space<vmem>>, %arg11: memref<24x128xf32, #tpu.memory_space<vmem>>, %arg12: memref<24x128xf32, #tpu.memory_space<vmem>>, %arg13: memref<24x128xf32, #tpu.memory_space<vmem>>, %arg14: memref<24x128xf32, #tpu.memory_space<vmem>>, %arg15: memref<24x128xf32, #tpu.memory_space<vmem>>, %arg16: memref<24x128xf32, #tpu.memory_space<vmem>>, %arg17: memref<!tpu.dma_semaphore, #tpu.memory_space<semaphore_mem>>, %arg18: memref<!tpu.dma_semaphore, #tpu.memory_space<semaphore_mem>>, %arg19: memref<!tpu.dma_semaphore, #tpu.memory_space<semaphore_mem>>, %arg20: memref<!tpu.dma_semaphore, #tpu.memory_space<semaphore_mem>>, %arg21: memref<!tpu.dma_semaphore, #tpu.memory_space<semaphore_mem>>, %arg22: memref<!tpu.dma_semaphore, #tpu.memory_space<semaphore_mem>>, %arg23: memref<!tpu.dma_semaphore, #tpu.memory_space<semaphore_mem>>, %arg24: memref<!tpu.dma_semaphore, #tpu.memory_space<semaphore_mem>>, %arg25: memref<!tpu.dma_semaphore, #tpu.memory_space<semaphore_mem>>, %arg26: memref<!tpu.dma_semaphore, #tpu.memory_space<semaphore_mem>>, %arg27: memref<!tpu.dma_semaphore, #tpu.memory_space<semaphore_mem>>, %arg28: memref<!tpu.dma_semaphore, #tpu.memory_space<semaphore_mem>>, %arg29: memref<!tpu.dma_semaphore, #tpu.memory_space<semaphore_mem>>, %arg30: memref<!tpu.dma_semaphore, #tpu.memory_space<semaphore_mem>>, %arg31: memref<!tpu.dma_semaphore, #tpu.memory_space<semaphore_mem>>, %arg32: memref<!tpu.dma_semaphore, #tpu.memory_space<semaphore_mem>>, %arg33: memref<10112x128xf32, #tpu.memory_space<vmem_shared>>) attributes {dimension_semantics = [#tpu.dimension_semantics<core_parallel>, #tpu.dimension_semantics<subcore_parallel>], iteration_bounds = array<i64: 2, 16>, scalar_prefetch = 0 : i64, scratch_operands = 27 : i64, tpu.core_type = #tpu.core_type<sc_vector_subcore>, window_params = [{transform_indices = #map}, {transform_indices = #map}, {transform_indices = #map}, {transform_indices = #map}, {transform_indices = #map1}]} {
    %mul3A = arith.constant 2 : i32
    %mul3A_0 = arith.muli %arg1, %mul3A : i32
    %add3A = arith.addi %mul3A_0, %arg0 : i32
    %mul3A_1 = arith.constant 632 : i32
    %mul3A_2 = arith.muli %arg1, %mul3A_1 : i32
    "tpu.region"() ({
      %run_scoped3A = tpu.sem_alloc : memref<!tpu.dma_semaphore, #tpu.memory_space<semaphore_mem>>
      %dma_start3A_191 = arith.constant 0 : i32
      %dma_start3A_192 = tpu.memref_slice %arg33[%mul3A_2, %dma_start3A_191] : memref<10112x128xf32, #tpu.memory_space<vmem_shared>> -> memref<632x128xf32, #tpu.memory_space<vmem_shared>>
      tpu.enqueue_dma source(%arg5 : memref<632x128xf32, #tpu.memory_space<hbm>>) target(%dma_start3A_192 : memref<632x128xf32, #tpu.memory_space<vmem_shared>>) target_semaphore(%run_scoped3A : memref<!tpu.dma_semaphore, #tpu.memory_space<semaphore_mem>>)
      %dma_wait3A_193 = arith.constant 0 : i32
      %dma_wait3A_194 = tpu.memref_slice %arg33[%mul3A_2, %dma_wait3A_193] : memref<10112x128xf32, #tpu.memory_space<vmem_shared>> -> memref<632x128xf32, #tpu.memory_space<vmem_shared>>
      tpu.wait_dma2 semaphore(%run_scoped3A : memref<!tpu.dma_semaphore, #tpu.memory_space<semaphore_mem>>) src(%arg5 : memref<632x128xf32, #tpu.memory_space<hbm>>) dst(%dma_wait3A_194 : memref<632x128xf32, #tpu.memory_space<vmem_shared>>)
      tpu.yield
    }) : () -> ()
    "tpu.region"() ({
      %run_scoped3A = tpu.sem_alloc : memref<!tpu.dma_semaphore, #tpu.memory_space<semaphore_mem>>
      %dma_start3A_191 = arith.constant 0 : i32
      %dma_start3A_192 = tpu.memref_slice %arg2[%add3A, %dma_start3A_191] : memref<32x10008xi32, #tpu.memory_space<hbm>> -> memref<1x10008xi32, #tpu.memory_space<hbm>>
      %dma_start3A_193 = tpu.memref_squeeze %dma_start3A_192 : memref<1x10008xi32, #tpu.memory_space<hbm>> -> memref<10008xi32, #tpu.memory_space<hbm>>
      %dma_start3A_194 = arith.constant 0 : i32
      %dma_start3A_195 = tpu.memref_slice %arg2[%add3A, %dma_start3A_194] : memref<32x10008xi32, #tpu.memory_space<hbm>> -> memref<1x10008xi32, #tpu.memory_space<hbm>>
      %dma_start3A_196 = tpu.memref_squeeze %dma_start3A_195 : memref<1x10008xi32, #tpu.memory_space<hbm>> -> memref<10008xi32, #tpu.memory_space<hbm>>
      tpu.enqueue_dma source(%dma_start3A_196 : memref<10008xi32, #tpu.memory_space<hbm>>) target(%arg7 : memref<10008xi32, #tpu.memory_space<vmem>>) target_semaphore(%run_scoped3A : memref<!tpu.dma_semaphore, #tpu.memory_space<semaphore_mem>>)
      %dma_wait3A_197 = arith.constant 0 : i32
      %dma_wait3A_198 = tpu.memref_slice %arg2[%add3A, %dma_wait3A_197] : memref<32x10008xi32, #tpu.memory_space<hbm>> -> memref<1x10008xi32, #tpu.memory_space<hbm>>
      %dma_wait3A_199 = tpu.memref_squeeze %dma_wait3A_198 : memref<1x10008xi32, #tpu.memory_space<hbm>> -> memref<10008xi32, #tpu.memory_space<hbm>>
      %dma_wait3A_200 = arith.constant 0 : i32
      %dma_wait3A_201 = tpu.memref_slice %arg2[%add3A, %dma_wait3A_200] : memref<32x10008xi32, #tpu.memory_space<hbm>> -> memref<1x10008xi32, #tpu.memory_space<hbm>>
      %dma_wait3A_202 = tpu.memref_squeeze %dma_wait3A_201 : memref<1x10008xi32, #tpu.memory_space<hbm>> -> memref<10008xi32, #tpu.memory_space<hbm>>
      tpu.wait_dma2 semaphore(%run_scoped3A : memref<!tpu.dma_semaphore, #tpu.memory_space<semaphore_mem>>) src(%dma_wait3A_202 : memref<10008xi32, #tpu.memory_space<hbm>>) dst(%arg7 : memref<10008xi32, #tpu.memory_space<vmem>>)
      tpu.yield
    }) : () -> ()
    "tpu.region"() ({
      %run_scoped3A = tpu.sem_alloc : memref<!tpu.dma_semaphore, #tpu.memory_space<semaphore_mem>>
      %dma_start3A_191 = arith.constant 0 : i32
      %dma_start3A_192 = tpu.memref_slice %arg3[%add3A, %dma_start3A_191] : memref<32x10008xi32, #tpu.memory_space<hbm>> -> memref<1x10008xi32, #tpu.memory_space<hbm>>
      %dma_start3A_193 = tpu.memref_squeeze %dma_start3A_192 : memref<1x10008xi32, #tpu.memory_space<hbm>> -> memref<10008xi32, #tpu.memory_space<hbm>>
      %dma_start3A_194 = arith.constant 0 : i32
      %dma_start3A_195 = tpu.memref_slice %arg3[%add3A, %dma_start3A_194] : memref<32x10008xi32, #tpu.memory_space<hbm>> -> memref<1x10008xi32, #tpu.memory_space<hbm>>
      %dma_start3A_196 = tpu.memref_squeeze %dma_start3A_195 : memref<1x10008xi32, #tpu.memory_space<hbm>> -> memref<10008xi32, #tpu.memory_space<hbm>>
      tpu.enqueue_dma source(%dma_start3A_196 : memref<10008xi32, #tpu.memory_space<hbm>>) target(%arg8 : memref<10008xi32, #tpu.memory_space<vmem>>) target_semaphore(%run_scoped3A : memref<!tpu.dma_semaphore, #tpu.memory_space<semaphore_mem>>)
      %dma_wait3A_197 = arith.constant 0 : i32
      %dma_wait3A_198 = tpu.memref_slice %arg3[%add3A, %dma_wait3A_197] : memref<32x10008xi32, #tpu.memory_space<hbm>> -> memref<1x10008xi32, #tpu.memory_space<hbm>>
      %dma_wait3A_199 = tpu.memref_squeeze %dma_wait3A_198 : memref<1x10008xi32, #tpu.memory_space<hbm>> -> memref<10008xi32, #tpu.memory_space<hbm>>
      %dma_wait3A_200 = arith.constant 0 : i32
      %dma_wait3A_201 = tpu.memref_slice %arg3[%add3A, %dma_wait3A_200] : memref<32x10008xi32, #tpu.memory_space<hbm>> -> memref<1x10008xi32, #tpu.memory_space<hbm>>
      %dma_wait3A_202 = tpu.memref_squeeze %dma_wait3A_201 : memref<1x10008xi32, #tpu.memory_space<hbm>> -> memref<10008xi32, #tpu.memory_space<hbm>>
      tpu.wait_dma2 semaphore(%run_scoped3A : memref<!tpu.dma_semaphore, #tpu.memory_space<semaphore_mem>>) src(%dma_wait3A_202 : memref<10008xi32, #tpu.memory_space<hbm>>) dst(%arg8 : memref<10008xi32, #tpu.memory_space<vmem>>)
      tpu.yield
    }) : () -> ()
    %barrier3A = arith.constant 0 : index
    tpu.barrier barrier_id(%barrier3A)
    %dma_start3A = arith.constant 0 : i32
    %dma_start3A_3 = tpu.memref_slice %arg7[%dma_start3A] : memref<10008xi32, #tpu.memory_space<vmem>> -> memref<24xi32, #tpu.memory_space<vmem>>
    %dma_start3A_4 = arith.constant 0 : i32
    %dma_start3A_5 = arith.constant 0 : i32
    %dma_start3A_6 = tpu.memref_slice %arg4[%dma_start3A_4, %dma_start3A_5] : memref<10000x128xf32, #tpu.memory_space<hbm>> -> memref<10000x128xf32, #tpu.memory_space<hbm>>
    tpu.enqueue_indirect_dma source(%dma_start3A_6 : memref<10000x128xf32, #tpu.memory_space<hbm>>) target(%arg9 : memref<24x128xf32, #tpu.memory_space<vmem>>) offsets(%dma_start3A_3 : memref<24xi32, #tpu.memory_space<vmem>>) semaphore(%arg17 : memref<!tpu.dma_semaphore, #tpu.memory_space<semaphore_mem>>)
    %dma_start3A_7 = arith.constant 24 : i32
    %dma_start3A_8 = tpu.memref_slice %arg7[%dma_start3A_7] : memref<10008xi32, #tpu.memory_space<vmem>> -> memref<24xi32, #tpu.memory_space<vmem>>
    %dma_start3A_9 = arith.constant 0 : i32
    %dma_start3A_10 = arith.constant 0 : i32
    %dma_start3A_11 = tpu.memref_slice %arg4[%dma_start3A_9, %dma_start3A_10] : memref<10000x128xf32, #tpu.memory_space<hbm>> -> memref<10000x128xf32, #tpu.memory_space<hbm>>
    tpu.enqueue_indirect_dma source(%dma_start3A_11 : memref<10000x128xf32, #tpu.memory_space<hbm>>) target(%arg10 : memref<24x128xf32, #tpu.memory_space<vmem>>) offsets(%dma_start3A_8 : memref<24xi32, #tpu.memory_space<vmem>>) semaphore(%arg18 : memref<!tpu.dma_semaphore, #tpu.memory_space<semaphore_mem>>)
    %dma_start3A_12 = arith.constant 48 : i32
    %dma_start3A_13 = tpu.memref_slice %arg7[%dma_start3A_12] : memref<10008xi32, #tpu.memory_space<vmem>> -> memref<24xi32, #tpu.memory_space<vmem>>
    %dma_start3A_14 = arith.constant 0 : i32
    %dma_start3A_15 = arith.constant 0 : i32
    %dma_start3A_16 = tpu.memref_slice %arg4[%dma_start3A_14, %dma_start3A_15] : memref<10000x128xf32, #tpu.memory_space<hbm>> -> memref<10000x128xf32, #tpu.memory_space<hbm>>
    tpu.enqueue_indirect_dma source(%dma_start3A_16 : memref<10000x128xf32, #tpu.memory_space<hbm>>) target(%arg11 : memref<24x128xf32, #tpu.memory_space<vmem>>) offsets(%dma_start3A_13 : memref<24xi32, #tpu.memory_space<vmem>>) semaphore(%arg19 : memref<!tpu.dma_semaphore, #tpu.memory_space<semaphore_mem>>)
    %dma_start3A_17 = arith.constant 72 : i32
    %dma_start3A_18 = tpu.memref_slice %arg7[%dma_start3A_17] : memref<10008xi32, #tpu.memory_space<vmem>> -> memref<24xi32, #tpu.memory_space<vmem>>
    %dma_start3A_19 = arith.constant 0 : i32
    %dma_start3A_20 = arith.constant 0 : i32
    %dma_start3A_21 = tpu.memref_slice %arg4[%dma_start3A_19, %dma_start3A_20] : memref<10000x128xf32, #tpu.memory_space<hbm>> -> memref<10000x128xf32, #tpu.memory_space<hbm>>
    tpu.enqueue_indirect_dma source(%dma_start3A_21 : memref<10000x128xf32, #tpu.memory_space<hbm>>) target(%arg12 : memref<24x128xf32, #tpu.memory_space<vmem>>) offsets(%dma_start3A_18 : memref<24xi32, #tpu.memory_space<vmem>>) semaphore(%arg20 : memref<!tpu.dma_semaphore, #tpu.memory_space<semaphore_mem>>)
    %dma_start3A_22 = arith.constant 96 : i32
    %dma_start3A_23 = tpu.memref_slice %arg7[%dma_start3A_22] : memref<10008xi32, #tpu.memory_space<vmem>> -> memref<24xi32, #tpu.memory_space<vmem>>
    %dma_start3A_24 = arith.constant 0 : i32
    %dma_start3A_25 = arith.constant 0 : i32
    %dma_start3A_26 = tpu.memref_slice %arg4[%dma_start3A_24, %dma_start3A_25] : memref<10000x128xf32, #tpu.memory_space<hbm>> -> memref<10000x128xf32, #tpu.memory_space<hbm>>
    tpu.enqueue_indirect_dma source(%dma_start3A_26 : memref<10000x128xf32, #tpu.memory_space<hbm>>) target(%arg13 : memref<24x128xf32, #tpu.memory_space<vmem>>) offsets(%dma_start3A_23 : memref<24xi32, #tpu.memory_space<vmem>>) semaphore(%arg21 : memref<!tpu.dma_semaphore, #tpu.memory_space<semaphore_mem>>)
    %dma_start3A_27 = arith.constant 120 : i32
    %dma_start3A_28 = tpu.memref_slice %arg7[%dma_start3A_27] : memref<10008xi32, #tpu.memory_space<vmem>> -> memref<24xi32, #tpu.memory_space<vmem>>
    %dma_start3A_29 = arith.constant 0 : i32
    %dma_start3A_30 = arith.constant 0 : i32
    %dma_start3A_31 = tpu.memref_slice %arg4[%dma_start3A_29, %dma_start3A_30] : memref<10000x128xf32, #tpu.memory_space<hbm>> -> memref<10000x128xf32, #tpu.memory_space<hbm>>
    tpu.enqueue_indirect_dma source(%dma_start3A_31 : memref<10000x128xf32, #tpu.memory_space<hbm>>) target(%arg14 : memref<24x128xf32, #tpu.memory_space<vmem>>) offsets(%dma_start3A_28 : memref<24xi32, #tpu.memory_space<vmem>>) semaphore(%arg22 : memref<!tpu.dma_semaphore, #tpu.memory_space<semaphore_mem>>)
    %dma_start3A_32 = arith.constant 144 : i32
    %dma_start3A_33 = tpu.memref_slice %arg7[%dma_start3A_32] : memref<10008xi32, #tpu.memory_space<vmem>> -> memref<24xi32, #tpu.memory_space<vmem>>
    %dma_start3A_34 = arith.constant 0 : i32
    %dma_start3A_35 = arith.constant 0 : i32
    %dma_start3A_36 = tpu.memref_slice %arg4[%dma_start3A_34, %dma_start3A_35] : memref<10000x128xf32, #tpu.memory_space<hbm>> -> memref<10000x128xf32, #tpu.memory_space<hbm>>
    tpu.enqueue_indirect_dma source(%dma_start3A_36 : memref<10000x128xf32, #tpu.memory_space<hbm>>) target(%arg15 : memref<24x128xf32, #tpu.memory_space<vmem>>) offsets(%dma_start3A_33 : memref<24xi32, #tpu.memory_space<vmem>>) semaphore(%arg23 : memref<!tpu.dma_semaphore, #tpu.memory_space<semaphore_mem>>)
    %dma_start3A_37 = arith.constant 168 : i32
    %dma_start3A_38 = tpu.memref_slice %arg7[%dma_start3A_37] : memref<10008xi32, #tpu.memory_space<vmem>> -> memref<24xi32, #tpu.memory_space<vmem>>
    %dma_start3A_39 = arith.constant 0 : i32
    %dma_start3A_40 = arith.constant 0 : i32
    %dma_start3A_41 = tpu.memref_slice %arg4[%dma_start3A_39, %dma_start3A_40] : memref<10000x128xf32, #tpu.memory_space<hbm>> -> memref<10000x128xf32, #tpu.memory_space<hbm>>
    tpu.enqueue_indirect_dma source(%dma_start3A_41 : memref<10000x128xf32, #tpu.memory_space<hbm>>) target(%arg16 : memref<24x128xf32, #tpu.memory_space<vmem>>) offsets(%dma_start3A_38 : memref<24xi32, #tpu.memory_space<vmem>>) semaphore(%arg24 : memref<!tpu.dma_semaphore, #tpu.memory_space<semaphore_mem>>)
    %dma_wait3A = arith.constant 0 : i32
    %dma_wait3A_42 = tpu.memref_slice %arg7[%dma_wait3A] : memref<10008xi32, #tpu.memory_space<vmem>> -> memref<24xi32, #tpu.memory_space<vmem>>
    %dma_wait3A_43 = arith.constant 0 : i32
    %dma_wait3A_44 = arith.constant 0 : i32
    %dma_wait3A_45 = tpu.memref_slice %arg4[%dma_wait3A_43, %dma_wait3A_44] : memref<10000x128xf32, #tpu.memory_space<hbm>> -> memref<10000x128xf32, #tpu.memory_space<hbm>>
    tpu.wait_indirect_dma semaphore(%arg17 : memref<!tpu.dma_semaphore, #tpu.memory_space<semaphore_mem>>) src(%dma_wait3A_45 : memref<10000x128xf32, #tpu.memory_space<hbm>>) dst(%arg9 : memref<24x128xf32, #tpu.memory_space<vmem>>)
    %dma_start3A_46 = arith.constant 0 : i32
    %dma_start3A_47 = tpu.memref_slice %arg8[%dma_start3A_46] : memref<10008xi32, #tpu.memory_space<vmem>> -> memref<24xi32, #tpu.memory_space<vmem>>
    %dma_start3A_48 = arith.constant 0 : i32
    %dma_start3A_49 = arith.constant 0 : i32
    %dma_start3A_50 = tpu.memref_slice %arg33[%dma_start3A_48, %dma_start3A_49] : memref<10112x128xf32, #tpu.memory_space<vmem_shared>> -> memref<10112x128xf32, #tpu.memory_space<vmem_shared>>
    tpu.enqueue_indirect_dma source(%arg9 : memref<24x128xf32, #tpu.memory_space<vmem>>) target(%dma_start3A_50 : memref<10112x128xf32, #tpu.memory_space<vmem_shared>>) offsets(%dma_start3A_47 : memref<24xi32, #tpu.memory_space<vmem>>) semaphore(%arg25 : memref<!tpu.dma_semaphore, #tpu.memory_space<semaphore_mem>>) {add = true}
    %scan3A = arith.constant 0 : i32
    %scan3A_51 = arith.constant 0 : i32
    %scan3A_52 = arith.constant 51 : i32
    %scan3A_53 = arith.addi %scan3A_51, %scan3A_52 : i32
    %scan3A_54 = arith.constant 1 : i32
    scf.for %scan3A_191 = %scan3A_51 to %scan3A_53 step %scan3A_54  : i32 {
      %mul3A_192 = arith.constant 8 : i32
      %mul3A_193 = arith.muli %mul3A_192, %scan3A_191 : i32
      %add3A_194 = arith.constant 1 : i32
      %add3A_195 = arith.addi %add3A_194, %mul3A_193 : i32
      %add3A_196 = arith.constant 0 : i32
      %add3A_197 = arith.addi %add3A_195, %add3A_196 : i32
      %sub3A = arith.constant 1 : i32
      %sub3A_198 = arith.subi %add3A_197, %sub3A : i32
      %mul3A_199 = arith.constant 24 : i32
      %mul3A_200 = arith.muli %sub3A_198, %mul3A_199 : i32
      %dma_wait3A_201 = tpu.memref_slice %arg8[%mul3A_200] : memref<10008xi32, #tpu.memory_space<vmem>> -> memref<24xi32, #tpu.memory_space<vmem>>
      %dma_wait3A_202 = arith.constant 0 : i32
      %dma_wait3A_203 = arith.constant 0 : i32
      %dma_wait3A_204 = tpu.memref_slice %arg33[%dma_wait3A_202, %dma_wait3A_203] : memref<10112x128xf32, #tpu.memory_space<vmem_shared>> -> memref<10112x128xf32, #tpu.memory_space<vmem_shared>>
      tpu.wait_indirect_dma semaphore(%arg25 : memref<!tpu.dma_semaphore, #tpu.memory_space<semaphore_mem>>) src(%arg9 : memref<24x128xf32, #tpu.memory_space<vmem>>) dst(%dma_wait3A_204 : memref<10112x128xf32, #tpu.memory_space<vmem_shared>>)
      %add3A_205 = arith.constant 0 : i32
      %add3A_206 = arith.addi %add3A_195, %add3A_205 : i32
      %add3A_207 = arith.constant 8 : i32
      %add3A_208 = arith.addi %add3A_206, %add3A_207 : i32
      %sub3A_209 = arith.constant 1 : i32
      %sub3A_210 = arith.subi %add3A_208, %sub3A_209 : i32
      %mul3A_211 = arith.constant 24 : i32
      %mul3A_212 = arith.muli %sub3A_210, %mul3A_211 : i32
      %dma_start3A_213 = tpu.memref_slice %arg7[%mul3A_212] : memref<10008xi32, #tpu.memory_space<vmem>> -> memref<24xi32, #tpu.memory_space<vmem>>
      %dma_start3A_214 = arith.constant 0 : i32
      %dma_start3A_215 = arith.constant 0 : i32
      %dma_start3A_216 = tpu.memref_slice %arg4[%dma_start3A_214, %dma_start3A_215] : memref<10000x128xf32, #tpu.memory_space<hbm>> -> memref<10000x128xf32, #tpu.memory_space<hbm>>
      tpu.enqueue_indirect_dma source(%dma_start3A_216 : memref<10000x128xf32, #tpu.memory_space<hbm>>) target(%arg9 : memref<24x128xf32, #tpu.memory_space<vmem>>) offsets(%dma_start3A_213 : memref<24xi32, #tpu.memory_space<vmem>>) semaphore(%arg17 : memref<!tpu.dma_semaphore, #tpu.memory_space<semaphore_mem>>)
      %add3A_217 = arith.constant 0 : i32
      %add3A_218 = arith.addi %add3A_195, %add3A_217 : i32
      %mul3A_219 = arith.constant 24 : i32
      %mul3A_220 = arith.muli %add3A_218, %mul3A_219 : i32
      %dma_wait3A_221 = tpu.memref_slice %arg7[%mul3A_220] : memref<10008xi32, #tpu.memory_space<vmem>> -> memref<24xi32, #tpu.memory_space<vmem>>
      %dma_wait3A_222 = arith.constant 0 : i32
      %dma_wait3A_223 = arith.constant 0 : i32
      %dma_wait3A_224 = tpu.memref_slice %arg4[%dma_wait3A_222, %dma_wait3A_223] : memref<10000x128xf32, #tpu.memory_space<hbm>> -> memref<10000x128xf32, #tpu.memory_space<hbm>>
      tpu.wait_indirect_dma semaphore(%arg18 : memref<!tpu.dma_semaphore, #tpu.memory_space<semaphore_mem>>) src(%dma_wait3A_224 : memref<10000x128xf32, #tpu.memory_space<hbm>>) dst(%arg10 : memref<24x128xf32, #tpu.memory_space<vmem>>)
      %add3A_225 = arith.constant 0 : i32
      %add3A_226 = arith.addi %add3A_195, %add3A_225 : i32
      %mul3A_227 = arith.constant 24 : i32
      %mul3A_228 = arith.muli %add3A_226, %mul3A_227 : i32
      %dma_start3A_229 = tpu.memref_slice %arg8[%mul3A_228] : memref<10008xi32, #tpu.memory_space<vmem>> -> memref<24xi32, #tpu.memory_space<vmem>>
      %dma_start3A_230 = arith.constant 0 : i32
      %dma_start3A_231 = arith.constant 0 : i32
      %dma_start3A_232 = tpu.memref_slice %arg33[%dma_start3A_230, %dma_start3A_231] : memref<10112x128xf32, #tpu.memory_space<vmem_shared>> -> memref<10112x128xf32, #tpu.memory_space<vmem_shared>>
      tpu.enqueue_indirect_dma source(%arg10 : memref<24x128xf32, #tpu.memory_space<vmem>>) target(%dma_start3A_232 : memref<10112x128xf32, #tpu.memory_space<vmem_shared>>) offsets(%dma_start3A_229 : memref<24xi32, #tpu.memory_space<vmem>>) semaphore(%arg26 : memref<!tpu.dma_semaphore, #tpu.memory_space<semaphore_mem>>) {add = true}
      %add3A_233 = arith.constant 1 : i32
      %add3A_234 = arith.addi %add3A_195, %add3A_233 : i32
      %sub3A_235 = arith.constant 1 : i32
      %sub3A_236 = arith.subi %add3A_234, %sub3A_235 : i32
      %mul3A_237 = arith.constant 24 : i32
      %mul3A_238 = arith.muli %sub3A_236, %mul3A_237 : i32
      %dma_wait3A_239 = tpu.memref_slice %arg8[%mul3A_238] : memref<10008xi32, #tpu.memory_space<vmem>> -> memref<24xi32, #tpu.memory_space<vmem>>
      %dma_wait3A_240 = arith.constant 0 : i32
      %dma_wait3A_241 = arith.constant 0 : i32
      %dma_wait3A_242 = tpu.memref_slice %arg33[%dma_wait3A_240, %dma_wait3A_241] : memref<10112x128xf32, #tpu.memory_space<vmem_shared>> -> memref<10112x128xf32, #tpu.memory_space<vmem_shared>>
      tpu.wait_indirect_dma semaphore(%arg26 : memref<!tpu.dma_semaphore, #tpu.memory_space<semaphore_mem>>) src(%arg10 : memref<24x128xf32, #tpu.memory_space<vmem>>) dst(%dma_wait3A_242 : memref<10112x128xf32, #tpu.memory_space<vmem_shared>>)
      %add3A_243 = arith.constant 1 : i32
      %add3A_244 = arith.addi %add3A_195, %add3A_243 : i32
      %add3A_245 = arith.constant 8 : i32
      %add3A_246 = arith.addi %add3A_244, %add3A_245 : i32
      %sub3A_247 = arith.constant 1 : i32
      %sub3A_248 = arith.subi %add3A_246, %sub3A_247 : i32
      %mul3A_249 = arith.constant 24 : i32
      %mul3A_250 = arith.muli %sub3A_248, %mul3A_249 : i32
      %dma_start3A_251 = tpu.memref_slice %arg7[%mul3A_250] : memref<10008xi32, #tpu.memory_space<vmem>> -> memref<24xi32, #tpu.memory_space<vmem>>
      %dma_start3A_252 = arith.constant 0 : i32
      %dma_start3A_253 = arith.constant 0 : i32
      %dma_start3A_254 = tpu.memref_slice %arg4[%dma_start3A_252, %dma_start3A_253] : memref<10000x128xf32, #tpu.memory_space<hbm>> -> memref<10000x128xf32, #tpu.memory_space<hbm>>
      tpu.enqueue_indirect_dma source(%dma_start3A_254 : memref<10000x128xf32, #tpu.memory_space<hbm>>) target(%arg10 : memref<24x128xf32, #tpu.memory_space<vmem>>) offsets(%dma_start3A_251 : memref<24xi32, #tpu.memory_space<vmem>>) semaphore(%arg18 : memref<!tpu.dma_semaphore, #tpu.memory_space<semaphore_mem>>)
      %add3A_255 = arith.constant 1 : i32
      %add3A_256 = arith.addi %add3A_195, %add3A_255 : i32
      %mul3A_257 = arith.constant 24 : i32
      %mul3A_258 = arith.muli %add3A_256, %mul3A_257 : i32
      %dma_wait3A_259 = tpu.memref_slice %arg7[%mul3A_258] : memref<10008xi32, #tpu.memory_space<vmem>> -> memref<24xi32, #tpu.memory_space<vmem>>
      %dma_wait3A_260 = arith.constant 0 : i32
      %dma_wait3A_261 = arith.constant 0 : i32
      %dma_wait3A_262 = tpu.memref_slice %arg4[%dma_wait3A_260, %dma_wait3A_261] : memref<10000x128xf32, #tpu.memory_space<hbm>> -> memref<10000x128xf32, #tpu.memory_space<hbm>>
      tpu.wait_indirect_dma semaphore(%arg19 : memref<!tpu.dma_semaphore, #tpu.memory_space<semaphore_mem>>) src(%dma_wait3A_262 : memref<10000x128xf32, #tpu.memory_space<hbm>>) dst(%arg11 : memref<24x128xf32, #tpu.memory_space<vmem>>)
      %add3A_263 = arith.constant 1 : i32
      %add3A_264 = arith.addi %add3A_195, %add3A_263 : i32
      %mul3A_265 = arith.constant 24 : i32
      %mul3A_266 = arith.muli %add3A_264, %mul3A_265 : i32
      %dma_start3A_267 = tpu.memref_slice %arg8[%mul3A_266] : memref<10008xi32, #tpu.memory_space<vmem>> -> memref<24xi32, #tpu.memory_space<vmem>>
      %dma_start3A_268 = arith.constant 0 : i32
      %dma_start3A_269 = arith.constant 0 : i32
      %dma_start3A_270 = tpu.memref_slice %arg33[%dma_start3A_268, %dma_start3A_269] : memref<10112x128xf32, #tpu.memory_space<vmem_shared>> -> memref<10112x128xf32, #tpu.memory_space<vmem_shared>>
      tpu.enqueue_indirect_dma source(%arg11 : memref<24x128xf32, #tpu.memory_space<vmem>>) target(%dma_start3A_270 : memref<10112x128xf32, #tpu.memory_space<vmem_shared>>) offsets(%dma_start3A_267 : memref<24xi32, #tpu.memory_space<vmem>>) semaphore(%arg27 : memref<!tpu.dma_semaphore, #tpu.memory_space<semaphore_mem>>) {add = true}
      %add3A_271 = arith.constant 2 : i32
      %add3A_272 = arith.addi %add3A_195, %add3A_271 : i32
      %sub3A_273 = arith.constant 1 : i32
      %sub3A_274 = arith.subi %add3A_272, %sub3A_273 : i32
      %mul3A_275 = arith.constant 24 : i32
      %mul3A_276 = arith.muli %sub3A_274, %mul3A_275 : i32
      %dma_wait3A_277 = tpu.memref_slice %arg8[%mul3A_276] : memref<10008xi32, #tpu.memory_space<vmem>> -> memref<24xi32, #tpu.memory_space<vmem>>
      %dma_wait3A_278 = arith.constant 0 : i32
      %dma_wait3A_279 = arith.constant 0 : i32
      %dma_wait3A_280 = tpu.memref_slice %arg33[%dma_wait3A_278, %dma_wait3A_279] : memref<10112x128xf32, #tpu.memory_space<vmem_shared>> -> memref<10112x128xf32, #tpu.memory_space<vmem_shared>>
      tpu.wait_indirect_dma semaphore(%arg27 : memref<!tpu.dma_semaphore, #tpu.memory_space<semaphore_mem>>) src(%arg11 : memref<24x128xf32, #tpu.memory_space<vmem>>) dst(%dma_wait3A_280 : memref<10112x128xf32, #tpu.memory_space<vmem_shared>>)
      %add3A_281 = arith.constant 2 : i32
      %add3A_282 = arith.addi %add3A_195, %add3A_281 : i32
      %add3A_283 = arith.constant 8 : i32
      %add3A_284 = arith.addi %add3A_282, %add3A_283 : i32
      %sub3A_285 = arith.constant 1 : i32
      %sub3A_286 = arith.subi %add3A_284, %sub3A_285 : i32
      %mul3A_287 = arith.constant 24 : i32
      %mul3A_288 = arith.muli %sub3A_286, %mul3A_287 : i32
      %dma_start3A_289 = tpu.memref_slice %arg7[%mul3A_288] : memref<10008xi32, #tpu.memory_space<vmem>> -> memref<24xi32, #tpu.memory_space<vmem>>
      %dma_start3A_290 = arith.constant 0 : i32
      %dma_start3A_291 = arith.constant 0 : i32
      %dma_start3A_292 = tpu.memref_slice %arg4[%dma_start3A_290, %dma_start3A_291] : memref<10000x128xf32, #tpu.memory_space<hbm>> -> memref<10000x128xf32, #tpu.memory_space<hbm>>
      tpu.enqueue_indirect_dma source(%dma_start3A_292 : memref<10000x128xf32, #tpu.memory_space<hbm>>) target(%arg11 : memref<24x128xf32, #tpu.memory_space<vmem>>) offsets(%dma_start3A_289 : memref<24xi32, #tpu.memory_space<vmem>>) semaphore(%arg19 : memref<!tpu.dma_semaphore, #tpu.memory_space<semaphore_mem>>)
      %add3A_293 = arith.constant 2 : i32
      %add3A_294 = arith.addi %add3A_195, %add3A_293 : i32
      %mul3A_295 = arith.constant 24 : i32
      %mul3A_296 = arith.muli %add3A_294, %mul3A_295 : i32
      %dma_wait3A_297 = tpu.memref_slice %arg7[%mul3A_296] : memref<10008xi32, #tpu.memory_space<vmem>> -> memref<24xi32, #tpu.memory_space<vmem>>
      %dma_wait3A_298 = arith.constant 0 : i32
      %dma_wait3A_299 = arith.constant 0 : i32
      %dma_wait3A_300 = tpu.memref_slice %arg4[%dma_wait3A_298, %dma_wait3A_299] : memref<10000x128xf32, #tpu.memory_space<hbm>> -> memref<10000x128xf32, #tpu.memory_space<hbm>>
      tpu.wait_indirect_dma semaphore(%arg20 : memref<!tpu.dma_semaphore, #tpu.memory_space<semaphore_mem>>) src(%dma_wait3A_300 : memref<10000x128xf32, #tpu.memory_space<hbm>>) dst(%arg12 : memref<24x128xf32, #tpu.memory_space<vmem>>)
      %add3A_301 = arith.constant 2 : i32
      %add3A_302 = arith.addi %add3A_195, %add3A_301 : i32
      %mul3A_303 = arith.constant 24 : i32
      %mul3A_304 = arith.muli %add3A_302, %mul3A_303 : i32
      %dma_start3A_305 = tpu.memref_slice %arg8[%mul3A_304] : memref<10008xi32, #tpu.memory_space<vmem>> -> memref<24xi32, #tpu.memory_space<vmem>>
      %dma_start3A_306 = arith.constant 0 : i32
      %dma_start3A_307 = arith.constant 0 : i32
      %dma_start3A_308 = tpu.memref_slice %arg33[%dma_start3A_306, %dma_start3A_307] : memref<10112x128xf32, #tpu.memory_space<vmem_shared>> -> memref<10112x128xf32, #tpu.memory_space<vmem_shared>>
      tpu.enqueue_indirect_dma source(%arg12 : memref<24x128xf32, #tpu.memory_space<vmem>>) target(%dma_start3A_308 : memref<10112x128xf32, #tpu.memory_space<vmem_shared>>) offsets(%dma_start3A_305 : memref<24xi32, #tpu.memory_space<vmem>>) semaphore(%arg28 : memref<!tpu.dma_semaphore, #tpu.memory_space<semaphore_mem>>) {add = true}
      %add3A_309 = arith.constant 3 : i32
      %add3A_310 = arith.addi %add3A_195, %add3A_309 : i32
      %sub3A_311 = arith.constant 1 : i32
      %sub3A_312 = arith.subi %add3A_310, %sub3A_311 : i32
      %mul3A_313 = arith.constant 24 : i32
      %mul3A_314 = arith.muli %sub3A_312, %mul3A_313 : i32
      %dma_wait3A_315 = tpu.memref_slice %arg8[%mul3A_314] : memref<10008xi32, #tpu.memory_space<vmem>> -> memref<24xi32, #tpu.memory_space<vmem>>
      %dma_wait3A_316 = arith.constant 0 : i32
      %dma_wait3A_317 = arith.constant 0 : i32
      %dma_wait3A_318 = tpu.memref_slice %arg33[%dma_wait3A_316, %dma_wait3A_317] : memref<10112x128xf32, #tpu.memory_space<vmem_shared>> -> memref<10112x128xf32, #tpu.memory_space<vmem_shared>>
      tpu.wait_indirect_dma semaphore(%arg28 : memref<!tpu.dma_semaphore, #tpu.memory_space<semaphore_mem>>) src(%arg12 : memref<24x128xf32, #tpu.memory_space<vmem>>) dst(%dma_wait3A_318 : memref<10112x128xf32, #tpu.memory_space<vmem_shared>>)
      %add3A_319 = arith.constant 3 : i32
      %add3A_320 = arith.addi %add3A_195, %add3A_319 : i32
      %add3A_321 = arith.constant 8 : i32
      %add3A_322 = arith.addi %add3A_320, %add3A_321 : i32
      %sub3A_323 = arith.constant 1 : i32
      %sub3A_324 = arith.subi %add3A_322, %sub3A_323 : i32
      %mul3A_325 = arith.constant 24 : i32
      %mul3A_326 = arith.muli %sub3A_324, %mul3A_325 : i32
      %dma_start3A_327 = tpu.memref_slice %arg7[%mul3A_326] : memref<10008xi32, #tpu.memory_space<vmem>> -> memref<24xi32, #tpu.memory_space<vmem>>
      %dma_start3A_328 = arith.constant 0 : i32
      %dma_start3A_329 = arith.constant 0 : i32
      %dma_start3A_330 = tpu.memref_slice %arg4[%dma_start3A_328, %dma_start3A_329] : memref<10000x128xf32, #tpu.memory_space<hbm>> -> memref<10000x128xf32, #tpu.memory_space<hbm>>
      tpu.enqueue_indirect_dma source(%dma_start3A_330 : memref<10000x128xf32, #tpu.memory_space<hbm>>) target(%arg12 : memref<24x128xf32, #tpu.memory_space<vmem>>) offsets(%dma_start3A_327 : memref<24xi32, #tpu.memory_space<vmem>>) semaphore(%arg20 : memref<!tpu.dma_semaphore, #tpu.memory_space<semaphore_mem>>)
      %add3A_331 = arith.constant 3 : i32
      %add3A_332 = arith.addi %add3A_195, %add3A_331 : i32
      %mul3A_333 = arith.constant 24 : i32
      %mul3A_334 = arith.muli %add3A_332, %mul3A_333 : i32
      %dma_wait3A_335 = tpu.memref_slice %arg7[%mul3A_334] : memref<10008xi32, #tpu.memory_space<vmem>> -> memref<24xi32, #tpu.memory_space<vmem>>
      %dma_wait3A_336 = arith.constant 0 : i32
      %dma_wait3A_337 = arith.constant 0 : i32
      %dma_wait3A_338 = tpu.memref_slice %arg4[%dma_wait3A_336, %dma_wait3A_337] : memref<10000x128xf32, #tpu.memory_space<hbm>> -> memref<10000x128xf32, #tpu.memory_space<hbm>>
      tpu.wait_indirect_dma semaphore(%arg21 : memref<!tpu.dma_semaphore, #tpu.memory_space<semaphore_mem>>) src(%dma_wait3A_338 : memref<10000x128xf32, #tpu.memory_space<hbm>>) dst(%arg13 : memref<24x128xf32, #tpu.memory_space<vmem>>)
      %add3A_339 = arith.constant 3 : i32
      %add3A_340 = arith.addi %add3A_195, %add3A_339 : i32
      %mul3A_341 = arith.constant 24 : i32
      %mul3A_342 = arith.muli %add3A_340, %mul3A_341 : i32
      %dma_start3A_343 = tpu.memref_slice %arg8[%mul3A_342] : memref<10008xi32, #tpu.memory_space<vmem>> -> memref<24xi32, #tpu.memory_space<vmem>>
      %dma_start3A_344 = arith.constant 0 : i32
      %dma_start3A_345 = arith.constant 0 : i32
      %dma_start3A_346 = tpu.memref_slice %arg33[%dma_start3A_344, %dma_start3A_345] : memref<10112x128xf32, #tpu.memory_space<vmem_shared>> -> memref<10112x128xf32, #tpu.memory_space<vmem_shared>>
      tpu.enqueue_indirect_dma source(%arg13 : memref<24x128xf32, #tpu.memory_space<vmem>>) target(%dma_start3A_346 : memref<10112x128xf32, #tpu.memory_space<vmem_shared>>) offsets(%dma_start3A_343 : memref<24xi32, #tpu.memory_space<vmem>>) semaphore(%arg29 : memref<!tpu.dma_semaphore, #tpu.memory_space<semaphore_mem>>) {add = true}
      %add3A_347 = arith.constant 4 : i32
      %add3A_348 = arith.addi %add3A_195, %add3A_347 : i32
      %sub3A_349 = arith.constant 1 : i32
      %sub3A_350 = arith.subi %add3A_348, %sub3A_349 : i32
      %mul3A_351 = arith.constant 24 : i32
      %mul3A_352 = arith.muli %sub3A_350, %mul3A_351 : i32
      %dma_wait3A_353 = tpu.memref_slice %arg8[%mul3A_352] : memref<10008xi32, #tpu.memory_space<vmem>> -> memref<24xi32, #tpu.memory_space<vmem>>
      %dma_wait3A_354 = arith.constant 0 : i32
      %dma_wait3A_355 = arith.constant 0 : i32
      %dma_wait3A_356 = tpu.memref_slice %arg33[%dma_wait3A_354, %dma_wait3A_355] : memref<10112x128xf32, #tpu.memory_space<vmem_shared>> -> memref<10112x128xf32, #tpu.memory_space<vmem_shared>>
      tpu.wait_indirect_dma semaphore(%arg29 : memref<!tpu.dma_semaphore, #tpu.memory_space<semaphore_mem>>) src(%arg13 : memref<24x128xf32, #tpu.memory_space<vmem>>) dst(%dma_wait3A_356 : memref<10112x128xf32, #tpu.memory_space<vmem_shared>>)
      %add3A_357 = arith.constant 4 : i32
      %add3A_358 = arith.addi %add3A_195, %add3A_357 : i32
      %add3A_359 = arith.constant 8 : i32
      %add3A_360 = arith.addi %add3A_358, %add3A_359 : i32
      %sub3A_361 = arith.constant 1 : i32
      %sub3A_362 = arith.subi %add3A_360, %sub3A_361 : i32
      %mul3A_363 = arith.constant 24 : i32
      %mul3A_364 = arith.muli %sub3A_362, %mul3A_363 : i32
      %dma_start3A_365 = tpu.memref_slice %arg7[%mul3A_364] : memref<10008xi32, #tpu.memory_space<vmem>> -> memref<24xi32, #tpu.memory_space<vmem>>
      %dma_start3A_366 = arith.constant 0 : i32
      %dma_start3A_367 = arith.constant 0 : i32
      %dma_start3A_368 = tpu.memref_slice %arg4[%dma_start3A_366, %dma_start3A_367] : memref<10000x128xf32, #tpu.memory_space<hbm>> -> memref<10000x128xf32, #tpu.memory_space<hbm>>
      tpu.enqueue_indirect_dma source(%dma_start3A_368 : memref<10000x128xf32, #tpu.memory_space<hbm>>) target(%arg13 : memref<24x128xf32, #tpu.memory_space<vmem>>) offsets(%dma_start3A_365 : memref<24xi32, #tpu.memory_space<vmem>>) semaphore(%arg21 : memref<!tpu.dma_semaphore, #tpu.memory_space<semaphore_mem>>)
      %add3A_369 = arith.constant 4 : i32
      %add3A_370 = arith.addi %add3A_195, %add3A_369 : i32
      %mul3A_371 = arith.constant 24 : i32
      %mul3A_372 = arith.muli %add3A_370, %mul3A_371 : i32
      %dma_wait3A_373 = tpu.memref_slice %arg7[%mul3A_372] : memref<10008xi32, #tpu.memory_space<vmem>> -> memref<24xi32, #tpu.memory_space<vmem>>
      %dma_wait3A_374 = arith.constant 0 : i32
      %dma_wait3A_375 = arith.constant 0 : i32
      %dma_wait3A_376 = tpu.memref_slice %arg4[%dma_wait3A_374, %dma_wait3A_375] : memref<10000x128xf32, #tpu.memory_space<hbm>> -> memref<10000x128xf32, #tpu.memory_space<hbm>>
      tpu.wait_indirect_dma semaphore(%arg22 : memref<!tpu.dma_semaphore, #tpu.memory_space<semaphore_mem>>) src(%dma_wait3A_376 : memref<10000x128xf32, #tpu.memory_space<hbm>>) dst(%arg14 : memref<24x128xf32, #tpu.memory_space<vmem>>)
      %add3A_377 = arith.constant 4 : i32
      %add3A_378 = arith.addi %add3A_195, %add3A_377 : i32
      %mul3A_379 = arith.constant 24 : i32
      %mul3A_380 = arith.muli %add3A_378, %mul3A_379 : i32
      %dma_start3A_381 = tpu.memref_slice %arg8[%mul3A_380] : memref<10008xi32, #tpu.memory_space<vmem>> -> memref<24xi32, #tpu.memory_space<vmem>>
      %dma_start3A_382 = arith.constant 0 : i32
      %dma_start3A_383 = arith.constant 0 : i32
      %dma_start3A_384 = tpu.memref_slice %arg33[%dma_start3A_382, %dma_start3A_383] : memref<10112x128xf32, #tpu.memory_space<vmem_shared>> -> memref<10112x128xf32, #tpu.memory_space<vmem_shared>>
      tpu.enqueue_indirect_dma source(%arg14 : memref<24x128xf32, #tpu.memory_space<vmem>>) target(%dma_start3A_384 : memref<10112x128xf32, #tpu.memory_space<vmem_shared>>) offsets(%dma_start3A_381 : memref<24xi32, #tpu.memory_space<vmem>>) semaphore(%arg30 : memref<!tpu.dma_semaphore, #tpu.memory_space<semaphore_mem>>) {add = true}
      %add3A_385 = arith.constant 5 : i32
      %add3A_386 = arith.addi %add3A_195, %add3A_385 : i32
      %sub3A_387 = arith.constant 1 : i32
      %sub3A_388 = arith.subi %add3A_386, %sub3A_387 : i32
      %mul3A_389 = arith.constant 24 : i32
      %mul3A_390 = arith.muli %sub3A_388, %mul3A_389 : i32
      %dma_wait3A_391 = tpu.memref_slice %arg8[%mul3A_390] : memref<10008xi32, #tpu.memory_space<vmem>> -> memref<24xi32, #tpu.memory_space<vmem>>
      %dma_wait3A_392 = arith.constant 0 : i32
      %dma_wait3A_393 = arith.constant 0 : i32
      %dma_wait3A_394 = tpu.memref_slice %arg33[%dma_wait3A_392, %dma_wait3A_393] : memref<10112x128xf32, #tpu.memory_space<vmem_shared>> -> memref<10112x128xf32, #tpu.memory_space<vmem_shared>>
      tpu.wait_indirect_dma semaphore(%arg30 : memref<!tpu.dma_semaphore, #tpu.memory_space<semaphore_mem>>) src(%arg14 : memref<24x128xf32, #tpu.memory_space<vmem>>) dst(%dma_wait3A_394 : memref<10112x128xf32, #tpu.memory_space<vmem_shared>>)
      %add3A_395 = arith.constant 5 : i32
      %add3A_396 = arith.addi %add3A_195, %add3A_395 : i32
      %add3A_397 = arith.constant 8 : i32
      %add3A_398 = arith.addi %add3A_396, %add3A_397 : i32
      %sub3A_399 = arith.constant 1 : i32
      %sub3A_400 = arith.subi %add3A_398, %sub3A_399 : i32
      %mul3A_401 = arith.constant 24 : i32
      %mul3A_402 = arith.muli %sub3A_400, %mul3A_401 : i32
      %dma_start3A_403 = tpu.memref_slice %arg7[%mul3A_402] : memref<10008xi32, #tpu.memory_space<vmem>> -> memref<24xi32, #tpu.memory_space<vmem>>
      %dma_start3A_404 = arith.constant 0 : i32
      %dma_start3A_405 = arith.constant 0 : i32
      %dma_start3A_406 = tpu.memref_slice %arg4[%dma_start3A_404, %dma_start3A_405] : memref<10000x128xf32, #tpu.memory_space<hbm>> -> memref<10000x128xf32, #tpu.memory_space<hbm>>
      tpu.enqueue_indirect_dma source(%dma_start3A_406 : memref<10000x128xf32, #tpu.memory_space<hbm>>) target(%arg14 : memref<24x128xf32, #tpu.memory_space<vmem>>) offsets(%dma_start3A_403 : memref<24xi32, #tpu.memory_space<vmem>>) semaphore(%arg22 : memref<!tpu.dma_semaphore, #tpu.memory_space<semaphore_mem>>)
      %add3A_407 = arith.constant 5 : i32
      %add3A_408 = arith.addi %add3A_195, %add3A_407 : i32
      %mul3A_409 = arith.constant 24 : i32
      %mul3A_410 = arith.muli %add3A_408, %mul3A_409 : i32
      %dma_wait3A_411 = tpu.memref_slice %arg7[%mul3A_410] : memref<10008xi32, #tpu.memory_space<vmem>> -> memref<24xi32, #tpu.memory_space<vmem>>
      %dma_wait3A_412 = arith.constant 0 : i32
      %dma_wait3A_413 = arith.constant 0 : i32
      %dma_wait3A_414 = tpu.memref_slice %arg4[%dma_wait3A_412, %dma_wait3A_413] : memref<10000x128xf32, #tpu.memory_space<hbm>> -> memref<10000x128xf32, #tpu.memory_space<hbm>>
      tpu.wait_indirect_dma semaphore(%arg23 : memref<!tpu.dma_semaphore, #tpu.memory_space<semaphore_mem>>) src(%dma_wait3A_414 : memref<10000x128xf32, #tpu.memory_space<hbm>>) dst(%arg15 : memref<24x128xf32, #tpu.memory_space<vmem>>)
      %add3A_415 = arith.constant 5 : i32
      %add3A_416 = arith.addi %add3A_195, %add3A_415 : i32
      %mul3A_417 = arith.constant 24 : i32
      %mul3A_418 = arith.muli %add3A_416, %mul3A_417 : i32
      %dma_start3A_419 = tpu.memref_slice %arg8[%mul3A_418] : memref<10008xi32, #tpu.memory_space<vmem>> -> memref<24xi32, #tpu.memory_space<vmem>>
      %dma_start3A_420 = arith.constant 0 : i32
      %dma_start3A_421 = arith.constant 0 : i32
      %dma_start3A_422 = tpu.memref_slice %arg33[%dma_start3A_420, %dma_start3A_421] : memref<10112x128xf32, #tpu.memory_space<vmem_shared>> -> memref<10112x128xf32, #tpu.memory_space<vmem_shared>>
      tpu.enqueue_indirect_dma source(%arg15 : memref<24x128xf32, #tpu.memory_space<vmem>>) target(%dma_start3A_422 : memref<10112x128xf32, #tpu.memory_space<vmem_shared>>) offsets(%dma_start3A_419 : memref<24xi32, #tpu.memory_space<vmem>>) semaphore(%arg31 : memref<!tpu.dma_semaphore, #tpu.memory_space<semaphore_mem>>) {add = true}
      %add3A_423 = arith.constant 6 : i32
      %add3A_424 = arith.addi %add3A_195, %add3A_423 : i32
      %sub3A_425 = arith.constant 1 : i32
      %sub3A_426 = arith.subi %add3A_424, %sub3A_425 : i32
      %mul3A_427 = arith.constant 24 : i32
      %mul3A_428 = arith.muli %sub3A_426, %mul3A_427 : i32
      %dma_wait3A_429 = tpu.memref_slice %arg8[%mul3A_428] : memref<10008xi32, #tpu.memory_space<vmem>> -> memref<24xi32, #tpu.memory_space<vmem>>
      %dma_wait3A_430 = arith.constant 0 : i32
      %dma_wait3A_431 = arith.constant 0 : i32
      %dma_wait3A_432 = tpu.memref_slice %arg33[%dma_wait3A_430, %dma_wait3A_431] : memref<10112x128xf32, #tpu.memory_space<vmem_shared>> -> memref<10112x128xf32, #tpu.memory_space<vmem_shared>>
      tpu.wait_indirect_dma semaphore(%arg31 : memref<!tpu.dma_semaphore, #tpu.memory_space<semaphore_mem>>) src(%arg15 : memref<24x128xf32, #tpu.memory_space<vmem>>) dst(%dma_wait3A_432 : memref<10112x128xf32, #tpu.memory_space<vmem_shared>>)
      %add3A_433 = arith.constant 6 : i32
      %add3A_434 = arith.addi %add3A_195, %add3A_433 : i32
      %add3A_435 = arith.constant 8 : i32
      %add3A_436 = arith.addi %add3A_434, %add3A_435 : i32
      %sub3A_437 = arith.constant 1 : i32
      %sub3A_438 = arith.subi %add3A_436, %sub3A_437 : i32
      %mul3A_439 = arith.constant 24 : i32
      %mul3A_440 = arith.muli %sub3A_438, %mul3A_439 : i32
      %dma_start3A_441 = tpu.memref_slice %arg7[%mul3A_440] : memref<10008xi32, #tpu.memory_space<vmem>> -> memref<24xi32, #tpu.memory_space<vmem>>
      %dma_start3A_442 = arith.constant 0 : i32
      %dma_start3A_443 = arith.constant 0 : i32
      %dma_start3A_444 = tpu.memref_slice %arg4[%dma_start3A_442, %dma_start3A_443] : memref<10000x128xf32, #tpu.memory_space<hbm>> -> memref<10000x128xf32, #tpu.memory_space<hbm>>
      tpu.enqueue_indirect_dma source(%dma_start3A_444 : memref<10000x128xf32, #tpu.memory_space<hbm>>) target(%arg15 : memref<24x128xf32, #tpu.memory_space<vmem>>) offsets(%dma_start3A_441 : memref<24xi32, #tpu.memory_space<vmem>>) semaphore(%arg23 : memref<!tpu.dma_semaphore, #tpu.memory_space<semaphore_mem>>)
      %add3A_445 = arith.constant 6 : i32
      %add3A_446 = arith.addi %add3A_195, %add3A_445 : i32
      %mul3A_447 = arith.constant 24 : i32
      %mul3A_448 = arith.muli %add3A_446, %mul3A_447 : i32
      %dma_wait3A_449 = tpu.memref_slice %arg7[%mul3A_448] : memref<10008xi32, #tpu.memory_space<vmem>> -> memref<24xi32, #tpu.memory_space<vmem>>
      %dma_wait3A_450 = arith.constant 0 : i32
      %dma_wait3A_451 = arith.constant 0 : i32
      %dma_wait3A_452 = tpu.memref_slice %arg4[%dma_wait3A_450, %dma_wait3A_451] : memref<10000x128xf32, #tpu.memory_space<hbm>> -> memref<10000x128xf32, #tpu.memory_space<hbm>>
      tpu.wait_indirect_dma semaphore(%arg24 : memref<!tpu.dma_semaphore, #tpu.memory_space<semaphore_mem>>) src(%dma_wait3A_452 : memref<10000x128xf32, #tpu.memory_space<hbm>>) dst(%arg16 : memref<24x128xf32, #tpu.memory_space<vmem>>)
      %add3A_453 = arith.constant 6 : i32
      %add3A_454 = arith.addi %add3A_195, %add3A_453 : i32
      %mul3A_455 = arith.constant 24 : i32
      %mul3A_456 = arith.muli %add3A_454, %mul3A_455 : i32
      %dma_start3A_457 = tpu.memref_slice %arg8[%mul3A_456] : memref<10008xi32, #tpu.memory_space<vmem>> -> memref<24xi32, #tpu.memory_space<vmem>>
      %dma_start3A_458 = arith.constant 0 : i32
      %dma_start3A_459 = arith.constant 0 : i32
      %dma_start3A_460 = tpu.memref_slice %arg33[%dma_start3A_458, %dma_start3A_459] : memref<10112x128xf32, #tpu.memory_space<vmem_shared>> -> memref<10112x128xf32, #tpu.memory_space<vmem_shared>>
      tpu.enqueue_indirect_dma source(%arg16 : memref<24x128xf32, #tpu.memory_space<vmem>>) target(%dma_start3A_460 : memref<10112x128xf32, #tpu.memory_space<vmem_shared>>) offsets(%dma_start3A_457 : memref<24xi32, #tpu.memory_space<vmem>>) semaphore(%arg32 : memref<!tpu.dma_semaphore, #tpu.memory_space<semaphore_mem>>) {add = true}
      %add3A_461 = arith.constant 7 : i32
      %add3A_462 = arith.addi %add3A_195, %add3A_461 : i32
      %sub3A_463 = arith.constant 1 : i32
      %sub3A_464 = arith.subi %add3A_462, %sub3A_463 : i32
      %mul3A_465 = arith.constant 24 : i32
      %mul3A_466 = arith.muli %sub3A_464, %mul3A_465 : i32
      %dma_wait3A_467 = tpu.memref_slice %arg8[%mul3A_466] : memref<10008xi32, #tpu.memory_space<vmem>> -> memref<24xi32, #tpu.memory_space<vmem>>
      %dma_wait3A_468 = arith.constant 0 : i32
      %dma_wait3A_469 = arith.constant 0 : i32
      %dma_wait3A_470 = tpu.memref_slice %arg33[%dma_wait3A_468, %dma_wait3A_469] : memref<10112x128xf32, #tpu.memory_space<vmem_shared>> -> memref<10112x128xf32, #tpu.memory_space<vmem_shared>>
      tpu.wait_indirect_dma semaphore(%arg32 : memref<!tpu.dma_semaphore, #tpu.memory_space<semaphore_mem>>) src(%arg16 : memref<24x128xf32, #tpu.memory_space<vmem>>) dst(%dma_wait3A_470 : memref<10112x128xf32, #tpu.memory_space<vmem_shared>>)
      %add3A_471 = arith.constant 7 : i32
      %add3A_472 = arith.addi %add3A_195, %add3A_471 : i32
      %add3A_473 = arith.constant 8 : i32
      %add3A_474 = arith.addi %add3A_472, %add3A_473 : i32
      %sub3A_475 = arith.constant 1 : i32
      %sub3A_476 = arith.subi %add3A_474, %sub3A_475 : i32
      %mul3A_477 = arith.constant 24 : i32
      %mul3A_478 = arith.muli %sub3A_476, %mul3A_477 : i32
      %dma_start3A_479 = tpu.memref_slice %arg7[%mul3A_478] : memref<10008xi32, #tpu.memory_space<vmem>> -> memref<24xi32, #tpu.memory_space<vmem>>
      %dma_start3A_480 = arith.constant 0 : i32
      %dma_start3A_481 = arith.constant 0 : i32
      %dma_start3A_482 = tpu.memref_slice %arg4[%dma_start3A_480, %dma_start3A_481] : memref<10000x128xf32, #tpu.memory_space<hbm>> -> memref<10000x128xf32, #tpu.memory_space<hbm>>
      tpu.enqueue_indirect_dma source(%dma_start3A_482 : memref<10000x128xf32, #tpu.memory_space<hbm>>) target(%arg16 : memref<24x128xf32, #tpu.memory_space<vmem>>) offsets(%dma_start3A_479 : memref<24xi32, #tpu.memory_space<vmem>>) semaphore(%arg24 : memref<!tpu.dma_semaphore, #tpu.memory_space<semaphore_mem>>)
      %add3A_483 = arith.constant 7 : i32
      %add3A_484 = arith.addi %add3A_195, %add3A_483 : i32
      %mul3A_485 = arith.constant 24 : i32
      %mul3A_486 = arith.muli %add3A_484, %mul3A_485 : i32
      %dma_wait3A_487 = tpu.memref_slice %arg7[%mul3A_486] : memref<10008xi32, #tpu.memory_space<vmem>> -> memref<24xi32, #tpu.memory_space<vmem>>
      %dma_wait3A_488 = arith.constant 0 : i32
      %dma_wait3A_489 = arith.constant 0 : i32
      %dma_wait3A_490 = tpu.memref_slice %arg4[%dma_wait3A_488, %dma_wait3A_489] : memref<10000x128xf32, #tpu.memory_space<hbm>> -> memref<10000x128xf32, #tpu.memory_space<hbm>>
      tpu.wait_indirect_dma semaphore(%arg17 : memref<!tpu.dma_semaphore, #tpu.memory_space<semaphore_mem>>) src(%dma_wait3A_490 : memref<10000x128xf32, #tpu.memory_space<hbm>>) dst(%arg9 : memref<24x128xf32, #tpu.memory_space<vmem>>)
      %add3A_491 = arith.constant 7 : i32
      %add3A_492 = arith.addi %add3A_195, %add3A_491 : i32
      %mul3A_493 = arith.constant 24 : i32
      %mul3A_494 = arith.muli %add3A_492, %mul3A_493 : i32
      %dma_start3A_495 = tpu.memref_slice %arg8[%mul3A_494] : memref<10008xi32, #tpu.memory_space<vmem>> -> memref<24xi32, #tpu.memory_space<vmem>>
      %dma_start3A_496 = arith.constant 0 : i32
      %dma_start3A_497 = arith.constant 0 : i32
      %dma_start3A_498 = tpu.memref_slice %arg33[%dma_start3A_496, %dma_start3A_497] : memref<10112x128xf32, #tpu.memory_space<vmem_shared>> -> memref<10112x128xf32, #tpu.memory_space<vmem_shared>>
      tpu.enqueue_indirect_dma source(%arg9 : memref<24x128xf32, #tpu.memory_space<vmem>>) target(%dma_start3A_498 : memref<10112x128xf32, #tpu.memory_space<vmem_shared>>) offsets(%dma_start3A_495 : memref<24xi32, #tpu.memory_space<vmem>>) semaphore(%arg25 : memref<!tpu.dma_semaphore, #tpu.memory_space<semaphore_mem>>) {add = true}
    }
    %scan3A_55 = arith.constant 51 : i32
    %dma_wait3A_56 = arith.constant 9792 : i32
    %dma_wait3A_57 = tpu.memref_slice %arg8[%dma_wait3A_56] : memref<10008xi32, #tpu.memory_space<vmem>> -> memref<24xi32, #tpu.memory_space<vmem>>
    %dma_wait3A_58 = arith.constant 0 : i32
    %dma_wait3A_59 = arith.constant 0 : i32
    %dma_wait3A_60 = tpu.memref_slice %arg33[%dma_wait3A_58, %dma_wait3A_59] : memref<10112x128xf32, #tpu.memory_space<vmem_shared>> -> memref<10112x128xf32, #tpu.memory_space<vmem_shared>>
    tpu.wait_indirect_dma semaphore(%arg25 : memref<!tpu.dma_semaphore, #tpu.memory_space<semaphore_mem>>) src(%arg9 : memref<24x128xf32, #tpu.memory_space<vmem>>) dst(%dma_wait3A_60 : memref<10112x128xf32, #tpu.memory_space<vmem_shared>>)
    %dma_start3A_61 = arith.constant 9984 : i32
    %dma_start3A_62 = tpu.memref_slice %arg7[%dma_start3A_61] : memref<10008xi32, #tpu.memory_space<vmem>> -> memref<24xi32, #tpu.memory_space<vmem>>
    %dma_start3A_63 = arith.constant 0 : i32
    %dma_start3A_64 = arith.constant 0 : i32
    %dma_start3A_65 = tpu.memref_slice %arg4[%dma_start3A_63, %dma_start3A_64] : memref<10000x128xf32, #tpu.memory_space<hbm>> -> memref<10000x128xf32, #tpu.memory_space<hbm>>
    tpu.enqueue_indirect_dma source(%dma_start3A_65 : memref<10000x128xf32, #tpu.memory_space<hbm>>) target(%arg9 : memref<24x128xf32, #tpu.memory_space<vmem>>) offsets(%dma_start3A_62 : memref<24xi32, #tpu.memory_space<vmem>>) semaphore(%arg17 : memref<!tpu.dma_semaphore, #tpu.memory_space<semaphore_mem>>)
    %dma_wait3A_66 = arith.constant 9816 : i32
    %dma_wait3A_67 = tpu.memref_slice %arg7[%dma_wait3A_66] : memref<10008xi32, #tpu.memory_space<vmem>> -> memref<24xi32, #tpu.memory_space<vmem>>
    %dma_wait3A_68 = arith.constant 0 : i32
    %dma_wait3A_69 = arith.constant 0 : i32
    %dma_wait3A_70 = tpu.memref_slice %arg4[%dma_wait3A_68, %dma_wait3A_69] : memref<10000x128xf32, #tpu.memory_space<hbm>> -> memref<10000x128xf32, #tpu.memory_space<hbm>>
    tpu.wait_indirect_dma semaphore(%arg18 : memref<!tpu.dma_semaphore, #tpu.memory_space<semaphore_mem>>) src(%dma_wait3A_70 : memref<10000x128xf32, #tpu.memory_space<hbm>>) dst(%arg10 : memref<24x128xf32, #tpu.memory_space<vmem>>)
    %dma_start3A_71 = arith.constant 9816 : i32
    %dma_start3A_72 = tpu.memref_slice %arg8[%dma_start3A_71] : memref<10008xi32, #tpu.memory_space<vmem>> -> memref<24xi32, #tpu.memory_space<vmem>>
    %dma_start3A_73 = arith.constant 0 : i32
    %dma_start3A_74 = arith.constant 0 : i32
    %dma_start3A_75 = tpu.memref_slice %arg33[%dma_start3A_73, %dma_start3A_74] : memref<10112x128xf32, #tpu.memory_space<vmem_shared>> -> memref<10112x128xf32, #tpu.memory_space<vmem_shared>>
    tpu.enqueue_indirect_dma source(%arg10 : memref<24x128xf32, #tpu.memory_space<vmem>>) target(%dma_start3A_75 : memref<10112x128xf32, #tpu.memory_space<vmem_shared>>) offsets(%dma_start3A_72 : memref<24xi32, #tpu.memory_space<vmem>>) semaphore(%arg26 : memref<!tpu.dma_semaphore, #tpu.memory_space<semaphore_mem>>) {add = true}
    %dma_wait3A_76 = arith.constant 9816 : i32
    %dma_wait3A_77 = tpu.memref_slice %arg8[%dma_wait3A_76] : memref<10008xi32, #tpu.memory_space<vmem>> -> memref<24xi32, #tpu.memory_space<vmem>>
    %dma_wait3A_78 = arith.constant 0 : i32
    %dma_wait3A_79 = arith.constant 0 : i32
    %dma_wait3A_80 = tpu.memref_slice %arg33[%dma_wait3A_78, %dma_wait3A_79] : memref<10112x128xf32, #tpu.memory_space<vmem_shared>> -> memref<10112x128xf32, #tpu.memory_space<vmem_shared>>
    tpu.wait_indirect_dma semaphore(%arg26 : memref<!tpu.dma_semaphore, #tpu.memory_space<semaphore_mem>>) src(%arg10 : memref<24x128xf32, #tpu.memory_space<vmem>>) dst(%dma_wait3A_80 : memref<10112x128xf32, #tpu.memory_space<vmem_shared>>)
    %dma_wait3A_81 = arith.constant 9840 : i32
    %dma_wait3A_82 = tpu.memref_slice %arg7[%dma_wait3A_81] : memref<10008xi32, #tpu.memory_space<vmem>> -> memref<24xi32, #tpu.memory_space<vmem>>
    %dma_wait3A_83 = arith.constant 0 : i32
    %dma_wait3A_84 = arith.constant 0 : i32
    %dma_wait3A_85 = tpu.memref_slice %arg4[%dma_wait3A_83, %dma_wait3A_84] : memref<10000x128xf32, #tpu.memory_space<hbm>> -> memref<10000x128xf32, #tpu.memory_space<hbm>>
    tpu.wait_indirect_dma semaphore(%arg19 : memref<!tpu.dma_semaphore, #tpu.memory_space<semaphore_mem>>) src(%dma_wait3A_85 : memref<10000x128xf32, #tpu.memory_space<hbm>>) dst(%arg11 : memref<24x128xf32, #tpu.memory_space<vmem>>)
    %dma_start3A_86 = arith.constant 9840 : i32
    %dma_start3A_87 = tpu.memref_slice %arg8[%dma_start3A_86] : memref<10008xi32, #tpu.memory_space<vmem>> -> memref<24xi32, #tpu.memory_space<vmem>>
    %dma_start3A_88 = arith.constant 0 : i32
    %dma_start3A_89 = arith.constant 0 : i32
    %dma_start3A_90 = tpu.memref_slice %arg33[%dma_start3A_88, %dma_start3A_89] : memref<10112x128xf32, #tpu.memory_space<vmem_shared>> -> memref<10112x128xf32, #tpu.memory_space<vmem_shared>>
    tpu.enqueue_indirect_dma source(%arg11 : memref<24x128xf32, #tpu.memory_space<vmem>>) target(%dma_start3A_90 : memref<10112x128xf32, #tpu.memory_space<vmem_shared>>) offsets(%dma_start3A_87 : memref<24xi32, #tpu.memory_space<vmem>>) semaphore(%arg27 : memref<!tpu.dma_semaphore, #tpu.memory_space<semaphore_mem>>) {add = true}
    %dma_wait3A_91 = arith.constant 9840 : i32
    %dma_wait3A_92 = tpu.memref_slice %arg8[%dma_wait3A_91] : memref<10008xi32, #tpu.memory_space<vmem>> -> memref<24xi32, #tpu.memory_space<vmem>>
    %dma_wait3A_93 = arith.constant 0 : i32
    %dma_wait3A_94 = arith.constant 0 : i32
    %dma_wait3A_95 = tpu.memref_slice %arg33[%dma_wait3A_93, %dma_wait3A_94] : memref<10112x128xf32, #tpu.memory_space<vmem_shared>> -> memref<10112x128xf32, #tpu.memory_space<vmem_shared>>
    tpu.wait_indirect_dma semaphore(%arg27 : memref<!tpu.dma_semaphore, #tpu.memory_space<semaphore_mem>>) src(%arg11 : memref<24x128xf32, #tpu.memory_space<vmem>>) dst(%dma_wait3A_95 : memref<10112x128xf32, #tpu.memory_space<vmem_shared>>)
    %dma_wait3A_96 = arith.constant 9864 : i32
    %dma_wait3A_97 = tpu.memref_slice %arg7[%dma_wait3A_96] : memref<10008xi32, #tpu.memory_space<vmem>> -> memref<24xi32, #tpu.memory_space<vmem>>
    %dma_wait3A_98 = arith.constant 0 : i32
    %dma_wait3A_99 = arith.constant 0 : i32
    %dma_wait3A_100 = tpu.memref_slice %arg4[%dma_wait3A_98, %dma_wait3A_99] : memref<10000x128xf32, #tpu.memory_space<hbm>> -> memref<10000x128xf32, #tpu.memory_space<hbm>>
    tpu.wait_indirect_dma semaphore(%arg20 : memref<!tpu.dma_semaphore, #tpu.memory_space<semaphore_mem>>) src(%dma_wait3A_100 : memref<10000x128xf32, #tpu.memory_space<hbm>>) dst(%arg12 : memref<24x128xf32, #tpu.memory_space<vmem>>)
    %dma_start3A_101 = arith.constant 9864 : i32
    %dma_start3A_102 = tpu.memref_slice %arg8[%dma_start3A_101] : memref<10008xi32, #tpu.memory_space<vmem>> -> memref<24xi32, #tpu.memory_space<vmem>>
    %dma_start3A_103 = arith.constant 0 : i32
    %dma_start3A_104 = arith.constant 0 : i32
    %dma_start3A_105 = tpu.memref_slice %arg33[%dma_start3A_103, %dma_start3A_104] : memref<10112x128xf32, #tpu.memory_space<vmem_shared>> -> memref<10112x128xf32, #tpu.memory_space<vmem_shared>>
    tpu.enqueue_indirect_dma source(%arg12 : memref<24x128xf32, #tpu.memory_space<vmem>>) target(%dma_start3A_105 : memref<10112x128xf32, #tpu.memory_space<vmem_shared>>) offsets(%dma_start3A_102 : memref<24xi32, #tpu.memory_space<vmem>>) semaphore(%arg28 : memref<!tpu.dma_semaphore, #tpu.memory_space<semaphore_mem>>) {add = true}
    %dma_wait3A_106 = arith.constant 9864 : i32
    %dma_wait3A_107 = tpu.memref_slice %arg8[%dma_wait3A_106] : memref<10008xi32, #tpu.memory_space<vmem>> -> memref<24xi32, #tpu.memory_space<vmem>>
    %dma_wait3A_108 = arith.constant 0 : i32
    %dma_wait3A_109 = arith.constant 0 : i32
    %dma_wait3A_110 = tpu.memref_slice %arg33[%dma_wait3A_108, %dma_wait3A_109] : memref<10112x128xf32, #tpu.memory_space<vmem_shared>> -> memref<10112x128xf32, #tpu.memory_space<vmem_shared>>
    tpu.wait_indirect_dma semaphore(%arg28 : memref<!tpu.dma_semaphore, #tpu.memory_space<semaphore_mem>>) src(%arg12 : memref<24x128xf32, #tpu.memory_space<vmem>>) dst(%dma_wait3A_110 : memref<10112x128xf32, #tpu.memory_space<vmem_shared>>)
    %dma_wait3A_111 = arith.constant 9888 : i32
    %dma_wait3A_112 = tpu.memref_slice %arg7[%dma_wait3A_111] : memref<10008xi32, #tpu.memory_space<vmem>> -> memref<24xi32, #tpu.memory_space<vmem>>
    %dma_wait3A_113 = arith.constant 0 : i32
    %dma_wait3A_114 = arith.constant 0 : i32
    %dma_wait3A_115 = tpu.memref_slice %arg4[%dma_wait3A_113, %dma_wait3A_114] : memref<10000x128xf32, #tpu.memory_space<hbm>> -> memref<10000x128xf32, #tpu.memory_space<hbm>>
    tpu.wait_indirect_dma semaphore(%arg21 : memref<!tpu.dma_semaphore, #tpu.memory_space<semaphore_mem>>) src(%dma_wait3A_115 : memref<10000x128xf32, #tpu.memory_space<hbm>>) dst(%arg13 : memref<24x128xf32, #tpu.memory_space<vmem>>)
    %dma_start3A_116 = arith.constant 9888 : i32
    %dma_start3A_117 = tpu.memref_slice %arg8[%dma_start3A_116] : memref<10008xi32, #tpu.memory_space<vmem>> -> memref<24xi32, #tpu.memory_space<vmem>>
    %dma_start3A_118 = arith.constant 0 : i32
    %dma_start3A_119 = arith.constant 0 : i32
    %dma_start3A_120 = tpu.memref_slice %arg33[%dma_start3A_118, %dma_start3A_119] : memref<10112x128xf32, #tpu.memory_space<vmem_shared>> -> memref<10112x128xf32, #tpu.memory_space<vmem_shared>>
    tpu.enqueue_indirect_dma source(%arg13 : memref<24x128xf32, #tpu.memory_space<vmem>>) target(%dma_start3A_120 : memref<10112x128xf32, #tpu.memory_space<vmem_shared>>) offsets(%dma_start3A_117 : memref<24xi32, #tpu.memory_space<vmem>>) semaphore(%arg29 : memref<!tpu.dma_semaphore, #tpu.memory_space<semaphore_mem>>) {add = true}
    %dma_wait3A_121 = arith.constant 9888 : i32
    %dma_wait3A_122 = tpu.memref_slice %arg8[%dma_wait3A_121] : memref<10008xi32, #tpu.memory_space<vmem>> -> memref<24xi32, #tpu.memory_space<vmem>>
    %dma_wait3A_123 = arith.constant 0 : i32
    %dma_wait3A_124 = arith.constant 0 : i32
    %dma_wait3A_125 = tpu.memref_slice %arg33[%dma_wait3A_123, %dma_wait3A_124] : memref<10112x128xf32, #tpu.memory_space<vmem_shared>> -> memref<10112x128xf32, #tpu.memory_space<vmem_shared>>
    tpu.wait_indirect_dma semaphore(%arg29 : memref<!tpu.dma_semaphore, #tpu.memory_space<semaphore_mem>>) src(%arg13 : memref<24x128xf32, #tpu.memory_space<vmem>>) dst(%dma_wait3A_125 : memref<10112x128xf32, #tpu.memory_space<vmem_shared>>)
    %dma_wait3A_126 = arith.constant 9912 : i32
    %dma_wait3A_127 = tpu.memref_slice %arg7[%dma_wait3A_126] : memref<10008xi32, #tpu.memory_space<vmem>> -> memref<24xi32, #tpu.memory_space<vmem>>
    %dma_wait3A_128 = arith.constant 0 : i32
    %dma_wait3A_129 = arith.constant 0 : i32
    %dma_wait3A_130 = tpu.memref_slice %arg4[%dma_wait3A_128, %dma_wait3A_129] : memref<10000x128xf32, #tpu.memory_space<hbm>> -> memref<10000x128xf32, #tpu.memory_space<hbm>>
    tpu.wait_indirect_dma semaphore(%arg22 : memref<!tpu.dma_semaphore, #tpu.memory_space<semaphore_mem>>) src(%dma_wait3A_130 : memref<10000x128xf32, #tpu.memory_space<hbm>>) dst(%arg14 : memref<24x128xf32, #tpu.memory_space<vmem>>)
    %dma_start3A_131 = arith.constant 9912 : i32
    %dma_start3A_132 = tpu.memref_slice %arg8[%dma_start3A_131] : memref<10008xi32, #tpu.memory_space<vmem>> -> memref<24xi32, #tpu.memory_space<vmem>>
    %dma_start3A_133 = arith.constant 0 : i32
    %dma_start3A_134 = arith.constant 0 : i32
    %dma_start3A_135 = tpu.memref_slice %arg33[%dma_start3A_133, %dma_start3A_134] : memref<10112x128xf32, #tpu.memory_space<vmem_shared>> -> memref<10112x128xf32, #tpu.memory_space<vmem_shared>>
    tpu.enqueue_indirect_dma source(%arg14 : memref<24x128xf32, #tpu.memory_space<vmem>>) target(%dma_start3A_135 : memref<10112x128xf32, #tpu.memory_space<vmem_shared>>) offsets(%dma_start3A_132 : memref<24xi32, #tpu.memory_space<vmem>>) semaphore(%arg30 : memref<!tpu.dma_semaphore, #tpu.memory_space<semaphore_mem>>) {add = true}
    %dma_wait3A_136 = arith.constant 9912 : i32
    %dma_wait3A_137 = tpu.memref_slice %arg8[%dma_wait3A_136] : memref<10008xi32, #tpu.memory_space<vmem>> -> memref<24xi32, #tpu.memory_space<vmem>>
    %dma_wait3A_138 = arith.constant 0 : i32
    %dma_wait3A_139 = arith.constant 0 : i32
    %dma_wait3A_140 = tpu.memref_slice %arg33[%dma_wait3A_138, %dma_wait3A_139] : memref<10112x128xf32, #tpu.memory_space<vmem_shared>> -> memref<10112x128xf32, #tpu.memory_space<vmem_shared>>
    tpu.wait_indirect_dma semaphore(%arg30 : memref<!tpu.dma_semaphore, #tpu.memory_space<semaphore_mem>>) src(%arg14 : memref<24x128xf32, #tpu.memory_space<vmem>>) dst(%dma_wait3A_140 : memref<10112x128xf32, #tpu.memory_space<vmem_shared>>)
    %dma_wait3A_141 = arith.constant 9936 : i32
    %dma_wait3A_142 = tpu.memref_slice %arg7[%dma_wait3A_141] : memref<10008xi32, #tpu.memory_space<vmem>> -> memref<24xi32, #tpu.memory_space<vmem>>
    %dma_wait3A_143 = arith.constant 0 : i32
    %dma_wait3A_144 = arith.constant 0 : i32
    %dma_wait3A_145 = tpu.memref_slice %arg4[%dma_wait3A_143, %dma_wait3A_144] : memref<10000x128xf32, #tpu.memory_space<hbm>> -> memref<10000x128xf32, #tpu.memory_space<hbm>>
    tpu.wait_indirect_dma semaphore(%arg23 : memref<!tpu.dma_semaphore, #tpu.memory_space<semaphore_mem>>) src(%dma_wait3A_145 : memref<10000x128xf32, #tpu.memory_space<hbm>>) dst(%arg15 : memref<24x128xf32, #tpu.memory_space<vmem>>)
    %dma_start3A_146 = arith.constant 9936 : i32
    %dma_start3A_147 = tpu.memref_slice %arg8[%dma_start3A_146] : memref<10008xi32, #tpu.memory_space<vmem>> -> memref<24xi32, #tpu.memory_space<vmem>>
    %dma_start3A_148 = arith.constant 0 : i32
    %dma_start3A_149 = arith.constant 0 : i32
    %dma_start3A_150 = tpu.memref_slice %arg33[%dma_start3A_148, %dma_start3A_149] : memref<10112x128xf32, #tpu.memory_space<vmem_shared>> -> memref<10112x128xf32, #tpu.memory_space<vmem_shared>>
    tpu.enqueue_indirect_dma source(%arg15 : memref<24x128xf32, #tpu.memory_space<vmem>>) target(%dma_start3A_150 : memref<10112x128xf32, #tpu.memory_space<vmem_shared>>) offsets(%dma_start3A_147 : memref<24xi32, #tpu.memory_space<vmem>>) semaphore(%arg31 : memref<!tpu.dma_semaphore, #tpu.memory_space<semaphore_mem>>) {add = true}
    %dma_wait3A_151 = arith.constant 9936 : i32
    %dma_wait3A_152 = tpu.memref_slice %arg8[%dma_wait3A_151] : memref<10008xi32, #tpu.memory_space<vmem>> -> memref<24xi32, #tpu.memory_space<vmem>>
    %dma_wait3A_153 = arith.constant 0 : i32
    %dma_wait3A_154 = arith.constant 0 : i32
    %dma_wait3A_155 = tpu.memref_slice %arg33[%dma_wait3A_153, %dma_wait3A_154] : memref<10112x128xf32, #tpu.memory_space<vmem_shared>> -> memref<10112x128xf32, #tpu.memory_space<vmem_shared>>
    tpu.wait_indirect_dma semaphore(%arg31 : memref<!tpu.dma_semaphore, #tpu.memory_space<semaphore_mem>>) src(%arg15 : memref<24x128xf32, #tpu.memory_space<vmem>>) dst(%dma_wait3A_155 : memref<10112x128xf32, #tpu.memory_space<vmem_shared>>)
    %dma_wait3A_156 = arith.constant 9960 : i32
    %dma_wait3A_157 = tpu.memref_slice %arg7[%dma_wait3A_156] : memref<10008xi32, #tpu.memory_space<vmem>> -> memref<24xi32, #tpu.memory_space<vmem>>
    %dma_wait3A_158 = arith.constant 0 : i32
    %dma_wait3A_159 = arith.constant 0 : i32
    %dma_wait3A_160 = tpu.memref_slice %arg4[%dma_wait3A_158, %dma_wait3A_159] : memref<10000x128xf32, #tpu.memory_space<hbm>> -> memref<10000x128xf32, #tpu.memory_space<hbm>>
    tpu.wait_indirect_dma semaphore(%arg24 : memref<!tpu.dma_semaphore, #tpu.memory_space<semaphore_mem>>) src(%dma_wait3A_160 : memref<10000x128xf32, #tpu.memory_space<hbm>>) dst(%arg16 : memref<24x128xf32, #tpu.memory_space<vmem>>)
    %dma_start3A_161 = arith.constant 9960 : i32
    %dma_start3A_162 = tpu.memref_slice %arg8[%dma_start3A_161] : memref<10008xi32, #tpu.memory_space<vmem>> -> memref<24xi32, #tpu.memory_space<vmem>>
    %dma_start3A_163 = arith.constant 0 : i32
    %dma_start3A_164 = arith.constant 0 : i32
    %dma_start3A_165 = tpu.memref_slice %arg33[%dma_start3A_163, %dma_start3A_164] : memref<10112x128xf32, #tpu.memory_space<vmem_shared>> -> memref<10112x128xf32, #tpu.memory_space<vmem_shared>>
    tpu.enqueue_indirect_dma source(%arg16 : memref<24x128xf32, #tpu.memory_space<vmem>>) target(%dma_start3A_165 : memref<10112x128xf32, #tpu.memory_space<vmem_shared>>) offsets(%dma_start3A_162 : memref<24xi32, #tpu.memory_space<vmem>>) semaphore(%arg32 : memref<!tpu.dma_semaphore, #tpu.memory_space<semaphore_mem>>) {add = true}
    %dma_wait3A_166 = arith.constant 9960 : i32
    %dma_wait3A_167 = tpu.memref_slice %arg8[%dma_wait3A_166] : memref<10008xi32, #tpu.memory_space<vmem>> -> memref<24xi32, #tpu.memory_space<vmem>>
    %dma_wait3A_168 = arith.constant 0 : i32
    %dma_wait3A_169 = arith.constant 0 : i32
    %dma_wait3A_170 = tpu.memref_slice %arg33[%dma_wait3A_168, %dma_wait3A_169] : memref<10112x128xf32, #tpu.memory_space<vmem_shared>> -> memref<10112x128xf32, #tpu.memory_space<vmem_shared>>
    tpu.wait_indirect_dma semaphore(%arg32 : memref<!tpu.dma_semaphore, #tpu.memory_space<semaphore_mem>>) src(%arg16 : memref<24x128xf32, #tpu.memory_space<vmem>>) dst(%dma_wait3A_170 : memref<10112x128xf32, #tpu.memory_space<vmem_shared>>)
    %dma_wait3A_171 = arith.constant 9984 : i32
    %dma_wait3A_172 = tpu.memref_slice %arg7[%dma_wait3A_171] : memref<10008xi32, #tpu.memory_space<vmem>> -> memref<24xi32, #tpu.memory_space<vmem>>
    %dma_wait3A_173 = arith.constant 0 : i32
    %dma_wait3A_174 = arith.constant 0 : i32
    %dma_wait3A_175 = tpu.memref_slice %arg4[%dma_wait3A_173, %dma_wait3A_174] : memref<10000x128xf32, #tpu.memory_space<hbm>> -> memref<10000x128xf32, #tpu.memory_space<hbm>>
    tpu.wait_indirect_dma semaphore(%arg17 : memref<!tpu.dma_semaphore, #tpu.memory_space<semaphore_mem>>) src(%dma_wait3A_175 : memref<10000x128xf32, #tpu.memory_space<hbm>>) dst(%arg9 : memref<24x128xf32, #tpu.memory_space<vmem>>)
    %dma_start3A_176 = arith.constant 9984 : i32
    %dma_start3A_177 = tpu.memref_slice %arg8[%dma_start3A_176] : memref<10008xi32, #tpu.memory_space<vmem>> -> memref<24xi32, #tpu.memory_space<vmem>>
    %dma_start3A_178 = arith.constant 0 : i32
    %dma_start3A_179 = arith.constant 0 : i32
    %dma_start3A_180 = tpu.memref_slice %arg33[%dma_start3A_178, %dma_start3A_179] : memref<10112x128xf32, #tpu.memory_space<vmem_shared>> -> memref<10112x128xf32, #tpu.memory_space<vmem_shared>>
    tpu.enqueue_indirect_dma source(%arg9 : memref<24x128xf32, #tpu.memory_space<vmem>>) target(%dma_start3A_180 : memref<10112x128xf32, #tpu.memory_space<vmem_shared>>) offsets(%dma_start3A_177 : memref<24xi32, #tpu.memory_space<vmem>>) semaphore(%arg25 : memref<!tpu.dma_semaphore, #tpu.memory_space<semaphore_mem>>) {add = true}
    %dma_wait3A_181 = arith.constant 9984 : i32
    %dma_wait3A_182 = tpu.memref_slice %arg8[%dma_wait3A_181] : memref<10008xi32, #tpu.memory_space<vmem>> -> memref<24xi32, #tpu.memory_space<vmem>>
    %dma_wait3A_183 = arith.constant 0 : i32
    %dma_wait3A_184 = arith.constant 0 : i32
    %dma_wait3A_185 = tpu.memref_slice %arg33[%dma_wait3A_183, %dma_wait3A_184] : memref<10112x128xf32, #tpu.memory_space<vmem_shared>> -> memref<10112x128xf32, #tpu.memory_space<vmem_shared>>
    tpu.wait_indirect_dma semaphore(%arg25 : memref<!tpu.dma_semaphore, #tpu.memory_space<semaphore_mem>>) src(%arg9 : memref<24x128xf32, #tpu.memory_space<vmem>>) dst(%dma_wait3A_185 : memref<10112x128xf32, #tpu.memory_space<vmem_shared>>)
    %barrier3A_186 = arith.constant 0 : index
    tpu.barrier barrier_id(%barrier3A_186)
    %mul3A_187 = arith.constant 632 : i32
    %mul3A_188 = arith.muli %arg1, %mul3A_187 : i32
    %mul3A_189 = arith.constant 632 : i32
    %mul3A_190 = arith.muli %arg1, %mul3A_189 : i32
    "tpu.region"() ({
      %run_scoped3A = tpu.sem_alloc : memref<!tpu.dma_semaphore, #tpu.memory_space<semaphore_mem>>
      %dma_start3A_191 = arith.constant 0 : i32
      %dma_start3A_192 = tpu.memref_slice %arg6[%arg0, %mul3A_190, %dma_start3A_191] : memref<2x10112x128xf32, #tpu.memory_space<hbm>> -> memref<1x632x128xf32, #tpu.memory_space<hbm>>
      %dma_start3A_193 = tpu.memref_squeeze %dma_start3A_192 : memref<1x632x128xf32, #tpu.memory_space<hbm>> -> memref<632x128xf32, #tpu.memory_space<hbm>>
      %dma_start3A_194 = arith.constant 0 : i32
      %dma_start3A_195 = tpu.memref_slice %arg33[%mul3A_188, %dma_start3A_194] : memref<10112x128xf32, #tpu.memory_space<vmem_shared>> -> memref<632x128xf32, #tpu.memory_space<vmem_shared>>
      tpu.enqueue_dma source(%dma_start3A_195 : memref<632x128xf32, #tpu.memory_space<vmem_shared>>) target(%dma_start3A_193 : memref<632x128xf32, #tpu.memory_space<hbm>>) target_semaphore(%run_scoped3A : memref<!tpu.dma_semaphore, #tpu.memory_space<semaphore_mem>>)
      %dma_wait3A_196 = arith.constant 0 : i32
      %dma_wait3A_197 = tpu.memref_slice %arg6[%arg0, %mul3A_190, %dma_wait3A_196] : memref<2x10112x128xf32, #tpu.memory_space<hbm>> -> memref<1x632x128xf32, #tpu.memory_space<hbm>>
      %dma_wait3A_198 = tpu.memref_squeeze %dma_wait3A_197 : memref<1x632x128xf32, #tpu.memory_space<hbm>> -> memref<632x128xf32, #tpu.memory_space<hbm>>
      %dma_wait3A_199 = arith.constant 0 : i32
      %dma_wait3A_200 = tpu.memref_slice %arg33[%mul3A_188, %dma_wait3A_199] : memref<10112x128xf32, #tpu.memory_space<vmem_shared>> -> memref<632x128xf32, #tpu.memory_space<vmem_shared>>
      tpu.wait_dma2 semaphore(%run_scoped3A : memref<!tpu.dma_semaphore, #tpu.memory_space<semaphore_mem>>) src(%dma_wait3A_200 : memref<632x128xf32, #tpu.memory_space<vmem_shared>>) dst(%dma_wait3A_198 : memref<632x128xf32, #tpu.memory_space<hbm>>)
      tpu.yield
    }) : () -> ()
    return
  }
}

#map = affine_map<(d0, d1) -> (0, 0)>
#map1 = affine_map<(d0, d1) -> (0, 0, 0)>
module attributes {stable_mosaic.version = 14 : i64} {
  func.func @_deg_body(%arg0: i32, %arg1: i32, %arg2: memref<32x10008xi32, #tpu.memory_space<hbm>>, %arg3: memref<632x128xf32, #tpu.memory_space<hbm>>, %arg4: memref<24x128xf32, #tpu.memory_space<hbm>>, %arg5: memref<2x10112x128xf32, #tpu.memory_space<hbm>>, %arg6: memref<10008xi32, #tpu.memory_space<vmem>>, %arg7: memref<24x128xf32, #tpu.memory_space<vmem>>, %arg8: memref<!tpu.dma_semaphore, #tpu.memory_space<semaphore_mem>>, %arg9: memref<!tpu.dma_semaphore, #tpu.memory_space<semaphore_mem>>, %arg10: memref<!tpu.dma_semaphore, #tpu.memory_space<semaphore_mem>>, %arg11: memref<!tpu.dma_semaphore, #tpu.memory_space<semaphore_mem>>, %arg12: memref<!tpu.dma_semaphore, #tpu.memory_space<semaphore_mem>>, %arg13: memref<!tpu.dma_semaphore, #tpu.memory_space<semaphore_mem>>, %arg14: memref<!tpu.dma_semaphore, #tpu.memory_space<semaphore_mem>>, %arg15: memref<!tpu.dma_semaphore, #tpu.memory_space<semaphore_mem>>, %arg16: memref<10112x128xf32, #tpu.memory_space<vmem_shared>>) attributes {dimension_semantics = [#tpu.dimension_semantics<core_parallel>, #tpu.dimension_semantics<subcore_parallel>], iteration_bounds = array<i64: 2, 16>, scalar_prefetch = 0 : i64, scratch_operands = 11 : i64, tpu.core_type = #tpu.core_type<sc_vector_subcore>, window_params = [{transform_indices = #map}, {transform_indices = #map}, {transform_indices = #map}, {transform_indices = #map1}]} {
    %mul3A = arith.constant 2 : i32
    %mul3A_0 = arith.muli %arg1, %mul3A : i32
    %add3A = arith.addi %mul3A_0, %arg0 : i32
    "tpu.region"() ({
      %run_scoped3A = tpu.sem_alloc : memref<!tpu.dma_semaphore, #tpu.memory_space<semaphore_mem>>
      tpu.enqueue_dma source(%arg4 : memref<24x128xf32, #tpu.memory_space<hbm>>) target(%arg7 : memref<24x128xf32, #tpu.memory_space<vmem>>) target_semaphore(%run_scoped3A : memref<!tpu.dma_semaphore, #tpu.memory_space<semaphore_mem>>)
      tpu.wait_dma2 semaphore(%run_scoped3A : memref<!tpu.dma_semaphore, #tpu.memory_space<semaphore_mem>>) src(%arg4 : memref<24x128xf32, #tpu.memory_space<hbm>>) dst(%arg7 : memref<24x128xf32, #tpu.memory_space<vmem>>)
      tpu.yield
    }) : () -> ()
    %mul3A_1 = arith.constant 632 : i32
    %mul3A_2 = arith.muli %arg1, %mul3A_1 : i32
    "tpu.region"() ({
      %run_scoped3A = tpu.sem_alloc : memref<!tpu.dma_semaphore, #tpu.memory_space<semaphore_mem>>
      %dma_start3A_101 = arith.constant 0 : i32
      %dma_start3A_102 = tpu.memref_slice %arg16[%mul3A_2, %dma_start3A_101] : memref<10112x128xf32, #tpu.memory_space<vmem_shared>> -> memref<632x128xf32, #tpu.memory_space<vmem_shared>>
      tpu.enqueue_dma source(%arg3 : memref<632x128xf32, #tpu.memory_space<hbm>>) target(%dma_start3A_102 : memref<632x128xf32, #tpu.memory_space<vmem_shared>>) target_semaphore(%run_scoped3A : memref<!tpu.dma_semaphore, #tpu.memory_space<semaphore_mem>>)
      %dma_wait3A_103 = arith.constant 0 : i32
      %dma_wait3A_104 = tpu.memref_slice %arg16[%mul3A_2, %dma_wait3A_103] : memref<10112x128xf32, #tpu.memory_space<vmem_shared>> -> memref<632x128xf32, #tpu.memory_space<vmem_shared>>
      tpu.wait_dma2 semaphore(%run_scoped3A : memref<!tpu.dma_semaphore, #tpu.memory_space<semaphore_mem>>) src(%arg3 : memref<632x128xf32, #tpu.memory_space<hbm>>) dst(%dma_wait3A_104 : memref<632x128xf32, #tpu.memory_space<vmem_shared>>)
      tpu.yield
    }) : () -> ()
    "tpu.region"() ({
      %run_scoped3A = tpu.sem_alloc : memref<!tpu.dma_semaphore, #tpu.memory_space<semaphore_mem>>
      %dma_start3A_101 = arith.constant 0 : i32
      %dma_start3A_102 = tpu.memref_slice %arg2[%add3A, %dma_start3A_101] : memref<32x10008xi32, #tpu.memory_space<hbm>> -> memref<1x10008xi32, #tpu.memory_space<hbm>>
      %dma_start3A_103 = tpu.memref_squeeze %dma_start3A_102 : memref<1x10008xi32, #tpu.memory_space<hbm>> -> memref<10008xi32, #tpu.memory_space<hbm>>
      %dma_start3A_104 = arith.constant 0 : i32
      %dma_start3A_105 = tpu.memref_slice %arg2[%add3A, %dma_start3A_104] : memref<32x10008xi32, #tpu.memory_space<hbm>> -> memref<1x10008xi32, #tpu.memory_space<hbm>>
      %dma_start3A_106 = tpu.memref_squeeze %dma_start3A_105 : memref<1x10008xi32, #tpu.memory_space<hbm>> -> memref<10008xi32, #tpu.memory_space<hbm>>
      tpu.enqueue_dma source(%dma_start3A_106 : memref<10008xi32, #tpu.memory_space<hbm>>) target(%arg6 : memref<10008xi32, #tpu.memory_space<vmem>>) target_semaphore(%run_scoped3A : memref<!tpu.dma_semaphore, #tpu.memory_space<semaphore_mem>>)
      %dma_wait3A_107 = arith.constant 0 : i32
      %dma_wait3A_108 = tpu.memref_slice %arg2[%add3A, %dma_wait3A_107] : memref<32x10008xi32, #tpu.memory_space<hbm>> -> memref<1x10008xi32, #tpu.memory_space<hbm>>
      %dma_wait3A_109 = tpu.memref_squeeze %dma_wait3A_108 : memref<1x10008xi32, #tpu.memory_space<hbm>> -> memref<10008xi32, #tpu.memory_space<hbm>>
      %dma_wait3A_110 = arith.constant 0 : i32
      %dma_wait3A_111 = tpu.memref_slice %arg2[%add3A, %dma_wait3A_110] : memref<32x10008xi32, #tpu.memory_space<hbm>> -> memref<1x10008xi32, #tpu.memory_space<hbm>>
      %dma_wait3A_112 = tpu.memref_squeeze %dma_wait3A_111 : memref<1x10008xi32, #tpu.memory_space<hbm>> -> memref<10008xi32, #tpu.memory_space<hbm>>
      tpu.wait_dma2 semaphore(%run_scoped3A : memref<!tpu.dma_semaphore, #tpu.memory_space<semaphore_mem>>) src(%dma_wait3A_112 : memref<10008xi32, #tpu.memory_space<hbm>>) dst(%arg6 : memref<10008xi32, #tpu.memory_space<vmem>>)
      tpu.yield
    }) : () -> ()
    %barrier3A = arith.constant 0 : index
    tpu.barrier barrier_id(%barrier3A)
    %dma_start3A = arith.constant 0 : i32
    %dma_start3A_3 = tpu.memref_slice %arg6[%dma_start3A] : memref<10008xi32, #tpu.memory_space<vmem>> -> memref<24xi32, #tpu.memory_space<vmem>>
    %dma_start3A_4 = arith.constant 0 : i32
    %dma_start3A_5 = arith.constant 0 : i32
    %dma_start3A_6 = tpu.memref_slice %arg16[%dma_start3A_4, %dma_start3A_5] : memref<10112x128xf32, #tpu.memory_space<vmem_shared>> -> memref<10112x128xf32, #tpu.memory_space<vmem_shared>>
    tpu.enqueue_indirect_dma source(%arg7 : memref<24x128xf32, #tpu.memory_space<vmem>>) target(%dma_start3A_6 : memref<10112x128xf32, #tpu.memory_space<vmem_shared>>) offsets(%dma_start3A_3 : memref<24xi32, #tpu.memory_space<vmem>>) semaphore(%arg8 : memref<!tpu.dma_semaphore, #tpu.memory_space<semaphore_mem>>) {add = true}
    %dma_start3A_7 = arith.constant 24 : i32
    %dma_start3A_8 = tpu.memref_slice %arg6[%dma_start3A_7] : memref<10008xi32, #tpu.memory_space<vmem>> -> memref<24xi32, #tpu.memory_space<vmem>>
    %dma_start3A_9 = arith.constant 0 : i32
    %dma_start3A_10 = arith.constant 0 : i32
    %dma_start3A_11 = tpu.memref_slice %arg16[%dma_start3A_9, %dma_start3A_10] : memref<10112x128xf32, #tpu.memory_space<vmem_shared>> -> memref<10112x128xf32, #tpu.memory_space<vmem_shared>>
    tpu.enqueue_indirect_dma source(%arg7 : memref<24x128xf32, #tpu.memory_space<vmem>>) target(%dma_start3A_11 : memref<10112x128xf32, #tpu.memory_space<vmem_shared>>) offsets(%dma_start3A_8 : memref<24xi32, #tpu.memory_space<vmem>>) semaphore(%arg9 : memref<!tpu.dma_semaphore, #tpu.memory_space<semaphore_mem>>) {add = true}
    %dma_start3A_12 = arith.constant 48 : i32
    %dma_start3A_13 = tpu.memref_slice %arg6[%dma_start3A_12] : memref<10008xi32, #tpu.memory_space<vmem>> -> memref<24xi32, #tpu.memory_space<vmem>>
    %dma_start3A_14 = arith.constant 0 : i32
    %dma_start3A_15 = arith.constant 0 : i32
    %dma_start3A_16 = tpu.memref_slice %arg16[%dma_start3A_14, %dma_start3A_15] : memref<10112x128xf32, #tpu.memory_space<vmem_shared>> -> memref<10112x128xf32, #tpu.memory_space<vmem_shared>>
    tpu.enqueue_indirect_dma source(%arg7 : memref<24x128xf32, #tpu.memory_space<vmem>>) target(%dma_start3A_16 : memref<10112x128xf32, #tpu.memory_space<vmem_shared>>) offsets(%dma_start3A_13 : memref<24xi32, #tpu.memory_space<vmem>>) semaphore(%arg10 : memref<!tpu.dma_semaphore, #tpu.memory_space<semaphore_mem>>) {add = true}
    %dma_start3A_17 = arith.constant 72 : i32
    %dma_start3A_18 = tpu.memref_slice %arg6[%dma_start3A_17] : memref<10008xi32, #tpu.memory_space<vmem>> -> memref<24xi32, #tpu.memory_space<vmem>>
    %dma_start3A_19 = arith.constant 0 : i32
    %dma_start3A_20 = arith.constant 0 : i32
    %dma_start3A_21 = tpu.memref_slice %arg16[%dma_start3A_19, %dma_start3A_20] : memref<10112x128xf32, #tpu.memory_space<vmem_shared>> -> memref<10112x128xf32, #tpu.memory_space<vmem_shared>>
    tpu.enqueue_indirect_dma source(%arg7 : memref<24x128xf32, #tpu.memory_space<vmem>>) target(%dma_start3A_21 : memref<10112x128xf32, #tpu.memory_space<vmem_shared>>) offsets(%dma_start3A_18 : memref<24xi32, #tpu.memory_space<vmem>>) semaphore(%arg11 : memref<!tpu.dma_semaphore, #tpu.memory_space<semaphore_mem>>) {add = true}
    %dma_start3A_22 = arith.constant 96 : i32
    %dma_start3A_23 = tpu.memref_slice %arg6[%dma_start3A_22] : memref<10008xi32, #tpu.memory_space<vmem>> -> memref<24xi32, #tpu.memory_space<vmem>>
    %dma_start3A_24 = arith.constant 0 : i32
    %dma_start3A_25 = arith.constant 0 : i32
    %dma_start3A_26 = tpu.memref_slice %arg16[%dma_start3A_24, %dma_start3A_25] : memref<10112x128xf32, #tpu.memory_space<vmem_shared>> -> memref<10112x128xf32, #tpu.memory_space<vmem_shared>>
    tpu.enqueue_indirect_dma source(%arg7 : memref<24x128xf32, #tpu.memory_space<vmem>>) target(%dma_start3A_26 : memref<10112x128xf32, #tpu.memory_space<vmem_shared>>) offsets(%dma_start3A_23 : memref<24xi32, #tpu.memory_space<vmem>>) semaphore(%arg12 : memref<!tpu.dma_semaphore, #tpu.memory_space<semaphore_mem>>) {add = true}
    %dma_start3A_27 = arith.constant 120 : i32
    %dma_start3A_28 = tpu.memref_slice %arg6[%dma_start3A_27] : memref<10008xi32, #tpu.memory_space<vmem>> -> memref<24xi32, #tpu.memory_space<vmem>>
    %dma_start3A_29 = arith.constant 0 : i32
    %dma_start3A_30 = arith.constant 0 : i32
    %dma_start3A_31 = tpu.memref_slice %arg16[%dma_start3A_29, %dma_start3A_30] : memref<10112x128xf32, #tpu.memory_space<vmem_shared>> -> memref<10112x128xf32, #tpu.memory_space<vmem_shared>>
    tpu.enqueue_indirect_dma source(%arg7 : memref<24x128xf32, #tpu.memory_space<vmem>>) target(%dma_start3A_31 : memref<10112x128xf32, #tpu.memory_space<vmem_shared>>) offsets(%dma_start3A_28 : memref<24xi32, #tpu.memory_space<vmem>>) semaphore(%arg13 : memref<!tpu.dma_semaphore, #tpu.memory_space<semaphore_mem>>) {add = true}
    %dma_start3A_32 = arith.constant 144 : i32
    %dma_start3A_33 = tpu.memref_slice %arg6[%dma_start3A_32] : memref<10008xi32, #tpu.memory_space<vmem>> -> memref<24xi32, #tpu.memory_space<vmem>>
    %dma_start3A_34 = arith.constant 0 : i32
    %dma_start3A_35 = arith.constant 0 : i32
    %dma_start3A_36 = tpu.memref_slice %arg16[%dma_start3A_34, %dma_start3A_35] : memref<10112x128xf32, #tpu.memory_space<vmem_shared>> -> memref<10112x128xf32, #tpu.memory_space<vmem_shared>>
    tpu.enqueue_indirect_dma source(%arg7 : memref<24x128xf32, #tpu.memory_space<vmem>>) target(%dma_start3A_36 : memref<10112x128xf32, #tpu.memory_space<vmem_shared>>) offsets(%dma_start3A_33 : memref<24xi32, #tpu.memory_space<vmem>>) semaphore(%arg14 : memref<!tpu.dma_semaphore, #tpu.memory_space<semaphore_mem>>) {add = true}
    %dma_start3A_37 = arith.constant 168 : i32
    %dma_start3A_38 = tpu.memref_slice %arg6[%dma_start3A_37] : memref<10008xi32, #tpu.memory_space<vmem>> -> memref<24xi32, #tpu.memory_space<vmem>>
    %dma_start3A_39 = arith.constant 0 : i32
    %dma_start3A_40 = arith.constant 0 : i32
    %dma_start3A_41 = tpu.memref_slice %arg16[%dma_start3A_39, %dma_start3A_40] : memref<10112x128xf32, #tpu.memory_space<vmem_shared>> -> memref<10112x128xf32, #tpu.memory_space<vmem_shared>>
    tpu.enqueue_indirect_dma source(%arg7 : memref<24x128xf32, #tpu.memory_space<vmem>>) target(%dma_start3A_41 : memref<10112x128xf32, #tpu.memory_space<vmem_shared>>) offsets(%dma_start3A_38 : memref<24xi32, #tpu.memory_space<vmem>>) semaphore(%arg15 : memref<!tpu.dma_semaphore, #tpu.memory_space<semaphore_mem>>) {add = true}
    %scan3A = arith.constant 0 : i32
    %scan3A_42 = arith.constant 0 : i32
    %scan3A_43 = arith.constant 51 : i32
    %scan3A_44 = arith.addi %scan3A_42, %scan3A_43 : i32
    %scan3A_45 = arith.constant 1 : i32
    scf.for %scan3A_101 = %scan3A_42 to %scan3A_44 step %scan3A_45  : i32 {
      %mul3A_102 = arith.constant 8 : i32
      %mul3A_103 = arith.muli %mul3A_102, %scan3A_101 : i32
      %add3A_104 = arith.constant 8 : i32
      %add3A_105 = arith.addi %add3A_104, %mul3A_103 : i32
      %add3A_106 = arith.constant 0 : i32
      %add3A_107 = arith.addi %add3A_105, %add3A_106 : i32
      %sub3A = arith.constant 8 : i32
      %sub3A_108 = arith.subi %add3A_107, %sub3A : i32
      %mul3A_109 = arith.constant 24 : i32
      %mul3A_110 = arith.muli %sub3A_108, %mul3A_109 : i32
      %dma_wait3A_111 = tpu.memref_slice %arg6[%mul3A_110] : memref<10008xi32, #tpu.memory_space<vmem>> -> memref<24xi32, #tpu.memory_space<vmem>>
      %dma_wait3A_112 = arith.constant 0 : i32
      %dma_wait3A_113 = arith.constant 0 : i32
      %dma_wait3A_114 = tpu.memref_slice %arg16[%dma_wait3A_112, %dma_wait3A_113] : memref<10112x128xf32, #tpu.memory_space<vmem_shared>> -> memref<10112x128xf32, #tpu.memory_space<vmem_shared>>
      tpu.wait_indirect_dma semaphore(%arg8 : memref<!tpu.dma_semaphore, #tpu.memory_space<semaphore_mem>>) src(%arg7 : memref<24x128xf32, #tpu.memory_space<vmem>>) dst(%dma_wait3A_114 : memref<10112x128xf32, #tpu.memory_space<vmem_shared>>)
      %add3A_115 = arith.constant 0 : i32
      %add3A_116 = arith.addi %add3A_105, %add3A_115 : i32
      %mul3A_117 = arith.constant 24 : i32
      %mul3A_118 = arith.muli %add3A_116, %mul3A_117 : i32
      %dma_start3A_119 = tpu.memref_slice %arg6[%mul3A_118] : memref<10008xi32, #tpu.memory_space<vmem>> -> memref<24xi32, #tpu.memory_space<vmem>>
      %dma_start3A_120 = arith.constant 0 : i32
      %dma_start3A_121 = arith.constant 0 : i32
      %dma_start3A_122 = tpu.memref_slice %arg16[%dma_start3A_120, %dma_start3A_121] : memref<10112x128xf32, #tpu.memory_space<vmem_shared>> -> memref<10112x128xf32, #tpu.memory_space<vmem_shared>>
      tpu.enqueue_indirect_dma source(%arg7 : memref<24x128xf32, #tpu.memory_space<vmem>>) target(%dma_start3A_122 : memref<10112x128xf32, #tpu.memory_space<vmem_shared>>) offsets(%dma_start3A_119 : memref<24xi32, #tpu.memory_space<vmem>>) semaphore(%arg8 : memref<!tpu.dma_semaphore, #tpu.memory_space<semaphore_mem>>) {add = true}
      %add3A_123 = arith.constant 1 : i32
      %add3A_124 = arith.addi %add3A_105, %add3A_123 : i32
      %sub3A_125 = arith.constant 8 : i32
      %sub3A_126 = arith.subi %add3A_124, %sub3A_125 : i32
      %mul3A_127 = arith.constant 24 : i32
      %mul3A_128 = arith.muli %sub3A_126, %mul3A_127 : i32
      %dma_wait3A_129 = tpu.memref_slice %arg6[%mul3A_128] : memref<10008xi32, #tpu.memory_space<vmem>> -> memref<24xi32, #tpu.memory_space<vmem>>
      %dma_wait3A_130 = arith.constant 0 : i32
      %dma_wait3A_131 = arith.constant 0 : i32
      %dma_wait3A_132 = tpu.memref_slice %arg16[%dma_wait3A_130, %dma_wait3A_131] : memref<10112x128xf32, #tpu.memory_space<vmem_shared>> -> memref<10112x128xf32, #tpu.memory_space<vmem_shared>>
      tpu.wait_indirect_dma semaphore(%arg9 : memref<!tpu.dma_semaphore, #tpu.memory_space<semaphore_mem>>) src(%arg7 : memref<24x128xf32, #tpu.memory_space<vmem>>) dst(%dma_wait3A_132 : memref<10112x128xf32, #tpu.memory_space<vmem_shared>>)
      %add3A_133 = arith.constant 1 : i32
      %add3A_134 = arith.addi %add3A_105, %add3A_133 : i32
      %mul3A_135 = arith.constant 24 : i32
      %mul3A_136 = arith.muli %add3A_134, %mul3A_135 : i32
      %dma_start3A_137 = tpu.memref_slice %arg6[%mul3A_136] : memref<10008xi32, #tpu.memory_space<vmem>> -> memref<24xi32, #tpu.memory_space<vmem>>
      %dma_start3A_138 = arith.constant 0 : i32
      %dma_start3A_139 = arith.constant 0 : i32
      %dma_start3A_140 = tpu.memref_slice %arg16[%dma_start3A_138, %dma_start3A_139] : memref<10112x128xf32, #tpu.memory_space<vmem_shared>> -> memref<10112x128xf32, #tpu.memory_space<vmem_shared>>
      tpu.enqueue_indirect_dma source(%arg7 : memref<24x128xf32, #tpu.memory_space<vmem>>) target(%dma_start3A_140 : memref<10112x128xf32, #tpu.memory_space<vmem_shared>>) offsets(%dma_start3A_137 : memref<24xi32, #tpu.memory_space<vmem>>) semaphore(%arg9 : memref<!tpu.dma_semaphore, #tpu.memory_space<semaphore_mem>>) {add = true}
      %add3A_141 = arith.constant 2 : i32
      %add3A_142 = arith.addi %add3A_105, %add3A_141 : i32
      %sub3A_143 = arith.constant 8 : i32
      %sub3A_144 = arith.subi %add3A_142, %sub3A_143 : i32
      %mul3A_145 = arith.constant 24 : i32
      %mul3A_146 = arith.muli %sub3A_144, %mul3A_145 : i32
      %dma_wait3A_147 = tpu.memref_slice %arg6[%mul3A_146] : memref<10008xi32, #tpu.memory_space<vmem>> -> memref<24xi32, #tpu.memory_space<vmem>>
      %dma_wait3A_148 = arith.constant 0 : i32
      %dma_wait3A_149 = arith.constant 0 : i32
      %dma_wait3A_150 = tpu.memref_slice %arg16[%dma_wait3A_148, %dma_wait3A_149] : memref<10112x128xf32, #tpu.memory_space<vmem_shared>> -> memref<10112x128xf32, #tpu.memory_space<vmem_shared>>
      tpu.wait_indirect_dma semaphore(%arg10 : memref<!tpu.dma_semaphore, #tpu.memory_space<semaphore_mem>>) src(%arg7 : memref<24x128xf32, #tpu.memory_space<vmem>>) dst(%dma_wait3A_150 : memref<10112x128xf32, #tpu.memory_space<vmem_shared>>)
      %add3A_151 = arith.constant 2 : i32
      %add3A_152 = arith.addi %add3A_105, %add3A_151 : i32
      %mul3A_153 = arith.constant 24 : i32
      %mul3A_154 = arith.muli %add3A_152, %mul3A_153 : i32
      %dma_start3A_155 = tpu.memref_slice %arg6[%mul3A_154] : memref<10008xi32, #tpu.memory_space<vmem>> -> memref<24xi32, #tpu.memory_space<vmem>>
      %dma_start3A_156 = arith.constant 0 : i32
      %dma_start3A_157 = arith.constant 0 : i32
      %dma_start3A_158 = tpu.memref_slice %arg16[%dma_start3A_156, %dma_start3A_157] : memref<10112x128xf32, #tpu.memory_space<vmem_shared>> -> memref<10112x128xf32, #tpu.memory_space<vmem_shared>>
      tpu.enqueue_indirect_dma source(%arg7 : memref<24x128xf32, #tpu.memory_space<vmem>>) target(%dma_start3A_158 : memref<10112x128xf32, #tpu.memory_space<vmem_shared>>) offsets(%dma_start3A_155 : memref<24xi32, #tpu.memory_space<vmem>>) semaphore(%arg10 : memref<!tpu.dma_semaphore, #tpu.memory_space<semaphore_mem>>) {add = true}
      %add3A_159 = arith.constant 3 : i32
      %add3A_160 = arith.addi %add3A_105, %add3A_159 : i32
      %sub3A_161 = arith.constant 8 : i32
      %sub3A_162 = arith.subi %add3A_160, %sub3A_161 : i32
      %mul3A_163 = arith.constant 24 : i32
      %mul3A_164 = arith.muli %sub3A_162, %mul3A_163 : i32
      %dma_wait3A_165 = tpu.memref_slice %arg6[%mul3A_164] : memref<10008xi32, #tpu.memory_space<vmem>> -> memref<24xi32, #tpu.memory_space<vmem>>
      %dma_wait3A_166 = arith.constant 0 : i32
      %dma_wait3A_167 = arith.constant 0 : i32
      %dma_wait3A_168 = tpu.memref_slice %arg16[%dma_wait3A_166, %dma_wait3A_167] : memref<10112x128xf32, #tpu.memory_space<vmem_shared>> -> memref<10112x128xf32, #tpu.memory_space<vmem_shared>>
      tpu.wait_indirect_dma semaphore(%arg11 : memref<!tpu.dma_semaphore, #tpu.memory_space<semaphore_mem>>) src(%arg7 : memref<24x128xf32, #tpu.memory_space<vmem>>) dst(%dma_wait3A_168 : memref<10112x128xf32, #tpu.memory_space<vmem_shared>>)
      %add3A_169 = arith.constant 3 : i32
      %add3A_170 = arith.addi %add3A_105, %add3A_169 : i32
      %mul3A_171 = arith.constant 24 : i32
      %mul3A_172 = arith.muli %add3A_170, %mul3A_171 : i32
      %dma_start3A_173 = tpu.memref_slice %arg6[%mul3A_172] : memref<10008xi32, #tpu.memory_space<vmem>> -> memref<24xi32, #tpu.memory_space<vmem>>
      %dma_start3A_174 = arith.constant 0 : i32
      %dma_start3A_175 = arith.constant 0 : i32
      %dma_start3A_176 = tpu.memref_slice %arg16[%dma_start3A_174, %dma_start3A_175] : memref<10112x128xf32, #tpu.memory_space<vmem_shared>> -> memref<10112x128xf32, #tpu.memory_space<vmem_shared>>
      tpu.enqueue_indirect_dma source(%arg7 : memref<24x128xf32, #tpu.memory_space<vmem>>) target(%dma_start3A_176 : memref<10112x128xf32, #tpu.memory_space<vmem_shared>>) offsets(%dma_start3A_173 : memref<24xi32, #tpu.memory_space<vmem>>) semaphore(%arg11 : memref<!tpu.dma_semaphore, #tpu.memory_space<semaphore_mem>>) {add = true}
      %add3A_177 = arith.constant 4 : i32
      %add3A_178 = arith.addi %add3A_105, %add3A_177 : i32
      %sub3A_179 = arith.constant 8 : i32
      %sub3A_180 = arith.subi %add3A_178, %sub3A_179 : i32
      %mul3A_181 = arith.constant 24 : i32
      %mul3A_182 = arith.muli %sub3A_180, %mul3A_181 : i32
      %dma_wait3A_183 = tpu.memref_slice %arg6[%mul3A_182] : memref<10008xi32, #tpu.memory_space<vmem>> -> memref<24xi32, #tpu.memory_space<vmem>>
      %dma_wait3A_184 = arith.constant 0 : i32
      %dma_wait3A_185 = arith.constant 0 : i32
      %dma_wait3A_186 = tpu.memref_slice %arg16[%dma_wait3A_184, %dma_wait3A_185] : memref<10112x128xf32, #tpu.memory_space<vmem_shared>> -> memref<10112x128xf32, #tpu.memory_space<vmem_shared>>
      tpu.wait_indirect_dma semaphore(%arg12 : memref<!tpu.dma_semaphore, #tpu.memory_space<semaphore_mem>>) src(%arg7 : memref<24x128xf32, #tpu.memory_space<vmem>>) dst(%dma_wait3A_186 : memref<10112x128xf32, #tpu.memory_space<vmem_shared>>)
      %add3A_187 = arith.constant 4 : i32
      %add3A_188 = arith.addi %add3A_105, %add3A_187 : i32
      %mul3A_189 = arith.constant 24 : i32
      %mul3A_190 = arith.muli %add3A_188, %mul3A_189 : i32
      %dma_start3A_191 = tpu.memref_slice %arg6[%mul3A_190] : memref<10008xi32, #tpu.memory_space<vmem>> -> memref<24xi32, #tpu.memory_space<vmem>>
      %dma_start3A_192 = arith.constant 0 : i32
      %dma_start3A_193 = arith.constant 0 : i32
      %dma_start3A_194 = tpu.memref_slice %arg16[%dma_start3A_192, %dma_start3A_193] : memref<10112x128xf32, #tpu.memory_space<vmem_shared>> -> memref<10112x128xf32, #tpu.memory_space<vmem_shared>>
      tpu.enqueue_indirect_dma source(%arg7 : memref<24x128xf32, #tpu.memory_space<vmem>>) target(%dma_start3A_194 : memref<10112x128xf32, #tpu.memory_space<vmem_shared>>) offsets(%dma_start3A_191 : memref<24xi32, #tpu.memory_space<vmem>>) semaphore(%arg12 : memref<!tpu.dma_semaphore, #tpu.memory_space<semaphore_mem>>) {add = true}
      %add3A_195 = arith.constant 5 : i32
      %add3A_196 = arith.addi %add3A_105, %add3A_195 : i32
      %sub3A_197 = arith.constant 8 : i32
      %sub3A_198 = arith.subi %add3A_196, %sub3A_197 : i32
      %mul3A_199 = arith.constant 24 : i32
      %mul3A_200 = arith.muli %sub3A_198, %mul3A_199 : i32
      %dma_wait3A_201 = tpu.memref_slice %arg6[%mul3A_200] : memref<10008xi32, #tpu.memory_space<vmem>> -> memref<24xi32, #tpu.memory_space<vmem>>
      %dma_wait3A_202 = arith.constant 0 : i32
      %dma_wait3A_203 = arith.constant 0 : i32
      %dma_wait3A_204 = tpu.memref_slice %arg16[%dma_wait3A_202, %dma_wait3A_203] : memref<10112x128xf32, #tpu.memory_space<vmem_shared>> -> memref<10112x128xf32, #tpu.memory_space<vmem_shared>>
      tpu.wait_indirect_dma semaphore(%arg13 : memref<!tpu.dma_semaphore, #tpu.memory_space<semaphore_mem>>) src(%arg7 : memref<24x128xf32, #tpu.memory_space<vmem>>) dst(%dma_wait3A_204 : memref<10112x128xf32, #tpu.memory_space<vmem_shared>>)
      %add3A_205 = arith.constant 5 : i32
      %add3A_206 = arith.addi %add3A_105, %add3A_205 : i32
      %mul3A_207 = arith.constant 24 : i32
      %mul3A_208 = arith.muli %add3A_206, %mul3A_207 : i32
      %dma_start3A_209 = tpu.memref_slice %arg6[%mul3A_208] : memref<10008xi32, #tpu.memory_space<vmem>> -> memref<24xi32, #tpu.memory_space<vmem>>
      %dma_start3A_210 = arith.constant 0 : i32
      %dma_start3A_211 = arith.constant 0 : i32
      %dma_start3A_212 = tpu.memref_slice %arg16[%dma_start3A_210, %dma_start3A_211] : memref<10112x128xf32, #tpu.memory_space<vmem_shared>> -> memref<10112x128xf32, #tpu.memory_space<vmem_shared>>
      tpu.enqueue_indirect_dma source(%arg7 : memref<24x128xf32, #tpu.memory_space<vmem>>) target(%dma_start3A_212 : memref<10112x128xf32, #tpu.memory_space<vmem_shared>>) offsets(%dma_start3A_209 : memref<24xi32, #tpu.memory_space<vmem>>) semaphore(%arg13 : memref<!tpu.dma_semaphore, #tpu.memory_space<semaphore_mem>>) {add = true}
      %add3A_213 = arith.constant 6 : i32
      %add3A_214 = arith.addi %add3A_105, %add3A_213 : i32
      %sub3A_215 = arith.constant 8 : i32
      %sub3A_216 = arith.subi %add3A_214, %sub3A_215 : i32
      %mul3A_217 = arith.constant 24 : i32
      %mul3A_218 = arith.muli %sub3A_216, %mul3A_217 : i32
      %dma_wait3A_219 = tpu.memref_slice %arg6[%mul3A_218] : memref<10008xi32, #tpu.memory_space<vmem>> -> memref<24xi32, #tpu.memory_space<vmem>>
      %dma_wait3A_220 = arith.constant 0 : i32
      %dma_wait3A_221 = arith.constant 0 : i32
      %dma_wait3A_222 = tpu.memref_slice %arg16[%dma_wait3A_220, %dma_wait3A_221] : memref<10112x128xf32, #tpu.memory_space<vmem_shared>> -> memref<10112x128xf32, #tpu.memory_space<vmem_shared>>
      tpu.wait_indirect_dma semaphore(%arg14 : memref<!tpu.dma_semaphore, #tpu.memory_space<semaphore_mem>>) src(%arg7 : memref<24x128xf32, #tpu.memory_space<vmem>>) dst(%dma_wait3A_222 : memref<10112x128xf32, #tpu.memory_space<vmem_shared>>)
      %add3A_223 = arith.constant 6 : i32
      %add3A_224 = arith.addi %add3A_105, %add3A_223 : i32
      %mul3A_225 = arith.constant 24 : i32
      %mul3A_226 = arith.muli %add3A_224, %mul3A_225 : i32
      %dma_start3A_227 = tpu.memref_slice %arg6[%mul3A_226] : memref<10008xi32, #tpu.memory_space<vmem>> -> memref<24xi32, #tpu.memory_space<vmem>>
      %dma_start3A_228 = arith.constant 0 : i32
      %dma_start3A_229 = arith.constant 0 : i32
      %dma_start3A_230 = tpu.memref_slice %arg16[%dma_start3A_228, %dma_start3A_229] : memref<10112x128xf32, #tpu.memory_space<vmem_shared>> -> memref<10112x128xf32, #tpu.memory_space<vmem_shared>>
      tpu.enqueue_indirect_dma source(%arg7 : memref<24x128xf32, #tpu.memory_space<vmem>>) target(%dma_start3A_230 : memref<10112x128xf32, #tpu.memory_space<vmem_shared>>) offsets(%dma_start3A_227 : memref<24xi32, #tpu.memory_space<vmem>>) semaphore(%arg14 : memref<!tpu.dma_semaphore, #tpu.memory_space<semaphore_mem>>) {add = true}
      %add3A_231 = arith.constant 7 : i32
      %add3A_232 = arith.addi %add3A_105, %add3A_231 : i32
      %sub3A_233 = arith.constant 8 : i32
      %sub3A_234 = arith.subi %add3A_232, %sub3A_233 : i32
      %mul3A_235 = arith.constant 24 : i32
      %mul3A_236 = arith.muli %sub3A_234, %mul3A_235 : i32
      %dma_wait3A_237 = tpu.memref_slice %arg6[%mul3A_236] : memref<10008xi32, #tpu.memory_space<vmem>> -> memref<24xi32, #tpu.memory_space<vmem>>
      %dma_wait3A_238 = arith.constant 0 : i32
      %dma_wait3A_239 = arith.constant 0 : i32
      %dma_wait3A_240 = tpu.memref_slice %arg16[%dma_wait3A_238, %dma_wait3A_239] : memref<10112x128xf32, #tpu.memory_space<vmem_shared>> -> memref<10112x128xf32, #tpu.memory_space<vmem_shared>>
      tpu.wait_indirect_dma semaphore(%arg15 : memref<!tpu.dma_semaphore, #tpu.memory_space<semaphore_mem>>) src(%arg7 : memref<24x128xf32, #tpu.memory_space<vmem>>) dst(%dma_wait3A_240 : memref<10112x128xf32, #tpu.memory_space<vmem_shared>>)
      %add3A_241 = arith.constant 7 : i32
      %add3A_242 = arith.addi %add3A_105, %add3A_241 : i32
      %mul3A_243 = arith.constant 24 : i32
      %mul3A_244 = arith.muli %add3A_242, %mul3A_243 : i32
      %dma_start3A_245 = tpu.memref_slice %arg6[%mul3A_244] : memref<10008xi32, #tpu.memory_space<vmem>> -> memref<24xi32, #tpu.memory_space<vmem>>
      %dma_start3A_246 = arith.constant 0 : i32
      %dma_start3A_247 = arith.constant 0 : i32
      %dma_start3A_248 = tpu.memref_slice %arg16[%dma_start3A_246, %dma_start3A_247] : memref<10112x128xf32, #tpu.memory_space<vmem_shared>> -> memref<10112x128xf32, #tpu.memory_space<vmem_shared>>
      tpu.enqueue_indirect_dma source(%arg7 : memref<24x128xf32, #tpu.memory_space<vmem>>) target(%dma_start3A_248 : memref<10112x128xf32, #tpu.memory_space<vmem_shared>>) offsets(%dma_start3A_245 : memref<24xi32, #tpu.memory_space<vmem>>) semaphore(%arg15 : memref<!tpu.dma_semaphore, #tpu.memory_space<semaphore_mem>>) {add = true}
    }
    %scan3A_46 = arith.constant 51 : i32
    %dma_wait3A = arith.constant 9792 : i32
    %dma_wait3A_47 = tpu.memref_slice %arg6[%dma_wait3A] : memref<10008xi32, #tpu.memory_space<vmem>> -> memref<24xi32, #tpu.memory_space<vmem>>
    %dma_wait3A_48 = arith.constant 0 : i32
    %dma_wait3A_49 = arith.constant 0 : i32
    %dma_wait3A_50 = tpu.memref_slice %arg16[%dma_wait3A_48, %dma_wait3A_49] : memref<10112x128xf32, #tpu.memory_space<vmem_shared>> -> memref<10112x128xf32, #tpu.memory_space<vmem_shared>>
    tpu.wait_indirect_dma semaphore(%arg8 : memref<!tpu.dma_semaphore, #tpu.memory_space<semaphore_mem>>) src(%arg7 : memref<24x128xf32, #tpu.memory_space<vmem>>) dst(%dma_wait3A_50 : memref<10112x128xf32, #tpu.memory_space<vmem_shared>>)
    %dma_start3A_51 = arith.constant 9984 : i32
    %dma_start3A_52 = tpu.memref_slice %arg6[%dma_start3A_51] : memref<10008xi32, #tpu.memory_space<vmem>> -> memref<24xi32, #tpu.memory_space<vmem>>
    %dma_start3A_53 = arith.constant 0 : i32
    %dma_start3A_54 = arith.constant 0 : i32
    %dma_start3A_55 = tpu.memref_slice %arg16[%dma_start3A_53, %dma_start3A_54] : memref<10112x128xf32, #tpu.memory_space<vmem_shared>> -> memref<10112x128xf32, #tpu.memory_space<vmem_shared>>
    tpu.enqueue_indirect_dma source(%arg7 : memref<24x128xf32, #tpu.memory_space<vmem>>) target(%dma_start3A_55 : memref<10112x128xf32, #tpu.memory_space<vmem_shared>>) offsets(%dma_start3A_52 : memref<24xi32, #tpu.memory_space<vmem>>) semaphore(%arg8 : memref<!tpu.dma_semaphore, #tpu.memory_space<semaphore_mem>>) {add = true}
    %dma_wait3A_56 = arith.constant 9816 : i32
    %dma_wait3A_57 = tpu.memref_slice %arg6[%dma_wait3A_56] : memref<10008xi32, #tpu.memory_space<vmem>> -> memref<24xi32, #tpu.memory_space<vmem>>
    %dma_wait3A_58 = arith.constant 0 : i32
    %dma_wait3A_59 = arith.constant 0 : i32
    %dma_wait3A_60 = tpu.memref_slice %arg16[%dma_wait3A_58, %dma_wait3A_59] : memref<10112x128xf32, #tpu.memory_space<vmem_shared>> -> memref<10112x128xf32, #tpu.memory_space<vmem_shared>>
    tpu.wait_indirect_dma semaphore(%arg9 : memref<!tpu.dma_semaphore, #tpu.memory_space<semaphore_mem>>) src(%arg7 : memref<24x128xf32, #tpu.memory_space<vmem>>) dst(%dma_wait3A_60 : memref<10112x128xf32, #tpu.memory_space<vmem_shared>>)
    %dma_wait3A_61 = arith.constant 9840 : i32
    %dma_wait3A_62 = tpu.memref_slice %arg6[%dma_wait3A_61] : memref<10008xi32, #tpu.memory_space<vmem>> -> memref<24xi32, #tpu.memory_space<vmem>>
    %dma_wait3A_63 = arith.constant 0 : i32
    %dma_wait3A_64 = arith.constant 0 : i32
    %dma_wait3A_65 = tpu.memref_slice %arg16[%dma_wait3A_63, %dma_wait3A_64] : memref<10112x128xf32, #tpu.memory_space<vmem_shared>> -> memref<10112x128xf32, #tpu.memory_space<vmem_shared>>
    tpu.wait_indirect_dma semaphore(%arg10 : memref<!tpu.dma_semaphore, #tpu.memory_space<semaphore_mem>>) src(%arg7 : memref<24x128xf32, #tpu.memory_space<vmem>>) dst(%dma_wait3A_65 : memref<10112x128xf32, #tpu.memory_space<vmem_shared>>)
    %dma_wait3A_66 = arith.constant 9864 : i32
    %dma_wait3A_67 = tpu.memref_slice %arg6[%dma_wait3A_66] : memref<10008xi32, #tpu.memory_space<vmem>> -> memref<24xi32, #tpu.memory_space<vmem>>
    %dma_wait3A_68 = arith.constant 0 : i32
    %dma_wait3A_69 = arith.constant 0 : i32
    %dma_wait3A_70 = tpu.memref_slice %arg16[%dma_wait3A_68, %dma_wait3A_69] : memref<10112x128xf32, #tpu.memory_space<vmem_shared>> -> memref<10112x128xf32, #tpu.memory_space<vmem_shared>>
    tpu.wait_indirect_dma semaphore(%arg11 : memref<!tpu.dma_semaphore, #tpu.memory_space<semaphore_mem>>) src(%arg7 : memref<24x128xf32, #tpu.memory_space<vmem>>) dst(%dma_wait3A_70 : memref<10112x128xf32, #tpu.memory_space<vmem_shared>>)
    %dma_wait3A_71 = arith.constant 9888 : i32
    %dma_wait3A_72 = tpu.memref_slice %arg6[%dma_wait3A_71] : memref<10008xi32, #tpu.memory_space<vmem>> -> memref<24xi32, #tpu.memory_space<vmem>>
    %dma_wait3A_73 = arith.constant 0 : i32
    %dma_wait3A_74 = arith.constant 0 : i32
    %dma_wait3A_75 = tpu.memref_slice %arg16[%dma_wait3A_73, %dma_wait3A_74] : memref<10112x128xf32, #tpu.memory_space<vmem_shared>> -> memref<10112x128xf32, #tpu.memory_space<vmem_shared>>
    tpu.wait_indirect_dma semaphore(%arg12 : memref<!tpu.dma_semaphore, #tpu.memory_space<semaphore_mem>>) src(%arg7 : memref<24x128xf32, #tpu.memory_space<vmem>>) dst(%dma_wait3A_75 : memref<10112x128xf32, #tpu.memory_space<vmem_shared>>)
    %dma_wait3A_76 = arith.constant 9912 : i32
    %dma_wait3A_77 = tpu.memref_slice %arg6[%dma_wait3A_76] : memref<10008xi32, #tpu.memory_space<vmem>> -> memref<24xi32, #tpu.memory_space<vmem>>
    %dma_wait3A_78 = arith.constant 0 : i32
    %dma_wait3A_79 = arith.constant 0 : i32
    %dma_wait3A_80 = tpu.memref_slice %arg16[%dma_wait3A_78, %dma_wait3A_79] : memref<10112x128xf32, #tpu.memory_space<vmem_shared>> -> memref<10112x128xf32, #tpu.memory_space<vmem_shared>>
    tpu.wait_indirect_dma semaphore(%arg13 : memref<!tpu.dma_semaphore, #tpu.memory_space<semaphore_mem>>) src(%arg7 : memref<24x128xf32, #tpu.memory_space<vmem>>) dst(%dma_wait3A_80 : memref<10112x128xf32, #tpu.memory_space<vmem_shared>>)
    %dma_wait3A_81 = arith.constant 9936 : i32
    %dma_wait3A_82 = tpu.memref_slice %arg6[%dma_wait3A_81] : memref<10008xi32, #tpu.memory_space<vmem>> -> memref<24xi32, #tpu.memory_space<vmem>>
    %dma_wait3A_83 = arith.constant 0 : i32
    %dma_wait3A_84 = arith.constant 0 : i32
    %dma_wait3A_85 = tpu.memref_slice %arg16[%dma_wait3A_83, %dma_wait3A_84] : memref<10112x128xf32, #tpu.memory_space<vmem_shared>> -> memref<10112x128xf32, #tpu.memory_space<vmem_shared>>
    tpu.wait_indirect_dma semaphore(%arg14 : memref<!tpu.dma_semaphore, #tpu.memory_space<semaphore_mem>>) src(%arg7 : memref<24x128xf32, #tpu.memory_space<vmem>>) dst(%dma_wait3A_85 : memref<10112x128xf32, #tpu.memory_space<vmem_shared>>)
    %dma_wait3A_86 = arith.constant 9960 : i32
    %dma_wait3A_87 = tpu.memref_slice %arg6[%dma_wait3A_86] : memref<10008xi32, #tpu.memory_space<vmem>> -> memref<24xi32, #tpu.memory_space<vmem>>
    %dma_wait3A_88 = arith.constant 0 : i32
    %dma_wait3A_89 = arith.constant 0 : i32
    %dma_wait3A_90 = tpu.memref_slice %arg16[%dma_wait3A_88, %dma_wait3A_89] : memref<10112x128xf32, #tpu.memory_space<vmem_shared>> -> memref<10112x128xf32, #tpu.memory_space<vmem_shared>>
    tpu.wait_indirect_dma semaphore(%arg15 : memref<!tpu.dma_semaphore, #tpu.memory_space<semaphore_mem>>) src(%arg7 : memref<24x128xf32, #tpu.memory_space<vmem>>) dst(%dma_wait3A_90 : memref<10112x128xf32, #tpu.memory_space<vmem_shared>>)
    %dma_wait3A_91 = arith.constant 9984 : i32
    %dma_wait3A_92 = tpu.memref_slice %arg6[%dma_wait3A_91] : memref<10008xi32, #tpu.memory_space<vmem>> -> memref<24xi32, #tpu.memory_space<vmem>>
    %dma_wait3A_93 = arith.constant 0 : i32
    %dma_wait3A_94 = arith.constant 0 : i32
    %dma_wait3A_95 = tpu.memref_slice %arg16[%dma_wait3A_93, %dma_wait3A_94] : memref<10112x128xf32, #tpu.memory_space<vmem_shared>> -> memref<10112x128xf32, #tpu.memory_space<vmem_shared>>
    tpu.wait_indirect_dma semaphore(%arg8 : memref<!tpu.dma_semaphore, #tpu.memory_space<semaphore_mem>>) src(%arg7 : memref<24x128xf32, #tpu.memory_space<vmem>>) dst(%dma_wait3A_95 : memref<10112x128xf32, #tpu.memory_space<vmem_shared>>)
    %barrier3A_96 = arith.constant 0 : index
    tpu.barrier barrier_id(%barrier3A_96)
    %mul3A_97 = arith.constant 632 : i32
    %mul3A_98 = arith.muli %arg1, %mul3A_97 : i32
    %mul3A_99 = arith.constant 632 : i32
    %mul3A_100 = arith.muli %arg1, %mul3A_99 : i32
    "tpu.region"() ({
      %run_scoped3A = tpu.sem_alloc : memref<!tpu.dma_semaphore, #tpu.memory_space<semaphore_mem>>
      %dma_start3A_101 = arith.constant 0 : i32
      %dma_start3A_102 = tpu.memref_slice %arg5[%arg0, %mul3A_100, %dma_start3A_101] : memref<2x10112x128xf32, #tpu.memory_space<hbm>> -> memref<1x632x128xf32, #tpu.memory_space<hbm>>
      %dma_start3A_103 = tpu.memref_squeeze %dma_start3A_102 : memref<1x632x128xf32, #tpu.memory_space<hbm>> -> memref<632x128xf32, #tpu.memory_space<hbm>>
      %dma_start3A_104 = arith.constant 0 : i32
      %dma_start3A_105 = tpu.memref_slice %arg16[%mul3A_98, %dma_start3A_104] : memref<10112x128xf32, #tpu.memory_space<vmem_shared>> -> memref<632x128xf32, #tpu.memory_space<vmem_shared>>
      tpu.enqueue_dma source(%dma_start3A_105 : memref<632x128xf32, #tpu.memory_space<vmem_shared>>) target(%dma_start3A_103 : memref<632x128xf32, #tpu.memory_space<hbm>>) target_semaphore(%run_scoped3A : memref<!tpu.dma_semaphore, #tpu.memory_space<semaphore_mem>>)
      %dma_wait3A_106 = arith.constant 0 : i32
      %dma_wait3A_107 = tpu.memref_slice %arg5[%arg0, %mul3A_100, %dma_wait3A_106] : memref<2x10112x128xf32, #tpu.memory_space<hbm>> -> memref<1x632x128xf32, #tpu.memory_space<hbm>>
      %dma_wait3A_108 = tpu.memref_squeeze %dma_wait3A_107 : memref<1x632x128xf32, #tpu.memory_space<hbm>> -> memref<632x128xf32, #tpu.memory_space<hbm>>
      %dma_wait3A_109 = arith.constant 0 : i32
      %dma_wait3A_110 = tpu.memref_slice %arg16[%mul3A_98, %dma_wait3A_109] : memref<10112x128xf32, #tpu.memory_space<vmem_shared>> -> memref<632x128xf32, #tpu.memory_space<vmem_shared>>
      tpu.wait_dma2 semaphore(%run_scoped3A : memref<!tpu.dma_semaphore, #tpu.memory_space<semaphore_mem>>) src(%dma_wait3A_110 : memref<632x128xf32, #tpu.memory_space<vmem_shared>>) dst(%dma_wait3A_108 : memref<632x128xf32, #tpu.memory_space<hbm>>)
      tpu.yield
    }) : () -> ()
    return
  }
}

#map = affine_map<(d0, d1) -> (0, 0)>
#map1 = affine_map<(d0, d1) -> (0, 0, 0)>
module attributes {stable_mosaic.version = 14 : i64} {
  func.func @_scat_body(%arg0: i32, %arg1: i32, %arg2: memref<32x10008xi32, #tpu.memory_space<hbm>>, %arg3: memref<32x10008xi32, #tpu.memory_space<hbm>>, %arg4: memref<10000x128xf32, #tpu.memory_space<hbm>>, %arg5: memref<632x128xf32, #tpu.memory_space<hbm>>, %arg6: memref<2x10112x128xf32, #tpu.memory_space<hbm>>, %arg7: memref<10008xi32, #tpu.memory_space<vmem>>, %arg8: memref<10008xi32, #tpu.memory_space<vmem>>, %arg9: memref<24x128xf32, #tpu.memory_space<vmem>>, %arg10: memref<24x128xf32, #tpu.memory_space<vmem>>, %arg11: memref<24x128xf32, #tpu.memory_space<vmem>>, %arg12: memref<24x128xf32, #tpu.memory_space<vmem>>, %arg13: memref<24x128xf32, #tpu.memory_space<vmem>>, %arg14: memref<24x128xf32, #tpu.memory_space<vmem>>, %arg15: memref<24x128xf32, #tpu.memory_space<vmem>>, %arg16: memref<24x128xf32, #tpu.memory_space<vmem>>, %arg17: memref<!tpu.dma_semaphore, #tpu.memory_space<semaphore_mem>>, %arg18: memref<!tpu.dma_semaphore, #tpu.memory_space<semaphore_mem>>, %arg19: memref<!tpu.dma_semaphore, #tpu.memory_space<semaphore_mem>>, %arg20: memref<!tpu.dma_semaphore, #tpu.memory_space<semaphore_mem>>, %arg21: memref<!tpu.dma_semaphore, #tpu.memory_space<semaphore_mem>>, %arg22: memref<!tpu.dma_semaphore, #tpu.memory_space<semaphore_mem>>, %arg23: memref<!tpu.dma_semaphore, #tpu.memory_space<semaphore_mem>>, %arg24: memref<!tpu.dma_semaphore, #tpu.memory_space<semaphore_mem>>, %arg25: memref<!tpu.dma_semaphore, #tpu.memory_space<semaphore_mem>>, %arg26: memref<!tpu.dma_semaphore, #tpu.memory_space<semaphore_mem>>, %arg27: memref<!tpu.dma_semaphore, #tpu.memory_space<semaphore_mem>>, %arg28: memref<!tpu.dma_semaphore, #tpu.memory_space<semaphore_mem>>, %arg29: memref<!tpu.dma_semaphore, #tpu.memory_space<semaphore_mem>>, %arg30: memref<!tpu.dma_semaphore, #tpu.memory_space<semaphore_mem>>, %arg31: memref<!tpu.dma_semaphore, #tpu.memory_space<semaphore_mem>>, %arg32: memref<!tpu.dma_semaphore, #tpu.memory_space<semaphore_mem>>, %arg33: memref<10112x128xf32, #tpu.memory_space<vmem_shared>>) attributes {dimension_semantics = [#tpu.dimension_semantics<core_parallel>, #tpu.dimension_semantics<subcore_parallel>], iteration_bounds = array<i64: 2, 16>, scalar_prefetch = 0 : i64, scratch_operands = 27 : i64, tpu.core_type = #tpu.core_type<sc_vector_subcore>, window_params = [{transform_indices = #map}, {transform_indices = #map}, {transform_indices = #map}, {transform_indices = #map}, {transform_indices = #map1}]} {
    %mul3A = arith.constant 2 : i32
    %mul3A_0 = arith.muli %arg1, %mul3A : i32
    %add3A = arith.addi %mul3A_0, %arg0 : i32
    %mul3A_1 = arith.constant 632 : i32
    %mul3A_2 = arith.muli %arg1, %mul3A_1 : i32
    "tpu.region"() ({
      %run_scoped3A = tpu.sem_alloc : memref<!tpu.dma_semaphore, #tpu.memory_space<semaphore_mem>>
      %dma_start3A_191 = arith.constant 0 : i32
      %dma_start3A_192 = tpu.memref_slice %arg33[%mul3A_2, %dma_start3A_191] : memref<10112x128xf32, #tpu.memory_space<vmem_shared>> -> memref<632x128xf32, #tpu.memory_space<vmem_shared>>
      tpu.enqueue_dma source(%arg5 : memref<632x128xf32, #tpu.memory_space<hbm>>) target(%dma_start3A_192 : memref<632x128xf32, #tpu.memory_space<vmem_shared>>) target_semaphore(%run_scoped3A : memref<!tpu.dma_semaphore, #tpu.memory_space<semaphore_mem>>)
      %dma_wait3A_193 = arith.constant 0 : i32
      %dma_wait3A_194 = tpu.memref_slice %arg33[%mul3A_2, %dma_wait3A_193] : memref<10112x128xf32, #tpu.memory_space<vmem_shared>> -> memref<632x128xf32, #tpu.memory_space<vmem_shared>>
      tpu.wait_dma2 semaphore(%run_scoped3A : memref<!tpu.dma_semaphore, #tpu.memory_space<semaphore_mem>>) src(%arg5 : memref<632x128xf32, #tpu.memory_space<hbm>>) dst(%dma_wait3A_194 : memref<632x128xf32, #tpu.memory_space<vmem_shared>>)
      tpu.yield
    }) : () -> ()
    "tpu.region"() ({
      %run_scoped3A = tpu.sem_alloc : memref<!tpu.dma_semaphore, #tpu.memory_space<semaphore_mem>>
      %dma_start3A_191 = arith.constant 0 : i32
      %dma_start3A_192 = tpu.memref_slice %arg2[%add3A, %dma_start3A_191] : memref<32x10008xi32, #tpu.memory_space<hbm>> -> memref<1x10008xi32, #tpu.memory_space<hbm>>
      %dma_start3A_193 = tpu.memref_squeeze %dma_start3A_192 : memref<1x10008xi32, #tpu.memory_space<hbm>> -> memref<10008xi32, #tpu.memory_space<hbm>>
      %dma_start3A_194 = arith.constant 0 : i32
      %dma_start3A_195 = tpu.memref_slice %arg2[%add3A, %dma_start3A_194] : memref<32x10008xi32, #tpu.memory_space<hbm>> -> memref<1x10008xi32, #tpu.memory_space<hbm>>
      %dma_start3A_196 = tpu.memref_squeeze %dma_start3A_195 : memref<1x10008xi32, #tpu.memory_space<hbm>> -> memref<10008xi32, #tpu.memory_space<hbm>>
      tpu.enqueue_dma source(%dma_start3A_196 : memref<10008xi32, #tpu.memory_space<hbm>>) target(%arg7 : memref<10008xi32, #tpu.memory_space<vmem>>) target_semaphore(%run_scoped3A : memref<!tpu.dma_semaphore, #tpu.memory_space<semaphore_mem>>)
      %dma_wait3A_197 = arith.constant 0 : i32
      %dma_wait3A_198 = tpu.memref_slice %arg2[%add3A, %dma_wait3A_197] : memref<32x10008xi32, #tpu.memory_space<hbm>> -> memref<1x10008xi32, #tpu.memory_space<hbm>>
      %dma_wait3A_199 = tpu.memref_squeeze %dma_wait3A_198 : memref<1x10008xi32, #tpu.memory_space<hbm>> -> memref<10008xi32, #tpu.memory_space<hbm>>
      %dma_wait3A_200 = arith.constant 0 : i32
      %dma_wait3A_201 = tpu.memref_slice %arg2[%add3A, %dma_wait3A_200] : memref<32x10008xi32, #tpu.memory_space<hbm>> -> memref<1x10008xi32, #tpu.memory_space<hbm>>
      %dma_wait3A_202 = tpu.memref_squeeze %dma_wait3A_201 : memref<1x10008xi32, #tpu.memory_space<hbm>> -> memref<10008xi32, #tpu.memory_space<hbm>>
      tpu.wait_dma2 semaphore(%run_scoped3A : memref<!tpu.dma_semaphore, #tpu.memory_space<semaphore_mem>>) src(%dma_wait3A_202 : memref<10008xi32, #tpu.memory_space<hbm>>) dst(%arg7 : memref<10008xi32, #tpu.memory_space<vmem>>)
      tpu.yield
    }) : () -> ()
    "tpu.region"() ({
      %run_scoped3A = tpu.sem_alloc : memref<!tpu.dma_semaphore, #tpu.memory_space<semaphore_mem>>
      %dma_start3A_191 = arith.constant 0 : i32
      %dma_start3A_192 = tpu.memref_slice %arg3[%add3A, %dma_start3A_191] : memref<32x10008xi32, #tpu.memory_space<hbm>> -> memref<1x10008xi32, #tpu.memory_space<hbm>>
      %dma_start3A_193 = tpu.memref_squeeze %dma_start3A_192 : memref<1x10008xi32, #tpu.memory_space<hbm>> -> memref<10008xi32, #tpu.memory_space<hbm>>
      %dma_start3A_194 = arith.constant 0 : i32
      %dma_start3A_195 = tpu.memref_slice %arg3[%add3A, %dma_start3A_194] : memref<32x10008xi32, #tpu.memory_space<hbm>> -> memref<1x10008xi32, #tpu.memory_space<hbm>>
      %dma_start3A_196 = tpu.memref_squeeze %dma_start3A_195 : memref<1x10008xi32, #tpu.memory_space<hbm>> -> memref<10008xi32, #tpu.memory_space<hbm>>
      tpu.enqueue_dma source(%dma_start3A_196 : memref<10008xi32, #tpu.memory_space<hbm>>) target(%arg8 : memref<10008xi32, #tpu.memory_space<vmem>>) target_semaphore(%run_scoped3A : memref<!tpu.dma_semaphore, #tpu.memory_space<semaphore_mem>>)
      %dma_wait3A_197 = arith.constant 0 : i32
      %dma_wait3A_198 = tpu.memref_slice %arg3[%add3A, %dma_wait3A_197] : memref<32x10008xi32, #tpu.memory_space<hbm>> -> memref<1x10008xi32, #tpu.memory_space<hbm>>
      %dma_wait3A_199 = tpu.memref_squeeze %dma_wait3A_198 : memref<1x10008xi32, #tpu.memory_space<hbm>> -> memref<10008xi32, #tpu.memory_space<hbm>>
      %dma_wait3A_200 = arith.constant 0 : i32
      %dma_wait3A_201 = tpu.memref_slice %arg3[%add3A, %dma_wait3A_200] : memref<32x10008xi32, #tpu.memory_space<hbm>> -> memref<1x10008xi32, #tpu.memory_space<hbm>>
      %dma_wait3A_202 = tpu.memref_squeeze %dma_wait3A_201 : memref<1x10008xi32, #tpu.memory_space<hbm>> -> memref<10008xi32, #tpu.memory_space<hbm>>
      tpu.wait_dma2 semaphore(%run_scoped3A : memref<!tpu.dma_semaphore, #tpu.memory_space<semaphore_mem>>) src(%dma_wait3A_202 : memref<10008xi32, #tpu.memory_space<hbm>>) dst(%arg8 : memref<10008xi32, #tpu.memory_space<vmem>>)
      tpu.yield
    }) : () -> ()
    %barrier3A = arith.constant 0 : index
    tpu.barrier barrier_id(%barrier3A)
    %dma_start3A = arith.constant 0 : i32
    %dma_start3A_3 = tpu.memref_slice %arg7[%dma_start3A] : memref<10008xi32, #tpu.memory_space<vmem>> -> memref<24xi32, #tpu.memory_space<vmem>>
    %dma_start3A_4 = arith.constant 0 : i32
    %dma_start3A_5 = arith.constant 0 : i32
    %dma_start3A_6 = tpu.memref_slice %arg4[%dma_start3A_4, %dma_start3A_5] : memref<10000x128xf32, #tpu.memory_space<hbm>> -> memref<10000x128xf32, #tpu.memory_space<hbm>>
    tpu.enqueue_indirect_dma source(%dma_start3A_6 : memref<10000x128xf32, #tpu.memory_space<hbm>>) target(%arg9 : memref<24x128xf32, #tpu.memory_space<vmem>>) offsets(%dma_start3A_3 : memref<24xi32, #tpu.memory_space<vmem>>) semaphore(%arg17 : memref<!tpu.dma_semaphore, #tpu.memory_space<semaphore_mem>>)
    %dma_start3A_7 = arith.constant 24 : i32
    %dma_start3A_8 = tpu.memref_slice %arg7[%dma_start3A_7] : memref<10008xi32, #tpu.memory_space<vmem>> -> memref<24xi32, #tpu.memory_space<vmem>>
    %dma_start3A_9 = arith.constant 0 : i32
    %dma_start3A_10 = arith.constant 0 : i32
    %dma_start3A_11 = tpu.memref_slice %arg4[%dma_start3A_9, %dma_start3A_10] : memref<10000x128xf32, #tpu.memory_space<hbm>> -> memref<10000x128xf32, #tpu.memory_space<hbm>>
    tpu.enqueue_indirect_dma source(%dma_start3A_11 : memref<10000x128xf32, #tpu.memory_space<hbm>>) target(%arg10 : memref<24x128xf32, #tpu.memory_space<vmem>>) offsets(%dma_start3A_8 : memref<24xi32, #tpu.memory_space<vmem>>) semaphore(%arg18 : memref<!tpu.dma_semaphore, #tpu.memory_space<semaphore_mem>>)
    %dma_start3A_12 = arith.constant 48 : i32
    %dma_start3A_13 = tpu.memref_slice %arg7[%dma_start3A_12] : memref<10008xi32, #tpu.memory_space<vmem>> -> memref<24xi32, #tpu.memory_space<vmem>>
    %dma_start3A_14 = arith.constant 0 : i32
    %dma_start3A_15 = arith.constant 0 : i32
    %dma_start3A_16 = tpu.memref_slice %arg4[%dma_start3A_14, %dma_start3A_15] : memref<10000x128xf32, #tpu.memory_space<hbm>> -> memref<10000x128xf32, #tpu.memory_space<hbm>>
    tpu.enqueue_indirect_dma source(%dma_start3A_16 : memref<10000x128xf32, #tpu.memory_space<hbm>>) target(%arg11 : memref<24x128xf32, #tpu.memory_space<vmem>>) offsets(%dma_start3A_13 : memref<24xi32, #tpu.memory_space<vmem>>) semaphore(%arg19 : memref<!tpu.dma_semaphore, #tpu.memory_space<semaphore_mem>>)
    %dma_start3A_17 = arith.constant 72 : i32
    %dma_start3A_18 = tpu.memref_slice %arg7[%dma_start3A_17] : memref<10008xi32, #tpu.memory_space<vmem>> -> memref<24xi32, #tpu.memory_space<vmem>>
    %dma_start3A_19 = arith.constant 0 : i32
    %dma_start3A_20 = arith.constant 0 : i32
    %dma_start3A_21 = tpu.memref_slice %arg4[%dma_start3A_19, %dma_start3A_20] : memref<10000x128xf32, #tpu.memory_space<hbm>> -> memref<10000x128xf32, #tpu.memory_space<hbm>>
    tpu.enqueue_indirect_dma source(%dma_start3A_21 : memref<10000x128xf32, #tpu.memory_space<hbm>>) target(%arg12 : memref<24x128xf32, #tpu.memory_space<vmem>>) offsets(%dma_start3A_18 : memref<24xi32, #tpu.memory_space<vmem>>) semaphore(%arg20 : memref<!tpu.dma_semaphore, #tpu.memory_space<semaphore_mem>>)
    %dma_start3A_22 = arith.constant 96 : i32
    %dma_start3A_23 = tpu.memref_slice %arg7[%dma_start3A_22] : memref<10008xi32, #tpu.memory_space<vmem>> -> memref<24xi32, #tpu.memory_space<vmem>>
    %dma_start3A_24 = arith.constant 0 : i32
    %dma_start3A_25 = arith.constant 0 : i32
    %dma_start3A_26 = tpu.memref_slice %arg4[%dma_start3A_24, %dma_start3A_25] : memref<10000x128xf32, #tpu.memory_space<hbm>> -> memref<10000x128xf32, #tpu.memory_space<hbm>>
    tpu.enqueue_indirect_dma source(%dma_start3A_26 : memref<10000x128xf32, #tpu.memory_space<hbm>>) target(%arg13 : memref<24x128xf32, #tpu.memory_space<vmem>>) offsets(%dma_start3A_23 : memref<24xi32, #tpu.memory_space<vmem>>) semaphore(%arg21 : memref<!tpu.dma_semaphore, #tpu.memory_space<semaphore_mem>>)
    %dma_start3A_27 = arith.constant 120 : i32
    %dma_start3A_28 = tpu.memref_slice %arg7[%dma_start3A_27] : memref<10008xi32, #tpu.memory_space<vmem>> -> memref<24xi32, #tpu.memory_space<vmem>>
    %dma_start3A_29 = arith.constant 0 : i32
    %dma_start3A_30 = arith.constant 0 : i32
    %dma_start3A_31 = tpu.memref_slice %arg4[%dma_start3A_29, %dma_start3A_30] : memref<10000x128xf32, #tpu.memory_space<hbm>> -> memref<10000x128xf32, #tpu.memory_space<hbm>>
    tpu.enqueue_indirect_dma source(%dma_start3A_31 : memref<10000x128xf32, #tpu.memory_space<hbm>>) target(%arg14 : memref<24x128xf32, #tpu.memory_space<vmem>>) offsets(%dma_start3A_28 : memref<24xi32, #tpu.memory_space<vmem>>) semaphore(%arg22 : memref<!tpu.dma_semaphore, #tpu.memory_space<semaphore_mem>>)
    %dma_start3A_32 = arith.constant 144 : i32
    %dma_start3A_33 = tpu.memref_slice %arg7[%dma_start3A_32] : memref<10008xi32, #tpu.memory_space<vmem>> -> memref<24xi32, #tpu.memory_space<vmem>>
    %dma_start3A_34 = arith.constant 0 : i32
    %dma_start3A_35 = arith.constant 0 : i32
    %dma_start3A_36 = tpu.memref_slice %arg4[%dma_start3A_34, %dma_start3A_35] : memref<10000x128xf32, #tpu.memory_space<hbm>> -> memref<10000x128xf32, #tpu.memory_space<hbm>>
    tpu.enqueue_indirect_dma source(%dma_start3A_36 : memref<10000x128xf32, #tpu.memory_space<hbm>>) target(%arg15 : memref<24x128xf32, #tpu.memory_space<vmem>>) offsets(%dma_start3A_33 : memref<24xi32, #tpu.memory_space<vmem>>) semaphore(%arg23 : memref<!tpu.dma_semaphore, #tpu.memory_space<semaphore_mem>>)
    %dma_start3A_37 = arith.constant 168 : i32
    %dma_start3A_38 = tpu.memref_slice %arg7[%dma_start3A_37] : memref<10008xi32, #tpu.memory_space<vmem>> -> memref<24xi32, #tpu.memory_space<vmem>>
    %dma_start3A_39 = arith.constant 0 : i32
    %dma_start3A_40 = arith.constant 0 : i32
    %dma_start3A_41 = tpu.memref_slice %arg4[%dma_start3A_39, %dma_start3A_40] : memref<10000x128xf32, #tpu.memory_space<hbm>> -> memref<10000x128xf32, #tpu.memory_space<hbm>>
    tpu.enqueue_indirect_dma source(%dma_start3A_41 : memref<10000x128xf32, #tpu.memory_space<hbm>>) target(%arg16 : memref<24x128xf32, #tpu.memory_space<vmem>>) offsets(%dma_start3A_38 : memref<24xi32, #tpu.memory_space<vmem>>) semaphore(%arg24 : memref<!tpu.dma_semaphore, #tpu.memory_space<semaphore_mem>>)
    %dma_wait3A = arith.constant 0 : i32
    %dma_wait3A_42 = tpu.memref_slice %arg7[%dma_wait3A] : memref<10008xi32, #tpu.memory_space<vmem>> -> memref<24xi32, #tpu.memory_space<vmem>>
    %dma_wait3A_43 = arith.constant 0 : i32
    %dma_wait3A_44 = arith.constant 0 : i32
    %dma_wait3A_45 = tpu.memref_slice %arg4[%dma_wait3A_43, %dma_wait3A_44] : memref<10000x128xf32, #tpu.memory_space<hbm>> -> memref<10000x128xf32, #tpu.memory_space<hbm>>
    tpu.wait_indirect_dma semaphore(%arg17 : memref<!tpu.dma_semaphore, #tpu.memory_space<semaphore_mem>>) src(%dma_wait3A_45 : memref<10000x128xf32, #tpu.memory_space<hbm>>) dst(%arg9 : memref<24x128xf32, #tpu.memory_space<vmem>>)
    %dma_start3A_46 = arith.constant 0 : i32
    %dma_start3A_47 = tpu.memref_slice %arg8[%dma_start3A_46] : memref<10008xi32, #tpu.memory_space<vmem>> -> memref<24xi32, #tpu.memory_space<vmem>>
    %dma_start3A_48 = arith.constant 0 : i32
    %dma_start3A_49 = arith.constant 0 : i32
    %dma_start3A_50 = tpu.memref_slice %arg33[%dma_start3A_48, %dma_start3A_49] : memref<10112x128xf32, #tpu.memory_space<vmem_shared>> -> memref<10112x128xf32, #tpu.memory_space<vmem_shared>>
    tpu.enqueue_indirect_dma source(%arg9 : memref<24x128xf32, #tpu.memory_space<vmem>>) target(%dma_start3A_50 : memref<10112x128xf32, #tpu.memory_space<vmem_shared>>) offsets(%dma_start3A_47 : memref<24xi32, #tpu.memory_space<vmem>>) semaphore(%arg25 : memref<!tpu.dma_semaphore, #tpu.memory_space<semaphore_mem>>) {add = true}
    %scan3A = arith.constant 0 : i32
    %scan3A_51 = arith.constant 0 : i32
    %scan3A_52 = arith.constant 51 : i32
    %scan3A_53 = arith.addi %scan3A_51, %scan3A_52 : i32
    %scan3A_54 = arith.constant 1 : i32
    scf.for %scan3A_191 = %scan3A_51 to %scan3A_53 step %scan3A_54  : i32 {
      %mul3A_192 = arith.constant 8 : i32
      %mul3A_193 = arith.muli %mul3A_192, %scan3A_191 : i32
      %add3A_194 = arith.constant 1 : i32
      %add3A_195 = arith.addi %add3A_194, %mul3A_193 : i32
      %add3A_196 = arith.constant 0 : i32
      %add3A_197 = arith.addi %add3A_195, %add3A_196 : i32
      %sub3A = arith.constant 1 : i32
      %sub3A_198 = arith.subi %add3A_197, %sub3A : i32
      %mul3A_199 = arith.constant 24 : i32
      %mul3A_200 = arith.muli %sub3A_198, %mul3A_199 : i32
      %dma_wait3A_201 = tpu.memref_slice %arg8[%mul3A_200] : memref<10008xi32, #tpu.memory_space<vmem>> -> memref<24xi32, #tpu.memory_space<vmem>>
      %dma_wait3A_202 = arith.constant 0 : i32
      %dma_wait3A_203 = arith.constant 0 : i32
      %dma_wait3A_204 = tpu.memref_slice %arg33[%dma_wait3A_202, %dma_wait3A_203] : memref<10112x128xf32, #tpu.memory_space<vmem_shared>> -> memref<10112x128xf32, #tpu.memory_space<vmem_shared>>
      tpu.wait_indirect_dma semaphore(%arg25 : memref<!tpu.dma_semaphore, #tpu.memory_space<semaphore_mem>>) src(%arg9 : memref<24x128xf32, #tpu.memory_space<vmem>>) dst(%dma_wait3A_204 : memref<10112x128xf32, #tpu.memory_space<vmem_shared>>)
      %add3A_205 = arith.constant 0 : i32
      %add3A_206 = arith.addi %add3A_195, %add3A_205 : i32
      %add3A_207 = arith.constant 8 : i32
      %add3A_208 = arith.addi %add3A_206, %add3A_207 : i32
      %sub3A_209 = arith.constant 1 : i32
      %sub3A_210 = arith.subi %add3A_208, %sub3A_209 : i32
      %mul3A_211 = arith.constant 24 : i32
      %mul3A_212 = arith.muli %sub3A_210, %mul3A_211 : i32
      %dma_start3A_213 = tpu.memref_slice %arg7[%mul3A_212] : memref<10008xi32, #tpu.memory_space<vmem>> -> memref<24xi32, #tpu.memory_space<vmem>>
      %dma_start3A_214 = arith.constant 0 : i32
      %dma_start3A_215 = arith.constant 0 : i32
      %dma_start3A_216 = tpu.memref_slice %arg4[%dma_start3A_214, %dma_start3A_215] : memref<10000x128xf32, #tpu.memory_space<hbm>> -> memref<10000x128xf32, #tpu.memory_space<hbm>>
      tpu.enqueue_indirect_dma source(%dma_start3A_216 : memref<10000x128xf32, #tpu.memory_space<hbm>>) target(%arg9 : memref<24x128xf32, #tpu.memory_space<vmem>>) offsets(%dma_start3A_213 : memref<24xi32, #tpu.memory_space<vmem>>) semaphore(%arg17 : memref<!tpu.dma_semaphore, #tpu.memory_space<semaphore_mem>>)
      %add3A_217 = arith.constant 0 : i32
      %add3A_218 = arith.addi %add3A_195, %add3A_217 : i32
      %mul3A_219 = arith.constant 24 : i32
      %mul3A_220 = arith.muli %add3A_218, %mul3A_219 : i32
      %dma_wait3A_221 = tpu.memref_slice %arg7[%mul3A_220] : memref<10008xi32, #tpu.memory_space<vmem>> -> memref<24xi32, #tpu.memory_space<vmem>>
      %dma_wait3A_222 = arith.constant 0 : i32
      %dma_wait3A_223 = arith.constant 0 : i32
      %dma_wait3A_224 = tpu.memref_slice %arg4[%dma_wait3A_222, %dma_wait3A_223] : memref<10000x128xf32, #tpu.memory_space<hbm>> -> memref<10000x128xf32, #tpu.memory_space<hbm>>
      tpu.wait_indirect_dma semaphore(%arg18 : memref<!tpu.dma_semaphore, #tpu.memory_space<semaphore_mem>>) src(%dma_wait3A_224 : memref<10000x128xf32, #tpu.memory_space<hbm>>) dst(%arg10 : memref<24x128xf32, #tpu.memory_space<vmem>>)
      %add3A_225 = arith.constant 0 : i32
      %add3A_226 = arith.addi %add3A_195, %add3A_225 : i32
      %mul3A_227 = arith.constant 24 : i32
      %mul3A_228 = arith.muli %add3A_226, %mul3A_227 : i32
      %dma_start3A_229 = tpu.memref_slice %arg8[%mul3A_228] : memref<10008xi32, #tpu.memory_space<vmem>> -> memref<24xi32, #tpu.memory_space<vmem>>
      %dma_start3A_230 = arith.constant 0 : i32
      %dma_start3A_231 = arith.constant 0 : i32
      %dma_start3A_232 = tpu.memref_slice %arg33[%dma_start3A_230, %dma_start3A_231] : memref<10112x128xf32, #tpu.memory_space<vmem_shared>> -> memref<10112x128xf32, #tpu.memory_space<vmem_shared>>
      tpu.enqueue_indirect_dma source(%arg10 : memref<24x128xf32, #tpu.memory_space<vmem>>) target(%dma_start3A_232 : memref<10112x128xf32, #tpu.memory_space<vmem_shared>>) offsets(%dma_start3A_229 : memref<24xi32, #tpu.memory_space<vmem>>) semaphore(%arg26 : memref<!tpu.dma_semaphore, #tpu.memory_space<semaphore_mem>>) {add = true}
      %add3A_233 = arith.constant 1 : i32
      %add3A_234 = arith.addi %add3A_195, %add3A_233 : i32
      %sub3A_235 = arith.constant 1 : i32
      %sub3A_236 = arith.subi %add3A_234, %sub3A_235 : i32
      %mul3A_237 = arith.constant 24 : i32
      %mul3A_238 = arith.muli %sub3A_236, %mul3A_237 : i32
      %dma_wait3A_239 = tpu.memref_slice %arg8[%mul3A_238] : memref<10008xi32, #tpu.memory_space<vmem>> -> memref<24xi32, #tpu.memory_space<vmem>>
      %dma_wait3A_240 = arith.constant 0 : i32
      %dma_wait3A_241 = arith.constant 0 : i32
      %dma_wait3A_242 = tpu.memref_slice %arg33[%dma_wait3A_240, %dma_wait3A_241] : memref<10112x128xf32, #tpu.memory_space<vmem_shared>> -> memref<10112x128xf32, #tpu.memory_space<vmem_shared>>
      tpu.wait_indirect_dma semaphore(%arg26 : memref<!tpu.dma_semaphore, #tpu.memory_space<semaphore_mem>>) src(%arg10 : memref<24x128xf32, #tpu.memory_space<vmem>>) dst(%dma_wait3A_242 : memref<10112x128xf32, #tpu.memory_space<vmem_shared>>)
      %add3A_243 = arith.constant 1 : i32
      %add3A_244 = arith.addi %add3A_195, %add3A_243 : i32
      %add3A_245 = arith.constant 8 : i32
      %add3A_246 = arith.addi %add3A_244, %add3A_245 : i32
      %sub3A_247 = arith.constant 1 : i32
      %sub3A_248 = arith.subi %add3A_246, %sub3A_247 : i32
      %mul3A_249 = arith.constant 24 : i32
      %mul3A_250 = arith.muli %sub3A_248, %mul3A_249 : i32
      %dma_start3A_251 = tpu.memref_slice %arg7[%mul3A_250] : memref<10008xi32, #tpu.memory_space<vmem>> -> memref<24xi32, #tpu.memory_space<vmem>>
      %dma_start3A_252 = arith.constant 0 : i32
      %dma_start3A_253 = arith.constant 0 : i32
      %dma_start3A_254 = tpu.memref_slice %arg4[%dma_start3A_252, %dma_start3A_253] : memref<10000x128xf32, #tpu.memory_space<hbm>> -> memref<10000x128xf32, #tpu.memory_space<hbm>>
      tpu.enqueue_indirect_dma source(%dma_start3A_254 : memref<10000x128xf32, #tpu.memory_space<hbm>>) target(%arg10 : memref<24x128xf32, #tpu.memory_space<vmem>>) offsets(%dma_start3A_251 : memref<24xi32, #tpu.memory_space<vmem>>) semaphore(%arg18 : memref<!tpu.dma_semaphore, #tpu.memory_space<semaphore_mem>>)
      %add3A_255 = arith.constant 1 : i32
      %add3A_256 = arith.addi %add3A_195, %add3A_255 : i32
      %mul3A_257 = arith.constant 24 : i32
      %mul3A_258 = arith.muli %add3A_256, %mul3A_257 : i32
      %dma_wait3A_259 = tpu.memref_slice %arg7[%mul3A_258] : memref<10008xi32, #tpu.memory_space<vmem>> -> memref<24xi32, #tpu.memory_space<vmem>>
      %dma_wait3A_260 = arith.constant 0 : i32
      %dma_wait3A_261 = arith.constant 0 : i32
      %dma_wait3A_262 = tpu.memref_slice %arg4[%dma_wait3A_260, %dma_wait3A_261] : memref<10000x128xf32, #tpu.memory_space<hbm>> -> memref<10000x128xf32, #tpu.memory_space<hbm>>
      tpu.wait_indirect_dma semaphore(%arg19 : memref<!tpu.dma_semaphore, #tpu.memory_space<semaphore_mem>>) src(%dma_wait3A_262 : memref<10000x128xf32, #tpu.memory_space<hbm>>) dst(%arg11 : memref<24x128xf32, #tpu.memory_space<vmem>>)
      %add3A_263 = arith.constant 1 : i32
      %add3A_264 = arith.addi %add3A_195, %add3A_263 : i32
      %mul3A_265 = arith.constant 24 : i32
      %mul3A_266 = arith.muli %add3A_264, %mul3A_265 : i32
      %dma_start3A_267 = tpu.memref_slice %arg8[%mul3A_266] : memref<10008xi32, #tpu.memory_space<vmem>> -> memref<24xi32, #tpu.memory_space<vmem>>
      %dma_start3A_268 = arith.constant 0 : i32
      %dma_start3A_269 = arith.constant 0 : i32
      %dma_start3A_270 = tpu.memref_slice %arg33[%dma_start3A_268, %dma_start3A_269] : memref<10112x128xf32, #tpu.memory_space<vmem_shared>> -> memref<10112x128xf32, #tpu.memory_space<vmem_shared>>
      tpu.enqueue_indirect_dma source(%arg11 : memref<24x128xf32, #tpu.memory_space<vmem>>) target(%dma_start3A_270 : memref<10112x128xf32, #tpu.memory_space<vmem_shared>>) offsets(%dma_start3A_267 : memref<24xi32, #tpu.memory_space<vmem>>) semaphore(%arg27 : memref<!tpu.dma_semaphore, #tpu.memory_space<semaphore_mem>>) {add = true}
      %add3A_271 = arith.constant 2 : i32
      %add3A_272 = arith.addi %add3A_195, %add3A_271 : i32
      %sub3A_273 = arith.constant 1 : i32
      %sub3A_274 = arith.subi %add3A_272, %sub3A_273 : i32
      %mul3A_275 = arith.constant 24 : i32
      %mul3A_276 = arith.muli %sub3A_274, %mul3A_275 : i32
      %dma_wait3A_277 = tpu.memref_slice %arg8[%mul3A_276] : memref<10008xi32, #tpu.memory_space<vmem>> -> memref<24xi32, #tpu.memory_space<vmem>>
      %dma_wait3A_278 = arith.constant 0 : i32
      %dma_wait3A_279 = arith.constant 0 : i32
      %dma_wait3A_280 = tpu.memref_slice %arg33[%dma_wait3A_278, %dma_wait3A_279] : memref<10112x128xf32, #tpu.memory_space<vmem_shared>> -> memref<10112x128xf32, #tpu.memory_space<vmem_shared>>
      tpu.wait_indirect_dma semaphore(%arg27 : memref<!tpu.dma_semaphore, #tpu.memory_space<semaphore_mem>>) src(%arg11 : memref<24x128xf32, #tpu.memory_space<vmem>>) dst(%dma_wait3A_280 : memref<10112x128xf32, #tpu.memory_space<vmem_shared>>)
      %add3A_281 = arith.constant 2 : i32
      %add3A_282 = arith.addi %add3A_195, %add3A_281 : i32
      %add3A_283 = arith.constant 8 : i32
      %add3A_284 = arith.addi %add3A_282, %add3A_283 : i32
      %sub3A_285 = arith.constant 1 : i32
      %sub3A_286 = arith.subi %add3A_284, %sub3A_285 : i32
      %mul3A_287 = arith.constant 24 : i32
      %mul3A_288 = arith.muli %sub3A_286, %mul3A_287 : i32
      %dma_start3A_289 = tpu.memref_slice %arg7[%mul3A_288] : memref<10008xi32, #tpu.memory_space<vmem>> -> memref<24xi32, #tpu.memory_space<vmem>>
      %dma_start3A_290 = arith.constant 0 : i32
      %dma_start3A_291 = arith.constant 0 : i32
      %dma_start3A_292 = tpu.memref_slice %arg4[%dma_start3A_290, %dma_start3A_291] : memref<10000x128xf32, #tpu.memory_space<hbm>> -> memref<10000x128xf32, #tpu.memory_space<hbm>>
      tpu.enqueue_indirect_dma source(%dma_start3A_292 : memref<10000x128xf32, #tpu.memory_space<hbm>>) target(%arg11 : memref<24x128xf32, #tpu.memory_space<vmem>>) offsets(%dma_start3A_289 : memref<24xi32, #tpu.memory_space<vmem>>) semaphore(%arg19 : memref<!tpu.dma_semaphore, #tpu.memory_space<semaphore_mem>>)
      %add3A_293 = arith.constant 2 : i32
      %add3A_294 = arith.addi %add3A_195, %add3A_293 : i32
      %mul3A_295 = arith.constant 24 : i32
      %mul3A_296 = arith.muli %add3A_294, %mul3A_295 : i32
      %dma_wait3A_297 = tpu.memref_slice %arg7[%mul3A_296] : memref<10008xi32, #tpu.memory_space<vmem>> -> memref<24xi32, #tpu.memory_space<vmem>>
      %dma_wait3A_298 = arith.constant 0 : i32
      %dma_wait3A_299 = arith.constant 0 : i32
      %dma_wait3A_300 = tpu.memref_slice %arg4[%dma_wait3A_298, %dma_wait3A_299] : memref<10000x128xf32, #tpu.memory_space<hbm>> -> memref<10000x128xf32, #tpu.memory_space<hbm>>
      tpu.wait_indirect_dma semaphore(%arg20 : memref<!tpu.dma_semaphore, #tpu.memory_space<semaphore_mem>>) src(%dma_wait3A_300 : memref<10000x128xf32, #tpu.memory_space<hbm>>) dst(%arg12 : memref<24x128xf32, #tpu.memory_space<vmem>>)
      %add3A_301 = arith.constant 2 : i32
      %add3A_302 = arith.addi %add3A_195, %add3A_301 : i32
      %mul3A_303 = arith.constant 24 : i32
      %mul3A_304 = arith.muli %add3A_302, %mul3A_303 : i32
      %dma_start3A_305 = tpu.memref_slice %arg8[%mul3A_304] : memref<10008xi32, #tpu.memory_space<vmem>> -> memref<24xi32, #tpu.memory_space<vmem>>
      %dma_start3A_306 = arith.constant 0 : i32
      %dma_start3A_307 = arith.constant 0 : i32
      %dma_start3A_308 = tpu.memref_slice %arg33[%dma_start3A_306, %dma_start3A_307] : memref<10112x128xf32, #tpu.memory_space<vmem_shared>> -> memref<10112x128xf32, #tpu.memory_space<vmem_shared>>
      tpu.enqueue_indirect_dma source(%arg12 : memref<24x128xf32, #tpu.memory_space<vmem>>) target(%dma_start3A_308 : memref<10112x128xf32, #tpu.memory_space<vmem_shared>>) offsets(%dma_start3A_305 : memref<24xi32, #tpu.memory_space<vmem>>) semaphore(%arg28 : memref<!tpu.dma_semaphore, #tpu.memory_space<semaphore_mem>>) {add = true}
      %add3A_309 = arith.constant 3 : i32
      %add3A_310 = arith.addi %add3A_195, %add3A_309 : i32
      %sub3A_311 = arith.constant 1 : i32
      %sub3A_312 = arith.subi %add3A_310, %sub3A_311 : i32
      %mul3A_313 = arith.constant 24 : i32
      %mul3A_314 = arith.muli %sub3A_312, %mul3A_313 : i32
      %dma_wait3A_315 = tpu.memref_slice %arg8[%mul3A_314] : memref<10008xi32, #tpu.memory_space<vmem>> -> memref<24xi32, #tpu.memory_space<vmem>>
      %dma_wait3A_316 = arith.constant 0 : i32
      %dma_wait3A_317 = arith.constant 0 : i32
      %dma_wait3A_318 = tpu.memref_slice %arg33[%dma_wait3A_316, %dma_wait3A_317] : memref<10112x128xf32, #tpu.memory_space<vmem_shared>> -> memref<10112x128xf32, #tpu.memory_space<vmem_shared>>
      tpu.wait_indirect_dma semaphore(%arg28 : memref<!tpu.dma_semaphore, #tpu.memory_space<semaphore_mem>>) src(%arg12 : memref<24x128xf32, #tpu.memory_space<vmem>>) dst(%dma_wait3A_318 : memref<10112x128xf32, #tpu.memory_space<vmem_shared>>)
      %add3A_319 = arith.constant 3 : i32
      %add3A_320 = arith.addi %add3A_195, %add3A_319 : i32
      %add3A_321 = arith.constant 8 : i32
      %add3A_322 = arith.addi %add3A_320, %add3A_321 : i32
      %sub3A_323 = arith.constant 1 : i32
      %sub3A_324 = arith.subi %add3A_322, %sub3A_323 : i32
      %mul3A_325 = arith.constant 24 : i32
      %mul3A_326 = arith.muli %sub3A_324, %mul3A_325 : i32
      %dma_start3A_327 = tpu.memref_slice %arg7[%mul3A_326] : memref<10008xi32, #tpu.memory_space<vmem>> -> memref<24xi32, #tpu.memory_space<vmem>>
      %dma_start3A_328 = arith.constant 0 : i32
      %dma_start3A_329 = arith.constant 0 : i32
      %dma_start3A_330 = tpu.memref_slice %arg4[%dma_start3A_328, %dma_start3A_329] : memref<10000x128xf32, #tpu.memory_space<hbm>> -> memref<10000x128xf32, #tpu.memory_space<hbm>>
      tpu.enqueue_indirect_dma source(%dma_start3A_330 : memref<10000x128xf32, #tpu.memory_space<hbm>>) target(%arg12 : memref<24x128xf32, #tpu.memory_space<vmem>>) offsets(%dma_start3A_327 : memref<24xi32, #tpu.memory_space<vmem>>) semaphore(%arg20 : memref<!tpu.dma_semaphore, #tpu.memory_space<semaphore_mem>>)
      %add3A_331 = arith.constant 3 : i32
      %add3A_332 = arith.addi %add3A_195, %add3A_331 : i32
      %mul3A_333 = arith.constant 24 : i32
      %mul3A_334 = arith.muli %add3A_332, %mul3A_333 : i32
      %dma_wait3A_335 = tpu.memref_slice %arg7[%mul3A_334] : memref<10008xi32, #tpu.memory_space<vmem>> -> memref<24xi32, #tpu.memory_space<vmem>>
      %dma_wait3A_336 = arith.constant 0 : i32
      %dma_wait3A_337 = arith.constant 0 : i32
      %dma_wait3A_338 = tpu.memref_slice %arg4[%dma_wait3A_336, %dma_wait3A_337] : memref<10000x128xf32, #tpu.memory_space<hbm>> -> memref<10000x128xf32, #tpu.memory_space<hbm>>
      tpu.wait_indirect_dma semaphore(%arg21 : memref<!tpu.dma_semaphore, #tpu.memory_space<semaphore_mem>>) src(%dma_wait3A_338 : memref<10000x128xf32, #tpu.memory_space<hbm>>) dst(%arg13 : memref<24x128xf32, #tpu.memory_space<vmem>>)
      %add3A_339 = arith.constant 3 : i32
      %add3A_340 = arith.addi %add3A_195, %add3A_339 : i32
      %mul3A_341 = arith.constant 24 : i32
      %mul3A_342 = arith.muli %add3A_340, %mul3A_341 : i32
      %dma_start3A_343 = tpu.memref_slice %arg8[%mul3A_342] : memref<10008xi32, #tpu.memory_space<vmem>> -> memref<24xi32, #tpu.memory_space<vmem>>
      %dma_start3A_344 = arith.constant 0 : i32
      %dma_start3A_345 = arith.constant 0 : i32
      %dma_start3A_346 = tpu.memref_slice %arg33[%dma_start3A_344, %dma_start3A_345] : memref<10112x128xf32, #tpu.memory_space<vmem_shared>> -> memref<10112x128xf32, #tpu.memory_space<vmem_shared>>
      tpu.enqueue_indirect_dma source(%arg13 : memref<24x128xf32, #tpu.memory_space<vmem>>) target(%dma_start3A_346 : memref<10112x128xf32, #tpu.memory_space<vmem_shared>>) offsets(%dma_start3A_343 : memref<24xi32, #tpu.memory_space<vmem>>) semaphore(%arg29 : memref<!tpu.dma_semaphore, #tpu.memory_space<semaphore_mem>>) {add = true}
      %add3A_347 = arith.constant 4 : i32
      %add3A_348 = arith.addi %add3A_195, %add3A_347 : i32
      %sub3A_349 = arith.constant 1 : i32
      %sub3A_350 = arith.subi %add3A_348, %sub3A_349 : i32
      %mul3A_351 = arith.constant 24 : i32
      %mul3A_352 = arith.muli %sub3A_350, %mul3A_351 : i32
      %dma_wait3A_353 = tpu.memref_slice %arg8[%mul3A_352] : memref<10008xi32, #tpu.memory_space<vmem>> -> memref<24xi32, #tpu.memory_space<vmem>>
      %dma_wait3A_354 = arith.constant 0 : i32
      %dma_wait3A_355 = arith.constant 0 : i32
      %dma_wait3A_356 = tpu.memref_slice %arg33[%dma_wait3A_354, %dma_wait3A_355] : memref<10112x128xf32, #tpu.memory_space<vmem_shared>> -> memref<10112x128xf32, #tpu.memory_space<vmem_shared>>
      tpu.wait_indirect_dma semaphore(%arg29 : memref<!tpu.dma_semaphore, #tpu.memory_space<semaphore_mem>>) src(%arg13 : memref<24x128xf32, #tpu.memory_space<vmem>>) dst(%dma_wait3A_356 : memref<10112x128xf32, #tpu.memory_space<vmem_shared>>)
      %add3A_357 = arith.constant 4 : i32
      %add3A_358 = arith.addi %add3A_195, %add3A_357 : i32
      %add3A_359 = arith.constant 8 : i32
      %add3A_360 = arith.addi %add3A_358, %add3A_359 : i32
      %sub3A_361 = arith.constant 1 : i32
      %sub3A_362 = arith.subi %add3A_360, %sub3A_361 : i32
      %mul3A_363 = arith.constant 24 : i32
      %mul3A_364 = arith.muli %sub3A_362, %mul3A_363 : i32
      %dma_start3A_365 = tpu.memref_slice %arg7[%mul3A_364] : memref<10008xi32, #tpu.memory_space<vmem>> -> memref<24xi32, #tpu.memory_space<vmem>>
      %dma_start3A_366 = arith.constant 0 : i32
      %dma_start3A_367 = arith.constant 0 : i32
      %dma_start3A_368 = tpu.memref_slice %arg4[%dma_start3A_366, %dma_start3A_367] : memref<10000x128xf32, #tpu.memory_space<hbm>> -> memref<10000x128xf32, #tpu.memory_space<hbm>>
      tpu.enqueue_indirect_dma source(%dma_start3A_368 : memref<10000x128xf32, #tpu.memory_space<hbm>>) target(%arg13 : memref<24x128xf32, #tpu.memory_space<vmem>>) offsets(%dma_start3A_365 : memref<24xi32, #tpu.memory_space<vmem>>) semaphore(%arg21 : memref<!tpu.dma_semaphore, #tpu.memory_space<semaphore_mem>>)
      %add3A_369 = arith.constant 4 : i32
      %add3A_370 = arith.addi %add3A_195, %add3A_369 : i32
      %mul3A_371 = arith.constant 24 : i32
      %mul3A_372 = arith.muli %add3A_370, %mul3A_371 : i32
      %dma_wait3A_373 = tpu.memref_slice %arg7[%mul3A_372] : memref<10008xi32, #tpu.memory_space<vmem>> -> memref<24xi32, #tpu.memory_space<vmem>>
      %dma_wait3A_374 = arith.constant 0 : i32
      %dma_wait3A_375 = arith.constant 0 : i32
      %dma_wait3A_376 = tpu.memref_slice %arg4[%dma_wait3A_374, %dma_wait3A_375] : memref<10000x128xf32, #tpu.memory_space<hbm>> -> memref<10000x128xf32, #tpu.memory_space<hbm>>
      tpu.wait_indirect_dma semaphore(%arg22 : memref<!tpu.dma_semaphore, #tpu.memory_space<semaphore_mem>>) src(%dma_wait3A_376 : memref<10000x128xf32, #tpu.memory_space<hbm>>) dst(%arg14 : memref<24x128xf32, #tpu.memory_space<vmem>>)
      %add3A_377 = arith.constant 4 : i32
      %add3A_378 = arith.addi %add3A_195, %add3A_377 : i32
      %mul3A_379 = arith.constant 24 : i32
      %mul3A_380 = arith.muli %add3A_378, %mul3A_379 : i32
      %dma_start3A_381 = tpu.memref_slice %arg8[%mul3A_380] : memref<10008xi32, #tpu.memory_space<vmem>> -> memref<24xi32, #tpu.memory_space<vmem>>
      %dma_start3A_382 = arith.constant 0 : i32
      %dma_start3A_383 = arith.constant 0 : i32
      %dma_start3A_384 = tpu.memref_slice %arg33[%dma_start3A_382, %dma_start3A_383] : memref<10112x128xf32, #tpu.memory_space<vmem_shared>> -> memref<10112x128xf32, #tpu.memory_space<vmem_shared>>
      tpu.enqueue_indirect_dma source(%arg14 : memref<24x128xf32, #tpu.memory_space<vmem>>) target(%dma_start3A_384 : memref<10112x128xf32, #tpu.memory_space<vmem_shared>>) offsets(%dma_start3A_381 : memref<24xi32, #tpu.memory_space<vmem>>) semaphore(%arg30 : memref<!tpu.dma_semaphore, #tpu.memory_space<semaphore_mem>>) {add = true}
      %add3A_385 = arith.constant 5 : i32
      %add3A_386 = arith.addi %add3A_195, %add3A_385 : i32
      %sub3A_387 = arith.constant 1 : i32
      %sub3A_388 = arith.subi %add3A_386, %sub3A_387 : i32
      %mul3A_389 = arith.constant 24 : i32
      %mul3A_390 = arith.muli %sub3A_388, %mul3A_389 : i32
      %dma_wait3A_391 = tpu.memref_slice %arg8[%mul3A_390] : memref<10008xi32, #tpu.memory_space<vmem>> -> memref<24xi32, #tpu.memory_space<vmem>>
      %dma_wait3A_392 = arith.constant 0 : i32
      %dma_wait3A_393 = arith.constant 0 : i32
      %dma_wait3A_394 = tpu.memref_slice %arg33[%dma_wait3A_392, %dma_wait3A_393] : memref<10112x128xf32, #tpu.memory_space<vmem_shared>> -> memref<10112x128xf32, #tpu.memory_space<vmem_shared>>
      tpu.wait_indirect_dma semaphore(%arg30 : memref<!tpu.dma_semaphore, #tpu.memory_space<semaphore_mem>>) src(%arg14 : memref<24x128xf32, #tpu.memory_space<vmem>>) dst(%dma_wait3A_394 : memref<10112x128xf32, #tpu.memory_space<vmem_shared>>)
      %add3A_395 = arith.constant 5 : i32
      %add3A_396 = arith.addi %add3A_195, %add3A_395 : i32
      %add3A_397 = arith.constant 8 : i32
      %add3A_398 = arith.addi %add3A_396, %add3A_397 : i32
      %sub3A_399 = arith.constant 1 : i32
      %sub3A_400 = arith.subi %add3A_398, %sub3A_399 : i32
      %mul3A_401 = arith.constant 24 : i32
      %mul3A_402 = arith.muli %sub3A_400, %mul3A_401 : i32
      %dma_start3A_403 = tpu.memref_slice %arg7[%mul3A_402] : memref<10008xi32, #tpu.memory_space<vmem>> -> memref<24xi32, #tpu.memory_space<vmem>>
      %dma_start3A_404 = arith.constant 0 : i32
      %dma_start3A_405 = arith.constant 0 : i32
      %dma_start3A_406 = tpu.memref_slice %arg4[%dma_start3A_404, %dma_start3A_405] : memref<10000x128xf32, #tpu.memory_space<hbm>> -> memref<10000x128xf32, #tpu.memory_space<hbm>>
      tpu.enqueue_indirect_dma source(%dma_start3A_406 : memref<10000x128xf32, #tpu.memory_space<hbm>>) target(%arg14 : memref<24x128xf32, #tpu.memory_space<vmem>>) offsets(%dma_start3A_403 : memref<24xi32, #tpu.memory_space<vmem>>) semaphore(%arg22 : memref<!tpu.dma_semaphore, #tpu.memory_space<semaphore_mem>>)
      %add3A_407 = arith.constant 5 : i32
      %add3A_408 = arith.addi %add3A_195, %add3A_407 : i32
      %mul3A_409 = arith.constant 24 : i32
      %mul3A_410 = arith.muli %add3A_408, %mul3A_409 : i32
      %dma_wait3A_411 = tpu.memref_slice %arg7[%mul3A_410] : memref<10008xi32, #tpu.memory_space<vmem>> -> memref<24xi32, #tpu.memory_space<vmem>>
      %dma_wait3A_412 = arith.constant 0 : i32
      %dma_wait3A_413 = arith.constant 0 : i32
      %dma_wait3A_414 = tpu.memref_slice %arg4[%dma_wait3A_412, %dma_wait3A_413] : memref<10000x128xf32, #tpu.memory_space<hbm>> -> memref<10000x128xf32, #tpu.memory_space<hbm>>
      tpu.wait_indirect_dma semaphore(%arg23 : memref<!tpu.dma_semaphore, #tpu.memory_space<semaphore_mem>>) src(%dma_wait3A_414 : memref<10000x128xf32, #tpu.memory_space<hbm>>) dst(%arg15 : memref<24x128xf32, #tpu.memory_space<vmem>>)
      %add3A_415 = arith.constant 5 : i32
      %add3A_416 = arith.addi %add3A_195, %add3A_415 : i32
      %mul3A_417 = arith.constant 24 : i32
      %mul3A_418 = arith.muli %add3A_416, %mul3A_417 : i32
      %dma_start3A_419 = tpu.memref_slice %arg8[%mul3A_418] : memref<10008xi32, #tpu.memory_space<vmem>> -> memref<24xi32, #tpu.memory_space<vmem>>
      %dma_start3A_420 = arith.constant 0 : i32
      %dma_start3A_421 = arith.constant 0 : i32
      %dma_start3A_422 = tpu.memref_slice %arg33[%dma_start3A_420, %dma_start3A_421] : memref<10112x128xf32, #tpu.memory_space<vmem_shared>> -> memref<10112x128xf32, #tpu.memory_space<vmem_shared>>
      tpu.enqueue_indirect_dma source(%arg15 : memref<24x128xf32, #tpu.memory_space<vmem>>) target(%dma_start3A_422 : memref<10112x128xf32, #tpu.memory_space<vmem_shared>>) offsets(%dma_start3A_419 : memref<24xi32, #tpu.memory_space<vmem>>) semaphore(%arg31 : memref<!tpu.dma_semaphore, #tpu.memory_space<semaphore_mem>>) {add = true}
      %add3A_423 = arith.constant 6 : i32
      %add3A_424 = arith.addi %add3A_195, %add3A_423 : i32
      %sub3A_425 = arith.constant 1 : i32
      %sub3A_426 = arith.subi %add3A_424, %sub3A_425 : i32
      %mul3A_427 = arith.constant 24 : i32
      %mul3A_428 = arith.muli %sub3A_426, %mul3A_427 : i32
      %dma_wait3A_429 = tpu.memref_slice %arg8[%mul3A_428] : memref<10008xi32, #tpu.memory_space<vmem>> -> memref<24xi32, #tpu.memory_space<vmem>>
      %dma_wait3A_430 = arith.constant 0 : i32
      %dma_wait3A_431 = arith.constant 0 : i32
      %dma_wait3A_432 = tpu.memref_slice %arg33[%dma_wait3A_430, %dma_wait3A_431] : memref<10112x128xf32, #tpu.memory_space<vmem_shared>> -> memref<10112x128xf32, #tpu.memory_space<vmem_shared>>
      tpu.wait_indirect_dma semaphore(%arg31 : memref<!tpu.dma_semaphore, #tpu.memory_space<semaphore_mem>>) src(%arg15 : memref<24x128xf32, #tpu.memory_space<vmem>>) dst(%dma_wait3A_432 : memref<10112x128xf32, #tpu.memory_space<vmem_shared>>)
      %add3A_433 = arith.constant 6 : i32
      %add3A_434 = arith.addi %add3A_195, %add3A_433 : i32
      %add3A_435 = arith.constant 8 : i32
      %add3A_436 = arith.addi %add3A_434, %add3A_435 : i32
      %sub3A_437 = arith.constant 1 : i32
      %sub3A_438 = arith.subi %add3A_436, %sub3A_437 : i32
      %mul3A_439 = arith.constant 24 : i32
      %mul3A_440 = arith.muli %sub3A_438, %mul3A_439 : i32
      %dma_start3A_441 = tpu.memref_slice %arg7[%mul3A_440] : memref<10008xi32, #tpu.memory_space<vmem>> -> memref<24xi32, #tpu.memory_space<vmem>>
      %dma_start3A_442 = arith.constant 0 : i32
      %dma_start3A_443 = arith.constant 0 : i32
      %dma_start3A_444 = tpu.memref_slice %arg4[%dma_start3A_442, %dma_start3A_443] : memref<10000x128xf32, #tpu.memory_space<hbm>> -> memref<10000x128xf32, #tpu.memory_space<hbm>>
      tpu.enqueue_indirect_dma source(%dma_start3A_444 : memref<10000x128xf32, #tpu.memory_space<hbm>>) target(%arg15 : memref<24x128xf32, #tpu.memory_space<vmem>>) offsets(%dma_start3A_441 : memref<24xi32, #tpu.memory_space<vmem>>) semaphore(%arg23 : memref<!tpu.dma_semaphore, #tpu.memory_space<semaphore_mem>>)
      %add3A_445 = arith.constant 6 : i32
      %add3A_446 = arith.addi %add3A_195, %add3A_445 : i32
      %mul3A_447 = arith.constant 24 : i32
      %mul3A_448 = arith.muli %add3A_446, %mul3A_447 : i32
      %dma_wait3A_449 = tpu.memref_slice %arg7[%mul3A_448] : memref<10008xi32, #tpu.memory_space<vmem>> -> memref<24xi32, #tpu.memory_space<vmem>>
      %dma_wait3A_450 = arith.constant 0 : i32
      %dma_wait3A_451 = arith.constant 0 : i32
      %dma_wait3A_452 = tpu.memref_slice %arg4[%dma_wait3A_450, %dma_wait3A_451] : memref<10000x128xf32, #tpu.memory_space<hbm>> -> memref<10000x128xf32, #tpu.memory_space<hbm>>
      tpu.wait_indirect_dma semaphore(%arg24 : memref<!tpu.dma_semaphore, #tpu.memory_space<semaphore_mem>>) src(%dma_wait3A_452 : memref<10000x128xf32, #tpu.memory_space<hbm>>) dst(%arg16 : memref<24x128xf32, #tpu.memory_space<vmem>>)
      %add3A_453 = arith.constant 6 : i32
      %add3A_454 = arith.addi %add3A_195, %add3A_453 : i32
      %mul3A_455 = arith.constant 24 : i32
      %mul3A_456 = arith.muli %add3A_454, %mul3A_455 : i32
      %dma_start3A_457 = tpu.memref_slice %arg8[%mul3A_456] : memref<10008xi32, #tpu.memory_space<vmem>> -> memref<24xi32, #tpu.memory_space<vmem>>
      %dma_start3A_458 = arith.constant 0 : i32
      %dma_start3A_459 = arith.constant 0 : i32
      %dma_start3A_460 = tpu.memref_slice %arg33[%dma_start3A_458, %dma_start3A_459] : memref<10112x128xf32, #tpu.memory_space<vmem_shared>> -> memref<10112x128xf32, #tpu.memory_space<vmem_shared>>
      tpu.enqueue_indirect_dma source(%arg16 : memref<24x128xf32, #tpu.memory_space<vmem>>) target(%dma_start3A_460 : memref<10112x128xf32, #tpu.memory_space<vmem_shared>>) offsets(%dma_start3A_457 : memref<24xi32, #tpu.memory_space<vmem>>) semaphore(%arg32 : memref<!tpu.dma_semaphore, #tpu.memory_space<semaphore_mem>>) {add = true}
      %add3A_461 = arith.constant 7 : i32
      %add3A_462 = arith.addi %add3A_195, %add3A_461 : i32
      %sub3A_463 = arith.constant 1 : i32
      %sub3A_464 = arith.subi %add3A_462, %sub3A_463 : i32
      %mul3A_465 = arith.constant 24 : i32
      %mul3A_466 = arith.muli %sub3A_464, %mul3A_465 : i32
      %dma_wait3A_467 = tpu.memref_slice %arg8[%mul3A_466] : memref<10008xi32, #tpu.memory_space<vmem>> -> memref<24xi32, #tpu.memory_space<vmem>>
      %dma_wait3A_468 = arith.constant 0 : i32
      %dma_wait3A_469 = arith.constant 0 : i32
      %dma_wait3A_470 = tpu.memref_slice %arg33[%dma_wait3A_468, %dma_wait3A_469] : memref<10112x128xf32, #tpu.memory_space<vmem_shared>> -> memref<10112x128xf32, #tpu.memory_space<vmem_shared>>
      tpu.wait_indirect_dma semaphore(%arg32 : memref<!tpu.dma_semaphore, #tpu.memory_space<semaphore_mem>>) src(%arg16 : memref<24x128xf32, #tpu.memory_space<vmem>>) dst(%dma_wait3A_470 : memref<10112x128xf32, #tpu.memory_space<vmem_shared>>)
      %add3A_471 = arith.constant 7 : i32
      %add3A_472 = arith.addi %add3A_195, %add3A_471 : i32
      %add3A_473 = arith.constant 8 : i32
      %add3A_474 = arith.addi %add3A_472, %add3A_473 : i32
      %sub3A_475 = arith.constant 1 : i32
      %sub3A_476 = arith.subi %add3A_474, %sub3A_475 : i32
      %mul3A_477 = arith.constant 24 : i32
      %mul3A_478 = arith.muli %sub3A_476, %mul3A_477 : i32
      %dma_start3A_479 = tpu.memref_slice %arg7[%mul3A_478] : memref<10008xi32, #tpu.memory_space<vmem>> -> memref<24xi32, #tpu.memory_space<vmem>>
      %dma_start3A_480 = arith.constant 0 : i32
      %dma_start3A_481 = arith.constant 0 : i32
      %dma_start3A_482 = tpu.memref_slice %arg4[%dma_start3A_480, %dma_start3A_481] : memref<10000x128xf32, #tpu.memory_space<hbm>> -> memref<10000x128xf32, #tpu.memory_space<hbm>>
      tpu.enqueue_indirect_dma source(%dma_start3A_482 : memref<10000x128xf32, #tpu.memory_space<hbm>>) target(%arg16 : memref<24x128xf32, #tpu.memory_space<vmem>>) offsets(%dma_start3A_479 : memref<24xi32, #tpu.memory_space<vmem>>) semaphore(%arg24 : memref<!tpu.dma_semaphore, #tpu.memory_space<semaphore_mem>>)
      %add3A_483 = arith.constant 7 : i32
      %add3A_484 = arith.addi %add3A_195, %add3A_483 : i32
      %mul3A_485 = arith.constant 24 : i32
      %mul3A_486 = arith.muli %add3A_484, %mul3A_485 : i32
      %dma_wait3A_487 = tpu.memref_slice %arg7[%mul3A_486] : memref<10008xi32, #tpu.memory_space<vmem>> -> memref<24xi32, #tpu.memory_space<vmem>>
      %dma_wait3A_488 = arith.constant 0 : i32
      %dma_wait3A_489 = arith.constant 0 : i32
      %dma_wait3A_490 = tpu.memref_slice %arg4[%dma_wait3A_488, %dma_wait3A_489] : memref<10000x128xf32, #tpu.memory_space<hbm>> -> memref<10000x128xf32, #tpu.memory_space<hbm>>
      tpu.wait_indirect_dma semaphore(%arg17 : memref<!tpu.dma_semaphore, #tpu.memory_space<semaphore_mem>>) src(%dma_wait3A_490 : memref<10000x128xf32, #tpu.memory_space<hbm>>) dst(%arg9 : memref<24x128xf32, #tpu.memory_space<vmem>>)
      %add3A_491 = arith.constant 7 : i32
      %add3A_492 = arith.addi %add3A_195, %add3A_491 : i32
      %mul3A_493 = arith.constant 24 : i32
      %mul3A_494 = arith.muli %add3A_492, %mul3A_493 : i32
      %dma_start3A_495 = tpu.memref_slice %arg8[%mul3A_494] : memref<10008xi32, #tpu.memory_space<vmem>> -> memref<24xi32, #tpu.memory_space<vmem>>
      %dma_start3A_496 = arith.constant 0 : i32
      %dma_start3A_497 = arith.constant 0 : i32
      %dma_start3A_498 = tpu.memref_slice %arg33[%dma_start3A_496, %dma_start3A_497] : memref<10112x128xf32, #tpu.memory_space<vmem_shared>> -> memref<10112x128xf32, #tpu.memory_space<vmem_shared>>
      tpu.enqueue_indirect_dma source(%arg9 : memref<24x128xf32, #tpu.memory_space<vmem>>) target(%dma_start3A_498 : memref<10112x128xf32, #tpu.memory_space<vmem_shared>>) offsets(%dma_start3A_495 : memref<24xi32, #tpu.memory_space<vmem>>) semaphore(%arg25 : memref<!tpu.dma_semaphore, #tpu.memory_space<semaphore_mem>>) {add = true}
    }
    %scan3A_55 = arith.constant 51 : i32
    %dma_wait3A_56 = arith.constant 9792 : i32
    %dma_wait3A_57 = tpu.memref_slice %arg8[%dma_wait3A_56] : memref<10008xi32, #tpu.memory_space<vmem>> -> memref<24xi32, #tpu.memory_space<vmem>>
    %dma_wait3A_58 = arith.constant 0 : i32
    %dma_wait3A_59 = arith.constant 0 : i32
    %dma_wait3A_60 = tpu.memref_slice %arg33[%dma_wait3A_58, %dma_wait3A_59] : memref<10112x128xf32, #tpu.memory_space<vmem_shared>> -> memref<10112x128xf32, #tpu.memory_space<vmem_shared>>
    tpu.wait_indirect_dma semaphore(%arg25 : memref<!tpu.dma_semaphore, #tpu.memory_space<semaphore_mem>>) src(%arg9 : memref<24x128xf32, #tpu.memory_space<vmem>>) dst(%dma_wait3A_60 : memref<10112x128xf32, #tpu.memory_space<vmem_shared>>)
    %dma_start3A_61 = arith.constant 9984 : i32
    %dma_start3A_62 = tpu.memref_slice %arg7[%dma_start3A_61] : memref<10008xi32, #tpu.memory_space<vmem>> -> memref<24xi32, #tpu.memory_space<vmem>>
    %dma_start3A_63 = arith.constant 0 : i32
    %dma_start3A_64 = arith.constant 0 : i32
    %dma_start3A_65 = tpu.memref_slice %arg4[%dma_start3A_63, %dma_start3A_64] : memref<10000x128xf32, #tpu.memory_space<hbm>> -> memref<10000x128xf32, #tpu.memory_space<hbm>>
    tpu.enqueue_indirect_dma source(%dma_start3A_65 : memref<10000x128xf32, #tpu.memory_space<hbm>>) target(%arg9 : memref<24x128xf32, #tpu.memory_space<vmem>>) offsets(%dma_start3A_62 : memref<24xi32, #tpu.memory_space<vmem>>) semaphore(%arg17 : memref<!tpu.dma_semaphore, #tpu.memory_space<semaphore_mem>>)
    %dma_wait3A_66 = arith.constant 9816 : i32
    %dma_wait3A_67 = tpu.memref_slice %arg7[%dma_wait3A_66] : memref<10008xi32, #tpu.memory_space<vmem>> -> memref<24xi32, #tpu.memory_space<vmem>>
    %dma_wait3A_68 = arith.constant 0 : i32
    %dma_wait3A_69 = arith.constant 0 : i32
    %dma_wait3A_70 = tpu.memref_slice %arg4[%dma_wait3A_68, %dma_wait3A_69] : memref<10000x128xf32, #tpu.memory_space<hbm>> -> memref<10000x128xf32, #tpu.memory_space<hbm>>
    tpu.wait_indirect_dma semaphore(%arg18 : memref<!tpu.dma_semaphore, #tpu.memory_space<semaphore_mem>>) src(%dma_wait3A_70 : memref<10000x128xf32, #tpu.memory_space<hbm>>) dst(%arg10 : memref<24x128xf32, #tpu.memory_space<vmem>>)
    %dma_start3A_71 = arith.constant 9816 : i32
    %dma_start3A_72 = tpu.memref_slice %arg8[%dma_start3A_71] : memref<10008xi32, #tpu.memory_space<vmem>> -> memref<24xi32, #tpu.memory_space<vmem>>
    %dma_start3A_73 = arith.constant 0 : i32
    %dma_start3A_74 = arith.constant 0 : i32
    %dma_start3A_75 = tpu.memref_slice %arg33[%dma_start3A_73, %dma_start3A_74] : memref<10112x128xf32, #tpu.memory_space<vmem_shared>> -> memref<10112x128xf32, #tpu.memory_space<vmem_shared>>
    tpu.enqueue_indirect_dma source(%arg10 : memref<24x128xf32, #tpu.memory_space<vmem>>) target(%dma_start3A_75 : memref<10112x128xf32, #tpu.memory_space<vmem_shared>>) offsets(%dma_start3A_72 : memref<24xi32, #tpu.memory_space<vmem>>) semaphore(%arg26 : memref<!tpu.dma_semaphore, #tpu.memory_space<semaphore_mem>>) {add = true}
    %dma_wait3A_76 = arith.constant 9816 : i32
    %dma_wait3A_77 = tpu.memref_slice %arg8[%dma_wait3A_76] : memref<10008xi32, #tpu.memory_space<vmem>> -> memref<24xi32, #tpu.memory_space<vmem>>
    %dma_wait3A_78 = arith.constant 0 : i32
    %dma_wait3A_79 = arith.constant 0 : i32
    %dma_wait3A_80 = tpu.memref_slice %arg33[%dma_wait3A_78, %dma_wait3A_79] : memref<10112x128xf32, #tpu.memory_space<vmem_shared>> -> memref<10112x128xf32, #tpu.memory_space<vmem_shared>>
    tpu.wait_indirect_dma semaphore(%arg26 : memref<!tpu.dma_semaphore, #tpu.memory_space<semaphore_mem>>) src(%arg10 : memref<24x128xf32, #tpu.memory_space<vmem>>) dst(%dma_wait3A_80 : memref<10112x128xf32, #tpu.memory_space<vmem_shared>>)
    %dma_wait3A_81 = arith.constant 9840 : i32
    %dma_wait3A_82 = tpu.memref_slice %arg7[%dma_wait3A_81] : memref<10008xi32, #tpu.memory_space<vmem>> -> memref<24xi32, #tpu.memory_space<vmem>>
    %dma_wait3A_83 = arith.constant 0 : i32
    %dma_wait3A_84 = arith.constant 0 : i32
    %dma_wait3A_85 = tpu.memref_slice %arg4[%dma_wait3A_83, %dma_wait3A_84] : memref<10000x128xf32, #tpu.memory_space<hbm>> -> memref<10000x128xf32, #tpu.memory_space<hbm>>
    tpu.wait_indirect_dma semaphore(%arg19 : memref<!tpu.dma_semaphore, #tpu.memory_space<semaphore_mem>>) src(%dma_wait3A_85 : memref<10000x128xf32, #tpu.memory_space<hbm>>) dst(%arg11 : memref<24x128xf32, #tpu.memory_space<vmem>>)
    %dma_start3A_86 = arith.constant 9840 : i32
    %dma_start3A_87 = tpu.memref_slice %arg8[%dma_start3A_86] : memref<10008xi32, #tpu.memory_space<vmem>> -> memref<24xi32, #tpu.memory_space<vmem>>
    %dma_start3A_88 = arith.constant 0 : i32
    %dma_start3A_89 = arith.constant 0 : i32
    %dma_start3A_90 = tpu.memref_slice %arg33[%dma_start3A_88, %dma_start3A_89] : memref<10112x128xf32, #tpu.memory_space<vmem_shared>> -> memref<10112x128xf32, #tpu.memory_space<vmem_shared>>
    tpu.enqueue_indirect_dma source(%arg11 : memref<24x128xf32, #tpu.memory_space<vmem>>) target(%dma_start3A_90 : memref<10112x128xf32, #tpu.memory_space<vmem_shared>>) offsets(%dma_start3A_87 : memref<24xi32, #tpu.memory_space<vmem>>) semaphore(%arg27 : memref<!tpu.dma_semaphore, #tpu.memory_space<semaphore_mem>>) {add = true}
    %dma_wait3A_91 = arith.constant 9840 : i32
    %dma_wait3A_92 = tpu.memref_slice %arg8[%dma_wait3A_91] : memref<10008xi32, #tpu.memory_space<vmem>> -> memref<24xi32, #tpu.memory_space<vmem>>
    %dma_wait3A_93 = arith.constant 0 : i32
    %dma_wait3A_94 = arith.constant 0 : i32
    %dma_wait3A_95 = tpu.memref_slice %arg33[%dma_wait3A_93, %dma_wait3A_94] : memref<10112x128xf32, #tpu.memory_space<vmem_shared>> -> memref<10112x128xf32, #tpu.memory_space<vmem_shared>>
    tpu.wait_indirect_dma semaphore(%arg27 : memref<!tpu.dma_semaphore, #tpu.memory_space<semaphore_mem>>) src(%arg11 : memref<24x128xf32, #tpu.memory_space<vmem>>) dst(%dma_wait3A_95 : memref<10112x128xf32, #tpu.memory_space<vmem_shared>>)
    %dma_wait3A_96 = arith.constant 9864 : i32
    %dma_wait3A_97 = tpu.memref_slice %arg7[%dma_wait3A_96] : memref<10008xi32, #tpu.memory_space<vmem>> -> memref<24xi32, #tpu.memory_space<vmem>>
    %dma_wait3A_98 = arith.constant 0 : i32
    %dma_wait3A_99 = arith.constant 0 : i32
    %dma_wait3A_100 = tpu.memref_slice %arg4[%dma_wait3A_98, %dma_wait3A_99] : memref<10000x128xf32, #tpu.memory_space<hbm>> -> memref<10000x128xf32, #tpu.memory_space<hbm>>
    tpu.wait_indirect_dma semaphore(%arg20 : memref<!tpu.dma_semaphore, #tpu.memory_space<semaphore_mem>>) src(%dma_wait3A_100 : memref<10000x128xf32, #tpu.memory_space<hbm>>) dst(%arg12 : memref<24x128xf32, #tpu.memory_space<vmem>>)
    %dma_start3A_101 = arith.constant 9864 : i32
    %dma_start3A_102 = tpu.memref_slice %arg8[%dma_start3A_101] : memref<10008xi32, #tpu.memory_space<vmem>> -> memref<24xi32, #tpu.memory_space<vmem>>
    %dma_start3A_103 = arith.constant 0 : i32
    %dma_start3A_104 = arith.constant 0 : i32
    %dma_start3A_105 = tpu.memref_slice %arg33[%dma_start3A_103, %dma_start3A_104] : memref<10112x128xf32, #tpu.memory_space<vmem_shared>> -> memref<10112x128xf32, #tpu.memory_space<vmem_shared>>
    tpu.enqueue_indirect_dma source(%arg12 : memref<24x128xf32, #tpu.memory_space<vmem>>) target(%dma_start3A_105 : memref<10112x128xf32, #tpu.memory_space<vmem_shared>>) offsets(%dma_start3A_102 : memref<24xi32, #tpu.memory_space<vmem>>) semaphore(%arg28 : memref<!tpu.dma_semaphore, #tpu.memory_space<semaphore_mem>>) {add = true}
    %dma_wait3A_106 = arith.constant 9864 : i32
    %dma_wait3A_107 = tpu.memref_slice %arg8[%dma_wait3A_106] : memref<10008xi32, #tpu.memory_space<vmem>> -> memref<24xi32, #tpu.memory_space<vmem>>
    %dma_wait3A_108 = arith.constant 0 : i32
    %dma_wait3A_109 = arith.constant 0 : i32
    %dma_wait3A_110 = tpu.memref_slice %arg33[%dma_wait3A_108, %dma_wait3A_109] : memref<10112x128xf32, #tpu.memory_space<vmem_shared>> -> memref<10112x128xf32, #tpu.memory_space<vmem_shared>>
    tpu.wait_indirect_dma semaphore(%arg28 : memref<!tpu.dma_semaphore, #tpu.memory_space<semaphore_mem>>) src(%arg12 : memref<24x128xf32, #tpu.memory_space<vmem>>) dst(%dma_wait3A_110 : memref<10112x128xf32, #tpu.memory_space<vmem_shared>>)
    %dma_wait3A_111 = arith.constant 9888 : i32
    %dma_wait3A_112 = tpu.memref_slice %arg7[%dma_wait3A_111] : memref<10008xi32, #tpu.memory_space<vmem>> -> memref<24xi32, #tpu.memory_space<vmem>>
    %dma_wait3A_113 = arith.constant 0 : i32
    %dma_wait3A_114 = arith.constant 0 : i32
    %dma_wait3A_115 = tpu.memref_slice %arg4[%dma_wait3A_113, %dma_wait3A_114] : memref<10000x128xf32, #tpu.memory_space<hbm>> -> memref<10000x128xf32, #tpu.memory_space<hbm>>
    tpu.wait_indirect_dma semaphore(%arg21 : memref<!tpu.dma_semaphore, #tpu.memory_space<semaphore_mem>>) src(%dma_wait3A_115 : memref<10000x128xf32, #tpu.memory_space<hbm>>) dst(%arg13 : memref<24x128xf32, #tpu.memory_space<vmem>>)
    %dma_start3A_116 = arith.constant 9888 : i32
    %dma_start3A_117 = tpu.memref_slice %arg8[%dma_start3A_116] : memref<10008xi32, #tpu.memory_space<vmem>> -> memref<24xi32, #tpu.memory_space<vmem>>
    %dma_start3A_118 = arith.constant 0 : i32
    %dma_start3A_119 = arith.constant 0 : i32
    %dma_start3A_120 = tpu.memref_slice %arg33[%dma_start3A_118, %dma_start3A_119] : memref<10112x128xf32, #tpu.memory_space<vmem_shared>> -> memref<10112x128xf32, #tpu.memory_space<vmem_shared>>
    tpu.enqueue_indirect_dma source(%arg13 : memref<24x128xf32, #tpu.memory_space<vmem>>) target(%dma_start3A_120 : memref<10112x128xf32, #tpu.memory_space<vmem_shared>>) offsets(%dma_start3A_117 : memref<24xi32, #tpu.memory_space<vmem>>) semaphore(%arg29 : memref<!tpu.dma_semaphore, #tpu.memory_space<semaphore_mem>>) {add = true}
    %dma_wait3A_121 = arith.constant 9888 : i32
    %dma_wait3A_122 = tpu.memref_slice %arg8[%dma_wait3A_121] : memref<10008xi32, #tpu.memory_space<vmem>> -> memref<24xi32, #tpu.memory_space<vmem>>
    %dma_wait3A_123 = arith.constant 0 : i32
    %dma_wait3A_124 = arith.constant 0 : i32
    %dma_wait3A_125 = tpu.memref_slice %arg33[%dma_wait3A_123, %dma_wait3A_124] : memref<10112x128xf32, #tpu.memory_space<vmem_shared>> -> memref<10112x128xf32, #tpu.memory_space<vmem_shared>>
    tpu.wait_indirect_dma semaphore(%arg29 : memref<!tpu.dma_semaphore, #tpu.memory_space<semaphore_mem>>) src(%arg13 : memref<24x128xf32, #tpu.memory_space<vmem>>) dst(%dma_wait3A_125 : memref<10112x128xf32, #tpu.memory_space<vmem_shared>>)
    %dma_wait3A_126 = arith.constant 9912 : i32
    %dma_wait3A_127 = tpu.memref_slice %arg7[%dma_wait3A_126] : memref<10008xi32, #tpu.memory_space<vmem>> -> memref<24xi32, #tpu.memory_space<vmem>>
    %dma_wait3A_128 = arith.constant 0 : i32
    %dma_wait3A_129 = arith.constant 0 : i32
    %dma_wait3A_130 = tpu.memref_slice %arg4[%dma_wait3A_128, %dma_wait3A_129] : memref<10000x128xf32, #tpu.memory_space<hbm>> -> memref<10000x128xf32, #tpu.memory_space<hbm>>
    tpu.wait_indirect_dma semaphore(%arg22 : memref<!tpu.dma_semaphore, #tpu.memory_space<semaphore_mem>>) src(%dma_wait3A_130 : memref<10000x128xf32, #tpu.memory_space<hbm>>) dst(%arg14 : memref<24x128xf32, #tpu.memory_space<vmem>>)
    %dma_start3A_131 = arith.constant 9912 : i32
    %dma_start3A_132 = tpu.memref_slice %arg8[%dma_start3A_131] : memref<10008xi32, #tpu.memory_space<vmem>> -> memref<24xi32, #tpu.memory_space<vmem>>
    %dma_start3A_133 = arith.constant 0 : i32
    %dma_start3A_134 = arith.constant 0 : i32
    %dma_start3A_135 = tpu.memref_slice %arg33[%dma_start3A_133, %dma_start3A_134] : memref<10112x128xf32, #tpu.memory_space<vmem_shared>> -> memref<10112x128xf32, #tpu.memory_space<vmem_shared>>
    tpu.enqueue_indirect_dma source(%arg14 : memref<24x128xf32, #tpu.memory_space<vmem>>) target(%dma_start3A_135 : memref<10112x128xf32, #tpu.memory_space<vmem_shared>>) offsets(%dma_start3A_132 : memref<24xi32, #tpu.memory_space<vmem>>) semaphore(%arg30 : memref<!tpu.dma_semaphore, #tpu.memory_space<semaphore_mem>>) {add = true}
    %dma_wait3A_136 = arith.constant 9912 : i32
    %dma_wait3A_137 = tpu.memref_slice %arg8[%dma_wait3A_136] : memref<10008xi32, #tpu.memory_space<vmem>> -> memref<24xi32, #tpu.memory_space<vmem>>
    %dma_wait3A_138 = arith.constant 0 : i32
    %dma_wait3A_139 = arith.constant 0 : i32
    %dma_wait3A_140 = tpu.memref_slice %arg33[%dma_wait3A_138, %dma_wait3A_139] : memref<10112x128xf32, #tpu.memory_space<vmem_shared>> -> memref<10112x128xf32, #tpu.memory_space<vmem_shared>>
    tpu.wait_indirect_dma semaphore(%arg30 : memref<!tpu.dma_semaphore, #tpu.memory_space<semaphore_mem>>) src(%arg14 : memref<24x128xf32, #tpu.memory_space<vmem>>) dst(%dma_wait3A_140 : memref<10112x128xf32, #tpu.memory_space<vmem_shared>>)
    %dma_wait3A_141 = arith.constant 9936 : i32
    %dma_wait3A_142 = tpu.memref_slice %arg7[%dma_wait3A_141] : memref<10008xi32, #tpu.memory_space<vmem>> -> memref<24xi32, #tpu.memory_space<vmem>>
    %dma_wait3A_143 = arith.constant 0 : i32
    %dma_wait3A_144 = arith.constant 0 : i32
    %dma_wait3A_145 = tpu.memref_slice %arg4[%dma_wait3A_143, %dma_wait3A_144] : memref<10000x128xf32, #tpu.memory_space<hbm>> -> memref<10000x128xf32, #tpu.memory_space<hbm>>
    tpu.wait_indirect_dma semaphore(%arg23 : memref<!tpu.dma_semaphore, #tpu.memory_space<semaphore_mem>>) src(%dma_wait3A_145 : memref<10000x128xf32, #tpu.memory_space<hbm>>) dst(%arg15 : memref<24x128xf32, #tpu.memory_space<vmem>>)
    %dma_start3A_146 = arith.constant 9936 : i32
    %dma_start3A_147 = tpu.memref_slice %arg8[%dma_start3A_146] : memref<10008xi32, #tpu.memory_space<vmem>> -> memref<24xi32, #tpu.memory_space<vmem>>
    %dma_start3A_148 = arith.constant 0 : i32
    %dma_start3A_149 = arith.constant 0 : i32
    %dma_start3A_150 = tpu.memref_slice %arg33[%dma_start3A_148, %dma_start3A_149] : memref<10112x128xf32, #tpu.memory_space<vmem_shared>> -> memref<10112x128xf32, #tpu.memory_space<vmem_shared>>
    tpu.enqueue_indirect_dma source(%arg15 : memref<24x128xf32, #tpu.memory_space<vmem>>) target(%dma_start3A_150 : memref<10112x128xf32, #tpu.memory_space<vmem_shared>>) offsets(%dma_start3A_147 : memref<24xi32, #tpu.memory_space<vmem>>) semaphore(%arg31 : memref<!tpu.dma_semaphore, #tpu.memory_space<semaphore_mem>>) {add = true}
    %dma_wait3A_151 = arith.constant 9936 : i32
    %dma_wait3A_152 = tpu.memref_slice %arg8[%dma_wait3A_151] : memref<10008xi32, #tpu.memory_space<vmem>> -> memref<24xi32, #tpu.memory_space<vmem>>
    %dma_wait3A_153 = arith.constant 0 : i32
    %dma_wait3A_154 = arith.constant 0 : i32
    %dma_wait3A_155 = tpu.memref_slice %arg33[%dma_wait3A_153, %dma_wait3A_154] : memref<10112x128xf32, #tpu.memory_space<vmem_shared>> -> memref<10112x128xf32, #tpu.memory_space<vmem_shared>>
    tpu.wait_indirect_dma semaphore(%arg31 : memref<!tpu.dma_semaphore, #tpu.memory_space<semaphore_mem>>) src(%arg15 : memref<24x128xf32, #tpu.memory_space<vmem>>) dst(%dma_wait3A_155 : memref<10112x128xf32, #tpu.memory_space<vmem_shared>>)
    %dma_wait3A_156 = arith.constant 9960 : i32
    %dma_wait3A_157 = tpu.memref_slice %arg7[%dma_wait3A_156] : memref<10008xi32, #tpu.memory_space<vmem>> -> memref<24xi32, #tpu.memory_space<vmem>>
    %dma_wait3A_158 = arith.constant 0 : i32
    %dma_wait3A_159 = arith.constant 0 : i32
    %dma_wait3A_160 = tpu.memref_slice %arg4[%dma_wait3A_158, %dma_wait3A_159] : memref<10000x128xf32, #tpu.memory_space<hbm>> -> memref<10000x128xf32, #tpu.memory_space<hbm>>
    tpu.wait_indirect_dma semaphore(%arg24 : memref<!tpu.dma_semaphore, #tpu.memory_space<semaphore_mem>>) src(%dma_wait3A_160 : memref<10000x128xf32, #tpu.memory_space<hbm>>) dst(%arg16 : memref<24x128xf32, #tpu.memory_space<vmem>>)
    %dma_start3A_161 = arith.constant 9960 : i32
    %dma_start3A_162 = tpu.memref_slice %arg8[%dma_start3A_161] : memref<10008xi32, #tpu.memory_space<vmem>> -> memref<24xi32, #tpu.memory_space<vmem>>
    %dma_start3A_163 = arith.constant 0 : i32
    %dma_start3A_164 = arith.constant 0 : i32
    %dma_start3A_165 = tpu.memref_slice %arg33[%dma_start3A_163, %dma_start3A_164] : memref<10112x128xf32, #tpu.memory_space<vmem_shared>> -> memref<10112x128xf32, #tpu.memory_space<vmem_shared>>
    tpu.enqueue_indirect_dma source(%arg16 : memref<24x128xf32, #tpu.memory_space<vmem>>) target(%dma_start3A_165 : memref<10112x128xf32, #tpu.memory_space<vmem_shared>>) offsets(%dma_start3A_162 : memref<24xi32, #tpu.memory_space<vmem>>) semaphore(%arg32 : memref<!tpu.dma_semaphore, #tpu.memory_space<semaphore_mem>>) {add = true}
    %dma_wait3A_166 = arith.constant 9960 : i32
    %dma_wait3A_167 = tpu.memref_slice %arg8[%dma_wait3A_166] : memref<10008xi32, #tpu.memory_space<vmem>> -> memref<24xi32, #tpu.memory_space<vmem>>
    %dma_wait3A_168 = arith.constant 0 : i32
    %dma_wait3A_169 = arith.constant 0 : i32
    %dma_wait3A_170 = tpu.memref_slice %arg33[%dma_wait3A_168, %dma_wait3A_169] : memref<10112x128xf32, #tpu.memory_space<vmem_shared>> -> memref<10112x128xf32, #tpu.memory_space<vmem_shared>>
    tpu.wait_indirect_dma semaphore(%arg32 : memref<!tpu.dma_semaphore, #tpu.memory_space<semaphore_mem>>) src(%arg16 : memref<24x128xf32, #tpu.memory_space<vmem>>) dst(%dma_wait3A_170 : memref<10112x128xf32, #tpu.memory_space<vmem_shared>>)
    %dma_wait3A_171 = arith.constant 9984 : i32
    %dma_wait3A_172 = tpu.memref_slice %arg7[%dma_wait3A_171] : memref<10008xi32, #tpu.memory_space<vmem>> -> memref<24xi32, #tpu.memory_space<vmem>>
    %dma_wait3A_173 = arith.constant 0 : i32
    %dma_wait3A_174 = arith.constant 0 : i32
    %dma_wait3A_175 = tpu.memref_slice %arg4[%dma_wait3A_173, %dma_wait3A_174] : memref<10000x128xf32, #tpu.memory_space<hbm>> -> memref<10000x128xf32, #tpu.memory_space<hbm>>
    tpu.wait_indirect_dma semaphore(%arg17 : memref<!tpu.dma_semaphore, #tpu.memory_space<semaphore_mem>>) src(%dma_wait3A_175 : memref<10000x128xf32, #tpu.memory_space<hbm>>) dst(%arg9 : memref<24x128xf32, #tpu.memory_space<vmem>>)
    %dma_start3A_176 = arith.constant 9984 : i32
    %dma_start3A_177 = tpu.memref_slice %arg8[%dma_start3A_176] : memref<10008xi32, #tpu.memory_space<vmem>> -> memref<24xi32, #tpu.memory_space<vmem>>
    %dma_start3A_178 = arith.constant 0 : i32
    %dma_start3A_179 = arith.constant 0 : i32
    %dma_start3A_180 = tpu.memref_slice %arg33[%dma_start3A_178, %dma_start3A_179] : memref<10112x128xf32, #tpu.memory_space<vmem_shared>> -> memref<10112x128xf32, #tpu.memory_space<vmem_shared>>
    tpu.enqueue_indirect_dma source(%arg9 : memref<24x128xf32, #tpu.memory_space<vmem>>) target(%dma_start3A_180 : memref<10112x128xf32, #tpu.memory_space<vmem_shared>>) offsets(%dma_start3A_177 : memref<24xi32, #tpu.memory_space<vmem>>) semaphore(%arg25 : memref<!tpu.dma_semaphore, #tpu.memory_space<semaphore_mem>>) {add = true}
    %dma_wait3A_181 = arith.constant 9984 : i32
    %dma_wait3A_182 = tpu.memref_slice %arg8[%dma_wait3A_181] : memref<10008xi32, #tpu.memory_space<vmem>> -> memref<24xi32, #tpu.memory_space<vmem>>
    %dma_wait3A_183 = arith.constant 0 : i32
    %dma_wait3A_184 = arith.constant 0 : i32
    %dma_wait3A_185 = tpu.memref_slice %arg33[%dma_wait3A_183, %dma_wait3A_184] : memref<10112x128xf32, #tpu.memory_space<vmem_shared>> -> memref<10112x128xf32, #tpu.memory_space<vmem_shared>>
    tpu.wait_indirect_dma semaphore(%arg25 : memref<!tpu.dma_semaphore, #tpu.memory_space<semaphore_mem>>) src(%arg9 : memref<24x128xf32, #tpu.memory_space<vmem>>) dst(%dma_wait3A_185 : memref<10112x128xf32, #tpu.memory_space<vmem_shared>>)
    %barrier3A_186 = arith.constant 0 : index
    tpu.barrier barrier_id(%barrier3A_186)
    %mul3A_187 = arith.constant 632 : i32
    %mul3A_188 = arith.muli %arg1, %mul3A_187 : i32
    %mul3A_189 = arith.constant 632 : i32
    %mul3A_190 = arith.muli %arg1, %mul3A_189 : i32
    "tpu.region"() ({
      %run_scoped3A = tpu.sem_alloc : memref<!tpu.dma_semaphore, #tpu.memory_space<semaphore_mem>>
      %dma_start3A_191 = arith.constant 0 : i32
      %dma_start3A_192 = tpu.memref_slice %arg6[%arg0, %mul3A_190, %dma_start3A_191] : memref<2x10112x128xf32, #tpu.memory_space<hbm>> -> memref<1x632x128xf32, #tpu.memory_space<hbm>>
      %dma_start3A_193 = tpu.memref_squeeze %dma_start3A_192 : memref<1x632x128xf32, #tpu.memory_space<hbm>> -> memref<632x128xf32, #tpu.memory_space<hbm>>
      %dma_start3A_194 = arith.constant 0 : i32
      %dma_start3A_195 = tpu.memref_slice %arg33[%mul3A_188, %dma_start3A_194] : memref<10112x128xf32, #tpu.memory_space<vmem_shared>> -> memref<632x128xf32, #tpu.memory_space<vmem_shared>>
      tpu.enqueue_dma source(%dma_start3A_195 : memref<632x128xf32, #tpu.memory_space<vmem_shared>>) target(%dma_start3A_193 : memref<632x128xf32, #tpu.memory_space<hbm>>) target_semaphore(%run_scoped3A : memref<!tpu.dma_semaphore, #tpu.memory_space<semaphore_mem>>)
      %dma_wait3A_196 = arith.constant 0 : i32
      %dma_wait3A_197 = tpu.memref_slice %arg6[%arg0, %mul3A_190, %dma_wait3A_196] : memref<2x10112x128xf32, #tpu.memory_space<hbm>> -> memref<1x632x128xf32, #tpu.memory_space<hbm>>
      %dma_wait3A_198 = tpu.memref_squeeze %dma_wait3A_197 : memref<1x632x128xf32, #tpu.memory_space<hbm>> -> memref<632x128xf32, #tpu.memory_space<hbm>>
      %dma_wait3A_199 = arith.constant 0 : i32
      %dma_wait3A_200 = tpu.memref_slice %arg33[%mul3A_188, %dma_wait3A_199] : memref<10112x128xf32, #tpu.memory_space<vmem_shared>> -> memref<632x128xf32, #tpu.memory_space<vmem_shared>>
      tpu.wait_dma2 semaphore(%run_scoped3A : memref<!tpu.dma_semaphore, #tpu.memory_space<semaphore_mem>>) src(%dma_wait3A_200 : memref<632x128xf32, #tpu.memory_space<vmem_shared>>) dst(%dma_wait3A_198 : memref<632x128xf32, #tpu.memory_space<hbm>>)
      tpu.yield
    }) : () -> ()
    return
  }
}

module attributes {stable_mosaic.version = 14 : i64} {
  func.func @_dense1_body(%arg0: i32, %arg1: memref<1000x128xf32, #tpu.memory_space<vmem>>, %arg2: memref<128x128xf32, #tpu.memory_space<vmem>>, %arg3: memref<1x128xf32, #tpu.memory_space<vmem>>, %arg4: memref<2x1000x128xf32, #tpu.memory_space<vmem>>, %arg5: memref<1000x128xf32, #tpu.memory_space<vmem>>) attributes {dimension_semantics = [#tpu.dimension_semantics<arbitrary>], iteration_bounds = array<i64: 10>, scalar_prefetch = 0 : i64, scratch_operands = 0 : i64, tpu.core_type = #tpu.core_type<tc>, window_params = [{transform_indices = @transform_0, window_bounds = array<i64: 1000, 128>}, {pipeline_mode = #tpu.pipeline_mode<synchronous>, transform_indices = @transform_1, window_bounds = array<i64: 128, 128>}, {pipeline_mode = #tpu.pipeline_mode<synchronous>, transform_indices = @transform_2, window_bounds = array<i64: 1, 128>}, {transform_indices = @transform_3, window_bounds = array<i64: 2, 1000, 128>}, {transform_indices = @transform_4, window_bounds = array<i64: 1000, 128>}]} {
    %get3A = arith.constant 0 : index
    %get3A_0 = arith.constant 0 : index
    %get3A_1 = arith.constant 0 : index
    %get3A_2 = vector.load %arg4[%get3A, %get3A_0, %get3A_1] : memref<2x1000x128xf32, #tpu.memory_space<vmem>>, vector<2x1000x128xf32>
    %slice3A = vector.extract_strided_slice %get3A_2 {offsets = [0, 0, 0], sizes = [1, 1000, 128], strides = [1, 1, 1]} : vector<2x1000x128xf32> to vector<1x1000x128xf32>
    %squeeze3A = vector.shape_cast %slice3A : vector<1x1000x128xf32> to vector<1000x128xf32>
    %slice3A_3 = vector.extract_strided_slice %get3A_2 {offsets = [1, 0, 0], sizes = [1, 1000, 128], strides = [1, 1, 1]} : vector<2x1000x128xf32> to vector<1x1000x128xf32>
    %squeeze3A_4 = vector.shape_cast %slice3A_3 : vector<1x1000x128xf32> to vector<1000x128xf32>
    %add3A = arith.addf %squeeze3A, %squeeze3A_4 : vector<1000x128xf32>
    %reduce_max3A = arith.constant dense<0xFF800000> : vector<1000xf32>
    %reduce_max3A_5 = vector.multi_reduction <maximumf>, %add3A, %reduce_max3A [1] : vector<1000x128xf32> to vector<1000xf32>
    %broadcast_in_dim3A = vector.shape_cast %reduce_max3A_5 : vector<1000xf32> to vector<1000x1xf32>
    %add3A_6 = arith.constant 1.000000e+00 : f32
    %add3A_7 = vector.broadcast %add3A_6 : f32 to vector<1000x1xf32>
    %add3A_8 = arith.addf %broadcast_in_dim3A, %add3A_7 : vector<1000x1xf32>
    %rsqrt3A = math.rsqrt %add3A_8 : vector<1000x1xf32>
    %get3A_9 = arith.constant 0 : index
    %get3A_10 = arith.constant 0 : index
    %get3A_11 = vector.load %arg1[%get3A_9, %get3A_10] : memref<1000x128xf32, #tpu.memory_space<vmem>>, vector<1000x128xf32>
    %mul3A = arith.mulf %get3A_11, %get3A_11 : vector<1000x128xf32>
    %reduce_sum3A = arith.constant dense<0.000000e+00> : vector<1000xf32>
    %reduce_sum3A_12 = vector.multi_reduction <add>, %mul3A, %reduce_sum3A [1] : vector<1000x128xf32> to vector<1000xf32>
    %broadcast_in_dim3A_13 = vector.shape_cast %reduce_sum3A_12 : vector<1000xf32> to vector<1000x1xf32>
    %jit3A = arith.constant 1.000000e-15 : f32
    %max3A = vector.broadcast %jit3A : f32 to vector<1000x1xf32>
    %max3A_14 = arith.maximumf %max3A, %broadcast_in_dim3A_13 : vector<1000x1xf32>
    %sqrt3A = math.sqrt %max3A_14 : vector<1000x1xf32>
    %tanh3A = math.tanh %sqrt3A : vector<1000x1xf32>
    %mul3A_15 = vector.broadcast %tanh3A : vector<1000x1xf32> to vector<1000x128xf32>
    %mul3A_16 = arith.mulf %mul3A_15, %get3A_11 : vector<1000x128xf32>
    %div3A = vector.broadcast %sqrt3A : vector<1000x1xf32> to vector<1000x128xf32>
    %div3A_17 = arith.divf %mul3A_16, %div3A : vector<1000x128xf32>
    %sqrt3A_18 = arith.constant 1.000000e+00 : f32
    %sqrt3A_19 = math.sqrt %sqrt3A_18 : f32
    %div3A_20 = arith.constant 0.995999991 : f32
    %div3A_21 = arith.divf %div3A_20, %sqrt3A_19 : f32
    %mul3A_22 = arith.mulf %div3A_17, %div3A_17 : vector<1000x128xf32>
    %reduce_sum3A_23 = arith.constant dense<0.000000e+00> : vector<1000xf32>
    %reduce_sum3A_24 = vector.multi_reduction <add>, %mul3A_22, %reduce_sum3A_23 [1] : vector<1000x128xf32> to vector<1000xf32>
    %broadcast_in_dim3A_25 = vector.shape_cast %reduce_sum3A_24 : vector<1000xf32> to vector<1000x1xf32>
    %jit3A_26 = arith.constant 1.000000e-15 : f32
    %max3A_27 = vector.broadcast %jit3A_26 : f32 to vector<1000x1xf32>
    %max3A_28 = arith.maximumf %max3A_27, %broadcast_in_dim3A_25 : vector<1000x1xf32>
    %sqrt3A_29 = math.sqrt %max3A_28 : vector<1000x1xf32>
    %gt3A = vector.broadcast %div3A_21 : f32 to vector<1000x1xf32>
    %gt3A_30 = arith.cmpf ogt, %sqrt3A_29, %gt3A : vector<1000x1xf32>
    %div3A_31 = vector.broadcast %sqrt3A_29 : vector<1000x1xf32> to vector<1000x128xf32>
    %div3A_32 = arith.divf %div3A_17, %div3A_31 : vector<1000x128xf32>
    %mul3A_33 = vector.broadcast %div3A_21 : f32 to vector<1000x128xf32>
    %mul3A_34 = arith.mulf %div3A_32, %mul3A_33 : vector<1000x128xf32>
    %broadcast_in_dim3A_35 = vector.shape_cast %gt3A_30 : vector<1000x1xi1> to vector<1000x1xi1>
    %broadcast_in_dim3A_36 = vector.broadcast %broadcast_in_dim3A_35 : vector<1000x1xi1> to vector<1000x128xi1>
    %select_n3A = arith.select %broadcast_in_dim3A_36, %mul3A_34, %div3A_17 : vector<1000x128xi1>, vector<1000x128xf32>
    %get3A_37 = arith.constant 0 : index
    %get3A_38 = arith.constant 0 : index
    %get3A_39 = vector.load %arg2[%get3A_37, %get3A_38] : memref<128x128xf32, #tpu.memory_space<vmem>>, vector<128x128xf32>
    %get3A_40 = arith.constant 0 : index
    %get3A_41 = arith.constant 0 : index
    %get3A_42 = vector.load %arg3[%get3A_40, %get3A_41] : memref<1x128xf32, #tpu.memory_space<vmem>>, vector<1x128xf32>
    %dot_general3A = arith.constant dense<0.000000e+00> : vector<1000x128xf32>
    %dot_general3A_43 = tpu.matmul %select_n3A, %get3A_39, %dot_general3A {dimension_numbers = #tpu.dot_dimension_numbers<[1], [1], [0], [0], [0, 0, 1, 0], [], []>, transpose_lhs_hint = false} : vector<1000x128xf32>, vector<128x128xf32>, vector<1000x128xf32> -> vector<1000x128xf32>
    %mul3A_44 = arith.mulf %select_n3A, %select_n3A : vector<1000x128xf32>
    %reduce_sum3A_45 = arith.constant dense<0.000000e+00> : vector<1000xf32>
    %reduce_sum3A_46 = vector.multi_reduction <add>, %mul3A_44, %reduce_sum3A_45 [1] : vector<1000x128xf32> to vector<1000xf32>
    %broadcast_in_dim3A_47 = vector.shape_cast %reduce_sum3A_46 : vector<1000xf32> to vector<1000x1xf32>
    %jit3A_48 = arith.constant 1.000000e-15 : f32
    %max3A_49 = vector.broadcast %jit3A_48 : f32 to vector<1000x1xf32>
    %max3A_50 = arith.maximumf %max3A_49, %broadcast_in_dim3A_47 : vector<1000x1xf32>
    %sqrt3A_51 = math.sqrt %max3A_50 : vector<1000x1xf32>
    %mul3A_52 = arith.mulf %dot_general3A_43, %dot_general3A_43 : vector<1000x128xf32>
    %reduce_sum3A_53 = arith.constant dense<0.000000e+00> : vector<1000xf32>
    %reduce_sum3A_54 = vector.multi_reduction <add>, %mul3A_52, %reduce_sum3A_53 [1] : vector<1000x128xf32> to vector<1000xf32>
    %broadcast_in_dim3A_55 = vector.shape_cast %reduce_sum3A_54 : vector<1000xf32> to vector<1000x1xf32>
    %jit3A_56 = arith.constant 1.000000e-15 : f32
    %max3A_57 = vector.broadcast %jit3A_56 : f32 to vector<1000x1xf32>
    %max3A_58 = arith.maximumf %max3A_57, %broadcast_in_dim3A_55 : vector<1000x1xf32>
    %sqrt3A_59 = math.sqrt %max3A_58 : vector<1000x1xf32>
    %div3A_60 = arith.divf %sqrt3A_59, %sqrt3A_51 : vector<1000x1xf32>
    %jit3A_61 = arith.constant -0.99999988 : f32
    %jit3A_62 = arith.constant 0.99999988 : f32
    %max3A_63 = vector.broadcast %jit3A_61 : f32 to vector<1000x1xf32>
    %max3A_64 = arith.maximumf %max3A_63, %sqrt3A_51 : vector<1000x1xf32>
    %min3A = vector.broadcast %jit3A_62 : f32 to vector<1000x1xf32>
    %min3A_65 = arith.minimumf %min3A, %max3A_64 : vector<1000x1xf32>
    %add3A_66 = arith.constant 1.000000e+00 : f32
    %add3A_67 = vector.broadcast %add3A_66 : f32 to vector<1000x1xf32>
    %add3A_68 = arith.addf %add3A_67, %min3A_65 : vector<1000x1xf32>
    %sub3A = arith.constant 1.000000e+00 : f32
    %sub3A_69 = vector.broadcast %sub3A : f32 to vector<1000x1xf32>
    %sub3A_70 = arith.subf %sub3A_69, %min3A_65 : vector<1000x1xf32>
    %div3A_71 = arith.divf %add3A_68, %sub3A_70 : vector<1000x1xf32>
    %log3A = math.log %div3A_71 : vector<1000x1xf32>
    %mul3A_72 = arith.constant 5.000000e-01 : f32
    %mul3A_73 = vector.broadcast %mul3A_72 : f32 to vector<1000x1xf32>
    %mul3A_74 = arith.mulf %mul3A_73, %log3A : vector<1000x1xf32>
    %mul3A_75 = arith.mulf %div3A_60, %mul3A_74 : vector<1000x1xf32>
    %tanh3A_76 = math.tanh %mul3A_75 : vector<1000x1xf32>
    %mul3A_77 = vector.broadcast %tanh3A_76 : vector<1000x1xf32> to vector<1000x128xf32>
    %mul3A_78 = arith.mulf %mul3A_77, %dot_general3A_43 : vector<1000x128xf32>
    %div3A_79 = vector.broadcast %sqrt3A_59 : vector<1000x1xf32> to vector<1000x128xf32>
    %div3A_80 = arith.divf %mul3A_78, %div3A_79 : vector<1000x128xf32>
    %sqrt3A_81 = arith.constant 1.000000e+00 : f32
    %sqrt3A_82 = math.sqrt %sqrt3A_81 : f32
    %div3A_83 = arith.constant 0.995999991 : f32
    %div3A_84 = arith.divf %div3A_83, %sqrt3A_82 : f32
    %mul3A_85 = arith.mulf %div3A_80, %div3A_80 : vector<1000x128xf32>
    %reduce_sum3A_86 = arith.constant dense<0.000000e+00> : vector<1000xf32>
    %reduce_sum3A_87 = vector.multi_reduction <add>, %mul3A_85, %reduce_sum3A_86 [1] : vector<1000x128xf32> to vector<1000xf32>
    %broadcast_in_dim3A_88 = vector.shape_cast %reduce_sum3A_87 : vector<1000xf32> to vector<1000x1xf32>
    %jit3A_89 = arith.constant 1.000000e-15 : f32
    %max3A_90 = vector.broadcast %jit3A_89 : f32 to vector<1000x1xf32>
    %max3A_91 = arith.maximumf %max3A_90, %broadcast_in_dim3A_88 : vector<1000x1xf32>
    %sqrt3A_92 = math.sqrt %max3A_91 : vector<1000x1xf32>
    %gt3A_93 = vector.broadcast %div3A_84 : f32 to vector<1000x1xf32>
    %gt3A_94 = arith.cmpf ogt, %sqrt3A_92, %gt3A_93 : vector<1000x1xf32>
    %div3A_95 = vector.broadcast %sqrt3A_92 : vector<1000x1xf32> to vector<1000x128xf32>
    %div3A_96 = arith.divf %div3A_80, %div3A_95 : vector<1000x128xf32>
    %mul3A_97 = vector.broadcast %div3A_84 : f32 to vector<1000x128xf32>
    %mul3A_98 = arith.mulf %div3A_96, %mul3A_97 : vector<1000x128xf32>
    %broadcast_in_dim3A_99 = vector.shape_cast %gt3A_94 : vector<1000x1xi1> to vector<1000x1xi1>
    %broadcast_in_dim3A_100 = vector.broadcast %broadcast_in_dim3A_99 : vector<1000x1xi1> to vector<1000x128xi1>
    %select_n3A_101 = arith.select %broadcast_in_dim3A_100, %mul3A_98, %div3A_80 : vector<1000x128xi1>, vector<1000x128xf32>
    %mul3A_102 = arith.mulf %get3A_42, %get3A_42 : vector<1x128xf32>
    %reduce_sum3A_103 = arith.constant dense<0.000000e+00> : vector<1xf32>
    %reduce_sum3A_104 = vector.multi_reduction <add>, %mul3A_102, %reduce_sum3A_103 [1] : vector<1x128xf32> to vector<1xf32>
    %broadcast_in_dim3A_105 = vector.shape_cast %reduce_sum3A_104 : vector<1xf32> to vector<1x1xf32>
    %jit3A_106 = arith.constant 1.000000e-15 : f32
    %max3A_107 = vector.broadcast %jit3A_106 : f32 to vector<1x1xf32>
    %max3A_108 = arith.maximumf %max3A_107, %broadcast_in_dim3A_105 : vector<1x1xf32>
    %sqrt3A_109 = math.sqrt %max3A_108 : vector<1x1xf32>
    %tanh3A_110 = math.tanh %sqrt3A_109 : vector<1x1xf32>
    %mul3A_111 = vector.broadcast %tanh3A_110 : vector<1x1xf32> to vector<1x128xf32>
    %mul3A_112 = arith.mulf %mul3A_111, %get3A_42 : vector<1x128xf32>
    %div3A_113 = vector.broadcast %sqrt3A_109 : vector<1x1xf32> to vector<1x128xf32>
    %div3A_114 = arith.divf %mul3A_112, %div3A_113 : vector<1x128xf32>
    %sqrt3A_115 = arith.constant 1.000000e+00 : f32
    %sqrt3A_116 = math.sqrt %sqrt3A_115 : f32
    %div3A_117 = arith.constant 0.995999991 : f32
    %div3A_118 = arith.divf %div3A_117, %sqrt3A_116 : f32
    %mul3A_119 = arith.mulf %div3A_114, %div3A_114 : vector<1x128xf32>
    %reduce_sum3A_120 = arith.constant dense<0.000000e+00> : vector<1xf32>
    %reduce_sum3A_121 = vector.multi_reduction <add>, %mul3A_119, %reduce_sum3A_120 [1] : vector<1x128xf32> to vector<1xf32>
    %broadcast_in_dim3A_122 = vector.shape_cast %reduce_sum3A_121 : vector<1xf32> to vector<1x1xf32>
    %jit3A_123 = arith.constant 1.000000e-15 : f32
    %max3A_124 = vector.broadcast %jit3A_123 : f32 to vector<1x1xf32>
    %max3A_125 = arith.maximumf %max3A_124, %broadcast_in_dim3A_122 : vector<1x1xf32>
    %sqrt3A_126 = math.sqrt %max3A_125 : vector<1x1xf32>
    %gt3A_127 = vector.broadcast %div3A_118 : f32 to vector<1x1xf32>
    %gt3A_128 = arith.cmpf ogt, %sqrt3A_126, %gt3A_127 : vector<1x1xf32>
    %div3A_129 = vector.broadcast %sqrt3A_126 : vector<1x1xf32> to vector<1x128xf32>
    %div3A_130 = arith.divf %div3A_114, %div3A_129 : vector<1x128xf32>
    %mul3A_131 = vector.broadcast %div3A_118 : f32 to vector<1x128xf32>
    %mul3A_132 = arith.mulf %div3A_130, %mul3A_131 : vector<1x128xf32>
    %broadcast_in_dim3A_133 = vector.shape_cast %gt3A_128 : vector<1x1xi1> to vector<1x1xi1>
    %broadcast_in_dim3A_134 = vector.broadcast %broadcast_in_dim3A_133 : vector<1x1xi1> to vector<1x128xi1>
    %select_n3A_135 = arith.select %broadcast_in_dim3A_134, %mul3A_132, %div3A_114 : vector<1x128xi1>, vector<1x128xf32>
    %mul3A_136 = arith.mulf %select_n3A_101, %select_n3A_101 : vector<1000x128xf32>
    %reduce_sum3A_137 = arith.constant dense<0.000000e+00> : vector<1000xf32>
    %reduce_sum3A_138 = vector.multi_reduction <add>, %mul3A_136, %reduce_sum3A_137 [1] : vector<1000x128xf32> to vector<1000xf32>
    %broadcast_in_dim3A_139 = vector.shape_cast %reduce_sum3A_138 : vector<1000xf32> to vector<1000x1xf32>
    %mul3A_140 = arith.mulf %select_n3A_135, %select_n3A_135 : vector<1x128xf32>
    %reduce_sum3A_141 = arith.constant dense<0.000000e+00> : vector<1xf32>
    %reduce_sum3A_142 = vector.multi_reduction <add>, %mul3A_140, %reduce_sum3A_141 [1] : vector<1x128xf32> to vector<1xf32>
    %broadcast_in_dim3A_143 = vector.shape_cast %reduce_sum3A_142 : vector<1xf32> to vector<1x1xf32>
    %mul3A_144 = vector.broadcast %select_n3A_135 : vector<1x128xf32> to vector<1000x128xf32>
    %mul3A_145 = arith.mulf %select_n3A_101, %mul3A_144 : vector<1000x128xf32>
    %reduce_sum3A_146 = arith.constant dense<0.000000e+00> : vector<1000xf32>
    %reduce_sum3A_147 = vector.multi_reduction <add>, %mul3A_145, %reduce_sum3A_146 [1] : vector<1000x128xf32> to vector<1000xf32>
    %broadcast_in_dim3A_148 = vector.shape_cast %reduce_sum3A_147 : vector<1000xf32> to vector<1000x1xf32>
    %mul3A_149 = arith.constant 2.000000e+00 : f32
    %mul3A_150 = vector.broadcast %mul3A_149 : f32 to vector<1000x1xf32>
    %mul3A_151 = arith.mulf %mul3A_150, %broadcast_in_dim3A_148 : vector<1000x1xf32>
    %add3A_152 = arith.constant 1.000000e+00 : f32
    %add3A_153 = vector.broadcast %add3A_152 : f32 to vector<1000x1xf32>
    %add3A_154 = arith.addf %add3A_153, %mul3A_151 : vector<1000x1xf32>
    %add3A_155 = vector.broadcast %broadcast_in_dim3A_143 : vector<1x1xf32> to vector<1000x1xf32>
    %add3A_156 = arith.addf %add3A_154, %add3A_155 : vector<1000x1xf32>
    %mul3A_157 = vector.broadcast %add3A_156 : vector<1000x1xf32> to vector<1000x128xf32>
    %mul3A_158 = arith.mulf %mul3A_157, %select_n3A_101 : vector<1000x128xf32>
    %sub3A_159 = arith.constant 1.000000e+00 : f32
    %sub3A_160 = vector.broadcast %sub3A_159 : f32 to vector<1000x1xf32>
    %sub3A_161 = arith.subf %sub3A_160, %broadcast_in_dim3A_139 : vector<1000x1xf32>
    %mul3A_162 = vector.broadcast %sub3A_161 : vector<1000x1xf32> to vector<1000x128xf32>
    %mul3A_163 = vector.broadcast %select_n3A_135 : vector<1x128xf32> to vector<1000x128xf32>
    %mul3A_164 = arith.mulf %mul3A_162, %mul3A_163 : vector<1000x128xf32>
    %add3A_165 = arith.addf %mul3A_158, %mul3A_164 : vector<1000x128xf32>
    %mul3A_166 = arith.constant 2.000000e+00 : f32
    %mul3A_167 = vector.broadcast %mul3A_166 : f32 to vector<1000x1xf32>
    %mul3A_168 = arith.mulf %mul3A_167, %broadcast_in_dim3A_148 : vector<1000x1xf32>
    %add3A_169 = arith.constant 1.000000e+00 : f32
    %add3A_170 = vector.broadcast %add3A_169 : f32 to vector<1000x1xf32>
    %add3A_171 = arith.addf %add3A_170, %mul3A_168 : vector<1000x1xf32>
    %mul3A_172 = vector.broadcast %broadcast_in_dim3A_143 : vector<1x1xf32> to vector<1000x1xf32>
    %mul3A_173 = arith.mulf %broadcast_in_dim3A_139, %mul3A_172 : vector<1000x1xf32>
    %add3A_174 = arith.addf %add3A_171, %mul3A_173 : vector<1000x1xf32>
    %jit3A_175 = arith.constant 1.000000e-15 : f32
    %max3A_176 = vector.broadcast %jit3A_175 : f32 to vector<1000x1xf32>
    %max3A_177 = arith.maximumf %max3A_176, %add3A_174 : vector<1000x1xf32>
    %div3A_178 = vector.broadcast %max3A_177 : vector<1000x1xf32> to vector<1000x128xf32>
    %div3A_179 = arith.divf %add3A_165, %div3A_178 : vector<1000x128xf32>
    %sqrt3A_180 = arith.constant 1.000000e+00 : f32
    %sqrt3A_181 = math.sqrt %sqrt3A_180 : f32
    %div3A_182 = arith.constant 0.995999991 : f32
    %div3A_183 = arith.divf %div3A_182, %sqrt3A_181 : f32
    %mul3A_184 = arith.mulf %div3A_179, %div3A_179 : vector<1000x128xf32>
    %reduce_sum3A_185 = arith.constant dense<0.000000e+00> : vector<1000xf32>
    %reduce_sum3A_186 = vector.multi_reduction <add>, %mul3A_184, %reduce_sum3A_185 [1] : vector<1000x128xf32> to vector<1000xf32>
    %broadcast_in_dim3A_187 = vector.shape_cast %reduce_sum3A_186 : vector<1000xf32> to vector<1000x1xf32>
    %jit3A_188 = arith.constant 1.000000e-15 : f32
    %max3A_189 = vector.broadcast %jit3A_188 : f32 to vector<1000x1xf32>
    %max3A_190 = arith.maximumf %max3A_189, %broadcast_in_dim3A_187 : vector<1000x1xf32>
    %sqrt3A_191 = math.sqrt %max3A_190 : vector<1000x1xf32>
    %gt3A_192 = vector.broadcast %div3A_183 : f32 to vector<1000x1xf32>
    %gt3A_193 = arith.cmpf ogt, %sqrt3A_191, %gt3A_192 : vector<1000x1xf32>
    %div3A_194 = vector.broadcast %sqrt3A_191 : vector<1000x1xf32> to vector<1000x128xf32>
    %div3A_195 = arith.divf %div3A_179, %div3A_194 : vector<1000x128xf32>
    %mul3A_196 = vector.broadcast %div3A_183 : f32 to vector<1000x128xf32>
    %mul3A_197 = arith.mulf %div3A_195, %mul3A_196 : vector<1000x128xf32>
    %broadcast_in_dim3A_198 = vector.shape_cast %gt3A_193 : vector<1000x1xi1> to vector<1000x1xi1>
    %broadcast_in_dim3A_199 = vector.broadcast %broadcast_in_dim3A_198 : vector<1000x1xi1> to vector<1000x128xi1>
    %select_n3A_200 = arith.select %broadcast_in_dim3A_199, %mul3A_197, %div3A_179 : vector<1000x128xi1>, vector<1000x128xf32>
    %mul3A_201 = arith.mulf %select_n3A_200, %select_n3A_200 : vector<1000x128xf32>
    %reduce_sum3A_202 = arith.constant dense<0.000000e+00> : vector<1000xf32>
    %reduce_sum3A_203 = vector.multi_reduction <add>, %mul3A_201, %reduce_sum3A_202 [1] : vector<1000x128xf32> to vector<1000xf32>
    %broadcast_in_dim3A_204 = vector.shape_cast %reduce_sum3A_203 : vector<1000xf32> to vector<1000x1xf32>
    %jit3A_205 = arith.constant 1.000000e-15 : f32
    %max3A_206 = vector.broadcast %jit3A_205 : f32 to vector<1000x1xf32>
    %max3A_207 = arith.maximumf %max3A_206, %broadcast_in_dim3A_204 : vector<1000x1xf32>
    %sqrt3A_208 = math.sqrt %max3A_207 : vector<1000x1xf32>
    %jit3A_209 = arith.constant -0.99999988 : f32
    %jit3A_210 = arith.constant 0.99999988 : f32
    %max3A_211 = vector.broadcast %jit3A_209 : f32 to vector<1000x1xf32>
    %max3A_212 = arith.maximumf %max3A_211, %sqrt3A_208 : vector<1000x1xf32>
    %min3A_213 = vector.broadcast %jit3A_210 : f32 to vector<1000x1xf32>
    %min3A_214 = arith.minimumf %min3A_213, %max3A_212 : vector<1000x1xf32>
    %add3A_215 = arith.constant 1.000000e+00 : f32
    %add3A_216 = vector.broadcast %add3A_215 : f32 to vector<1000x1xf32>
    %add3A_217 = arith.addf %add3A_216, %min3A_214 : vector<1000x1xf32>
    %sub3A_218 = arith.constant 1.000000e+00 : f32
    %sub3A_219 = vector.broadcast %sub3A_218 : f32 to vector<1000x1xf32>
    %sub3A_220 = arith.subf %sub3A_219, %min3A_214 : vector<1000x1xf32>
    %div3A_221 = arith.divf %add3A_217, %sub3A_220 : vector<1000x1xf32>
    %log3A_222 = math.log %div3A_221 : vector<1000x1xf32>
    %mul3A_223 = arith.constant 5.000000e-01 : f32
    %mul3A_224 = vector.broadcast %mul3A_223 : f32 to vector<1000x1xf32>
    %mul3A_225 = arith.mulf %mul3A_224, %log3A_222 : vector<1000x1xf32>
    %mul3A_226 = vector.broadcast %mul3A_225 : vector<1000x1xf32> to vector<1000x128xf32>
    %mul3A_227 = arith.mulf %mul3A_226, %select_n3A_200 : vector<1000x128xf32>
    %div3A_228 = vector.broadcast %sqrt3A_208 : vector<1000x1xf32> to vector<1000x128xf32>
    %div3A_229 = arith.divf %mul3A_227, %div3A_228 : vector<1000x128xf32>
    %mul3A_230 = vector.broadcast %rsqrt3A : vector<1000x1xf32> to vector<1000x128xf32>
    %mul3A_231 = arith.mulf %mul3A_230, %div3A_229 : vector<1000x128xf32>
    %swap3A = arith.constant 0 : index
    %swap3A_232 = arith.constant 0 : index
    %swap3A_233 = vector.load %arg5[%swap3A, %swap3A_232] : memref<1000x128xf32, #tpu.memory_space<vmem>>, vector<1000x128xf32>
    tpu.vector_store %arg5[%swap3A, %swap3A_232], %mul3A_231 {strides = array<i32>} : memref<1000x128xf32, #tpu.memory_space<vmem>>, vector<1000x128xf32>,
    return
  }
  func.func @transform_0(%arg0: i32) -> (i32, i32) {
    %c0_i32 = arith.constant 0 : i32
    %c0_i32_0 = arith.constant 0 : i32
    return %arg0, %c0_i32 : i32, i32
  }
  func.func @transform_1(%arg0: i32) -> (i32, i32) {
    %c0_i32 = arith.constant 0 : i32
    %c0_i32_0 = arith.constant 0 : i32
    %c0_i32_1 = arith.constant 0 : i32
    return %c0_i32, %c0_i32_0 : i32, i32
  }
  func.func @transform_2(%arg0: i32) -> (i32, i32) {
    %c0_i32 = arith.constant 0 : i32
    %c0_i32_0 = arith.constant 0 : i32
    %c0_i32_1 = arith.constant 0 : i32
    return %c0_i32, %c0_i32_0 : i32, i32
  }
  func.func @transform_3(%arg0: i32) -> (i32, i32, i32) {
    %c0_i32 = arith.constant 0 : i32
    %c0_i32_0 = arith.constant 0 : i32
    %c0_i32_1 = arith.constant 0 : i32
    return %c0_i32, %arg0, %c0_i32_0 : i32, i32, i32
  }
  func.func @transform_4(%arg0: i32) -> (i32, i32) {
    %c0_i32 = arith.constant 0 : i32
    %c0_i32_0 = arith.constant 0 : i32
    return %arg0, %c0_i32 : i32, i32
  }
}

module attributes {stable_mosaic.version = 14 : i64} {
  func.func @_dense2_body(%arg0: i32, %arg1: memref<2x1000x128xf32, #tpu.memory_space<vmem>>, %arg2: memref<1000x128xf32, #tpu.memory_space<vmem>>, %arg3: memref<2x1000x128xf32, #tpu.memory_space<vmem>>, %arg4: memref<128x128xf32, #tpu.memory_space<vmem>>, %arg5: memref<1x128xf32, #tpu.memory_space<vmem>>, %arg6: memref<1000x128xf32, #tpu.memory_space<vmem>>) attributes {dimension_semantics = [#tpu.dimension_semantics<arbitrary>], iteration_bounds = array<i64: 10>, scalar_prefetch = 0 : i64, scratch_operands = 0 : i64, tpu.core_type = #tpu.core_type<tc>, window_params = [{transform_indices = @transform_0, window_bounds = array<i64: 2, 1000, 128>}, {transform_indices = @transform_1, window_bounds = array<i64: 1000, 128>}, {transform_indices = @transform_2, window_bounds = array<i64: 2, 1000, 128>}, {pipeline_mode = #tpu.pipeline_mode<synchronous>, transform_indices = @transform_3, window_bounds = array<i64: 128, 128>}, {pipeline_mode = #tpu.pipeline_mode<synchronous>, transform_indices = @transform_4, window_bounds = array<i64: 1, 128>}, {transform_indices = @transform_5, window_bounds = array<i64: 1000, 128>}]} {
    %get3A = arith.constant 0 : index
    %get3A_0 = arith.constant 0 : index
    %get3A_1 = arith.constant 0 : index
    %get3A_2 = vector.load %arg3[%get3A, %get3A_0, %get3A_1] : memref<2x1000x128xf32, #tpu.memory_space<vmem>>, vector<2x1000x128xf32>
    %slice3A = vector.extract_strided_slice %get3A_2 {offsets = [0, 0, 0], sizes = [1, 1000, 128], strides = [1, 1, 1]} : vector<2x1000x128xf32> to vector<1x1000x128xf32>
    %squeeze3A = vector.shape_cast %slice3A : vector<1x1000x128xf32> to vector<1000x128xf32>
    %slice3A_3 = vector.extract_strided_slice %get3A_2 {offsets = [1, 0, 0], sizes = [1, 1000, 128], strides = [1, 1, 1]} : vector<2x1000x128xf32> to vector<1x1000x128xf32>
    %squeeze3A_4 = vector.shape_cast %slice3A_3 : vector<1x1000x128xf32> to vector<1000x128xf32>
    %add3A = arith.addf %squeeze3A, %squeeze3A_4 : vector<1000x128xf32>
    %reduce_max3A = arith.constant dense<0xFF800000> : vector<1000xf32>
    %reduce_max3A_5 = vector.multi_reduction <maximumf>, %add3A, %reduce_max3A [1] : vector<1000x128xf32> to vector<1000xf32>
    %broadcast_in_dim3A = vector.shape_cast %reduce_max3A_5 : vector<1000xf32> to vector<1000x1xf32>
    %add3A_6 = arith.constant 1.000000e+00 : f32
    %add3A_7 = vector.broadcast %add3A_6 : f32 to vector<1000x1xf32>
    %add3A_8 = arith.addf %broadcast_in_dim3A, %add3A_7 : vector<1000x1xf32>
    %rsqrt3A = math.rsqrt %add3A_8 : vector<1000x1xf32>
    %get3A_9 = arith.constant 0 : index
    %get3A_10 = arith.constant 0 : index
    %get3A_11 = arith.constant 0 : index
    %get3A_12 = vector.load %arg1[%get3A_9, %get3A_10, %get3A_11] : memref<2x1000x128xf32, #tpu.memory_space<vmem>>, vector<1x1000x128xf32>
    %get3A_13 = vector.shape_cast %get3A_12 : vector<1x1000x128xf32> to vector<1000x128xf32>
    %get3A_14 = arith.constant 1 : index
    %get3A_15 = arith.constant 0 : index
    %get3A_16 = arith.constant 0 : index
    %get3A_17 = vector.load %arg1[%get3A_14, %get3A_15, %get3A_16] : memref<2x1000x128xf32, #tpu.memory_space<vmem>>, vector<1x1000x128xf32>
    %get3A_18 = vector.shape_cast %get3A_17 : vector<1x1000x128xf32> to vector<1000x128xf32>
    %add3A_19 = arith.addf %get3A_13, %get3A_18 : vector<1000x128xf32>
    %get3A_20 = arith.constant 0 : index
    %get3A_21 = arith.constant 0 : index
    %get3A_22 = vector.load %arg2[%get3A_20, %get3A_21] : memref<1000x128xf32, #tpu.memory_space<vmem>>, vector<1000x128xf32>
    %add3A_23 = arith.addf %add3A_19, %get3A_22 : vector<1000x128xf32>
    %mul3A = vector.broadcast %rsqrt3A : vector<1000x1xf32> to vector<1000x128xf32>
    %mul3A_24 = arith.mulf %mul3A, %add3A_23 : vector<1000x128xf32>
    %mul3A_25 = arith.mulf %mul3A_24, %mul3A_24 : vector<1000x128xf32>
    %reduce_sum3A = arith.constant dense<0.000000e+00> : vector<1000xf32>
    %reduce_sum3A_26 = vector.multi_reduction <add>, %mul3A_25, %reduce_sum3A [1] : vector<1000x128xf32> to vector<1000xf32>
    %broadcast_in_dim3A_27 = vector.shape_cast %reduce_sum3A_26 : vector<1000xf32> to vector<1000x1xf32>
    %jit3A = arith.constant 1.000000e-15 : f32
    %max3A = vector.broadcast %jit3A : f32 to vector<1000x1xf32>
    %max3A_28 = arith.maximumf %max3A, %broadcast_in_dim3A_27 : vector<1000x1xf32>
    %sqrt3A = math.sqrt %max3A_28 : vector<1000x1xf32>
    %tanh3A = math.tanh %sqrt3A : vector<1000x1xf32>
    %mul3A_29 = vector.broadcast %tanh3A : vector<1000x1xf32> to vector<1000x128xf32>
    %mul3A_30 = arith.mulf %mul3A_29, %mul3A_24 : vector<1000x128xf32>
    %div3A = vector.broadcast %sqrt3A : vector<1000x1xf32> to vector<1000x128xf32>
    %div3A_31 = arith.divf %mul3A_30, %div3A : vector<1000x128xf32>
    %sqrt3A_32 = arith.constant 1.000000e+00 : f32
    %sqrt3A_33 = math.sqrt %sqrt3A_32 : f32
    %div3A_34 = arith.constant 0.995999991 : f32
    %div3A_35 = arith.divf %div3A_34, %sqrt3A_33 : f32
    %mul3A_36 = arith.mulf %div3A_31, %div3A_31 : vector<1000x128xf32>
    %reduce_sum3A_37 = arith.constant dense<0.000000e+00> : vector<1000xf32>
    %reduce_sum3A_38 = vector.multi_reduction <add>, %mul3A_36, %reduce_sum3A_37 [1] : vector<1000x128xf32> to vector<1000xf32>
    %broadcast_in_dim3A_39 = vector.shape_cast %reduce_sum3A_38 : vector<1000xf32> to vector<1000x1xf32>
    %jit3A_40 = arith.constant 1.000000e-15 : f32
    %max3A_41 = vector.broadcast %jit3A_40 : f32 to vector<1000x1xf32>
    %max3A_42 = arith.maximumf %max3A_41, %broadcast_in_dim3A_39 : vector<1000x1xf32>
    %sqrt3A_43 = math.sqrt %max3A_42 : vector<1000x1xf32>
    %gt3A = vector.broadcast %div3A_35 : f32 to vector<1000x1xf32>
    %gt3A_44 = arith.cmpf ogt, %sqrt3A_43, %gt3A : vector<1000x1xf32>
    %div3A_45 = vector.broadcast %sqrt3A_43 : vector<1000x1xf32> to vector<1000x128xf32>
    %div3A_46 = arith.divf %div3A_31, %div3A_45 : vector<1000x128xf32>
    %mul3A_47 = vector.broadcast %div3A_35 : f32 to vector<1000x128xf32>
    %mul3A_48 = arith.mulf %div3A_46, %mul3A_47 : vector<1000x128xf32>
    %broadcast_in_dim3A_49 = vector.shape_cast %gt3A_44 : vector<1000x1xi1> to vector<1000x1xi1>
    %broadcast_in_dim3A_50 = vector.broadcast %broadcast_in_dim3A_49 : vector<1000x1xi1> to vector<1000x128xi1>
    %select_n3A = arith.select %broadcast_in_dim3A_50, %mul3A_48, %div3A_31 : vector<1000x128xi1>, vector<1000x128xf32>
    %get3A_51 = arith.constant 0 : index
    %get3A_52 = arith.constant 0 : index
    %get3A_53 = vector.load %arg4[%get3A_51, %get3A_52] : memref<128x128xf32, #tpu.memory_space<vmem>>, vector<128x128xf32>
    %get3A_54 = arith.constant 0 : index
    %get3A_55 = arith.constant 0 : index
    %get3A_56 = vector.load %arg5[%get3A_54, %get3A_55] : memref<1x128xf32, #tpu.memory_space<vmem>>, vector<1x128xf32>
    %dot_general3A = arith.constant dense<0.000000e+00> : vector<1000x128xf32>
    %dot_general3A_57 = tpu.matmul %select_n3A, %get3A_53, %dot_general3A {dimension_numbers = #tpu.dot_dimension_numbers<[1], [1], [0], [0], [0, 0, 1, 0], [], []>, transpose_lhs_hint = false} : vector<1000x128xf32>, vector<128x128xf32>, vector<1000x128xf32> -> vector<1000x128xf32>
    %mul3A_58 = arith.mulf %select_n3A, %select_n3A : vector<1000x128xf32>
    %reduce_sum3A_59 = arith.constant dense<0.000000e+00> : vector<1000xf32>
    %reduce_sum3A_60 = vector.multi_reduction <add>, %mul3A_58, %reduce_sum3A_59 [1] : vector<1000x128xf32> to vector<1000xf32>
    %broadcast_in_dim3A_61 = vector.shape_cast %reduce_sum3A_60 : vector<1000xf32> to vector<1000x1xf32>
    %jit3A_62 = arith.constant 1.000000e-15 : f32
    %max3A_63 = vector.broadcast %jit3A_62 : f32 to vector<1000x1xf32>
    %max3A_64 = arith.maximumf %max3A_63, %broadcast_in_dim3A_61 : vector<1000x1xf32>
    %sqrt3A_65 = math.sqrt %max3A_64 : vector<1000x1xf32>
    %mul3A_66 = arith.mulf %dot_general3A_57, %dot_general3A_57 : vector<1000x128xf32>
    %reduce_sum3A_67 = arith.constant dense<0.000000e+00> : vector<1000xf32>
    %reduce_sum3A_68 = vector.multi_reduction <add>, %mul3A_66, %reduce_sum3A_67 [1] : vector<1000x128xf32> to vector<1000xf32>
    %broadcast_in_dim3A_69 = vector.shape_cast %reduce_sum3A_68 : vector<1000xf32> to vector<1000x1xf32>
    %jit3A_70 = arith.constant 1.000000e-15 : f32
    %max3A_71 = vector.broadcast %jit3A_70 : f32 to vector<1000x1xf32>
    %max3A_72 = arith.maximumf %max3A_71, %broadcast_in_dim3A_69 : vector<1000x1xf32>
    %sqrt3A_73 = math.sqrt %max3A_72 : vector<1000x1xf32>
    %div3A_74 = arith.divf %sqrt3A_73, %sqrt3A_65 : vector<1000x1xf32>
    %jit3A_75 = arith.constant -0.99999988 : f32
    %jit3A_76 = arith.constant 0.99999988 : f32
    %max3A_77 = vector.broadcast %jit3A_75 : f32 to vector<1000x1xf32>
    %max3A_78 = arith.maximumf %max3A_77, %sqrt3A_65 : vector<1000x1xf32>
    %min3A = vector.broadcast %jit3A_76 : f32 to vector<1000x1xf32>
    %min3A_79 = arith.minimumf %min3A, %max3A_78 : vector<1000x1xf32>
    %add3A_80 = arith.constant 1.000000e+00 : f32
    %add3A_81 = vector.broadcast %add3A_80 : f32 to vector<1000x1xf32>
    %add3A_82 = arith.addf %add3A_81, %min3A_79 : vector<1000x1xf32>
    %sub3A = arith.constant 1.000000e+00 : f32
    %sub3A_83 = vector.broadcast %sub3A : f32 to vector<1000x1xf32>
    %sub3A_84 = arith.subf %sub3A_83, %min3A_79 : vector<1000x1xf32>
    %div3A_85 = arith.divf %add3A_82, %sub3A_84 : vector<1000x1xf32>
    %log3A = math.log %div3A_85 : vector<1000x1xf32>
    %mul3A_86 = arith.constant 5.000000e-01 : f32
    %mul3A_87 = vector.broadcast %mul3A_86 : f32 to vector<1000x1xf32>
    %mul3A_88 = arith.mulf %mul3A_87, %log3A : vector<1000x1xf32>
    %mul3A_89 = arith.mulf %div3A_74, %mul3A_88 : vector<1000x1xf32>
    %tanh3A_90 = math.tanh %mul3A_89 : vector<1000x1xf32>
    %mul3A_91 = vector.broadcast %tanh3A_90 : vector<1000x1xf32> to vector<1000x128xf32>
    %mul3A_92 = arith.mulf %mul3A_91, %dot_general3A_57 : vector<1000x128xf32>
    %div3A_93 = vector.broadcast %sqrt3A_73 : vector<1000x1xf32> to vector<1000x128xf32>
    %div3A_94 = arith.divf %mul3A_92, %div3A_93 : vector<1000x128xf32>
    %sqrt3A_95 = arith.constant 1.000000e+00 : f32
    %sqrt3A_96 = math.sqrt %sqrt3A_95 : f32
    %div3A_97 = arith.constant 0.995999991 : f32
    %div3A_98 = arith.divf %div3A_97, %sqrt3A_96 : f32
    %mul3A_99 = arith.mulf %div3A_94, %div3A_94 : vector<1000x128xf32>
    %reduce_sum3A_100 = arith.constant dense<0.000000e+00> : vector<1000xf32>
    %reduce_sum3A_101 = vector.multi_reduction <add>, %mul3A_99, %reduce_sum3A_100 [1] : vector<1000x128xf32> to vector<1000xf32>
    %broadcast_in_dim3A_102 = vector.shape_cast %reduce_sum3A_101 : vector<1000xf32> to vector<1000x1xf32>
    %jit3A_103 = arith.constant 1.000000e-15 : f32
    %max3A_104 = vector.broadcast %jit3A_103 : f32 to vector<1000x1xf32>
    %max3A_105 = arith.maximumf %max3A_104, %broadcast_in_dim3A_102 : vector<1000x1xf32>
    %sqrt3A_106 = math.sqrt %max3A_105 : vector<1000x1xf32>
    %gt3A_107 = vector.broadcast %div3A_98 : f32 to vector<1000x1xf32>
    %gt3A_108 = arith.cmpf ogt, %sqrt3A_106, %gt3A_107 : vector<1000x1xf32>
    %div3A_109 = vector.broadcast %sqrt3A_106 : vector<1000x1xf32> to vector<1000x128xf32>
    %div3A_110 = arith.divf %div3A_94, %div3A_109 : vector<1000x128xf32>
    %mul3A_111 = vector.broadcast %div3A_98 : f32 to vector<1000x128xf32>
    %mul3A_112 = arith.mulf %div3A_110, %mul3A_111 : vector<1000x128xf32>
    %broadcast_in_dim3A_113 = vector.shape_cast %gt3A_108 : vector<1000x1xi1> to vector<1000x1xi1>
    %broadcast_in_dim3A_114 = vector.broadcast %broadcast_in_dim3A_113 : vector<1000x1xi1> to vector<1000x128xi1>
    %select_n3A_115 = arith.select %broadcast_in_dim3A_114, %mul3A_112, %div3A_94 : vector<1000x128xi1>, vector<1000x128xf32>
    %mul3A_116 = arith.mulf %get3A_56, %get3A_56 : vector<1x128xf32>
    %reduce_sum3A_117 = arith.constant dense<0.000000e+00> : vector<1xf32>
    %reduce_sum3A_118 = vector.multi_reduction <add>, %mul3A_116, %reduce_sum3A_117 [1] : vector<1x128xf32> to vector<1xf32>
    %broadcast_in_dim3A_119 = vector.shape_cast %reduce_sum3A_118 : vector<1xf32> to vector<1x1xf32>
    %jit3A_120 = arith.constant 1.000000e-15 : f32
    %max3A_121 = vector.broadcast %jit3A_120 : f32 to vector<1x1xf32>
    %max3A_122 = arith.maximumf %max3A_121, %broadcast_in_dim3A_119 : vector<1x1xf32>
    %sqrt3A_123 = math.sqrt %max3A_122 : vector<1x1xf32>
    %tanh3A_124 = math.tanh %sqrt3A_123 : vector<1x1xf32>
    %mul3A_125 = vector.broadcast %tanh3A_124 : vector<1x1xf32> to vector<1x128xf32>
    %mul3A_126 = arith.mulf %mul3A_125, %get3A_56 : vector<1x128xf32>
    %div3A_127 = vector.broadcast %sqrt3A_123 : vector<1x1xf32> to vector<1x128xf32>
    %div3A_128 = arith.divf %mul3A_126, %div3A_127 : vector<1x128xf32>
    %sqrt3A_129 = arith.constant 1.000000e+00 : f32
    %sqrt3A_130 = math.sqrt %sqrt3A_129 : f32
    %div3A_131 = arith.constant 0.995999991 : f32
    %div3A_132 = arith.divf %div3A_131, %sqrt3A_130 : f32
    %mul3A_133 = arith.mulf %div3A_128, %div3A_128 : vector<1x128xf32>
    %reduce_sum3A_134 = arith.constant dense<0.000000e+00> : vector<1xf32>
    %reduce_sum3A_135 = vector.multi_reduction <add>, %mul3A_133, %reduce_sum3A_134 [1] : vector<1x128xf32> to vector<1xf32>
    %broadcast_in_dim3A_136 = vector.shape_cast %reduce_sum3A_135 : vector<1xf32> to vector<1x1xf32>
    %jit3A_137 = arith.constant 1.000000e-15 : f32
    %max3A_138 = vector.broadcast %jit3A_137 : f32 to vector<1x1xf32>
    %max3A_139 = arith.maximumf %max3A_138, %broadcast_in_dim3A_136 : vector<1x1xf32>
    %sqrt3A_140 = math.sqrt %max3A_139 : vector<1x1xf32>
    %gt3A_141 = vector.broadcast %div3A_132 : f32 to vector<1x1xf32>
    %gt3A_142 = arith.cmpf ogt, %sqrt3A_140, %gt3A_141 : vector<1x1xf32>
    %div3A_143 = vector.broadcast %sqrt3A_140 : vector<1x1xf32> to vector<1x128xf32>
    %div3A_144 = arith.divf %div3A_128, %div3A_143 : vector<1x128xf32>
    %mul3A_145 = vector.broadcast %div3A_132 : f32 to vector<1x128xf32>
    %mul3A_146 = arith.mulf %div3A_144, %mul3A_145 : vector<1x128xf32>
    %broadcast_in_dim3A_147 = vector.shape_cast %gt3A_142 : vector<1x1xi1> to vector<1x1xi1>
    %broadcast_in_dim3A_148 = vector.broadcast %broadcast_in_dim3A_147 : vector<1x1xi1> to vector<1x128xi1>
    %select_n3A_149 = arith.select %broadcast_in_dim3A_148, %mul3A_146, %div3A_128 : vector<1x128xi1>, vector<1x128xf32>
    %mul3A_150 = arith.mulf %select_n3A_115, %select_n3A_115 : vector<1000x128xf32>
    %reduce_sum3A_151 = arith.constant dense<0.000000e+00> : vector<1000xf32>
    %reduce_sum3A_152 = vector.multi_reduction <add>, %mul3A_150, %reduce_sum3A_151 [1] : vector<1000x128xf32> to vector<1000xf32>
    %broadcast_in_dim3A_153 = vector.shape_cast %reduce_sum3A_152 : vector<1000xf32> to vector<1000x1xf32>
    %mul3A_154 = arith.mulf %select_n3A_149, %select_n3A_149 : vector<1x128xf32>
    %reduce_sum3A_155 = arith.constant dense<0.000000e+00> : vector<1xf32>
    %reduce_sum3A_156 = vector.multi_reduction <add>, %mul3A_154, %reduce_sum3A_155 [1] : vector<1x128xf32> to vector<1xf32>
    %broadcast_in_dim3A_157 = vector.shape_cast %reduce_sum3A_156 : vector<1xf32> to vector<1x1xf32>
    %mul3A_158 = vector.broadcast %select_n3A_149 : vector<1x128xf32> to vector<1000x128xf32>
    %mul3A_159 = arith.mulf %select_n3A_115, %mul3A_158 : vector<1000x128xf32>
    %reduce_sum3A_160 = arith.constant dense<0.000000e+00> : vector<1000xf32>
    %reduce_sum3A_161 = vector.multi_reduction <add>, %mul3A_159, %reduce_sum3A_160 [1] : vector<1000x128xf32> to vector<1000xf32>
    %broadcast_in_dim3A_162 = vector.shape_cast %reduce_sum3A_161 : vector<1000xf32> to vector<1000x1xf32>
    %mul3A_163 = arith.constant 2.000000e+00 : f32
    %mul3A_164 = vector.broadcast %mul3A_163 : f32 to vector<1000x1xf32>
    %mul3A_165 = arith.mulf %mul3A_164, %broadcast_in_dim3A_162 : vector<1000x1xf32>
    %add3A_166 = arith.constant 1.000000e+00 : f32
    %add3A_167 = vector.broadcast %add3A_166 : f32 to vector<1000x1xf32>
    %add3A_168 = arith.addf %add3A_167, %mul3A_165 : vector<1000x1xf32>
    %add3A_169 = vector.broadcast %broadcast_in_dim3A_157 : vector<1x1xf32> to vector<1000x1xf32>
    %add3A_170 = arith.addf %add3A_168, %add3A_169 : vector<1000x1xf32>
    %mul3A_171 = vector.broadcast %add3A_170 : vector<1000x1xf32> to vector<1000x128xf32>
    %mul3A_172 = arith.mulf %mul3A_171, %select_n3A_115 : vector<1000x128xf32>
    %sub3A_173 = arith.constant 1.000000e+00 : f32
    %sub3A_174 = vector.broadcast %sub3A_173 : f32 to vector<1000x1xf32>
    %sub3A_175 = arith.subf %sub3A_174, %broadcast_in_dim3A_153 : vector<1000x1xf32>
    %mul3A_176 = vector.broadcast %sub3A_175 : vector<1000x1xf32> to vector<1000x128xf32>
    %mul3A_177 = vector.broadcast %select_n3A_149 : vector<1x128xf32> to vector<1000x128xf32>
    %mul3A_178 = arith.mulf %mul3A_176, %mul3A_177 : vector<1000x128xf32>
    %add3A_179 = arith.addf %mul3A_172, %mul3A_178 : vector<1000x128xf32>
    %mul3A_180 = arith.constant 2.000000e+00 : f32
    %mul3A_181 = vector.broadcast %mul3A_180 : f32 to vector<1000x1xf32>
    %mul3A_182 = arith.mulf %mul3A_181, %broadcast_in_dim3A_162 : vector<1000x1xf32>
    %add3A_183 = arith.constant 1.000000e+00 : f32
    %add3A_184 = vector.broadcast %add3A_183 : f32 to vector<1000x1xf32>
    %add3A_185 = arith.addf %add3A_184, %mul3A_182 : vector<1000x1xf32>
    %mul3A_186 = vector.broadcast %broadcast_in_dim3A_157 : vector<1x1xf32> to vector<1000x1xf32>
    %mul3A_187 = arith.mulf %broadcast_in_dim3A_153, %mul3A_186 : vector<1000x1xf32>
    %add3A_188 = arith.addf %add3A_185, %mul3A_187 : vector<1000x1xf32>
    %jit3A_189 = arith.constant 1.000000e-15 : f32
    %max3A_190 = vector.broadcast %jit3A_189 : f32 to vector<1000x1xf32>
    %max3A_191 = arith.maximumf %max3A_190, %add3A_188 : vector<1000x1xf32>
    %div3A_192 = vector.broadcast %max3A_191 : vector<1000x1xf32> to vector<1000x128xf32>
    %div3A_193 = arith.divf %add3A_179, %div3A_192 : vector<1000x128xf32>
    %sqrt3A_194 = arith.constant 1.000000e+00 : f32
    %sqrt3A_195 = math.sqrt %sqrt3A_194 : f32
    %div3A_196 = arith.constant 0.995999991 : f32
    %div3A_197 = arith.divf %div3A_196, %sqrt3A_195 : f32
    %mul3A_198 = arith.mulf %div3A_193, %div3A_193 : vector<1000x128xf32>
    %reduce_sum3A_199 = arith.constant dense<0.000000e+00> : vector<1000xf32>
    %reduce_sum3A_200 = vector.multi_reduction <add>, %mul3A_198, %reduce_sum3A_199 [1] : vector<1000x128xf32> to vector<1000xf32>
    %broadcast_in_dim3A_201 = vector.shape_cast %reduce_sum3A_200 : vector<1000xf32> to vector<1000x1xf32>
    %jit3A_202 = arith.constant 1.000000e-15 : f32
    %max3A_203 = vector.broadcast %jit3A_202 : f32 to vector<1000x1xf32>
    %max3A_204 = arith.maximumf %max3A_203, %broadcast_in_dim3A_201 : vector<1000x1xf32>
    %sqrt3A_205 = math.sqrt %max3A_204 : vector<1000x1xf32>
    %gt3A_206 = vector.broadcast %div3A_197 : f32 to vector<1000x1xf32>
    %gt3A_207 = arith.cmpf ogt, %sqrt3A_205, %gt3A_206 : vector<1000x1xf32>
    %div3A_208 = vector.broadcast %sqrt3A_205 : vector<1000x1xf32> to vector<1000x128xf32>
    %div3A_209 = arith.divf %div3A_193, %div3A_208 : vector<1000x128xf32>
    %mul3A_210 = vector.broadcast %div3A_197 : f32 to vector<1000x128xf32>
    %mul3A_211 = arith.mulf %div3A_209, %mul3A_210 : vector<1000x128xf32>
    %broadcast_in_dim3A_212 = vector.shape_cast %gt3A_207 : vector<1000x1xi1> to vector<1000x1xi1>
    %broadcast_in_dim3A_213 = vector.broadcast %broadcast_in_dim3A_212 : vector<1000x1xi1> to vector<1000x128xi1>
    %select_n3A_214 = arith.select %broadcast_in_dim3A_213, %mul3A_211, %div3A_193 : vector<1000x128xi1>, vector<1000x128xf32>
    %mul3A_215 = arith.mulf %select_n3A_214, %select_n3A_214 : vector<1000x128xf32>
    %reduce_sum3A_216 = arith.constant dense<0.000000e+00> : vector<1000xf32>
    %reduce_sum3A_217 = vector.multi_reduction <add>, %mul3A_215, %reduce_sum3A_216 [1] : vector<1000x128xf32> to vector<1000xf32>
    %broadcast_in_dim3A_218 = vector.shape_cast %reduce_sum3A_217 : vector<1000xf32> to vector<1000x1xf32>
    %jit3A_219 = arith.constant 1.000000e-15 : f32
    %max3A_220 = vector.broadcast %jit3A_219 : f32 to vector<1000x1xf32>
    %max3A_221 = arith.maximumf %max3A_220, %broadcast_in_dim3A_218 : vector<1000x1xf32>
    %sqrt3A_222 = math.sqrt %max3A_221 : vector<1000x1xf32>
    %jit3A_223 = arith.constant -0.99999988 : f32
    %jit3A_224 = arith.constant 0.99999988 : f32
    %max3A_225 = vector.broadcast %jit3A_223 : f32 to vector<1000x1xf32>
    %max3A_226 = arith.maximumf %max3A_225, %sqrt3A_222 : vector<1000x1xf32>
    %min3A_227 = vector.broadcast %jit3A_224 : f32 to vector<1000x1xf32>
    %min3A_228 = arith.minimumf %min3A_227, %max3A_226 : vector<1000x1xf32>
    %add3A_229 = arith.constant 1.000000e+00 : f32
    %add3A_230 = vector.broadcast %add3A_229 : f32 to vector<1000x1xf32>
    %add3A_231 = arith.addf %add3A_230, %min3A_228 : vector<1000x1xf32>
    %sub3A_232 = arith.constant 1.000000e+00 : f32
    %sub3A_233 = vector.broadcast %sub3A_232 : f32 to vector<1000x1xf32>
    %sub3A_234 = arith.subf %sub3A_233, %min3A_228 : vector<1000x1xf32>
    %div3A_235 = arith.divf %add3A_231, %sub3A_234 : vector<1000x1xf32>
    %log3A_236 = math.log %div3A_235 : vector<1000x1xf32>
    %mul3A_237 = arith.constant 5.000000e-01 : f32
    %mul3A_238 = vector.broadcast %mul3A_237 : f32 to vector<1000x1xf32>
    %mul3A_239 = arith.mulf %mul3A_238, %log3A_236 : vector<1000x1xf32>
    %mul3A_240 = vector.broadcast %mul3A_239 : vector<1000x1xf32> to vector<1000x128xf32>
    %mul3A_241 = arith.mulf %mul3A_240, %select_n3A_214 : vector<1000x128xf32>
    %div3A_242 = vector.broadcast %sqrt3A_222 : vector<1000x1xf32> to vector<1000x128xf32>
    %div3A_243 = arith.divf %mul3A_241, %div3A_242 : vector<1000x128xf32>
    %mul3A_244 = vector.broadcast %rsqrt3A : vector<1000x1xf32> to vector<1000x128xf32>
    %mul3A_245 = arith.mulf %mul3A_244, %div3A_243 : vector<1000x128xf32>
    %swap3A = arith.constant 0 : index
    %swap3A_246 = arith.constant 0 : index
    %swap3A_247 = vector.load %arg6[%swap3A, %swap3A_246] : memref<1000x128xf32, #tpu.memory_space<vmem>>, vector<1000x128xf32>
    tpu.vector_store %arg6[%swap3A, %swap3A_246], %mul3A_245 {strides = array<i32>} : memref<1000x128xf32, #tpu.memory_space<vmem>>, vector<1000x128xf32>,
    return
  }
  func.func @transform_0(%arg0: i32) -> (i32, i32, i32) {
    %c0_i32 = arith.constant 0 : i32
    %c0_i32_0 = arith.constant 0 : i32
    %c0_i32_1 = arith.constant 0 : i32
    return %c0_i32, %arg0, %c0_i32_0 : i32, i32, i32
  }
  func.func @transform_1(%arg0: i32) -> (i32, i32) {
    %c0_i32 = arith.constant 0 : i32
    %c0_i32_0 = arith.constant 0 : i32
    return %arg0, %c0_i32 : i32, i32
  }
  func.func @transform_2(%arg0: i32) -> (i32, i32, i32) {
    %c0_i32 = arith.constant 0 : i32
    %c0_i32_0 = arith.constant 0 : i32
    %c0_i32_1 = arith.constant 0 : i32
    return %c0_i32, %arg0, %c0_i32_0 : i32, i32, i32
  }
  func.func @transform_3(%arg0: i32) -> (i32, i32) {
    %c0_i32 = arith.constant 0 : i32
    %c0_i32_0 = arith.constant 0 : i32
    %c0_i32_1 = arith.constant 0 : i32
    return %c0_i32, %c0_i32_0 : i32, i32
  }
  func.func @transform_4(%arg0: i32) -> (i32, i32) {
    %c0_i32 = arith.constant 0 : i32
    %c0_i32_0 = arith.constant 0 : i32
    %c0_i32_1 = arith.constant 0 : i32
    return %c0_i32, %c0_i32_0 : i32, i32
  }
  func.func @transform_5(%arg0: i32) -> (i32, i32) {
    %c0_i32 = arith.constant 0 : i32
    %c0_i32_0 = arith.constant 0 : i32
    return %arg0, %c0_i32 : i32, i32
  }
}

module attributes {stable_mosaic.version = 14 : i64} {
  func.func @_final_body(%arg0: i32, %arg1: memref<2x1000x128xf32, #tpu.memory_space<vmem>>, %arg2: memref<1000x128xf32, #tpu.memory_space<vmem>>, %arg3: memref<2x1000x128xf32, #tpu.memory_space<vmem>>, %arg4: memref<1000x128xf32, #tpu.memory_space<vmem>>) attributes {dimension_semantics = [#tpu.dimension_semantics<arbitrary>], iteration_bounds = array<i64: 10>, scalar_prefetch = 0 : i64, scratch_operands = 0 : i64, tpu.core_type = #tpu.core_type<tc>, window_params = [{transform_indices = @transform_0, window_bounds = array<i64: 2, 1000, 128>}, {transform_indices = @transform_1, window_bounds = array<i64: 1000, 128>}, {transform_indices = @transform_2, window_bounds = array<i64: 2, 1000, 128>}, {transform_indices = @transform_3, window_bounds = array<i64: 1000, 128>}]} {
    %get3A = arith.constant 0 : index
    %get3A_0 = arith.constant 0 : index
    %get3A_1 = arith.constant 0 : index
    %get3A_2 = vector.load %arg3[%get3A, %get3A_0, %get3A_1] : memref<2x1000x128xf32, #tpu.memory_space<vmem>>, vector<2x1000x128xf32>
    %slice3A = vector.extract_strided_slice %get3A_2 {offsets = [0, 0, 0], sizes = [1, 1000, 128], strides = [1, 1, 1]} : vector<2x1000x128xf32> to vector<1x1000x128xf32>
    %squeeze3A = vector.shape_cast %slice3A : vector<1x1000x128xf32> to vector<1000x128xf32>
    %slice3A_3 = vector.extract_strided_slice %get3A_2 {offsets = [1, 0, 0], sizes = [1, 1000, 128], strides = [1, 1, 1]} : vector<2x1000x128xf32> to vector<1x1000x128xf32>
    %squeeze3A_4 = vector.shape_cast %slice3A_3 : vector<1x1000x128xf32> to vector<1000x128xf32>
    %add3A = arith.addf %squeeze3A, %squeeze3A_4 : vector<1000x128xf32>
    %reduce_max3A = arith.constant dense<0xFF800000> : vector<1000xf32>
    %reduce_max3A_5 = vector.multi_reduction <maximumf>, %add3A, %reduce_max3A [1] : vector<1000x128xf32> to vector<1000xf32>
    %broadcast_in_dim3A = vector.shape_cast %reduce_max3A_5 : vector<1000xf32> to vector<1000x1xf32>
    %add3A_6 = arith.constant 1.000000e+00 : f32
    %add3A_7 = vector.broadcast %add3A_6 : f32 to vector<1000x1xf32>
    %add3A_8 = arith.addf %broadcast_in_dim3A, %add3A_7 : vector<1000x1xf32>
    %rsqrt3A = math.rsqrt %add3A_8 : vector<1000x1xf32>
    %get3A_9 = arith.constant 0 : index
    %get3A_10 = arith.constant 0 : index
    %get3A_11 = arith.constant 0 : index
    %get3A_12 = vector.load %arg1[%get3A_9, %get3A_10, %get3A_11] : memref<2x1000x128xf32, #tpu.memory_space<vmem>>, vector<1x1000x128xf32>
    %get3A_13 = vector.shape_cast %get3A_12 : vector<1x1000x128xf32> to vector<1000x128xf32>
    %get3A_14 = arith.constant 1 : index
    %get3A_15 = arith.constant 0 : index
    %get3A_16 = arith.constant 0 : index
    %get3A_17 = vector.load %arg1[%get3A_14, %get3A_15, %get3A_16] : memref<2x1000x128xf32, #tpu.memory_space<vmem>>, vector<1x1000x128xf32>
    %get3A_18 = vector.shape_cast %get3A_17 : vector<1x1000x128xf32> to vector<1000x128xf32>
    %add3A_19 = arith.addf %get3A_13, %get3A_18 : vector<1000x128xf32>
    %get3A_20 = arith.constant 0 : index
    %get3A_21 = arith.constant 0 : index
    %get3A_22 = vector.load %arg2[%get3A_20, %get3A_21] : memref<1000x128xf32, #tpu.memory_space<vmem>>, vector<1000x128xf32>
    %add3A_23 = arith.addf %add3A_19, %get3A_22 : vector<1000x128xf32>
    %mul3A = vector.broadcast %rsqrt3A : vector<1000x1xf32> to vector<1000x128xf32>
    %mul3A_24 = arith.mulf %mul3A, %add3A_23 : vector<1000x128xf32>
    %mul3A_25 = arith.mulf %mul3A_24, %mul3A_24 : vector<1000x128xf32>
    %reduce_sum3A = arith.constant dense<0.000000e+00> : vector<1000xf32>
    %reduce_sum3A_26 = vector.multi_reduction <add>, %mul3A_25, %reduce_sum3A [1] : vector<1000x128xf32> to vector<1000xf32>
    %broadcast_in_dim3A_27 = vector.shape_cast %reduce_sum3A_26 : vector<1000xf32> to vector<1000x1xf32>
    %jit3A = arith.constant 1.000000e-15 : f32
    %max3A = vector.broadcast %jit3A : f32 to vector<1000x1xf32>
    %max3A_28 = arith.maximumf %max3A, %broadcast_in_dim3A_27 : vector<1000x1xf32>
    %sqrt3A = math.sqrt %max3A_28 : vector<1000x1xf32>
    %tanh3A = math.tanh %sqrt3A : vector<1000x1xf32>
    %mul3A_29 = vector.broadcast %tanh3A : vector<1000x1xf32> to vector<1000x128xf32>
    %mul3A_30 = arith.mulf %mul3A_29, %mul3A_24 : vector<1000x128xf32>
    %div3A = vector.broadcast %sqrt3A : vector<1000x1xf32> to vector<1000x128xf32>
    %div3A_31 = arith.divf %mul3A_30, %div3A : vector<1000x128xf32>
    %sqrt3A_32 = arith.constant 1.000000e+00 : f32
    %sqrt3A_33 = math.sqrt %sqrt3A_32 : f32
    %div3A_34 = arith.constant 0.995999991 : f32
    %div3A_35 = arith.divf %div3A_34, %sqrt3A_33 : f32
    %mul3A_36 = arith.mulf %div3A_31, %div3A_31 : vector<1000x128xf32>
    %reduce_sum3A_37 = arith.constant dense<0.000000e+00> : vector<1000xf32>
    %reduce_sum3A_38 = vector.multi_reduction <add>, %mul3A_36, %reduce_sum3A_37 [1] : vector<1000x128xf32> to vector<1000xf32>
    %broadcast_in_dim3A_39 = vector.shape_cast %reduce_sum3A_38 : vector<1000xf32> to vector<1000x1xf32>
    %jit3A_40 = arith.constant 1.000000e-15 : f32
    %max3A_41 = vector.broadcast %jit3A_40 : f32 to vector<1000x1xf32>
    %max3A_42 = arith.maximumf %max3A_41, %broadcast_in_dim3A_39 : vector<1000x1xf32>
    %sqrt3A_43 = math.sqrt %max3A_42 : vector<1000x1xf32>
    %gt3A = vector.broadcast %div3A_35 : f32 to vector<1000x1xf32>
    %gt3A_44 = arith.cmpf ogt, %sqrt3A_43, %gt3A : vector<1000x1xf32>
    %div3A_45 = vector.broadcast %sqrt3A_43 : vector<1000x1xf32> to vector<1000x128xf32>
    %div3A_46 = arith.divf %div3A_31, %div3A_45 : vector<1000x128xf32>
    %mul3A_47 = vector.broadcast %div3A_35 : f32 to vector<1000x128xf32>
    %mul3A_48 = arith.mulf %div3A_46, %mul3A_47 : vector<1000x128xf32>
    %broadcast_in_dim3A_49 = vector.shape_cast %gt3A_44 : vector<1000x1xi1> to vector<1000x1xi1>
    %broadcast_in_dim3A_50 = vector.broadcast %broadcast_in_dim3A_49 : vector<1000x1xi1> to vector<1000x128xi1>
    %select_n3A = arith.select %broadcast_in_dim3A_50, %mul3A_48, %div3A_31 : vector<1000x128xi1>, vector<1000x128xf32>
    %swap3A = arith.constant 0 : index
    %swap3A_51 = arith.constant 0 : index
    %swap3A_52 = vector.load %arg4[%swap3A, %swap3A_51] : memref<1000x128xf32, #tpu.memory_space<vmem>>, vector<1000x128xf32>
    tpu.vector_store %arg4[%swap3A, %swap3A_51], %select_n3A {strides = array<i32>} : memref<1000x128xf32, #tpu.memory_space<vmem>>, vector<1000x128xf32>,
    return
  }
  func.func @transform_0(%arg0: i32) -> (i32, i32, i32) {
    %c0_i32 = arith.constant 0 : i32
    %c0_i32_0 = arith.constant 0 : i32
    %c0_i32_1 = arith.constant 0 : i32
    return %c0_i32, %arg0, %c0_i32_0 : i32, i32, i32
  }
  func.func @transform_1(%arg0: i32) -> (i32, i32) {
    %c0_i32 = arith.constant 0 : i32
    %c0_i32_0 = arith.constant 0 : i32
    return %arg0, %c0_i32 : i32, i32
  }
  func.func @transform_2(%arg0: i32) -> (i32, i32, i32) {
    %c0_i32 = arith.constant 0 : i32
    %c0_i32_0 = arith.constant 0 : i32
    %c0_i32_1 = arith.constant 0 : i32
    return %c0_i32, %arg0, %c0_i32_0 : i32, i32, i32
  }
  func.func @transform_3(%arg0: i32) -> (i32, i32) {
    %c0_i32 = arith.constant 0 : i32
    %c0_i32_0 = arith.constant 0 : i32
    return %arg0, %c0_i32 : i32, i32
  }
}

</mosaic_0001>

<sc_bundles>
// kernel: kernel.11.cloned.1.call-start
scs
__scs_entry_jumppad:
0x0: {  	(pc) =	sbr.rel $0x88, $3  }
0x1: {  	(tag) =	ssettag $0x0;
	lr =	simm.s32 $0x1  }
0x2: {  	[smem:$0x3F9B] =	sst lr;
	_ =	strace $0xD0000000  }
0x3: {  	_ = 	snop  }
0x4: {  	_ = 	snop  }
0x5: {  	_ = 	snop  }
0x6: {  	_ = 	snop  }
0x7: {  	_ = 	snop  }
__scs_overlays_trampoline_lowered:
0x8: {  	[smem:$0x3FAA] =	sst s0  }
0x9: {  	[smem:$0x3FAB] =	sst s1  }
0xa: {  	[smem:$0x3FAC] =	sst s2  }
0xb: {  	[smem:$0x3FAD] =	sst s3  }
0xc: {  	[smem:$0x3FAE] =	sst s4  }
0xd: {  	[smem:$0x3FAF] =	sst s5  }
0xe: {  	[smem:$0x3FB0] =	sst s6  }
0xf: {  	[smem:$0x3FB1] =	sst s7  }
0x10: {  	[smem:$0x3FB2] =	sst s8  }
0x11: {  	[smem:$0x3FB3] =	sst s9;
	s0 =	simm.s32 @!p0 $0x0  }
0x12: {  	s1 =	sld [smem:$0x3F99];
	s0 =	simm.s32 @p0 $0x1  }
0x13: {  	[smem:$0x3FB4] =	sst s0;
	s0 =	simm.s32 @!p1 $0x0  }
0x14: {  	s2 =	sld [smem:$0x3F98];
	s0 =	simm.s32 @p1 $0x1  }
0x15: {  	[smem:$0x3FB5] =	sst s0;
	s0 =	simm.s32 @!p2 $0x0  }
0x16: {  	s3 =	sld [smem:$0x3FDB];
	s0 =	simm.s32 @p2 $0x1  }
0x17: {  	s4 =	simm.s32 $0x1BF5;
	[smem:$0x3FB7] =	sst s0  }
0x18: {  	s0 =	sld [smem:$0x3F9A];
	_ =	swait.ge [sflag:s4], $0x0  }
0x19: {  	s7 =	sld [smem:$0x3F9B]  }
0x1a: {  	s8 =	sadd.s32 $0xFFFFE003, lr  }
0x1b: {  	s9 =	sadd.s32 $0xFFFFFEF7, lr;
	s5 =	simm.s32 $0xFFFFFFFF;
	p2 =	slt.u32 s8, $0xFFFFF086  }
0x1c: {  	p1 =	slt.u32 s9, $0xF7A;
	s5 =	simm.s32 @!p2 $0x0  }
0x1d: {  	s5 =	simm.s32 @p1 $0x1;
	p0 =	seq.s32 s7, s2  }
0x1e: {  	s7 =	smul.u32 @!p0 $0xF7A, s2;
	p2 =	seq.s32 @!p0 s5, $0x0  }
0x1f: {  	s9 =	smul.u32 $0xF7A, s1;
	s8 =	simm.s32 @!p0 $0x1BF5;
	p2 =	por !p2, p0  }
0x20: {  	[sflag:s8] =	ssyncset.s32 @!p0 $0xFFFFF086;
	s6 =	sadd.s32 @!p0 s3, s7;
	s7 =	simm.s32 @!p0 $0x108  }
0x21: {  	s3 =	sadd.s32 s3, s9;
	s6 =	sadd.s32 @!p0 $0x88, s6;
	s7 =	simm.s32 @p2 $0x1082  }
0x22: {  	[simem:s7], [sflag:s8] =	dma.local @!p0 [hbm:s6], $0xF7A  }
0x23: {  	s9 =	sor.u32 $0xD0000000, s2;
	s6 =	simm.s32 $0x108;
	_ =	swait.ge @!p0 [sflag:s8], $0x0  }
0x24: {  	s3 =	sadd.s32 $0x88, s3;
	s6 =	simm.s32 @!p1 $0x1082;
	[sflag:s4] =	ssyncset.s32 $0xFFFFF086  }
0x25: {  	[simem:s6], [sflag:s4] =	dma.local [hbm:s3], $0xF7A  }
0x26: {  	[smem:$0x3F9B] =	sst s1;
	(tag) =	ssettag s2;
	_ =	strace s9  }
0x27: {  	s1 =	sld [smem:$0x3FAB]  }
0x28: {  	s2 =	sld [smem:$0x3FAC]  }
0x29: {  	s4 =	sld [smem:$0x3FAE]  }
0x2a: {  	p0 =	seq.s32 s5, $0x0;
	s5 =	sld [smem:$0x3FAF]  }
0x2b: {  	s6 =	sld [smem:$0x3FB0]  }
0x2c: {  	s7 =	sld [smem:$0x3FB1]  }
0x2d: {  	s3 =	simm.s32 $0x108;
	s8 =	sld [smem:$0x3FB2]  }
0x2e: {  	s3 =	simm.s32 @!p0 $0x1082;
	s9 =	sld [smem:$0x3FB3]  }
0x2f: {  	lr =	sadd.s32 s0, s3;
	s0 =	sld [smem:$0x3FAA]  }
0x30: {  	s3 =	sld [smem:$0x3FAD]  }
0x31: {  	[smem:$0x3FB6] =	sst s10  }
0x32: {  	s10 =	sld [smem:$0x3FB4];
	_ =	sdelay $0x3  }
0x33: {  	p0 =	seq.s32 s10, $0x1;
	s10 =	sld [smem:$0x3FB6];
	_ =	sdelay $0x3  }
0x34: {  	[smem:$0x3FB6] =	sst s10  }
0x35: {  	s10 =	sld [smem:$0x3FB5];
	_ =	sdelay $0x3  }
0x36: {  	p1 =	seq.s32 s10, $0x1;
	s10 =	sld [smem:$0x3FB6];
	_ =	sdelay $0x3  }
0x37: {  	[smem:$0x3FB6] =	sst s10  }
0x38: {  	s10 =	sld [smem:$0x3FB7]  }
0x39: {  	_ = 	snop;
	(pc) =	sbr.ind lr, $3  }
0x3a: {  	_ = 	snop  }
0x3b: {  	_ = 	snop  }
0x3c: {  	p2 =	seq.s32 s10, $0x1;
	s10 =	sld [smem:$0x3FB6]  }
0x3d: {  	_ =	shalt  }
0x3e: {  	_ =	shalt  }
0x3f: {  	_ =	shalt  }
0x40: {  	_ =	shalt  }
0x41: {  	_ =	shalt  }
0x42: {  	_ =	shalt  }
0x43: {  	_ =	shalt  }
0x44: {  	_ =	shalt  }
0x45: {  	_ =	shalt  }
0x46: {  	_ =	shalt  }
0x47: {  	_ =	shalt  }
0x48: {  	_ =	shalt  }
0x49: {  	_ =	shalt  }
0x4a: {  	_ =	shalt  }
0x4b: {  	_ =	shalt  }
0x4c: {  	_ =	shalt  }
0x4d: {  	_ =	shalt  }
0x4e: {  	_ =	shalt  }
0x4f: {  	_ =	shalt  }
0x50: {  	_ =	shalt  }
0x51: {  	_ =	shalt  }
0x52: {  	_ =	shalt  }
0x53: {  	_ =	shalt  }
0x54: {  	_ =	shalt  }
0x55: {  	_ =	shalt  }
0x56: {  	_ =	shalt  }
0x57: {  	_ =	shalt  }
0x58: {  	_ =	shalt  }
0x59: {  	_ =	shalt  }
0x5a: {  	_ =	shalt  }
0x5b: {  	_ =	shalt  }
0x5c: {  	_ =	shalt  }
0x5d: {  	_ =	shalt  }
0x5e: {  	_ =	shalt  }
0x5f: {  	_ =	shalt  }
0x60: {  	_ =	shalt  }
0x61: {  	_ =	shalt  }
0x62: {  	_ =	shalt  }
0x63: {  	_ =	shalt  }
0x64: {  	_ =	shalt  }
0x65: {  	_ =	shalt  }
0x66: {  	_ =	shalt  }
0x67: {  	_ =	shalt  }
0x68: {  	_ =	shalt  }
0x69: {  	_ =	shalt  }
0x6a: {  	_ =	shalt  }
0x6b: {  	_ =	shalt  }
0x6c: {  	_ =	shalt  }
0x6d: {  	_ =	shalt  }
0x6e: {  	_ =	shalt  }
0x6f: {  	_ =	shalt  }
0x70: {  	_ =	shalt  }
0x71: {  	_ =	shalt  }
0x72: {  	_ =	shalt  }
0x73: {  	_ =	shalt  }
0x74: {  	_ =	shalt  }
0x75: {  	_ =	shalt  }
0x76: {  	_ =	shalt  }
0x77: {  	_ =	shalt  }
0x78: {  	_ =	shalt  }
0x79: {  	_ =	shalt  }
0x7a: {  	_ =	shalt  }
0x7b: {  	_ =	shalt  }
0x7c: {  	_ =	shalt  }
0x7d: {  	_ =	shalt  }
0x7e: {  	_ =	shalt  }
0x7f: {  	_ =	shalt  }
0x80: {  	_ =	shalt  }
0x81: {  	_ =	shalt  }
0x82: {  	_ =	shalt  }
0x83: {  	_ =	shalt  }
0x84: {  	_ =	shalt  }
0x85: {  	_ =	shalt  }
0x86: {  	_ =	shalt  }
0x87: {  	_ =	shalt  }
.Lfunc_end0:
.L_simem_size_0:
called_computation.1_lowered:
.L_overlay_start_0:
0x88: {  	s2 =	sld [smem:$0x3FD9]  }
0x89: {  	s3 =	sld [smem:$0x3FFE];
	_ =	sdelay $0x1  }
0x8a: {  	s1 =	srdreg.scid  }
0x8b: {  	s0 =	sand.u32 $0x1, s1  }
0x8c: {  	s17 =	sshll.u32 s0, $0xA;
	s2 =	sadd.s32 s3, s2  }
0x8d: {  	s2 =	sadd.s32 s2, s17  }
0x8e: {  	[smem:$0x3FC2] =	sst s2  }
0x8f: {  	_ = 	snop  }
0x90: {  	s2 =	sld [smem:$0x3FD0];
	(tm) =	ssettm $0x1  }
0x91: {  	s18 =	sld [smem:$0x3FFB];
	_ =	sdelay $0x3  }
0x92: {  	_ =	strace s18  }
0x93: {  	s3 =	sld [smem:$0x3FFC];
	_ =	sdelay $0x3  }
0x94: {  	_ =	strace s3  }
0x95: {  	s3 =	sld [smem:$0x3FFD];
	_ =	sdelay $0x3  }
0x96: {  	_ =	strace s3  }
0x97: {  	_ =	strace $0x8FFFFFFF  }
0x98: {  	s19 =	sld [smem:$0x3FDB];
	_ =	sdelay $0x1  }
0x99: {  	s4 =	simm.s32 $_scs_section_size  }
0x9a: {  	s5 =	simm.s32 $_size__tile_overlayer_lowered;
	s6 =	simm.s32 $_tile_overlayer_lowered  }
0x9b: {  	s22 =	simm.s32 $0x1BFF;
	s21 =	sshll.u32 s6, $0x1;
	s3 =	sadd.s32 s4, s19  }
0x9c: {  	s7 =	simm.s32 $0x0;
	s20 =	sshll.u32 s5, $0x1;
	s5 =	sadd.s32 s21, s3  }
0x9d: {  	[timem:s7], [sflag:s22] =	dma.local [hbm:s5], s20  }
0x9e: {  	_ =	swait.ge [sflag:s22], s20  }
0x9f: {  	s4 =	ssub.s32 $0x0, s20;
	[sflag:s22] =	ssyncset.done $0x0  }
0xa0: {  	[sflag:s22] =	ssyncadd.s32 s4;
	_ =	sdelay $0x1  }
0xa1: {  	s23 =	simm.s32 $0x1B8B  }
0xa2: {  	_ =	swait.ge [sflag:s23], $0x1  }
0xa3: {  	[sflag:s23] =	ssyncset.done $0x0  }
0xa4: {  	s25 =	simm.s32 $0x1B8E;
	s24 =	sld [smem:$0x3FFE];
	[sflag:s23] =	ssyncadd.s32 $0xFFFFFFFF  }
0xa5: {  	s26 =	simm.s32 $execute0_lowered;
	[smem:$0x3FD2] =	sst s25  }
0xa6: {  	s5 =	sshll.u32 s26, $0x1;
	_ =	strace $0x80000049;
	[dreg:$0x1] =	wrdreg $0xFFFFFFFF  }
0xa7: {  	s28 =	simm.s32 $_size_execute0_lowered;
	s3 =	sadd.s32 s3, s5;
	[dreg:$0x0] =	wrdreg $0x0  }
0xa8: {  	s5 =	sshll.u32 s28, $0x1;
	[dreg:$0x2] =	wrdreg s3  }
0xa9: {  	[dreg:$0x3] =	wrdreg s5  }
0xaa: {  	[dreg:$0x4] =	wrdreg $0xC0  }
0xab: {  	_ =	task [dreg:s7], $0x5FFFF  }
0xac: {  	[dreg:$0x1] =	wrdreg $0xFFFFFFFF  }
0xad: {  	[dreg:$0x0] =	wrdreg $0x60  }
0xae: {  	[dreg:$0x2] =	wrdreg s24  }
0xaf: {  	[dreg:$0x3] =	wrdreg s2  }
0xb0: {  	[dreg:$0x4] =	wrdreg $0xAF000  }
0xb1: {  	[dreg:$0x5] =	wrdreg $0x9  }
0xb2: {  	_ =	task.clear_ibuf [dreg:s7], $0x6FFFF;
	_ =	strace $0x90000049  }
0xb3: {  	s29 =	simm.s32 $0x9;
	_ =	strace $0x8000004B  }
0xb4: {  	_ =	swait.ge [sflag:s29], $0x1  }
0xb5: {  	[sflag:s29] =	ssyncadd.s32 $0xFFFFFFFF  }
0xb6: {  	_ =	strace $0x9000004B  }
0xb7: {  	_ =	sfence  }
0xb8: {  	s30 =	sld [smem:$0x0];
	_ =	sdelay $0x2  }
0xb9: {  	s31 =	sshll.u32 s1, $0xD;
	s1 =	sshrl.u32 s1, $0x2  }
0xba: {  	s3 =	sand.u32 $0x4000, s31;
	s1 =	sadd.s32 s1, s30  }
0xbb: {  	s0 =	sor.u32 s3, s0;
	s1 =	sshll.u32 s1, $0x11  }
0xbc: {  	s0 =	sor.u32 s1, s0  }
0xbd: {  	s0 =	sadd.s32 $0x8F2B, s0  }
0xbe: {  	[sflag:s0] =	ssyncadd.remote.s32 $0x1  }
0xbf: {  	_ =	sfence.sel $0xFFFF  }
0xc0: {  	[dreg:$0x0] =	wrdreg $0xFFFFFFFF;
	(pc) =	sbr.abs _section_cstart, $3  }
0xc1: {  	[dreg:$0x1] =	wrdreg $0xFFFFFFFF  }
0xc2: {  	_ =	task.clear_ibuf [dreg:s7], $0x2FFFF;
	_ =	strace $0x9FFFFFFF  }
0xc3: {  	(tm) =	ssettm $0x7FFFFFFF  }
tec
execute0_lowered:
.L_overlay_start_1:
0x0: {  	(tag) =	ssettag $0x1  }
0x1: {  	s0 =	rddreg [dreg:$0x0]  }
0x2: {  	s2 =	rddreg [dreg:$0x1]  }
0x3: {  	s3 =	rddreg [dreg:$0x2];
	s1 =	srdreg.scid  }
0x4: {  	s7 =	stileid.u32;
	s8 =	simm.s32 $0x0;
	s16 =	simm.s32 $0x18  }
0x5: {  	s17 =	simm.s32 $0x4F00;
	s29 =	simm.s32 $0x9700;
	s31 =	simm.s32 $0xA300  }
0x6: {  	s28 =	simm.s32 $0x4;
	s30 =	simm.s32 $0xC;
	s13 =	simm.s32 $0x6  }
0x7: {  	s14 =	simm.s32 $0x7;
	s15 =	simm.s32 $0x8;
	s9 =	simm.s32 $0x10  }
0x8: {  	s10 =	simm.s32 $0x0;
	s1 =	sand.u32 $0x1, s1;
	s4 =	sshrl.u32 s7, $0x2  }
0x9: {  	s5 =	sshll.u32 s7, $0x8;
	[smem:$0x7FF] =	sst s8;
	s19 =	smul.u32 $0x13C00, s7  }
0xa: {  	s20 =	smul.u32 $0x4F000, s7;
	s21 =	sadd.s32 $0xC000, s0;
	s24 =	sshll.u32 s7, $0x6  }
0xb: {  	s7 =	simm.s32 $0xE;
	s8 =	simm.s32 $0xF;
	s4 =	smul.u32 $0x13C00, s4  }
0xc: {  	s6 =	sshll.u32 s1, $0x7;
	s5 =	sand.u32 $0x300, s5;
	s18 =	smul.u32 $0x13C000, s1  }
0xd: {  	_ =	strace $0x8000004A;
	[dreg:$0x4] =	wrdreg s21;
	s1 =	ssub.s32 $0x2, s1  }
0xe: {  	s11 =	sor.u32 $0x1C11, s24;
	s24 =	simm.s32 $0x7F00;
	s21 =	simm.s32 $0xA  }
0xf: {  	s5 =	sor.u32 s6, s5;
	s22 =	sshrl.u32 s1, $0x1;
	s6 =	sshrl.u32 s20, $0x2  }
0x10: {  	s20 =	simm.s32 $0x6700;
	[dreg:$0x5] =	wrdreg s11;
	s4 =	sor.u32 s4, s5  }
0x11: {  	s5 =	sadd.s32 s19, s18;
	s1 =	ssub.s32 s1, s22;
	s23 =	sadd.s32 s6, s3  }
0x12: {  	s18 =	simm.s32 $0x5B00;
	s22 =	simm.s32 $0x7300;
	s19 =	simm.s32 $0x2  }
0x13: {  	s4 =	sshrl.u32 s4, $0x3;
	s5 =	sshrl.u32 s5, $0x3;
	s26 =	smax.u32 s1, $0x1  }
0x14: {  	s12 =	sshrl.u32 s23, $0x3;
	s4 =	sadd.s32 s4, s0;
	[dreg:$0x9] =	wrdreg s26  }
0x15: {  	s1 =	simm.s32 $0x9;
	[dreg:$0xa] =	wrdreg s12;
	s25 =	sadd.s32 $0x5D800, s4  }
0x16: {  	s0 =	sadd.s32 s5, s0;
	s4 =	sadd.s32 $0x2200, s4;
	[dreg:$0x6] =	wrdreg s25  }
0x17: {  	s23 =	simm.s32 $0x3;
	s0 =	sadd.s32 $0x67600, s0;
	[dreg:$0x7] =	wrdreg s4  }
0x18: {  	s26 =	simm.s32 $0x8B00;
	s5 =	simm.s32 $0xD;
	[dreg:$0x8] =	wrdreg s0  }
0x19: {  	s0 =	simm.s32 $0x1;
	s25 =	simm.s32 $0xB;
	s4 =	simm.s32 $0x5  }
.LBB2_1:
0x1a: {  	[dreg:$0xb] =	wrdreg s10  }
0x1b: {  	s10 =	simm.s32 $0x11;
	s6 =	rddreg [dreg:$0x4]  }
0x1c: {  	[spmem:s12], [sflag:s11] =	dma.local [hbm:s6], $0x2780  }
0x1d: {  	_ =	swait.ge [sflag:s10], $0x2780  }
0x1e: {  	s6 =	simm.s32 $0x400;
	s12 =	simm.s32 $0x0;
	[sflag:s10] =	ssyncset.done $0x0  }
0x1f: {  	s11 =	rddreg [dreg:$0x6];
	[sflag:s10] =	ssyncadd.s32 $0xFFFFD880;
	s10 =	simm.s32 $0x80  }
0x20: {  	[tilespmem:s12], [sflag:$0x11] =	stream.strided.gather [hbm4b:s11+s10], $0x2780, s6, s10, $0x38;
	[tilespmem:$0x1EB00] =	vst v63  }
0x21: {  	s12 =	simm.s32 $0x11  }
0x22: {  	_ =	swait.ge [sflag:s12], $0x2780  }
0x23: {  	s6 =	simm.s32 $0x2780;
	s10 =	simm.s32 $0x80;
	[sflag:s12] =	ssyncset.done $0x0  }
0x24: {  	s11 =	rddreg [dreg:$0x7];
	[sflag:s12] =	ssyncadd.s32 $0xFFFFD880;
	s12 =	simm.s32 $0x400  }
0x25: {  	[tilespmem:s6], [sflag:$0x11] =	stream.strided.gather [hbm4b:s11+s10], $0x2780, s12, s10, $0x38;
	[tilespmem:$0x1EB00] =	vst v63  }
0x26: {  	s10 =	simm.s32 $0x11  }
0x27: {  	_ =	swait.ge [sflag:s10], $0x2780  }
0x28: {  	[sflag:s10] =	ssyncset.done $0x0  }
0x29: {  	[sflag:s10] =	ssyncadd.s32 $0xFFFFD880  }
0x2a: {  	s12 =	simm.s32 $0x0;
	[bflag:$0x0] =	sbarrier.arrive $0xFFFF  }
0x2b: {  	[tilespmem:s17], [sflag:$0x1] =	stream.indirect.gather [hbm4b:s2+s16], $0x80, s12, s16, $0xb8;
	[tilespmem:$0x1EB00] =	vst v63  }
0x2c: {  	_ = 	snop  }
0x2d: {  	[tilespmem:s18], [sflag:$0x2] =	stream.indirect.gather [hbm4b:s2+s16], $0x80, s16, s16, $0xb8;
	[tilespmem:$0x1EB00] =	vst v63  }
0x2e: {  	s10 =	simm.s32 $0x30  }
0x2f: {  	[tilespmem:s20], [sflag:$0x3] =	stream.indirect.gather [hbm4b:s2+s16], $0x80, s10, s16, $0xb8;
	[tilespmem:$0x1EB00] =	vst v63  }
0x30: {  	s12 =	simm.s32 $0x48  }
0x31: {  	[tilespmem:s22], [sflag:$0x4] =	stream.indirect.gather [hbm4b:s2+s16], $0x80, s12, s16, $0xb8;
	[tilespmem:$0x1EB00] =	vst v63  }
0x32: {  	s10 =	simm.s32 $0x60  }
0x33: {  	[tilespmem:s24], [sflag:$0x5] =	stream.indirect.gather [hbm4b:s2+s16], $0x80, s10, s16, $0xb8;
	[tilespmem:$0x1EB00] =	vst v63  }
0x34: {  	s12 =	simm.s32 $0x78  }
0x35: {  	[tilespmem:s26], [sflag:$0x6] =	stream.indirect.gather [hbm4b:s2+s16], $0x80, s12, s16, $0xb8;
	[tilespmem:$0x1EB00] =	vst v63  }
0x36: {  	s10 =	simm.s32 $0x90  }
0x37: {  	[tilespmem:s29], [sflag:$0x7] =	stream.indirect.gather [hbm4b:s2+s16], $0x80, s10, s16, $0xb8;
	[tilespmem:$0x1EB00] =	vst v63  }
0x38: {  	s12 =	simm.s32 $0xA8  }
0x39: {  	[tilespmem:s31], [sflag:$0x8] =	stream.indirect.gather [hbm4b:s2+s16], $0x80, s12, s16, $0xb8;
	[tilespmem:$0x1EB00] =	vst v63  }
0x3a: {  	_ =	swait.ge [sflag:s0], $0xC00  }
0x3b: {  	[sflag:s0] =	ssyncset.done $0x0  }
0x3c: {  	s11 =	simm.s32 $0x2780;
	[sflag:s0] =	ssyncadd.s32 $0xFFFFF400  }
0x3d: {  	[spmem:s3] =	stream.indirect.scatter.add.f32 [tilespmem:s17], [sflag:$0x9], $0x80, s11, s16, $0xb8;
	[tilespmem:$0x1EB00] =	vst v63  }
0x3e: {  	_ =	swait.ge [sflag:s1], $0xC00  }
0x3f: {  	[sflag:s1] =	ssyncset.done $0x0  }
0x40: {  	s10 =	simm.s32 $0xC0;
	[sflag:s1] =	ssyncadd.s32 $0xFFFFF400  }
0x41: {  	[tilespmem:s17], [sflag:$0x1] =	stream.indirect.gather [hbm4b:s2+s16], $0x80, s10, s16, $0xb8;
	[tilespmem:$0x1EB00] =	vst v63  }
0x42: {  	_ =	swait.ge [sflag:s19], $0xC00  }
0x43: {  	[sflag:s19] =	ssyncset.done $0x0  }
0x44: {  	s11 =	simm.s32 $0x2798;
	[sflag:s19] =	ssyncadd.s32 $0xFFFFF400  }
0x45: {  	[spmem:s3] =	stream.indirect.scatter.add.f32 [tilespmem:s18], [sflag:$0xA], $0x80, s11, s16, $0xb8;
	[tilespmem:$0x1EB00] =	vst v63  }
0x46: {  	_ =	swait.ge [sflag:s21], $0xC00  }
0x47: {  	[sflag:s21] =	ssyncset.done $0x0  }
0x48: {  	s12 =	simm.s32 $0xD8;
	[sflag:s21] =	ssyncadd.s32 $0xFFFFF400  }
0x49: {  	[tilespmem:s18], [sflag:$0x2] =	stream.indirect.gather [hbm4b:s2+s16], $0x80, s12, s16, $0xb8;
	[tilespmem:$0x1EB00] =	vst v63  }
0x4a: {  	_ =	swait.ge [sflag:s23], $0xC00  }
0x4b: {  	[sflag:s23] =	ssyncset.done $0x0  }
0x4c: {  	s10 =	simm.s32 $0x27B0;
	[sflag:s23] =	ssyncadd.s32 $0xFFFFF400  }
0x4d: {  	[spmem:s3] =	stream.indirect.scatter.add.f32 [tilespmem:s20], [sflag:$0xB], $0x80, s10, s16, $0xb8;
	[tilespmem:$0x1EB00] =	vst v63  }
0x4e: {  	_ =	swait.ge [sflag:s25], $0xC00  }
0x4f: {  	[sflag:s25] =	ssyncset.done $0x0  }
0x50: {  	s11 =	simm.s32 $0xF0;
	[sflag:s25] =	ssyncadd.s32 $0xFFFFF400  }
0x51: {  	[tilespmem:s20], [sflag:$0x3] =	stream.indirect.gather [hbm4b:s2+s16], $0x80, s11, s16, $0xb8;
	[tilespmem:$0x1EB00] =	vst v63  }
0x52: {  	_ =	swait.ge [sflag:s28], $0xC00  }
0x53: {  	[sflag:s28] =	ssyncset.done $0x0  }
0x54: {  	s12 =	simm.s32 $0x27C8;
	[sflag:s28] =	ssyncadd.s32 $0xFFFFF400  }
0x55: {  	[spmem:s3] =	stream.indirect.scatter.add.f32 [tilespmem:s22], [sflag:$0xC], $0x80, s12, s16, $0xb8;
	[tilespmem:$0x1EB00] =	vst v63  }
0x56: {  	_ =	swait.ge [sflag:s30], $0xC00  }
0x57: {  	[sflag:s30] =	ssyncset.done $0x0  }
0x58: {  	s10 =	simm.s32 $0x108;
	[sflag:s30] =	ssyncadd.s32 $0xFFFFF400  }
0x59: {  	[tilespmem:s22], [sflag:$0x4] =	stream.indirect.gather [hbm4b:s2+s16], $0x80, s10, s16, $0xb8;
	[tilespmem:$0x1EB00] =	vst v63  }
0x5a: {  	_ =	swait.ge [sflag:s4], $0xC00  }
0x5b: {  	[sflag:s4] =	ssyncset.done $0x0  }
0x5c: {  	s11 =	simm.s32 $0x27E0;
	[sflag:s4] =	ssyncadd.s32 $0xFFFFF400  }
0x5d: {  	[spmem:s3] =	stream.indirect.scatter.add.f32 [tilespmem:s24], [sflag:$0xD], $0x80, s11, s16, $0xb8;
	[tilespmem:$0x1EB00] =	vst v63  }
0x5e: {  	_ =	swait.ge [sflag:s5], $0xC00  }
0x5f: {  	[sflag:s5] =	ssyncset.done $0x0  }
0x60: {  	s12 =	simm.s32 $0x120;
	[sflag:s5] =	ssyncadd.s32 $0xFFFFF400  }
0x61: {  	[tilespmem:s24], [sflag:$0x5] =	stream.indirect.gather [hbm4b:s2+s16], $0x80, s12, s16, $0xb8;
	[tilespmem:$0x1EB00] =	vst v63  }
0x62: {  	_ =	swait.ge [sflag:s13], $0xC00  }
0x63: {  	[sflag:s13] =	ssyncset.done $0x0  }
0x64: {  	s10 =	simm.s32 $0x27F8;
	[sflag:s13] =	ssyncadd.s32 $0xFFFFF400  }
0x65: {  	[spmem:s3] =	stream.indirect.scatter.add.f32 [tilespmem:s26], [sflag:$0xE], $0x80, s10, s16, $0xb8;
	[tilespmem:$0x1EB00] =	vst v63  }
0x66: {  	_ =	swait.ge [sflag:s7], $0xC00  }
0x67: {  	[sflag:s7] =	ssyncset.done $0x0  }
0x68: {  	s11 =	simm.s32 $0x138;
	[sflag:s7] =	ssyncadd.s32 $0xFFFFF400  }
0x69: {  	[tilespmem:s26], [sflag:$0x6] =	stream.indirect.gather [hbm4b:s2+s16], $0x80, s11, s16, $0xb8;
	[tilespmem:$0x1EB00] =	vst v63  }
0x6a: {  	_ =	swait.ge [sflag:s14], $0xC00  }
0x6b: {  	[sflag:s14] =	ssyncset.done $0x0  }
0x6c: {  	s12 =	simm.s32 $0x2810;
	[sflag:s14] =	ssyncadd.s32 $0xFFFFF400  }
0x6d: {  	[spmem:s3] =	stream.indirect.scatter.add.f32 [tilespmem:s29], [sflag:$0xF], $0x80, s12, s16, $0xb8;
	[tilespmem:$0x1EB00] =	vst v63  }
0x6e: {  	_ =	swait.ge [sflag:s8], $0xC00  }
0x6f: {  	[sflag:s8] =	ssyncset.done $0x0  }
0x70: {  	s10 =	simm.s32 $0x150;
	[sflag:s8] =	ssyncadd.s32 $0xFFFFF400  }
0x71: {  	[tilespmem:s29], [sflag:$0x7] =	stream.indirect.gather [hbm4b:s2+s16], $0x80, s10, s16, $0xb8;
	[tilespmem:$0x1EB00] =	vst v63  }
0x72: {  	_ =	swait.ge [sflag:s15], $0xC00  }
0x73: {  	[sflag:s15] =	ssyncset.done $0x0  }
0x74: {  	s11 =	simm.s32 $0x2828;
	[sflag:s15] =	ssyncadd.s32 $0xFFFFF400  }
0x75: {  	[spmem:s3] =	stream.indirect.scatter.add.f32 [tilespmem:s31], [sflag:$0x10], $0x80, s11, s16, $0xb8;
	[tilespmem:$0x1EB00] =	vst v63  }
0x76: {  	_ =	swait.ge [sflag:s9], $0xC00  }
0x77: {  	[sflag:s9] =	ssyncset.done $0x0  }
0x78: {  	s12 =	simm.s32 $0x168;
	[sflag:s9] =	ssyncadd.s32 $0xFFFFF400  }
0x79: {  	[tilespmem:s31], [sflag:$0x8] =	stream.indirect.gather [hbm4b:s2+s16], $0x80, s12, s16, $0xb8;
	[tilespmem:$0x1EB00] =	vst v63  }
0x7a: {  	_ =	swait.ge [sflag:s0], $0xC00  }
0x7b: {  	[sflag:s0] =	ssyncset.done $0x0  }
0x7c: {  	s6 =	simm.s32 $0x300;
	s11 =	simm.s32 $0x2840;
	[sflag:s0] =	ssyncadd.s32 $0xFFFFF400  }
.LBB2_2:
0x7d: {  	[spmem:s3] =	stream.indirect.scatter.add.f32 [tilespmem:s17], [sflag:$0x9], $0x80, s11, s16, $0xb8;
	[tilespmem:$0x1EB00] =	vst v63  }
0x7e: {  	s11 =	smov.u32 s6  }
0x7f: {  	p0 =	sne.s32 s6, $0x9600;
	s6 =	sadd.s32 $0x300, s6;
	_ =	swait.ge [sflag:s1], $0xC00  }
0x80: {  	s11 =	sshra.s32 s11, $0x2;
	[sflag:s1] =	ssyncset.done $0x0  }
0x81: {  	s12 =	sadd.s32 $0xC0, s11;
	[sflag:s1] =	ssyncadd.s32 $0xFFFFF400  }
0x82: {  	[tilespmem:s17], [sflag:$0x1] =	stream.indirect.gather [hbm4b:s2+s16], $0x80, s12, s16, $0xb8;
	[tilespmem:$0x1EB00] =	vst v63  }
0x83: {  	_ =	swait.ge [sflag:s19], $0xC00  }
0x84: {  	[sflag:s19] =	ssyncset.done $0x0  }
0x85: {  	s12 =	sadd.s32 $0x2798, s11;
	[sflag:s19] =	ssyncadd.s32 $0xFFFFF400  }
0x86: {  	[spmem:s3] =	stream.indirect.scatter.add.f32 [tilespmem:s18], [sflag:$0xA], $0x80, s12, s16, $0xb8;
	[tilespmem:$0x1EB00] =	vst v63  }
0x87: {  	_ =	swait.ge [sflag:s21], $0xC00  }
0x88: {  	[sflag:s21] =	ssyncset.done $0x0  }
0x89: {  	s12 =	sadd.s32 $0xD8, s11;
	[sflag:s21] =	ssyncadd.s32 $0xFFFFF400  }
0x8a: {  	[tilespmem:s18], [sflag:$0x2] =	stream.indirect.gather [hbm4b:s2+s16], $0x80, s12, s16, $0xb8;
	[tilespmem:$0x1EB00] =	vst v63  }
0x8b: {  	_ =	swait.ge [sflag:s23], $0xC00  }
0x8c: {  	[sflag:s23] =	ssyncset.done $0x0  }
0x8d: {  	s12 =	sadd.s32 $0x27B0, s11;
	[sflag:s23] =	ssyncadd.s32 $0xFFFFF400  }
0x8e: {  	[spmem:s3] =	stream.indirect.scatter.add.f32 [tilespmem:s20], [sflag:$0xB], $0x80, s12, s16, $0xb8;
	[tilespmem:$0x1EB00] =	vst v63  }
0x8f: {  	_ =	swait.ge [sflag:s25], $0xC00  }
0x90: {  	[sflag:s25] =	ssyncset.done $0x0  }
0x91: {  	s12 =	sadd.s32 $0xF0, s11;
	[sflag:s25] =	ssyncadd.s32 $0xFFFFF400  }
0x92: {  	[tilespmem:s20], [sflag:$0x3] =	stream.indirect.gather [hbm4b:s2+s16], $0x80, s12, s16, $0xb8;
	[tilespmem:$0x1EB00] =	vst v63  }
0x93: {  	_ =	swait.ge [sflag:s28], $0xC00  }
0x94: {  	[sflag:s28] =	ssyncset.done $0x0  }
0x95: {  	s12 =	sadd.s32 $0x27C8, s11;
	[sflag:s28] =	ssyncadd.s32 $0xFFFFF400  }
0x96: {  	[spmem:s3] =	stream.indirect.scatter.add.f32 [tilespmem:s22], [sflag:$0xC], $0x80, s12, s16, $0xb8;
	[tilespmem:$0x1EB00] =	vst v63  }
0x97: {  	_ =	swait.ge [sflag:s30], $0xC00  }
0x98: {  	[sflag:s30] =	ssyncset.done $0x0  }
0x99: {  	s12 =	sadd.s32 $0x108, s11;
	[sflag:s30] =	ssyncadd.s32 $0xFFFFF400  }
0x9a: {  	[tilespmem:s22], [sflag:$0x4] =	stream.indirect.gather [hbm4b:s2+s16], $0x80, s12, s16, $0xb8;
	[tilespmem:$0x1EB00] =	vst v63  }
0x9b: {  	_ =	swait.ge [sflag:s4], $0xC00  }
0x9c: {  	[sflag:s4] =	ssyncset.done $0x0  }
0x9d: {  	s12 =	sadd.s32 $0x27E0, s11;
	[sflag:s4] =	ssyncadd.s32 $0xFFFFF400  }
0x9e: {  	[spmem:s3] =	stream.indirect.scatter.add.f32 [tilespmem:s24], [sflag:$0xD], $0x80, s12, s16, $0xb8;
	[tilespmem:$0x1EB00] =	vst v63  }
0x9f: {  	_ =	swait.ge [sflag:s5], $0xC00  }
0xa0: {  	[sflag:s5] =	ssyncset.done $0x0  }
0xa1: {  	s12 =	sadd.s32 $0x120, s11;
	[sflag:s5] =	ssyncadd.s32 $0xFFFFF400  }
0xa2: {  	[tilespmem:s24], [sflag:$0x5] =	stream.indirect.gather [hbm4b:s2+s16], $0x80, s12, s16, $0xb8;
	[tilespmem:$0x1EB00] =	vst v63  }
0xa3: {  	_ =	swait.ge [sflag:s13], $0xC00  }
0xa4: {  	[sflag:s13] =	ssyncset.done $0x0  }
0xa5: {  	s12 =	sadd.s32 $0x27F8, s11;
	[sflag:s13] =	ssyncadd.s32 $0xFFFFF400  }
0xa6: {  	[spmem:s3] =	stream.indirect.scatter.add.f32 [tilespmem:s26], [sflag:$0xE], $0x80, s12, s16, $0xb8;
	[tilespmem:$0x1EB00] =	vst v63  }
0xa7: {  	_ =	swait.ge [sflag:s7], $0xC00  }
0xa8: {  	[sflag:s7] =	ssyncset.done $0x0  }
0xa9: {  	s12 =	sadd.s32 $0x138, s11;
	[sflag:s7] =	ssyncadd.s32 $0xFFFFF400  }
0xaa: {  	[tilespmem:s26], [sflag:$0x6] =	stream.indirect.gather [hbm4b:s2+s16], $0x80, s12, s16, $0xb8;
	[tilespmem:$0x1EB00] =	vst v63  }
0xab: {  	_ =	swait.ge [sflag:s14], $0xC00  }
0xac: {  	[sflag:s14] =	ssyncset.done $0x0  }
0xad: {  	s12 =	sadd.s32 $0x2810, s11;
	[sflag:s14] =	ssyncadd.s32 $0xFFFFF400  }
0xae: {  	[spmem:s3] =	stream.indirect.scatter.add.f32 [tilespmem:s29], [sflag:$0xF], $0x80, s12, s16, $0xb8;
	[tilespmem:$0x1EB00] =	vst v63  }
0xaf: {  	_ =	swait.ge [sflag:s8], $0xC00  }
0xb0: {  	[sflag:s8] =	ssyncset.done $0x0  }
0xb1: {  	s12 =	sadd.s32 $0x150, s11;
	[sflag:s8] =	ssyncadd.s32 $0xFFFFF400  }
0xb2: {  	[tilespmem:s29], [sflag:$0x7] =	stream.indirect.gather [hbm4b:s2+s16], $0x80, s12, s16, $0xb8;
	[tilespmem:$0x1EB00] =	vst v63  }
0xb3: {  	_ =	swait.ge [sflag:s15], $0xC00  }
0xb4: {  	[sflag:s15] =	ssyncset.done $0x0  }
0xb5: {  	s12 =	sadd.s32 $0x2828, s11;
	[sflag:s15] =	ssyncadd.s32 $0xFFFFF400  }
0xb6: {  	[spmem:s3] =	stream.indirect.scatter.add.f32 [tilespmem:s31], [sflag:$0x10], $0x80, s12, s16, $0xb8;
	[tilespmem:$0x1EB00] =	vst v63  }
0xb7: {  	_ =	swait.ge [sflag:s9], $0xC00  }
0xb8: {  	[sflag:s9] =	ssyncset.done $0x0  }
.Ltmp0:
0xb9: {  	s12 =	sadd.s32 $0x168, s11;
	[sflag:s9] =	ssyncadd.s32 $0xFFFFF400;
	(pc) =	sbr.rel @p0 .LBB2_2-.Ltmp0, $4  }
0xba: {  	[tilespmem:s31], [sflag:$0x8] =	stream.indirect.gather [hbm4b:s2+s16], $0x80, s12, s16, $0xb8;
	[tilespmem:$0x1EB00] =	vst v63  }
0xbb: {  	_ =	swait.ge [sflag:s0], $0xC00  }
0xbc: {  	[sflag:s0] =	ssyncset.done $0x0  }
0xbd: {  	s11 =	sadd.s32 $0x2840, s11;
	[sflag:s0] =	ssyncadd.s32 $0xFFFFF400  }
0xbe: {  	[spmem:s3] =	stream.indirect.scatter.add.f32 [tilespmem:s17], [sflag:$0x9], $0x80, s11, s16, $0xb8;
	[tilespmem:$0x1EB00] =	vst v63  }
0xbf: {  	_ =	swait.ge [sflag:s1], $0xC00  }
0xc0: {  	[sflag:s1] =	ssyncset.done $0x0  }
0xc1: {  	s6 =	simm.s32 $0x2700;
	[sflag:s1] =	ssyncadd.s32 $0xFFFFF400  }
0xc2: {  	[tilespmem:s17], [sflag:$0x1] =	stream.indirect.gather [hbm4b:s2+s16], $0x80, s6, s16, $0xb8;
	[tilespmem:$0x1EB00] =	vst v63  }
0xc3: {  	_ =	swait.ge [sflag:s19], $0xC00  }
0xc4: {  	[sflag:s19] =	ssyncset.done $0x0  }
0xc5: {  	s11 =	simm.s32 $0x4DD8;
	[sflag:s19] =	ssyncadd.s32 $0xFFFFF400  }
0xc6: {  	[spmem:s3] =	stream.indirect.scatter.add.f32 [tilespmem:s18], [sflag:$0xA], $0x80, s11, s16, $0xb8;
	[tilespmem:$0x1EB00] =	vst v63  }
0xc7: {  	_ =	swait.ge [sflag:s21], $0xC00  }
0xc8: {  	[sflag:s21] =	ssyncset.done $0x0  }
0xc9: {  	[sflag:s21] =	ssyncadd.s32 $0xFFFFF400  }
0xca: {  	_ =	swait.ge [sflag:s23], $0xC00  }
0xcb: {  	[sflag:s23] =	ssyncset.done $0x0  }
0xcc: {  	s12 =	simm.s32 $0x4DF0;
	[sflag:s23] =	ssyncadd.s32 $0xFFFFF400  }
0xcd: {  	[spmem:s3] =	stream.indirect.scatter.add.f32 [tilespmem:s20], [sflag:$0xB], $0x80, s12, s16, $0xb8;
	[tilespmem:$0x1EB00] =	vst v63  }
0xce: {  	_ =	swait.ge [sflag:s25], $0xC00  }
0xcf: {  	[sflag:s25] =	ssyncset.done $0x0  }
0xd0: {  	[sflag:s25] =	ssyncadd.s32 $0xFFFFF400  }
0xd1: {  	_ =	swait.ge [sflag:s28], $0xC00  }
0xd2: {  	[sflag:s28] =	ssyncset.done $0x0  }
0xd3: {  	s10 =	simm.s32 $0x4E08;
	[sflag:s28] =	ssyncadd.s32 $0xFFFFF400  }
0xd4: {  	[spmem:s3] =	stream.indirect.scatter.add.f32 [tilespmem:s22], [sflag:$0xC], $0x80, s10, s16, $0xb8;
	[tilespmem:$0x1EB00] =	vst v63  }
0xd5: {  	_ =	swait.ge [sflag:s30], $0xC00  }
0xd6: {  	[sflag:s30] =	ssyncset.done $0x0  }
0xd7: {  	[sflag:s30] =	ssyncadd.s32 $0xFFFFF400  }
0xd8: {  	_ =	swait.ge [sflag:s4], $0xC00  }
0xd9: {  	[sflag:s4] =	ssyncset.done $0x0  }
0xda: {  	s11 =	simm.s32 $0x4E20;
	[sflag:s4] =	ssyncadd.s32 $0xFFFFF400  }
0xdb: {  	[spmem:s3] =	stream.indirect.scatter.add.f32 [tilespmem:s24], [sflag:$0xD], $0x80, s11, s16, $0xb8;
	[tilespmem:$0x1EB00] =	vst v63  }
0xdc: {  	_ =	swait.ge [sflag:s5], $0xC00  }
0xdd: {  	[sflag:s5] =	ssyncset.done $0x0  }
0xde: {  	[sflag:s5] =	ssyncadd.s32 $0xFFFFF400  }
0xdf: {  	_ =	swait.ge [sflag:s13], $0xC00  }
0xe0: {  	[sflag:s13] =	ssyncset.done $0x0  }
0xe1: {  	s12 =	simm.s32 $0x4E38;
	[sflag:s13] =	ssyncadd.s32 $0xFFFFF400  }
0xe2: {  	[spmem:s3] =	stream.indirect.scatter.add.f32 [tilespmem:s26], [sflag:$0xE], $0x80, s12, s16, $0xb8;
	[tilespmem:$0x1EB00] =	vst v63  }
0xe3: {  	_ =	swait.ge [sflag:s7], $0xC00  }
0xe4: {  	[sflag:s7] =	ssyncset.done $0x0  }
0xe5: {  	[sflag:s7] =	ssyncadd.s32 $0xFFFFF400  }
0xe6: {  	_ =	swait.ge [sflag:s14], $0xC00  }
0xe7: {  	[sflag:s14] =	ssyncset.done $0x0  }
0xe8: {  	s10 =	simm.s32 $0x4E50;
	[sflag:s14] =	ssyncadd.s32 $0xFFFFF400  }
0xe9: {  	[spmem:s3] =	stream.indirect.scatter.add.f32 [tilespmem:s29], [sflag:$0xF], $0x80, s10, s16, $0xb8;
	[tilespmem:$0x1EB00] =	vst v63  }
0xea: {  	_ =	swait.ge [sflag:s8], $0xC00  }
0xeb: {  	[sflag:s8] =	ssyncset.done $0x0  }
0xec: {  	[sflag:s8] =	ssyncadd.s32 $0xFFFFF400  }
0xed: {  	_ =	swait.ge [sflag:s15], $0xC00  }
0xee: {  	[sflag:s15] =	ssyncset.done $0x0  }
0xef: {  	s11 =	simm.s32 $0x4E68;
	[sflag:s15] =	ssyncadd.s32 $0xFFFFF400  }
0xf0: {  	[spmem:s3] =	stream.indirect.scatter.add.f32 [tilespmem:s31], [sflag:$0x10], $0x80, s11, s16, $0xb8;
	[tilespmem:$0x1EB00] =	vst v63  }
0xf1: {  	_ =	swait.ge [sflag:s9], $0xC00  }
0xf2: {  	[sflag:s9] =	ssyncset.done $0x0  }
0xf3: {  	[sflag:s9] =	ssyncadd.s32 $0xFFFFF400  }
0xf4: {  	_ =	swait.ge [sflag:s0], $0xC00  }
0xf5: {  	[sflag:s0] =	ssyncset.done $0x0  }
0xf6: {  	s12 =	simm.s32 $0x4E80;
	[sflag:s0] =	ssyncadd.s32 $0xFFFFF400  }
0xf7: {  	[spmem:s3] =	stream.indirect.scatter.add.f32 [tilespmem:s17], [sflag:$0x9], $0x80, s12, s16, $0xb8;
	[tilespmem:$0x1EB00] =	vst v63  }
0xf8: {  	_ =	swait.ge [sflag:s1], $0xC00  }
0xf9: {  	[sflag:s1] =	ssyncset.done $0x0  }
0xfa: {  	[sflag:s1] =	ssyncadd.s32 $0xFFFFF400  }
0xfb: {  	[bflag:$0x0] =	sbarrier.arrive $0xFFFF  }
0xfc: {  	s11 =	rddreg [dreg:$0x5]  }
0xfd: {  	s10 =	rddreg [dreg:$0x8]  }
0xfe: {  	s6 =	simm.s32 $0x11;
	s12 =	rddreg [dreg:$0xa]  }
0xff: {  	[hbm:s10], [sflag:s11] =	dma.local [spmem:s12], $0x2780  }
0x100: {  	_ =	swait.ge [sflag:s6], $0x2780  }
0x101: {  	s10 =	rddreg [dreg:$0xb]  }
0x102: {  	[sflag:s6] =	ssyncset.done $0x0;
	s6 =	rddreg [dreg:$0x9];
	s10 =	sadd.s32 $0x1, s10  }
0x103: {  	p0 =	sne.s32 s10, s6  }
.Ltmp1:
0x104: {  	_ = 	snop;
	(pc) =	sbr.rel @p0 .LBB2_1-.Ltmp1, $3  }
0x105: {  	_ =	sdelay $0x1  }
0x106: {  	s6 =	simm.s32 $0x11  }
0x107: {  	[sflag:s6] =	ssyncadd.s32 $0xFFFFD880  }
0x108: {  	_ =	sfence.sel $0x180000  }
0x109: {  	[bflag:$0x0] =	sbarrier.arrive $0xFFFF  }
0x10a: {  	_ =	strace $0x9000004A  }
0x10b: {  	s0 =	stileid.u32;
	[bflag:$0x2] =	sbarrier.arrive $0xFFFF  }
0x10c: {  	p0 =	sne.s32 s0, $0x0;
	s0 =	rddreg [dreg:$0x3]  }
0x10d: {  	s0 =	sadd.s32 @!p0 $0x100000, s0  }
0x10e: {  	[sflag:s0] =	ssyncadd.tile.s32 @!p0 $0x1;
	_ =	shalt  }
.Lfunc_end2:
_tile_overlayer_lowered:
.L_overlay_start_2:
0x10f: {  	(tag) =	ssettag $0x2  }
0x110: {  	s0 =	rddreg [dreg:$0x0];
	s2 =	stileid.u32  }
0x111: {  	s1 =	rddreg [dreg:$0x1];
	p0 =	sne.s32 s2, $0x0  }
0x112: {  	s3 =	rddreg [dreg:$0x2];
	[bflag:$0x3] =	sbarrier.arrive $0xFFFF;
	s2 =	simm.s32 @!p0 $0x1C11  }
0x113: {  	[timem:s3], [sflag:s2] =	dma.local @!p0 [hbm:s0], s1  }
0x114: {  	s0 =	simm.s32 @!p0 $0x11  }
0x115: {  	_ =	swait.ge @!p0 [sflag:s0], s1  }
0x116: {  	s1 =	ssub.s32 @!p0 $0x0, s1;
	[sflag:s0] =	ssyncset.done @!p0 $0x0  }
0x117: {  	[sflag:s0] =	ssyncadd.s32 @!p0 s1  }
0x118: {  	[bflag:$0x3] =	sbarrier.arrive $0xFFFF  }
0x119: {  	_ =	shalt  }

// kernel: kernel.14.cloned.1.call-start
scs
__scs_entry_jumppad:
0x0: {  	(pc) =	sbr.rel $0x88, $3  }
0x1: {  	(tag) =	ssettag $0x0;
	lr =	simm.s32 $0x1  }
0x2: {  	[smem:$0x3F9B] =	sst lr;
	_ =	strace $0xD0000000  }
0x3: {  	_ = 	snop  }
0x4: {  	_ = 	snop  }
0x5: {  	_ = 	snop  }
0x6: {  	_ = 	snop  }
0x7: {  	_ = 	snop  }
__scs_overlays_trampoline_lowered:
0x8: {  	[smem:$0x3FAA] =	sst s0  }
0x9: {  	[smem:$0x3FAB] =	sst s1  }
0xa: {  	[smem:$0x3FAC] =	sst s2  }
0xb: {  	[smem:$0x3FAD] =	sst s3  }
0xc: {  	[smem:$0x3FAE] =	sst s4  }
0xd: {  	[smem:$0x3FAF] =	sst s5  }
0xe: {  	[smem:$0x3FB0] =	sst s6  }
0xf: {  	[smem:$0x3FB1] =	sst s7  }
0x10: {  	[smem:$0x3FB2] =	sst s8  }
0x11: {  	[smem:$0x3FB3] =	sst s9;
	s0 =	simm.s32 @!p0 $0x0  }
0x12: {  	s1 =	sld [smem:$0x3F99];
	s0 =	simm.s32 @p0 $0x1  }
0x13: {  	[smem:$0x3FB4] =	sst s0;
	s0 =	simm.s32 @!p1 $0x0  }
0x14: {  	s2 =	sld [smem:$0x3F98];
	s0 =	simm.s32 @p1 $0x1  }
0x15: {  	[smem:$0x3FB5] =	sst s0;
	s0 =	simm.s32 @!p2 $0x0  }
0x16: {  	s3 =	sld [smem:$0x3FDB];
	s0 =	simm.s32 @p2 $0x1  }
0x17: {  	s4 =	simm.s32 $0x1BF5;
	[smem:$0x3FB7] =	sst s0  }
0x18: {  	s0 =	sld [smem:$0x3F9A];
	_ =	swait.ge [sflag:s4], $0x0  }
0x19: {  	s7 =	sld [smem:$0x3F9B]  }
0x1a: {  	s8 =	sadd.s32 $0xFFFFE003, lr  }
0x1b: {  	s9 =	sadd.s32 $0xFFFFFEF7, lr;
	s5 =	simm.s32 $0xFFFFFFFF;
	p2 =	slt.u32 s8, $0xFFFFF086  }
0x1c: {  	p1 =	slt.u32 s9, $0xF7A;
	s5 =	simm.s32 @!p2 $0x0  }
0x1d: {  	s5 =	simm.s32 @p1 $0x1;
	p0 =	seq.s32 s7, s2  }
0x1e: {  	s7 =	smul.u32 @!p0 $0xF7A, s2;
	p2 =	seq.s32 @!p0 s5, $0x0  }
0x1f: {  	s9 =	smul.u32 $0xF7A, s1;
	s8 =	simm.s32 @!p0 $0x1BF5;
	p2 =	por !p2, p0  }
0x20: {  	[sflag:s8] =	ssyncset.s32 @!p0 $0xFFFFF086;
	s6 =	sadd.s32 @!p0 s3, s7;
	s7 =	simm.s32 @!p0 $0x108  }
0x21: {  	s3 =	sadd.s32 s3, s9;
	s6 =	sadd.s32 @!p0 $0x88, s6;
	s7 =	simm.s32 @p2 $0x1082  }
0x22: {  	[simem:s7], [sflag:s8] =	dma.local @!p0 [hbm:s6], $0xF7A  }
0x23: {  	s9 =	sor.u32 $0xD0000000, s2;
	s6 =	simm.s32 $0x108;
	_ =	swait.ge @!p0 [sflag:s8], $0x0  }
0x24: {  	s3 =	sadd.s32 $0x88, s3;
	s6 =	simm.s32 @!p1 $0x1082;
	[sflag:s4] =	ssyncset.s32 $0xFFFFF086  }
0x25: {  	[simem:s6], [sflag:s4] =	dma.local [hbm:s3], $0xF7A  }
0x26: {  	[smem:$0x3F9B] =	sst s1;
	(tag) =	ssettag s2;
	_ =	strace s9  }
0x27: {  	s1 =	sld [smem:$0x3FAB]  }
0x28: {  	s2 =	sld [smem:$0x3FAC]  }
0x29: {  	s4 =	sld [smem:$0x3FAE]  }
0x2a: {  	p0 =	seq.s32 s5, $0x0;
	s5 =	sld [smem:$0x3FAF]  }
0x2b: {  	s6 =	sld [smem:$0x3FB0]  }
0x2c: {  	s7 =	sld [smem:$0x3FB1]  }
0x2d: {  	s3 =	simm.s32 $0x108;
	s8 =	sld [smem:$0x3FB2]  }
0x2e: {  	s3 =	simm.s32 @!p0 $0x1082;
	s9 =	sld [smem:$0x3FB3]  }
0x2f: {  	lr =	sadd.s32 s0, s3;
	s0 =	sld [smem:$0x3FAA]  }
0x30: {  	s3 =	sld [smem:$0x3FAD]  }
0x31: {  	[smem:$0x3FB6] =	sst s10  }
0x32: {  	s10 =	sld [smem:$0x3FB4];
	_ =	sdelay $0x3  }
0x33: {  	p0 =	seq.s32 s10, $0x1;
	s10 =	sld [smem:$0x3FB6];
	_ =	sdelay $0x3  }
0x34: {  	[smem:$0x3FB6] =	sst s10  }
0x35: {  	s10 =	sld [smem:$0x3FB5];
	_ =	sdelay $0x3  }
0x36: {  	p1 =	seq.s32 s10, $0x1;
	s10 =	sld [smem:$0x3FB6];
	_ =	sdelay $0x3  }
0x37: {  	[smem:$0x3FB6] =	sst s10  }
0x38: {  	s10 =	sld [smem:$0x3FB7]  }
0x39: {  	_ = 	snop;
	(pc) =	sbr.ind lr, $3  }
0x3a: {  	_ = 	snop  }
0x3b: {  	_ = 	snop  }
0x3c: {  	p2 =	seq.s32 s10, $0x1;
	s10 =	sld [smem:$0x3FB6]  }
0x3d: {  	_ =	shalt  }
0x3e: {  	_ =	shalt  }
0x3f: {  	_ =	shalt  }
0x40: {  	_ =	shalt  }
0x41: {  	_ =	shalt  }
0x42: {  	_ =	shalt  }
0x43: {  	_ =	shalt  }
0x44: {  	_ =	shalt  }
0x45: {  	_ =	shalt  }
0x46: {  	_ =	shalt  }
0x47: {  	_ =	shalt  }
0x48: {  	_ =	shalt  }
0x49: {  	_ =	shalt  }
0x4a: {  	_ =	shalt  }
0x4b: {  	_ =	shalt  }
0x4c: {  	_ =	shalt  }
0x4d: {  	_ =	shalt  }
0x4e: {  	_ =	shalt  }
0x4f: {  	_ =	shalt  }
0x50: {  	_ =	shalt  }
0x51: {  	_ =	shalt  }
0x52: {  	_ =	shalt  }
0x53: {  	_ =	shalt  }
0x54: {  	_ =	shalt  }
0x55: {  	_ =	shalt  }
0x56: {  	_ =	shalt  }
0x57: {  	_ =	shalt  }
0x58: {  	_ =	shalt  }
0x59: {  	_ =	shalt  }
0x5a: {  	_ =	shalt  }
0x5b: {  	_ =	shalt  }
0x5c: {  	_ =	shalt  }
0x5d: {  	_ =	shalt  }
0x5e: {  	_ =	shalt  }
0x5f: {  	_ =	shalt  }
0x60: {  	_ =	shalt  }
0x61: {  	_ =	shalt  }
0x62: {  	_ =	shalt  }
0x63: {  	_ =	shalt  }
0x64: {  	_ =	shalt  }
0x65: {  	_ =	shalt  }
0x66: {  	_ =	shalt  }
0x67: {  	_ =	shalt  }
0x68: {  	_ =	shalt  }
0x69: {  	_ =	shalt  }
0x6a: {  	_ =	shalt  }
0x6b: {  	_ =	shalt  }
0x6c: {  	_ =	shalt  }
0x6d: {  	_ =	shalt  }
0x6e: {  	_ =	shalt  }
0x6f: {  	_ =	shalt  }
0x70: {  	_ =	shalt  }
0x71: {  	_ =	shalt  }
0x72: {  	_ =	shalt  }
0x73: {  	_ =	shalt  }
0x74: {  	_ =	shalt  }
0x75: {  	_ =	shalt  }
0x76: {  	_ =	shalt  }
0x77: {  	_ =	shalt  }
0x78: {  	_ =	shalt  }
0x79: {  	_ =	shalt  }
0x7a: {  	_ =	shalt  }
0x7b: {  	_ =	shalt  }
0x7c: {  	_ =	shalt  }
0x7d: {  	_ =	shalt  }
0x7e: {  	_ =	shalt  }
0x7f: {  	_ =	shalt  }
0x80: {  	_ =	shalt  }
0x81: {  	_ =	shalt  }
0x82: {  	_ =	shalt  }
0x83: {  	_ =	shalt  }
0x84: {  	_ =	shalt  }
0x85: {  	_ =	shalt  }
0x86: {  	_ =	shalt  }
0x87: {  	_ =	shalt  }
.Lfunc_end0:
.L_simem_size_0:
called_computation.2_lowered:
.L_overlay_start_0:
0x88: {  	s2 =	sld [smem:$0x3FD9]  }
0x89: {  	s3 =	sld [smem:$0x3FFE];
	_ =	sdelay $0x1  }
0x8a: {  	s1 =	srdreg.scid  }
0x8b: {  	s0 =	sand.u32 $0x1, s1  }
0x8c: {  	s17 =	sshll.u32 s0, $0xA;
	s2 =	sadd.s32 s3, s2  }
0x8d: {  	s2 =	sadd.s32 s2, s17  }
0x8e: {  	[smem:$0x3FC2] =	sst s2  }
0x8f: {  	_ = 	snop  }
0x90: {  	s2 =	sld [smem:$0x3FD0];
	(tm) =	ssettm $0x1  }
0x91: {  	s18 =	sld [smem:$0x3FFB];
	_ =	sdelay $0x3  }
0x92: {  	_ =	strace s18  }
0x93: {  	s3 =	sld [smem:$0x3FFC];
	_ =	sdelay $0x3  }
0x94: {  	_ =	strace s3  }
0x95: {  	s3 =	sld [smem:$0x3FFD];
	_ =	sdelay $0x3  }
0x96: {  	_ =	strace s3  }
0x97: {  	_ =	strace $0x8FFFFFFF  }
0x98: {  	s19 =	sld [smem:$0x3FDB];
	_ =	sdelay $0x1  }
0x99: {  	s4 =	simm.s32 $_scs_section_size  }
0x9a: {  	s5 =	simm.s32 $_size__tile_overlayer_lowered;
	s6 =	simm.s32 $_tile_overlayer_lowered  }
0x9b: {  	s22 =	simm.s32 $0x1BFF;
	s21 =	sshll.u32 s6, $0x1;
	s3 =	sadd.s32 s4, s19  }
0x9c: {  	s7 =	simm.s32 $0x0;
	s20 =	sshll.u32 s5, $0x1;
	s5 =	sadd.s32 s21, s3  }
0x9d: {  	[timem:s7], [sflag:s22] =	dma.local [hbm:s5], s20  }
0x9e: {  	_ =	swait.ge [sflag:s22], s20  }
0x9f: {  	s4 =	ssub.s32 $0x0, s20;
	[sflag:s22] =	ssyncset.done $0x0  }
0xa0: {  	[sflag:s22] =	ssyncadd.s32 s4;
	_ =	sdelay $0x1  }
0xa1: {  	s23 =	simm.s32 $0x1B8B  }
0xa2: {  	_ =	swait.ge [sflag:s23], $0x1  }
0xa3: {  	[sflag:s23] =	ssyncset.done $0x0  }
0xa4: {  	s25 =	simm.s32 $0x1B8E;
	s24 =	sld [smem:$0x3FFE];
	[sflag:s23] =	ssyncadd.s32 $0xFFFFFFFF  }
0xa5: {  	s26 =	simm.s32 $execute0_lowered;
	[smem:$0x3FD2] =	sst s25  }
0xa6: {  	s5 =	sshll.u32 s26, $0x1;
	_ =	strace $0x8000004C;
	[dreg:$0x1] =	wrdreg $0xFFFFFFFF  }
0xa7: {  	s28 =	simm.s32 $_size_execute0_lowered;
	s3 =	sadd.s32 s3, s5;
	[dreg:$0x0] =	wrdreg $0x0  }
0xa8: {  	s5 =	sshll.u32 s28, $0x1;
	[dreg:$0x2] =	wrdreg s3  }
0xa9: {  	[dreg:$0x3] =	wrdreg s5  }
0xaa: {  	[dreg:$0x4] =	wrdreg $0xC0  }
0xab: {  	_ =	task [dreg:s7], $0x5FFFF  }
0xac: {  	[dreg:$0x1] =	wrdreg $0xFFFFFFFF  }
0xad: {  	[dreg:$0x0] =	wrdreg $0x60  }
0xae: {  	[dreg:$0x2] =	wrdreg s24  }
0xaf: {  	[dreg:$0x3] =	wrdreg s2  }
0xb0: {  	[dreg:$0x4] =	wrdreg $0xAF000  }
0xb1: {  	[dreg:$0x5] =	wrdreg $0x9  }
0xb2: {  	_ =	task.clear_ibuf [dreg:s7], $0x6FFFF;
	_ =	strace $0x9000004C  }
0xb3: {  	s29 =	simm.s32 $0x9;
	_ =	strace $0x8000004E  }
0xb4: {  	_ =	swait.ge [sflag:s29], $0x1  }
0xb5: {  	[sflag:s29] =	ssyncadd.s32 $0xFFFFFFFF  }
0xb6: {  	_ =	strace $0x9000004E  }
0xb7: {  	_ =	sfence  }
0xb8: {  	s30 =	sld [smem:$0x0];
	_ =	sdelay $0x2  }
0xb9: {  	s31 =	sshll.u32 s1, $0xD;
	s1 =	sshrl.u32 s1, $0x2  }
0xba: {  	s3 =	sand.u32 $0x4000, s31;
	s1 =	sadd.s32 s1, s30  }
0xbb: {  	s0 =	sor.u32 s3, s0;
	s1 =	sshll.u32 s1, $0x11  }
0xbc: {  	s0 =	sor.u32 s1, s0  }
0xbd: {  	s0 =	sadd.s32 $0x8F2B, s0  }
0xbe: {  	[sflag:s0] =	ssyncadd.remote.s32 $0x1  }
0xbf: {  	_ =	sfence.sel $0xFFFF  }
0xc0: {  	[dreg:$0x0] =	wrdreg $0xFFFFFFFF;
	(pc) =	sbr.abs _section_cstart, $3  }
0xc1: {  	[dreg:$0x1] =	wrdreg $0xFFFFFFFF  }
0xc2: {  	_ =	task.clear_ibuf [dreg:s7], $0x2FFFF;
	_ =	strace $0x9FFFFFFF  }
0xc3: {  	(tm) =	ssettm $0x7FFFFFFF  }
tec
execute0_lowered:
.L_overlay_start_1:
0x0: {  	(tag) =	ssettag $0x1  }
0x1: {  	s0 =	rddreg [dreg:$0x0]  }
0x2: {  	s2 =	rddreg [dreg:$0x1]  }
0x3: {  	s3 =	rddreg [dreg:$0x2];
	s1 =	srdreg.scid  }
0x4: {  	s7 =	stileid.u32;
	s8 =	simm.s32 $0x0;
	s16 =	simm.s32 $0x18  }
0x5: {  	s17 =	simm.s32 $0x4F00;
	s29 =	simm.s32 $0x9700;
	s31 =	simm.s32 $0xA300  }
0x6: {  	s28 =	simm.s32 $0x4;
	s30 =	simm.s32 $0xC;
	s13 =	simm.s32 $0x6  }
0x7: {  	s14 =	simm.s32 $0x7;
	s15 =	simm.s32 $0x8;
	s9 =	simm.s32 $0x10  }
0x8: {  	s10 =	simm.s32 $0x0;
	s1 =	sand.u32 $0x1, s1;
	s4 =	sshrl.u32 s7, $0x2  }
0x9: {  	s5 =	sshll.u32 s7, $0x8;
	[smem:$0x7FF] =	sst s8;
	s19 =	smul.u32 $0x13C00, s7  }
0xa: {  	s20 =	smul.u32 $0x4F000, s7;
	s21 =	sadd.s32 $0xC000, s0;
	s24 =	sshll.u32 s7, $0x6  }
0xb: {  	s7 =	simm.s32 $0xE;
	s8 =	simm.s32 $0xF;
	s4 =	smul.u32 $0x13C00, s4  }
0xc: {  	s6 =	sshll.u32 s1, $0x7;
	s5 =	sand.u32 $0x300, s5;
	s18 =	smul.u32 $0x13C000, s1  }
0xd: {  	_ =	strace $0x8000004D;
	[dreg:$0x4] =	wrdreg s21;
	s1 =	ssub.s32 $0x2, s1  }
0xe: {  	s11 =	sor.u32 $0x1C11, s24;
	s24 =	simm.s32 $0x7F00;
	s21 =	simm.s32 $0xA  }
0xf: {  	s5 =	sor.u32 s6, s5;
	s22 =	sshrl.u32 s1, $0x1;
	s6 =	sshrl.u32 s20, $0x2  }
0x10: {  	s20 =	simm.s32 $0x6700;
	[dreg:$0x5] =	wrdreg s11;
	s4 =	sor.u32 s4, s5  }
0x11: {  	s5 =	sadd.s32 s19, s18;
	s1 =	ssub.s32 s1, s22;
	s23 =	sadd.s32 s6, s3  }
0x12: {  	s18 =	simm.s32 $0x5B00;
	s22 =	simm.s32 $0x7300;
	s19 =	simm.s32 $0x2  }
0x13: {  	s4 =	sshrl.u32 s4, $0x3;
	s5 =	sshrl.u32 s5, $0x3;
	s26 =	smax.u32 s1, $0x1  }
0x14: {  	s12 =	sshrl.u32 s23, $0x3;
	s4 =	sadd.s32 s4, s0;
	[dreg:$0x9] =	wrdreg s26  }
0x15: {  	s1 =	simm.s32 $0x9;
	[dreg:$0xa] =	wrdreg s12;
	s25 =	sadd.s32 $0x5D800, s4  }
0x16: {  	s0 =	sadd.s32 s5, s0;
	s4 =	sadd.s32 $0x2200, s4;
	[dreg:$0x6] =	wrdreg s25  }
0x17: {  	s23 =	simm.s32 $0x3;
	s0 =	sadd.s32 $0x67600, s0;
	[dreg:$0x7] =	wrdreg s4  }
0x18: {  	s26 =	simm.s32 $0x8B00;
	s5 =	simm.s32 $0xD;
	[dreg:$0x8] =	wrdreg s0  }
0x19: {  	s0 =	simm.s32 $0x1;
	s25 =	simm.s32 $0xB;
	s4 =	simm.s32 $0x5  }
.LBB2_1:
0x1a: {  	[dreg:$0xb] =	wrdreg s10  }
0x1b: {  	s10 =	simm.s32 $0x11;
	s6 =	rddreg [dreg:$0x4]  }
0x1c: {  	[spmem:s12], [sflag:s11] =	dma.local [hbm:s6], $0x2780  }
0x1d: {  	_ =	swait.ge [sflag:s10], $0x2780  }
0x1e: {  	s6 =	simm.s32 $0x400;
	s12 =	simm.s32 $0x0;
	[sflag:s10] =	ssyncset.done $0x0  }
0x1f: {  	s11 =	rddreg [dreg:$0x6];
	[sflag:s10] =	ssyncadd.s32 $0xFFFFD880;
	s10 =	simm.s32 $0x80  }
0x20: {  	[tilespmem:s12], [sflag:$0x11] =	stream.strided.gather [hbm4b:s11+s10], $0x2780, s6, s10, $0x38;
	[tilespmem:$0x1EB00] =	vst v63  }
0x21: {  	s12 =	simm.s32 $0x11  }
0x22: {  	_ =	swait.ge [sflag:s12], $0x2780  }
0x23: {  	s6 =	simm.s32 $0x2780;
	s10 =	simm.s32 $0x80;
	[sflag:s12] =	ssyncset.done $0x0  }
0x24: {  	s11 =	rddreg [dreg:$0x7];
	[sflag:s12] =	ssyncadd.s32 $0xFFFFD880;
	s12 =	simm.s32 $0x400  }
0x25: {  	[tilespmem:s6], [sflag:$0x11] =	stream.strided.gather [hbm4b:s11+s10], $0x2780, s12, s10, $0x38;
	[tilespmem:$0x1EB00] =	vst v63  }
0x26: {  	s10 =	simm.s32 $0x11  }
0x27: {  	_ =	swait.ge [sflag:s10], $0x2780  }
0x28: {  	[sflag:s10] =	ssyncset.done $0x0  }
0x29: {  	[sflag:s10] =	ssyncadd.s32 $0xFFFFD880  }
0x2a: {  	s12 =	simm.s32 $0x0;
	[bflag:$0x0] =	sbarrier.arrive $0xFFFF  }
0x2b: {  	[tilespmem:s17], [sflag:$0x1] =	stream.indirect.gather [hbm4b:s2+s16], $0x80, s12, s16, $0xb8;
	[tilespmem:$0x1EB00] =	vst v63  }
0x2c: {  	_ = 	snop  }
0x2d: {  	[tilespmem:s18], [sflag:$0x2] =	stream.indirect.gather [hbm4b:s2+s16], $0x80, s16, s16, $0xb8;
	[tilespmem:$0x1EB00] =	vst v63  }
0x2e: {  	s10 =	simm.s32 $0x30  }
0x2f: {  	[tilespmem:s20], [sflag:$0x3] =	stream.indirect.gather [hbm4b:s2+s16], $0x80, s10, s16, $0xb8;
	[tilespmem:$0x1EB00] =	vst v63  }
0x30: {  	s12 =	simm.s32 $0x48  }
0x31: {  	[tilespmem:s22], [sflag:$0x4] =	stream.indirect.gather [hbm4b:s2+s16], $0x80, s12, s16, $0xb8;
	[tilespmem:$0x1EB00] =	vst v63  }
0x32: {  	s10 =	simm.s32 $0x60  }
0x33: {  	[tilespmem:s24], [sflag:$0x5] =	stream.indirect.gather [hbm4b:s2+s16], $0x80, s10, s16, $0xb8;
	[tilespmem:$0x1EB00] =	vst v63  }
0x34: {  	s12 =	simm.s32 $0x78  }
0x35: {  	[tilespmem:s26], [sflag:$0x6] =	stream.indirect.gather [hbm4b:s2+s16], $0x80, s12, s16, $0xb8;
	[tilespmem:$0x1EB00] =	vst v63  }
0x36: {  	s10 =	simm.s32 $0x90  }
0x37: {  	[tilespmem:s29], [sflag:$0x7] =	stream.indirect.gather [hbm4b:s2+s16], $0x80, s10, s16, $0xb8;
	[tilespmem:$0x1EB00] =	vst v63  }
0x38: {  	s12 =	simm.s32 $0xA8  }
0x39: {  	[tilespmem:s31], [sflag:$0x8] =	stream.indirect.gather [hbm4b:s2+s16], $0x80, s12, s16, $0xb8;
	[tilespmem:$0x1EB00] =	vst v63  }
0x3a: {  	_ =	swait.ge [sflag:s0], $0xC00  }
0x3b: {  	[sflag:s0] =	ssyncset.done $0x0  }
0x3c: {  	s11 =	simm.s32 $0x2780;
	[sflag:s0] =	ssyncadd.s32 $0xFFFFF400  }
0x3d: {  	[spmem:s3] =	stream.indirect.scatter.add.f32 [tilespmem:s17], [sflag:$0x9], $0x80, s11, s16, $0xb8;
	[tilespmem:$0x1EB00] =	vst v63  }
0x3e: {  	_ =	swait.ge [sflag:s1], $0xC00  }
0x3f: {  	[sflag:s1] =	ssyncset.done $0x0  }
0x40: {  	s10 =	simm.s32 $0xC0;
	[sflag:s1] =	ssyncadd.s32 $0xFFFFF400  }
0x41: {  	[tilespmem:s17], [sflag:$0x1] =	stream.indirect.gather [hbm4b:s2+s16], $0x80, s10, s16, $0xb8;
	[tilespmem:$0x1EB00] =	vst v63  }
0x42: {  	_ =	swait.ge [sflag:s19], $0xC00  }
0x43: {  	[sflag:s19] =	ssyncset.done $0x0  }
0x44: {  	s11 =	simm.s32 $0x2798;
	[sflag:s19] =	ssyncadd.s32 $0xFFFFF400  }
0x45: {  	[spmem:s3] =	stream.indirect.scatter.add.f32 [tilespmem:s18], [sflag:$0xA], $0x80, s11, s16, $0xb8;
	[tilespmem:$0x1EB00] =	vst v63  }
0x46: {  	_ =	swait.ge [sflag:s21], $0xC00  }
0x47: {  	[sflag:s21] =	ssyncset.done $0x0  }
0x48: {  	s12 =	simm.s32 $0xD8;
	[sflag:s21] =	ssyncadd.s32 $0xFFFFF400  }
0x49: {  	[tilespmem:s18], [sflag:$0x2] =	stream.indirect.gather [hbm4b:s2+s16], $0x80, s12, s16, $0xb8;
	[tilespmem:$0x1EB00] =	vst v63  }
0x4a: {  	_ =	swait.ge [sflag:s23], $0xC00  }
0x4b: {  	[sflag:s23] =	ssyncset.done $0x0  }
0x4c: {  	s10 =	simm.s32 $0x27B0;
	[sflag:s23] =	ssyncadd.s32 $0xFFFFF400  }
0x4d: {  	[spmem:s3] =	stream.indirect.scatter.add.f32 [tilespmem:s20], [sflag:$0xB], $0x80, s10, s16, $0xb8;
	[tilespmem:$0x1EB00] =	vst v63  }
0x4e: {  	_ =	swait.ge [sflag:s25], $0xC00  }
0x4f: {  	[sflag:s25] =	ssyncset.done $0x0  }
0x50: {  	s11 =	simm.s32 $0xF0;
	[sflag:s25] =	ssyncadd.s32 $0xFFFFF400  }
0x51: {  	[tilespmem:s20], [sflag:$0x3] =	stream.indirect.gather [hbm4b:s2+s16], $0x80, s11, s16, $0xb8;
	[tilespmem:$0x1EB00] =	vst v63  }
0x52: {  	_ =	swait.ge [sflag:s28], $0xC00  }
0x53: {  	[sflag:s28] =	ssyncset.done $0x0  }
0x54: {  	s12 =	simm.s32 $0x27C8;
	[sflag:s28] =	ssyncadd.s32 $0xFFFFF400  }
0x55: {  	[spmem:s3] =	stream.indirect.scatter.add.f32 [tilespmem:s22], [sflag:$0xC], $0x80, s12, s16, $0xb8;
	[tilespmem:$0x1EB00] =	vst v63  }
0x56: {  	_ =	swait.ge [sflag:s30], $0xC00  }
0x57: {  	[sflag:s30] =	ssyncset.done $0x0  }
0x58: {  	s10 =	simm.s32 $0x108;
	[sflag:s30] =	ssyncadd.s32 $0xFFFFF400  }
0x59: {  	[tilespmem:s22], [sflag:$0x4] =	stream.indirect.gather [hbm4b:s2+s16], $0x80, s10, s16, $0xb8;
	[tilespmem:$0x1EB00] =	vst v63  }
0x5a: {  	_ =	swait.ge [sflag:s4], $0xC00  }
0x5b: {  	[sflag:s4] =	ssyncset.done $0x0  }
0x5c: {  	s11 =	simm.s32 $0x27E0;
	[sflag:s4] =	ssyncadd.s32 $0xFFFFF400  }
0x5d: {  	[spmem:s3] =	stream.indirect.scatter.add.f32 [tilespmem:s24], [sflag:$0xD], $0x80, s11, s16, $0xb8;
	[tilespmem:$0x1EB00] =	vst v63  }
0x5e: {  	_ =	swait.ge [sflag:s5], $0xC00  }
0x5f: {  	[sflag:s5] =	ssyncset.done $0x0  }
0x60: {  	s12 =	simm.s32 $0x120;
	[sflag:s5] =	ssyncadd.s32 $0xFFFFF400  }
0x61: {  	[tilespmem:s24], [sflag:$0x5] =	stream.indirect.gather [hbm4b:s2+s16], $0x80, s12, s16, $0xb8;
	[tilespmem:$0x1EB00] =	vst v63  }
0x62: {  	_ =	swait.ge [sflag:s13], $0xC00  }
0x63: {  	[sflag:s13] =	ssyncset.done $0x0  }
0x64: {  	s10 =	simm.s32 $0x27F8;
	[sflag:s13] =	ssyncadd.s32 $0xFFFFF400  }
0x65: {  	[spmem:s3] =	stream.indirect.scatter.add.f32 [tilespmem:s26], [sflag:$0xE], $0x80, s10, s16, $0xb8;
	[tilespmem:$0x1EB00] =	vst v63  }
0x66: {  	_ =	swait.ge [sflag:s7], $0xC00  }
0x67: {  	[sflag:s7] =	ssyncset.done $0x0  }
0x68: {  	s11 =	simm.s32 $0x138;
	[sflag:s7] =	ssyncadd.s32 $0xFFFFF400  }
0x69: {  	[tilespmem:s26], [sflag:$0x6] =	stream.indirect.gather [hbm4b:s2+s16], $0x80, s11, s16, $0xb8;
	[tilespmem:$0x1EB00] =	vst v63  }
0x6a: {  	_ =	swait.ge [sflag:s14], $0xC00  }
0x6b: {  	[sflag:s14] =	ssyncset.done $0x0  }
0x6c: {  	s12 =	simm.s32 $0x2810;
	[sflag:s14] =	ssyncadd.s32 $0xFFFFF400  }
0x6d: {  	[spmem:s3] =	stream.indirect.scatter.add.f32 [tilespmem:s29], [sflag:$0xF], $0x80, s12, s16, $0xb8;
	[tilespmem:$0x1EB00] =	vst v63  }
0x6e: {  	_ =	swait.ge [sflag:s8], $0xC00  }
0x6f: {  	[sflag:s8] =	ssyncset.done $0x0  }
0x70: {  	s10 =	simm.s32 $0x150;
	[sflag:s8] =	ssyncadd.s32 $0xFFFFF400  }
0x71: {  	[tilespmem:s29], [sflag:$0x7] =	stream.indirect.gather [hbm4b:s2+s16], $0x80, s10, s16, $0xb8;
	[tilespmem:$0x1EB00] =	vst v63  }
0x72: {  	_ =	swait.ge [sflag:s15], $0xC00  }
0x73: {  	[sflag:s15] =	ssyncset.done $0x0  }
0x74: {  	s11 =	simm.s32 $0x2828;
	[sflag:s15] =	ssyncadd.s32 $0xFFFFF400  }
0x75: {  	[spmem:s3] =	stream.indirect.scatter.add.f32 [tilespmem:s31], [sflag:$0x10], $0x80, s11, s16, $0xb8;
	[tilespmem:$0x1EB00] =	vst v63  }
0x76: {  	_ =	swait.ge [sflag:s9], $0xC00  }
0x77: {  	[sflag:s9] =	ssyncset.done $0x0  }
0x78: {  	s12 =	simm.s32 $0x168;
	[sflag:s9] =	ssyncadd.s32 $0xFFFFF400  }
0x79: {  	[tilespmem:s31], [sflag:$0x8] =	stream.indirect.gather [hbm4b:s2+s16], $0x80, s12, s16, $0xb8;
	[tilespmem:$0x1EB00] =	vst v63  }
0x7a: {  	_ =	swait.ge [sflag:s0], $0xC00  }
0x7b: {  	[sflag:s0] =	ssyncset.done $0x0  }
0x7c: {  	s6 =	simm.s32 $0x300;
	s11 =	simm.s32 $0x2840;
	[sflag:s0] =	ssyncadd.s32 $0xFFFFF400  }
.LBB2_2:
0x7d: {  	[spmem:s3] =	stream.indirect.scatter.add.f32 [tilespmem:s17], [sflag:$0x9], $0x80, s11, s16, $0xb8;
	[tilespmem:$0x1EB00] =	vst v63  }
0x7e: {  	s11 =	smov.u32 s6  }
0x7f: {  	p0 =	sne.s32 s6, $0x9600;
	s6 =	sadd.s32 $0x300, s6;
	_ =	swait.ge [sflag:s1], $0xC00  }
0x80: {  	s11 =	sshra.s32 s11, $0x2;
	[sflag:s1] =	ssyncset.done $0x0  }
0x81: {  	s12 =	sadd.s32 $0xC0, s11;
	[sflag:s1] =	ssyncadd.s32 $0xFFFFF400  }
0x82: {  	[tilespmem:s17], [sflag:$0x1] =	stream.indirect.gather [hbm4b:s2+s16], $0x80, s12, s16, $0xb8;
	[tilespmem:$0x1EB00] =	vst v63  }
0x83: {  	_ =	swait.ge [sflag:s19], $0xC00  }
0x84: {  	[sflag:s19] =	ssyncset.done $0x0  }
0x85: {  	s12 =	sadd.s32 $0x2798, s11;
	[sflag:s19] =	ssyncadd.s32 $0xFFFFF400  }
0x86: {  	[spmem:s3] =	stream.indirect.scatter.add.f32 [tilespmem:s18], [sflag:$0xA], $0x80, s12, s16, $0xb8;
	[tilespmem:$0x1EB00] =	vst v63  }
0x87: {  	_ =	swait.ge [sflag:s21], $0xC00  }
0x88: {  	[sflag:s21] =	ssyncset.done $0x0  }
0x89: {  	s12 =	sadd.s32 $0xD8, s11;
	[sflag:s21] =	ssyncadd.s32 $0xFFFFF400  }
0x8a: {  	[tilespmem:s18], [sflag:$0x2] =	stream.indirect.gather [hbm4b:s2+s16], $0x80, s12, s16, $0xb8;
	[tilespmem:$0x1EB00] =	vst v63  }
0x8b: {  	_ =	swait.ge [sflag:s23], $0xC00  }
0x8c: {  	[sflag:s23] =	ssyncset.done $0x0  }
0x8d: {  	s12 =	sadd.s32 $0x27B0, s11;
	[sflag:s23] =	ssyncadd.s32 $0xFFFFF400  }
0x8e: {  	[spmem:s3] =	stream.indirect.scatter.add.f32 [tilespmem:s20], [sflag:$0xB], $0x80, s12, s16, $0xb8;
	[tilespmem:$0x1EB00] =	vst v63  }
0x8f: {  	_ =	swait.ge [sflag:s25], $0xC00  }
0x90: {  	[sflag:s25] =	ssyncset.done $0x0  }
0x91: {  	s12 =	sadd.s32 $0xF0, s11;
	[sflag:s25] =	ssyncadd.s32 $0xFFFFF400  }
0x92: {  	[tilespmem:s20], [sflag:$0x3] =	stream.indirect.gather [hbm4b:s2+s16], $0x80, s12, s16, $0xb8;
	[tilespmem:$0x1EB00] =	vst v63  }
0x93: {  	_ =	swait.ge [sflag:s28], $0xC00  }
0x94: {  	[sflag:s28] =	ssyncset.done $0x0  }
0x95: {  	s12 =	sadd.s32 $0x27C8, s11;
	[sflag:s28] =	ssyncadd.s32 $0xFFFFF400  }
0x96: {  	[spmem:s3] =	stream.indirect.scatter.add.f32 [tilespmem:s22], [sflag:$0xC], $0x80, s12, s16, $0xb8;
	[tilespmem:$0x1EB00] =	vst v63  }
0x97: {  	_ =	swait.ge [sflag:s30], $0xC00  }
0x98: {  	[sflag:s30] =	ssyncset.done $0x0  }
0x99: {  	s12 =	sadd.s32 $0x108, s11;
	[sflag:s30] =	ssyncadd.s32 $0xFFFFF400  }
0x9a: {  	[tilespmem:s22], [sflag:$0x4] =	stream.indirect.gather [hbm4b:s2+s16], $0x80, s12, s16, $0xb8;
	[tilespmem:$0x1EB00] =	vst v63  }
0x9b: {  	_ =	swait.ge [sflag:s4], $0xC00  }
0x9c: {  	[sflag:s4] =	ssyncset.done $0x0  }
0x9d: {  	s12 =	sadd.s32 $0x27E0, s11;
	[sflag:s4] =	ssyncadd.s32 $0xFFFFF400  }
0x9e: {  	[spmem:s3] =	stream.indirect.scatter.add.f32 [tilespmem:s24], [sflag:$0xD], $0x80, s12, s16, $0xb8;
	[tilespmem:$0x1EB00] =	vst v63  }
0x9f: {  	_ =	swait.ge [sflag:s5], $0xC00  }
0xa0: {  	[sflag:s5] =	ssyncset.done $0x0  }
0xa1: {  	s12 =	sadd.s32 $0x120, s11;
	[sflag:s5] =	ssyncadd.s32 $0xFFFFF400  }
0xa2: {  	[tilespmem:s24], [sflag:$0x5] =	stream.indirect.gather [hbm4b:s2+s16], $0x80, s12, s16, $0xb8;
	[tilespmem:$0x1EB00] =	vst v63  }
0xa3: {  	_ =	swait.ge [sflag:s13], $0xC00  }
0xa4: {  	[sflag:s13] =	ssyncset.done $0x0  }
0xa5: {  	s12 =	sadd.s32 $0x27F8, s11;
	[sflag:s13] =	ssyncadd.s32 $0xFFFFF400  }
0xa6: {  	[spmem:s3] =	stream.indirect.scatter.add.f32 [tilespmem:s26], [sflag:$0xE], $0x80, s12, s16, $0xb8;
	[tilespmem:$0x1EB00] =	vst v63  }
0xa7: {  	_ =	swait.ge [sflag:s7], $0xC00  }
0xa8: {  	[sflag:s7] =	ssyncset.done $0x0  }
0xa9: {  	s12 =	sadd.s32 $0x138, s11;
	[sflag:s7] =	ssyncadd.s32 $0xFFFFF400  }
0xaa: {  	[tilespmem:s26], [sflag:$0x6] =	stream.indirect.gather [hbm4b:s2+s16], $0x80, s12, s16, $0xb8;
	[tilespmem:$0x1EB00] =	vst v63  }
0xab: {  	_ =	swait.ge [sflag:s14], $0xC00  }
0xac: {  	[sflag:s14] =	ssyncset.done $0x0  }
0xad: {  	s12 =	sadd.s32 $0x2810, s11;
	[sflag:s14] =	ssyncadd.s32 $0xFFFFF400  }
0xae: {  	[spmem:s3] =	stream.indirect.scatter.add.f32 [tilespmem:s29], [sflag:$0xF], $0x80, s12, s16, $0xb8;
	[tilespmem:$0x1EB00] =	vst v63  }
0xaf: {  	_ =	swait.ge [sflag:s8], $0xC00  }
0xb0: {  	[sflag:s8] =	ssyncset.done $0x0  }
0xb1: {  	s12 =	sadd.s32 $0x150, s11;
	[sflag:s8] =	ssyncadd.s32 $0xFFFFF400  }
0xb2: {  	[tilespmem:s29], [sflag:$0x7] =	stream.indirect.gather [hbm4b:s2+s16], $0x80, s12, s16, $0xb8;
	[tilespmem:$0x1EB00] =	vst v63  }
0xb3: {  	_ =	swait.ge [sflag:s15], $0xC00  }
0xb4: {  	[sflag:s15] =	ssyncset.done $0x0  }
0xb5: {  	s12 =	sadd.s32 $0x2828, s11;
	[sflag:s15] =	ssyncadd.s32 $0xFFFFF400  }
0xb6: {  	[spmem:s3] =	stream.indirect.scatter.add.f32 [tilespmem:s31], [sflag:$0x10], $0x80, s12, s16, $0xb8;
	[tilespmem:$0x1EB00] =	vst v63  }
0xb7: {  	_ =	swait.ge [sflag:s9], $0xC00  }
0xb8: {  	[sflag:s9] =	ssyncset.done $0x0  }
.Ltmp0:
0xb9: {  	s12 =	sadd.s32 $0x168, s11;
	[sflag:s9] =	ssyncadd.s32 $0xFFFFF400;
	(pc) =	sbr.rel @p0 .LBB2_2-.Ltmp0, $4  }
0xba: {  	[tilespmem:s31], [sflag:$0x8] =	stream.indirect.gather [hbm4b:s2+s16], $0x80, s12, s16, $0xb8;
	[tilespmem:$0x1EB00] =	vst v63  }
0xbb: {  	_ =	swait.ge [sflag:s0], $0xC00  }
0xbc: {  	[sflag:s0] =	ssyncset.done $0x0  }
0xbd: {  	s11 =	sadd.s32 $0x2840, s11;
	[sflag:s0] =	ssyncadd.s32 $0xFFFFF400  }
0xbe: {  	[spmem:s3] =	stream.indirect.scatter.add.f32 [tilespmem:s17], [sflag:$0x9], $0x80, s11, s16, $0xb8;
	[tilespmem:$0x1EB00] =	vst v63  }
0xbf: {  	_ =	swait.ge [sflag:s1], $0xC00  }
0xc0: {  	[sflag:s1] =	ssyncset.done $0x0  }
0xc1: {  	s6 =	simm.s32 $0x2700;
	[sflag:s1] =	ssyncadd.s32 $0xFFFFF400  }
0xc2: {  	[tilespmem:s17], [sflag:$0x1] =	stream.indirect.gather [hbm4b:s2+s16], $0x80, s6, s16, $0xb8;
	[tilespmem:$0x1EB00] =	vst v63  }
0xc3: {  	_ =	swait.ge [sflag:s19], $0xC00  }
0xc4: {  	[sflag:s19] =	ssyncset.done $0x0  }
0xc5: {  	s11 =	simm.s32 $0x4DD8;
	[sflag:s19] =	ssyncadd.s32 $0xFFFFF400  }
0xc6: {  	[spmem:s3] =	stream.indirect.scatter.add.f32 [tilespmem:s18], [sflag:$0xA], $0x80, s11, s16, $0xb8;
	[tilespmem:$0x1EB00] =	vst v63  }
0xc7: {  	_ =	swait.ge [sflag:s21], $0xC00  }
0xc8: {  	[sflag:s21] =	ssyncset.done $0x0  }
0xc9: {  	[sflag:s21] =	ssyncadd.s32 $0xFFFFF400  }
0xca: {  	_ =	swait.ge [sflag:s23], $0xC00  }
0xcb: {  	[sflag:s23] =	ssyncset.done $0x0  }
0xcc: {  	s12 =	simm.s32 $0x4DF0;
	[sflag:s23] =	ssyncadd.s32 $0xFFFFF400  }
0xcd: {  	[spmem:s3] =	stream.indirect.scatter.add.f32 [tilespmem:s20], [sflag:$0xB], $0x80, s12, s16, $0xb8;
	[tilespmem:$0x1EB00] =	vst v63  }
0xce: {  	_ =	swait.ge [sflag:s25], $0xC00  }
0xcf: {  	[sflag:s25] =	ssyncset.done $0x0  }
0xd0: {  	[sflag:s25] =	ssyncadd.s32 $0xFFFFF400  }
0xd1: {  	_ =	swait.ge [sflag:s28], $0xC00  }
0xd2: {  	[sflag:s28] =	ssyncset.done $0x0  }
0xd3: {  	s10 =	simm.s32 $0x4E08;
	[sflag:s28] =	ssyncadd.s32 $0xFFFFF400  }
0xd4: {  	[spmem:s3] =	stream.indirect.scatter.add.f32 [tilespmem:s22], [sflag:$0xC], $0x80, s10, s16, $0xb8;
	[tilespmem:$0x1EB00] =	vst v63  }
0xd5: {  	_ =	swait.ge [sflag:s30], $0xC00  }
0xd6: {  	[sflag:s30] =	ssyncset.done $0x0  }
0xd7: {  	[sflag:s30] =	ssyncadd.s32 $0xFFFFF400  }
0xd8: {  	_ =	swait.ge [sflag:s4], $0xC00  }
0xd9: {  	[sflag:s4] =	ssyncset.done $0x0  }
0xda: {  	s11 =	simm.s32 $0x4E20;
	[sflag:s4] =	ssyncadd.s32 $0xFFFFF400  }
0xdb: {  	[spmem:s3] =	stream.indirect.scatter.add.f32 [tilespmem:s24], [sflag:$0xD], $0x80, s11, s16, $0xb8;
	[tilespmem:$0x1EB00] =	vst v63  }
0xdc: {  	_ =	swait.ge [sflag:s5], $0xC00  }
0xdd: {  	[sflag:s5] =	ssyncset.done $0x0  }
0xde: {  	[sflag:s5] =	ssyncadd.s32 $0xFFFFF400  }
0xdf: {  	_ =	swait.ge [sflag:s13], $0xC00  }
0xe0: {  	[sflag:s13] =	ssyncset.done $0x0  }
0xe1: {  	s12 =	simm.s32 $0x4E38;
	[sflag:s13] =	ssyncadd.s32 $0xFFFFF400  }
0xe2: {  	[spmem:s3] =	stream.indirect.scatter.add.f32 [tilespmem:s26], [sflag:$0xE], $0x80, s12, s16, $0xb8;
	[tilespmem:$0x1EB00] =	vst v63  }
0xe3: {  	_ =	swait.ge [sflag:s7], $0xC00  }
0xe4: {  	[sflag:s7] =	ssyncset.done $0x0  }
0xe5: {  	[sflag:s7] =	ssyncadd.s32 $0xFFFFF400  }
0xe6: {  	_ =	swait.ge [sflag:s14], $0xC00  }
0xe7: {  	[sflag:s14] =	ssyncset.done $0x0  }
0xe8: {  	s10 =	simm.s32 $0x4E50;
	[sflag:s14] =	ssyncadd.s32 $0xFFFFF400  }
0xe9: {  	[spmem:s3] =	stream.indirect.scatter.add.f32 [tilespmem:s29], [sflag:$0xF], $0x80, s10, s16, $0xb8;
	[tilespmem:$0x1EB00] =	vst v63  }
0xea: {  	_ =	swait.ge [sflag:s8], $0xC00  }
0xeb: {  	[sflag:s8] =	ssyncset.done $0x0  }
0xec: {  	[sflag:s8] =	ssyncadd.s32 $0xFFFFF400  }
0xed: {  	_ =	swait.ge [sflag:s15], $0xC00  }
0xee: {  	[sflag:s15] =	ssyncset.done $0x0  }
0xef: {  	s11 =	simm.s32 $0x4E68;
	[sflag:s15] =	ssyncadd.s32 $0xFFFFF400  }
0xf0: {  	[spmem:s3] =	stream.indirect.scatter.add.f32 [tilespmem:s31], [sflag:$0x10], $0x80, s11, s16, $0xb8;
	[tilespmem:$0x1EB00] =	vst v63  }
0xf1: {  	_ =	swait.ge [sflag:s9], $0xC00  }
0xf2: {  	[sflag:s9] =	ssyncset.done $0x0  }
0xf3: {  	[sflag:s9] =	ssyncadd.s32 $0xFFFFF400  }
0xf4: {  	_ =	swait.ge [sflag:s0], $0xC00  }
0xf5: {  	[sflag:s0] =	ssyncset.done $0x0  }
0xf6: {  	s12 =	simm.s32 $0x4E80;
	[sflag:s0] =	ssyncadd.s32 $0xFFFFF400  }
0xf7: {  	[spmem:s3] =	stream.indirect.scatter.add.f32 [tilespmem:s17], [sflag:$0x9], $0x80, s12, s16, $0xb8;
	[tilespmem:$0x1EB00] =	vst v63  }
0xf8: {  	_ =	swait.ge [sflag:s1], $0xC00  }
0xf9: {  	[sflag:s1] =	ssyncset.done $0x0  }
0xfa: {  	[sflag:s1] =	ssyncadd.s32 $0xFFFFF400  }
0xfb: {  	[bflag:$0x0] =	sbarrier.arrive $0xFFFF  }
0xfc: {  	s11 =	rddreg [dreg:$0x5]  }
0xfd: {  	s10 =	rddreg [dreg:$0x8]  }
0xfe: {  	s6 =	simm.s32 $0x11;
	s12 =	rddreg [dreg:$0xa]  }
0xff: {  	[hbm:s10], [sflag:s11] =	dma.local [spmem:s12], $0x2780  }
0x100: {  	_ =	swait.ge [sflag:s6], $0x2780  }
0x101: {  	s10 =	rddreg [dreg:$0xb]  }
0x102: {  	[sflag:s6] =	ssyncset.done $0x0;
	s6 =	rddreg [dreg:$0x9];
	s10 =	sadd.s32 $0x1, s10  }
0x103: {  	p0 =	sne.s32 s10, s6  }
.Ltmp1:
0x104: {  	_ = 	snop;
	(pc) =	sbr.rel @p0 .LBB2_1-.Ltmp1, $3  }
0x105: {  	_ =	sdelay $0x1  }
0x106: {  	s6 =	simm.s32 $0x11  }
0x107: {  	[sflag:s6] =	ssyncadd.s32 $0xFFFFD880  }
0x108: {  	_ =	sfence.sel $0x180000  }
0x109: {  	[bflag:$0x0] =	sbarrier.arrive $0xFFFF  }
0x10a: {  	_ =	strace $0x9000004D  }
0x10b: {  	s0 =	stileid.u32;
	[bflag:$0x2] =	sbarrier.arrive $0xFFFF  }
0x10c: {  	p0 =	sne.s32 s0, $0x0;
	s0 =	rddreg [dreg:$0x3]  }
0x10d: {  	s0 =	sadd.s32 @!p0 $0x100000, s0  }
0x10e: {  	[sflag:s0] =	ssyncadd.tile.s32 @!p0 $0x1;
	_ =	shalt  }
.Lfunc_end2:
_tile_overlayer_lowered:
.L_overlay_start_2:
0x10f: {  	(tag) =	ssettag $0x2  }
0x110: {  	s0 =	rddreg [dreg:$0x0];
	s2 =	stileid.u32  }
0x111: {  	s1 =	rddreg [dreg:$0x1];
	p0 =	sne.s32 s2, $0x0  }
0x112: {  	s3 =	rddreg [dreg:$0x2];
	[bflag:$0x3] =	sbarrier.arrive $0xFFFF;
	s2 =	simm.s32 @!p0 $0x1C11  }
0x113: {  	[timem:s3], [sflag:s2] =	dma.local @!p0 [hbm:s0], s1  }
0x114: {  	s0 =	simm.s32 @!p0 $0x11  }
0x115: {  	_ =	swait.ge @!p0 [sflag:s0], s1  }
0x116: {  	s1 =	ssub.s32 @!p0 $0x0, s1;
	[sflag:s0] =	ssyncset.done @!p0 $0x0  }
0x117: {  	[sflag:s0] =	ssyncadd.s32 @!p0 s1  }
0x118: {  	[bflag:$0x3] =	sbarrier.arrive $0xFFFF  }
0x119: {  	_ =	shalt  }

// kernel: kernel.8.cloned.1.call-start
scs
__scs_entry_jumppad:
0x0: {  	(pc) =	sbr.rel $0x88, $3  }
0x1: {  	(tag) =	ssettag $0x0;
	lr =	simm.s32 $0x1  }
0x2: {  	[smem:$0x3F9B] =	sst lr;
	_ =	strace $0xD0000000  }
0x3: {  	_ = 	snop  }
0x4: {  	_ = 	snop  }
0x5: {  	_ = 	snop  }
0x6: {  	_ = 	snop  }
0x7: {  	_ = 	snop  }
__scs_overlays_trampoline_lowered:
0x8: {  	[smem:$0x3FAA] =	sst s0  }
0x9: {  	[smem:$0x3FAB] =	sst s1  }
0xa: {  	[smem:$0x3FAC] =	sst s2  }
0xb: {  	[smem:$0x3FAD] =	sst s3  }
0xc: {  	[smem:$0x3FAE] =	sst s4  }
0xd: {  	[smem:$0x3FAF] =	sst s5  }
0xe: {  	[smem:$0x3FB0] =	sst s6  }
0xf: {  	[smem:$0x3FB1] =	sst s7  }
0x10: {  	[smem:$0x3FB2] =	sst s8  }
0x11: {  	[smem:$0x3FB3] =	sst s9;
	s0 =	simm.s32 @!p0 $0x0  }
0x12: {  	s1 =	sld [smem:$0x3F99];
	s0 =	simm.s32 @p0 $0x1  }
0x13: {  	[smem:$0x3FB4] =	sst s0;
	s0 =	simm.s32 @!p1 $0x0  }
0x14: {  	s2 =	sld [smem:$0x3F98];
	s0 =	simm.s32 @p1 $0x1  }
0x15: {  	[smem:$0x3FB5] =	sst s0;
	s0 =	simm.s32 @!p2 $0x0  }
0x16: {  	s3 =	sld [smem:$0x3FDB];
	s0 =	simm.s32 @p2 $0x1  }
0x17: {  	s4 =	simm.s32 $0x1BF5;
	[smem:$0x3FB7] =	sst s0  }
0x18: {  	s0 =	sld [smem:$0x3F9A];
	_ =	swait.ge [sflag:s4], $0x0  }
0x19: {  	s7 =	sld [smem:$0x3F9B]  }
0x1a: {  	s8 =	sadd.s32 $0xFFFFE003, lr  }
0x1b: {  	s9 =	sadd.s32 $0xFFFFFEF7, lr;
	s5 =	simm.s32 $0xFFFFFFFF;
	p2 =	slt.u32 s8, $0xFFFFF086  }
0x1c: {  	p1 =	slt.u32 s9, $0xF7A;
	s5 =	simm.s32 @!p2 $0x0  }
0x1d: {  	s5 =	simm.s32 @p1 $0x1;
	p0 =	seq.s32 s7, s2  }
0x1e: {  	s7 =	smul.u32 @!p0 $0xF7A, s2;
	p2 =	seq.s32 @!p0 s5, $0x0  }
0x1f: {  	s9 =	smul.u32 $0xF7A, s1;
	s8 =	simm.s32 @!p0 $0x1BF5;
	p2 =	por !p2, p0  }
0x20: {  	[sflag:s8] =	ssyncset.s32 @!p0 $0xFFFFF086;
	s6 =	sadd.s32 @!p0 s3, s7;
	s7 =	simm.s32 @!p0 $0x108  }
0x21: {  	s3 =	sadd.s32 s3, s9;
	s6 =	sadd.s32 @!p0 $0x88, s6;
	s7 =	simm.s32 @p2 $0x1082  }
0x22: {  	[simem:s7], [sflag:s8] =	dma.local @!p0 [hbm:s6], $0xF7A  }
0x23: {  	s9 =	sor.u32 $0xD0000000, s2;
	s6 =	simm.s32 $0x108;
	_ =	swait.ge @!p0 [sflag:s8], $0x0  }
0x24: {  	s3 =	sadd.s32 $0x88, s3;
	s6 =	simm.s32 @!p1 $0x1082;
	[sflag:s4] =	ssyncset.s32 $0xFFFFF086  }
0x25: {  	[simem:s6], [sflag:s4] =	dma.local [hbm:s3], $0xF7A  }
0x26: {  	[smem:$0x3F9B] =	sst s1;
	(tag) =	ssettag s2;
	_ =	strace s9  }
0x27: {  	s1 =	sld [smem:$0x3FAB]  }
0x28: {  	s2 =	sld [smem:$0x3FAC]  }
0x29: {  	s4 =	sld [smem:$0x3FAE]  }
0x2a: {  	p0 =	seq.s32 s5, $0x0;
	s5 =	sld [smem:$0x3FAF]  }
0x2b: {  	s6 =	sld [smem:$0x3FB0]  }
0x2c: {  	s7 =	sld [smem:$0x3FB1]  }
0x2d: {  	s3 =	simm.s32 $0x108;
	s8 =	sld [smem:$0x3FB2]  }
0x2e: {  	s3 =	simm.s32 @!p0 $0x1082;
	s9 =	sld [smem:$0x3FB3]  }
0x2f: {  	lr =	sadd.s32 s0, s3;
	s0 =	sld [smem:$0x3FAA]  }
0x30: {  	s3 =	sld [smem:$0x3FAD]  }
0x31: {  	[smem:$0x3FB6] =	sst s10  }
0x32: {  	s10 =	sld [smem:$0x3FB4];
	_ =	sdelay $0x3  }
0x33: {  	p0 =	seq.s32 s10, $0x1;
	s10 =	sld [smem:$0x3FB6];
	_ =	sdelay $0x3  }
0x34: {  	[smem:$0x3FB6] =	sst s10  }
0x35: {  	s10 =	sld [smem:$0x3FB5];
	_ =	sdelay $0x3  }
0x36: {  	p1 =	seq.s32 s10, $0x1;
	s10 =	sld [smem:$0x3FB6];
	_ =	sdelay $0x3  }
0x37: {  	[smem:$0x3FB6] =	sst s10  }
0x38: {  	s10 =	sld [smem:$0x3FB7]  }
0x39: {  	_ = 	snop;
	(pc) =	sbr.ind lr, $3  }
0x3a: {  	_ = 	snop  }
0x3b: {  	_ = 	snop  }
0x3c: {  	p2 =	seq.s32 s10, $0x1;
	s10 =	sld [smem:$0x3FB6]  }
0x3d: {  	_ =	shalt  }
0x3e: {  	_ =	shalt  }
0x3f: {  	_ =	shalt  }
0x40: {  	_ =	shalt  }
0x41: {  	_ =	shalt  }
0x42: {  	_ =	shalt  }
0x43: {  	_ =	shalt  }
0x44: {  	_ =	shalt  }
0x45: {  	_ =	shalt  }
0x46: {  	_ =	shalt  }
0x47: {  	_ =	shalt  }
0x48: {  	_ =	shalt  }
0x49: {  	_ =	shalt  }
0x4a: {  	_ =	shalt  }
0x4b: {  	_ =	shalt  }
0x4c: {  	_ =	shalt  }
0x4d: {  	_ =	shalt  }
0x4e: {  	_ =	shalt  }
0x4f: {  	_ =	shalt  }
0x50: {  	_ =	shalt  }
0x51: {  	_ =	shalt  }
0x52: {  	_ =	shalt  }
0x53: {  	_ =	shalt  }
0x54: {  	_ =	shalt  }
0x55: {  	_ =	shalt  }
0x56: {  	_ =	shalt  }
0x57: {  	_ =	shalt  }
0x58: {  	_ =	shalt  }
0x59: {  	_ =	shalt  }
0x5a: {  	_ =	shalt  }
0x5b: {  	_ =	shalt  }
0x5c: {  	_ =	shalt  }
0x5d: {  	_ =	shalt  }
0x5e: {  	_ =	shalt  }
0x5f: {  	_ =	shalt  }
0x60: {  	_ =	shalt  }
0x61: {  	_ =	shalt  }
0x62: {  	_ =	shalt  }
0x63: {  	_ =	shalt  }
0x64: {  	_ =	shalt  }
0x65: {  	_ =	shalt  }
0x66: {  	_ =	shalt  }
0x67: {  	_ =	shalt  }
0x68: {  	_ =	shalt  }
0x69: {  	_ =	shalt  }
0x6a: {  	_ =	shalt  }
0x6b: {  	_ =	shalt  }
0x6c: {  	_ =	shalt  }
0x6d: {  	_ =	shalt  }
0x6e: {  	_ =	shalt  }
0x6f: {  	_ =	shalt  }
0x70: {  	_ =	shalt  }
0x71: {  	_ =	shalt  }
0x72: {  	_ =	shalt  }
0x73: {  	_ =	shalt  }
0x74: {  	_ =	shalt  }
0x75: {  	_ =	shalt  }
0x76: {  	_ =	shalt  }
0x77: {  	_ =	shalt  }
0x78: {  	_ =	shalt  }
0x79: {  	_ =	shalt  }
0x7a: {  	_ =	shalt  }
0x7b: {  	_ =	shalt  }
0x7c: {  	_ =	shalt  }
0x7d: {  	_ =	shalt  }
0x7e: {  	_ =	shalt  }
0x7f: {  	_ =	shalt  }
0x80: {  	_ =	shalt  }
0x81: {  	_ =	shalt  }
0x82: {  	_ =	shalt  }
0x83: {  	_ =	shalt  }
0x84: {  	_ =	shalt  }
0x85: {  	_ =	shalt  }
0x86: {  	_ =	shalt  }
0x87: {  	_ =	shalt  }
.Lfunc_end0:
.L_simem_size_0:
called_computation_lowered:
.L_overlay_start_0:
0x88: {  	s2 =	sld [smem:$0x3FD9]  }
0x89: {  	s3 =	sld [smem:$0x3FFE];
	_ =	sdelay $0x1  }
0x8a: {  	s1 =	srdreg.scid  }
0x8b: {  	s0 =	sand.u32 $0x1, s1  }
0x8c: {  	s17 =	sshll.u32 s0, $0xA;
	s2 =	sadd.s32 s3, s2  }
0x8d: {  	s2 =	sadd.s32 s2, s17  }
0x8e: {  	[smem:$0x3FC2] =	sst s2  }
0x8f: {  	_ = 	snop  }
0x90: {  	s2 =	sld [smem:$0x3FD0];
	(tm) =	ssettm $0x1  }
0x91: {  	s18 =	sld [smem:$0x3FFB];
	_ =	sdelay $0x3  }
0x92: {  	_ =	strace s18  }
0x93: {  	s3 =	sld [smem:$0x3FFC];
	_ =	sdelay $0x3  }
0x94: {  	_ =	strace s3  }
0x95: {  	s3 =	sld [smem:$0x3FFD];
	_ =	sdelay $0x3  }
0x96: {  	_ =	strace s3  }
0x97: {  	_ =	strace $0x8FFFFFFF  }
0x98: {  	s19 =	sld [smem:$0x3FDB];
	_ =	sdelay $0x1  }
0x99: {  	s4 =	simm.s32 $_scs_section_size  }
0x9a: {  	s5 =	simm.s32 $_size__tile_overlayer_lowered;
	s6 =	simm.s32 $_tile_overlayer_lowered  }
0x9b: {  	s22 =	simm.s32 $0x1BFF;
	s21 =	sshll.u32 s6, $0x1;
	s3 =	sadd.s32 s4, s19  }
0x9c: {  	s7 =	simm.s32 $0x0;
	s20 =	sshll.u32 s5, $0x1;
	s5 =	sadd.s32 s21, s3  }
0x9d: {  	[timem:s7], [sflag:s22] =	dma.local [hbm:s5], s20  }
0x9e: {  	_ =	swait.ge [sflag:s22], s20  }
0x9f: {  	s4 =	ssub.s32 $0x0, s20;
	[sflag:s22] =	ssyncset.done $0x0  }
0xa0: {  	[sflag:s22] =	ssyncadd.s32 s4;
	_ =	sdelay $0x1  }
0xa1: {  	s23 =	simm.s32 $0x1B8B  }
0xa2: {  	_ =	swait.ge [sflag:s23], $0x1  }
0xa3: {  	[sflag:s23] =	ssyncset.done $0x0  }
0xa4: {  	s25 =	simm.s32 $0x1B8E;
	s24 =	sld [smem:$0x3FFE];
	[sflag:s23] =	ssyncadd.s32 $0xFFFFFFFF  }
0xa5: {  	s26 =	simm.s32 $execute0_lowered;
	[smem:$0x3FD2] =	sst s25  }
0xa6: {  	s5 =	sshll.u32 s26, $0x1;
	_ =	strace $0x80000046;
	[dreg:$0x1] =	wrdreg $0xFFFFFFFF  }
0xa7: {  	s28 =	simm.s32 $_size_execute0_lowered;
	s3 =	sadd.s32 s3, s5;
	[dreg:$0x0] =	wrdreg $0x0  }
0xa8: {  	s5 =	sshll.u32 s28, $0x1;
	[dreg:$0x2] =	wrdreg s3  }
0xa9: {  	[dreg:$0x3] =	wrdreg s5  }
0xaa: {  	[dreg:$0x4] =	wrdreg $0xC0  }
0xab: {  	_ =	task [dreg:s7], $0x5FFFF  }
0xac: {  	[dreg:$0x1] =	wrdreg $0xFFFFFFFF  }
0xad: {  	[dreg:$0x0] =	wrdreg $0x60  }
0xae: {  	[dreg:$0x2] =	wrdreg s24  }
0xaf: {  	[dreg:$0x3] =	wrdreg s2  }
0xb0: {  	[dreg:$0x4] =	wrdreg $0x33800  }
0xb1: {  	[dreg:$0x5] =	wrdreg $0x9  }
0xb2: {  	_ =	task.clear_ibuf [dreg:s7], $0x6FFFF;
	_ =	strace $0x90000046  }
0xb3: {  	s29 =	simm.s32 $0x9;
	_ =	strace $0x80000048  }
0xb4: {  	_ =	swait.ge [sflag:s29], $0x1  }
0xb5: {  	[sflag:s29] =	ssyncadd.s32 $0xFFFFFFFF  }
0xb6: {  	_ =	strace $0x90000048  }
0xb7: {  	_ =	sfence  }
0xb8: {  	s30 =	sld [smem:$0x0];
	_ =	sdelay $0x2  }
0xb9: {  	s31 =	sshll.u32 s1, $0xD;
	s1 =	sshrl.u32 s1, $0x2  }
0xba: {  	s3 =	sand.u32 $0x4000, s31;
	s1 =	sadd.s32 s1, s30  }
0xbb: {  	s0 =	sor.u32 s3, s0;
	s1 =	sshll.u32 s1, $0x11  }
0xbc: {  	s0 =	sor.u32 s1, s0  }
0xbd: {  	s0 =	sadd.s32 $0x8F2B, s0  }
0xbe: {  	[sflag:s0] =	ssyncadd.remote.s32 $0x1  }
0xbf: {  	_ =	sfence.sel $0xFFFF  }
0xc0: {  	[dreg:$0x0] =	wrdreg $0xFFFFFFFF;
	(pc) =	sbr.abs _section_cstart, $3  }
0xc1: {  	[dreg:$0x1] =	wrdreg $0xFFFFFFFF  }
0xc2: {  	_ =	task.clear_ibuf [dreg:s7], $0x2FFFF;
	_ =	strace $0x9FFFFFFF  }
0xc3: {  	(tm) =	ssettm $0x7FFFFFFF  }
tec
execute0_lowered:
.L_overlay_start_1:
0x0: {  	(tag) =	ssettag $0x1  }
0x1: {  	s0 =	rddreg [dreg:$0x0]  }
0x2: {  	s2 =	rddreg [dreg:$0x2]  }
0x3: {  	s1 =	srdreg.scid;
	s11 =	stileid.u32  }
0x4: {  	s9 =	simm.s32 $0x2780;
	s10 =	simm.s32 $0x9;
	s14 =	simm.s32 $0x400  }
0x5: {  	s15 =	simm.s32 $0x18;
	s16 =	simm.s32 $0x30;
	s17 =	simm.s32 $0x48  }
0x6: {  	s18 =	simm.s32 $0x60;
	s19 =	simm.s32 $0x78;
	s20 =	simm.s32 $0x90  }
0x7: {  	s21 =	simm.s32 $0xA8;
	s22 =	simm.s32 $0x1;
	s23 =	simm.s32 $0x2  }
0x8: {  	s24 =	simm.s32 $0x3;
	s28 =	simm.s32 $0x6;
	s29 =	simm.s32 $0x7  }
0x9: {  	s30 =	simm.s32 $0x8;
	s31 =	simm.s32 $0x2700;
	s7 =	smul.u32 $0x13C00, s11  }
0xa: {  	s1 =	sand.u32 $0x1, s1;
	s3 =	sshrl.u32 s11, $0x2;
	s8 =	smul.u32 $0x4F000, s11  }
0xb: {  	s4 =	sshll.u32 s11, $0x8;
	s26 =	sshll.u32 s11, $0x6;
	s3 =	smul.u32 $0x13C00, s3  }
0xc: {  	s5 =	sshll.u32 s1, $0x7;
	s4 =	sand.u32 $0x300, s4;
	s6 =	smul.u32 $0x13C000, s1  }
0xd: {  	s1 =	ssub.s32 $0x2, s1;
	s11 =	sor.u32 $0x1C09, s26;
	s26 =	simm.s32 $0x5  }
0xe: {  	s5 =	sor.u32 s5, s4;
	s4 =	simm.s32 $0x0;
	s25 =	sshrl.u32 s1, $0x1  }
0xf: {  	s8 =	sshrl.u32 s8, $0x2;
	s3 =	sor.u32 s3, s5;
	[smem:$0x7FF] =	sst s4  }
0x10: {  	s5 =	sadd.s32 $0xC000, s0;
	s6 =	sadd.s32 s7, s6;
	s1 =	ssub.s32 s1, s25  }
0x11: {  	s12 =	sadd.s32 s8, s2;
	s25 =	simm.s32 $0x4;
	s3 =	sshrl.u32 s3, $0x3  }
0x12: {  	_ =	strace $0x80000047;
	s6 =	sshrl.u32 s6, $0x3;
	s8 =	smax.u32 s1, $0x1  }
0x13: {  	s12 =	sshrl.u32 s12, $0x3;
	s3 =	sadd.s32 s3, s0;
	s0 =	sadd.s32 s6, s0  }
0x14: {  	s6 =	sadd.s32 $0x2200, s3;
	s7 =	sadd.s32 $0xE800, s0;
	s3 =	simm.s32 $0x0  }
.LBB2_1:
0x15: {  	s0 =	rddreg [dreg:$0x1]  }
0x16: {  	[tilespmem:s9], [sflag:$0x9] =	stream.linear.gather [hbm4b:s0+s4], $0xC00, $0x38;
	[tilespmem:$0x16F80] =	vst v63  }
0x17: {  	_ =	swait.ge [sflag:s10], $0xC00  }
0x18: {  	[sflag:s10] =	ssyncset.done $0x0  }
0x19: {  	[sflag:s10] =	ssyncadd.s32 $0xFFFFF400  }
0x1a: {  	[spmem:s12], [sflag:s11] =	dma.local [hbm:s5], $0x2780  }
0x1b: {  	_ =	swait.ge [sflag:s10], $0x2780  }
0x1c: {  	[sflag:s10] =	ssyncset.done $0x0  }
0x1d: {  	s1 =	simm.s32 $0x80;
	[sflag:s10] =	ssyncadd.s32 $0xFFFFD880  }
0x1e: {  	[tilespmem:s4], [sflag:$0x9] =	stream.strided.gather [hbm4b:s6+s1], $0x2780, s14, s1, $0x38;
	[tilespmem:$0x16F80] =	vst v63  }
0x1f: {  	_ =	swait.ge [sflag:s10], $0x2780  }
0x20: {  	[sflag:s10] =	ssyncset.done $0x0  }
0x21: {  	[sflag:s10] =	ssyncadd.s32 $0xFFFFD880  }
0x22: {  	[bflag:$0x0] =	sbarrier.arrive $0xFFFF  }
0x23: {  	[spmem:s2] =	stream.indirect.scatter.add.f32 [tilespmem:s9], [sflag:$0x1], $0x80, s4, s15, $0xb8;
	[tilespmem:$0x16F80] =	vst v63  }
0x24: {  	_ = 	snop  }
0x25: {  	[spmem:s2] =	stream.indirect.scatter.add.f32 [tilespmem:s9], [sflag:$0x2], $0x80, s15, s15, $0xb8;
	[tilespmem:$0x16F80] =	vst v63  }
0x26: {  	_ = 	snop  }
0x27: {  	[spmem:s2] =	stream.indirect.scatter.add.f32 [tilespmem:s9], [sflag:$0x3], $0x80, s16, s15, $0xb8;
	[tilespmem:$0x16F80] =	vst v63  }
0x28: {  	_ = 	snop  }
0x29: {  	[spmem:s2] =	stream.indirect.scatter.add.f32 [tilespmem:s9], [sflag:$0x4], $0x80, s17, s15, $0xb8;
	[tilespmem:$0x16F80] =	vst v63  }
0x2a: {  	_ = 	snop  }
0x2b: {  	[spmem:s2] =	stream.indirect.scatter.add.f32 [tilespmem:s9], [sflag:$0x5], $0x80, s18, s15, $0xb8;
	[tilespmem:$0x16F80] =	vst v63  }
0x2c: {  	_ = 	snop  }
0x2d: {  	[spmem:s2] =	stream.indirect.scatter.add.f32 [tilespmem:s9], [sflag:$0x6], $0x80, s19, s15, $0xb8;
	[tilespmem:$0x16F80] =	vst v63  }
0x2e: {  	_ = 	snop  }
0x2f: {  	[spmem:s2] =	stream.indirect.scatter.add.f32 [tilespmem:s9], [sflag:$0x7], $0x80, s20, s15, $0xb8;
	[tilespmem:$0x16F80] =	vst v63  }
0x30: {  	_ = 	snop  }
0x31: {  	[spmem:s2] =	stream.indirect.scatter.add.f32 [tilespmem:s9], [sflag:$0x8], $0x80, s21, s15, $0xb8;
	[tilespmem:$0x16F80] =	vst v63  }
0x32: {  	_ =	swait.ge [sflag:s22], $0xC00  }
0x33: {  	[sflag:s22] =	ssyncset.done $0x0  }
0x34: {  	s13 =	simm.s32 $0xC0;
	[sflag:s22] =	ssyncadd.s32 $0xFFFFF400  }
0x35: {  	[spmem:s2] =	stream.indirect.scatter.add.f32 [tilespmem:s9], [sflag:$0x1], $0x80, s13, s15, $0xb8;
	[tilespmem:$0x16F80] =	vst v63  }
0x36: {  	_ =	swait.ge [sflag:s23], $0xC00  }
0x37: {  	[sflag:s23] =	ssyncset.done $0x0  }
0x38: {  	s1 =	simm.s32 $0xD8;
	[sflag:s23] =	ssyncadd.s32 $0xFFFFF400  }
0x39: {  	[spmem:s2] =	stream.indirect.scatter.add.f32 [tilespmem:s9], [sflag:$0x2], $0x80, s1, s15, $0xb8;
	[tilespmem:$0x16F80] =	vst v63  }
0x3a: {  	_ =	swait.ge [sflag:s24], $0xC00  }
0x3b: {  	[sflag:s24] =	ssyncset.done $0x0  }
0x3c: {  	s13 =	simm.s32 $0xF0;
	[sflag:s24] =	ssyncadd.s32 $0xFFFFF400  }
0x3d: {  	[spmem:s2] =	stream.indirect.scatter.add.f32 [tilespmem:s9], [sflag:$0x3], $0x80, s13, s15, $0xb8;
	[tilespmem:$0x16F80] =	vst v63  }
0x3e: {  	_ =	swait.ge [sflag:s25], $0xC00  }
0x3f: {  	[sflag:s25] =	ssyncset.done $0x0  }
0x40: {  	s1 =	simm.s32 $0x108;
	[sflag:s25] =	ssyncadd.s32 $0xFFFFF400  }
0x41: {  	[spmem:s2] =	stream.indirect.scatter.add.f32 [tilespmem:s9], [sflag:$0x4], $0x80, s1, s15, $0xb8;
	[tilespmem:$0x16F80] =	vst v63  }
0x42: {  	_ =	swait.ge [sflag:s26], $0xC00  }
0x43: {  	[sflag:s26] =	ssyncset.done $0x0  }
0x44: {  	s13 =	simm.s32 $0x120;
	[sflag:s26] =	ssyncadd.s32 $0xFFFFF400  }
0x45: {  	[spmem:s2] =	stream.indirect.scatter.add.f32 [tilespmem:s9], [sflag:$0x5], $0x80, s13, s15, $0xb8;
	[tilespmem:$0x16F80] =	vst v63  }
0x46: {  	_ =	swait.ge [sflag:s28], $0xC00  }
0x47: {  	[sflag:s28] =	ssyncset.done $0x0  }
0x48: {  	s1 =	simm.s32 $0x138;
	[sflag:s28] =	ssyncadd.s32 $0xFFFFF400  }
0x49: {  	[spmem:s2] =	stream.indirect.scatter.add.f32 [tilespmem:s9], [sflag:$0x6], $0x80, s1, s15, $0xb8;
	[tilespmem:$0x16F80] =	vst v63  }
0x4a: {  	_ =	swait.ge [sflag:s29], $0xC00  }
0x4b: {  	[sflag:s29] =	ssyncset.done $0x0  }
0x4c: {  	s13 =	simm.s32 $0x150;
	[sflag:s29] =	ssyncadd.s32 $0xFFFFF400  }
0x4d: {  	[spmem:s2] =	stream.indirect.scatter.add.f32 [tilespmem:s9], [sflag:$0x7], $0x80, s13, s15, $0xb8;
	[tilespmem:$0x16F80] =	vst v63  }
0x4e: {  	_ =	swait.ge [sflag:s30], $0xC00  }
0x4f: {  	[sflag:s30] =	ssyncset.done $0x0  }
0x50: {  	s0 =	simm.s32 $0x300;
	s1 =	simm.s32 $0x168;
	[sflag:s30] =	ssyncadd.s32 $0xFFFFF400  }
.LBB2_2:
0x51: {  	[spmem:s2] =	stream.indirect.scatter.add.f32 [tilespmem:s9], [sflag:$0x8], $0x80, s1, s15, $0xb8;
	[tilespmem:$0x16F80] =	vst v63  }
0x52: {  	s1 =	smov.u32 s0  }
0x53: {  	p0 =	sne.s32 s0, $0x9600;
	s0 =	sadd.s32 $0x300, s0;
	_ =	swait.ge [sflag:s22], $0xC00  }
0x54: {  	s1 =	sshra.s32 s1, $0x2;
	[sflag:s22] =	ssyncset.done $0x0  }
0x55: {  	s13 =	sadd.s32 $0xC0, s1;
	[sflag:s22] =	ssyncadd.s32 $0xFFFFF400  }
0x56: {  	[spmem:s2] =	stream.indirect.scatter.add.f32 [tilespmem:s9], [sflag:$0x1], $0x80, s13, s15, $0xb8;
	[tilespmem:$0x16F80] =	vst v63  }
0x57: {  	_ =	swait.ge [sflag:s23], $0xC00  }
0x58: {  	[sflag:s23] =	ssyncset.done $0x0  }
0x59: {  	s13 =	sadd.s32 $0xD8, s1;
	[sflag:s23] =	ssyncadd.s32 $0xFFFFF400  }
0x5a: {  	[spmem:s2] =	stream.indirect.scatter.add.f32 [tilespmem:s9], [sflag:$0x2], $0x80, s13, s15, $0xb8;
	[tilespmem:$0x16F80] =	vst v63  }
0x5b: {  	_ =	swait.ge [sflag:s24], $0xC00  }
0x5c: {  	[sflag:s24] =	ssyncset.done $0x0  }
0x5d: {  	s13 =	sadd.s32 $0xF0, s1;
	[sflag:s24] =	ssyncadd.s32 $0xFFFFF400  }
0x5e: {  	[spmem:s2] =	stream.indirect.scatter.add.f32 [tilespmem:s9], [sflag:$0x3], $0x80, s13, s15, $0xb8;
	[tilespmem:$0x16F80] =	vst v63  }
0x5f: {  	_ =	swait.ge [sflag:s25], $0xC00  }
0x60: {  	[sflag:s25] =	ssyncset.done $0x0  }
0x61: {  	s13 =	sadd.s32 $0x108, s1;
	[sflag:s25] =	ssyncadd.s32 $0xFFFFF400  }
0x62: {  	[spmem:s2] =	stream.indirect.scatter.add.f32 [tilespmem:s9], [sflag:$0x4], $0x80, s13, s15, $0xb8;
	[tilespmem:$0x16F80] =	vst v63  }
0x63: {  	_ =	swait.ge [sflag:s26], $0xC00  }
0x64: {  	[sflag:s26] =	ssyncset.done $0x0  }
0x65: {  	s13 =	sadd.s32 $0x120, s1;
	[sflag:s26] =	ssyncadd.s32 $0xFFFFF400  }
0x66: {  	[spmem:s2] =	stream.indirect.scatter.add.f32 [tilespmem:s9], [sflag:$0x5], $0x80, s13, s15, $0xb8;
	[tilespmem:$0x16F80] =	vst v63  }
0x67: {  	_ =	swait.ge [sflag:s28], $0xC00  }
0x68: {  	[sflag:s28] =	ssyncset.done $0x0  }
0x69: {  	s13 =	sadd.s32 $0x138, s1;
	[sflag:s28] =	ssyncadd.s32 $0xFFFFF400  }
0x6a: {  	[spmem:s2] =	stream.indirect.scatter.add.f32 [tilespmem:s9], [sflag:$0x6], $0x80, s13, s15, $0xb8;
	[tilespmem:$0x16F80] =	vst v63  }
0x6b: {  	_ =	swait.ge [sflag:s29], $0xC00  }
0x6c: {  	[sflag:s29] =	ssyncset.done $0x0  }
.Ltmp0:
0x6d: {  	s13 =	sadd.s32 $0x150, s1;
	[sflag:s29] =	ssyncadd.s32 $0xFFFFF400;
	(pc) =	sbr.rel @p0 .LBB2_2-.Ltmp0, $4  }
0x6e: {  	[spmem:s2] =	stream.indirect.scatter.add.f32 [tilespmem:s9], [sflag:$0x7], $0x80, s13, s15, $0xb8;
	[tilespmem:$0x16F80] =	vst v63  }
0x6f: {  	_ =	swait.ge [sflag:s30], $0xC00  }
0x70: {  	[sflag:s30] =	ssyncset.done $0x0  }
0x71: {  	s1 =	sadd.s32 $0x168, s1;
	[sflag:s30] =	ssyncadd.s32 $0xFFFFF400  }
0x72: {  	[spmem:s2] =	stream.indirect.scatter.add.f32 [tilespmem:s9], [sflag:$0x8], $0x80, s1, s15, $0xb8;
	[tilespmem:$0x16F80] =	vst v63  }
0x73: {  	_ =	swait.ge [sflag:s22], $0xC00  }
0x74: {  	[sflag:s22] =	ssyncset.done $0x0  }
0x75: {  	[sflag:s22] =	ssyncadd.s32 $0xFFFFF400  }
0x76: {  	[spmem:s2] =	stream.indirect.scatter.add.f32 [tilespmem:s9], [sflag:$0x1], $0x80, s31, s15, $0xb8;
	[tilespmem:$0x16F80] =	vst v63  }
0x77: {  	_ =	swait.ge [sflag:s23], $0xC00  }
0x78: {  	[sflag:s23] =	ssyncset.done $0x0  }
0x79: {  	[sflag:s23] =	ssyncadd.s32 $0xFFFFF400  }
0x7a: {  	_ =	swait.ge [sflag:s24], $0xC00  }
0x7b: {  	[sflag:s24] =	ssyncset.done $0x0  }
0x7c: {  	[sflag:s24] =	ssyncadd.s32 $0xFFFFF400  }
0x7d: {  	_ =	swait.ge [sflag:s25], $0xC00  }
0x7e: {  	[sflag:s25] =	ssyncset.done $0x0  }
0x7f: {  	[sflag:s25] =	ssyncadd.s32 $0xFFFFF400  }
0x80: {  	_ =	swait.ge [sflag:s26], $0xC00  }
0x81: {  	[sflag:s26] =	ssyncset.done $0x0  }
0x82: {  	[sflag:s26] =	ssyncadd.s32 $0xFFFFF400  }
0x83: {  	_ =	swait.ge [sflag:s28], $0xC00  }
0x84: {  	[sflag:s28] =	ssyncset.done $0x0  }
0x85: {  	[sflag:s28] =	ssyncadd.s32 $0xFFFFF400  }
0x86: {  	_ =	swait.ge [sflag:s29], $0xC00  }
0x87: {  	[sflag:s29] =	ssyncset.done $0x0  }
0x88: {  	[sflag:s29] =	ssyncadd.s32 $0xFFFFF400  }
0x89: {  	_ =	swait.ge [sflag:s30], $0xC00  }
0x8a: {  	[sflag:s30] =	ssyncset.done $0x0  }
0x8b: {  	[sflag:s30] =	ssyncadd.s32 $0xFFFFF400  }
0x8c: {  	_ =	swait.ge [sflag:s22], $0xC00  }
0x8d: {  	s3 =	sadd.s32 $0x1, s3;
	[sflag:s22] =	ssyncset.done $0x0  }
0x8e: {  	p0 =	sne.s32 s3, s8;
	[sflag:s22] =	ssyncadd.s32 $0xFFFFF400  }
.Ltmp1:
0x8f: {  	[bflag:$0x0] =	sbarrier.arrive $0xFFFF;
	(pc) =	sbr.rel @p0 .LBB2_1-.Ltmp1, $4  }
0x90: {  	[hbm:s7], [sflag:s11] =	dma.local [spmem:s12], $0x2780  }
0x91: {  	_ =	swait.ge [sflag:s10], $0x2780  }
0x92: {  	[sflag:s10] =	ssyncset.done $0x0  }
0x93: {  	[sflag:s10] =	ssyncadd.s32 $0xFFFFD880  }
0x94: {  	_ =	sfence.sel $0x180000  }
0x95: {  	[bflag:$0x0] =	sbarrier.arrive $0xFFFF  }
0x96: {  	_ =	strace $0x90000047  }
0x97: {  	s0 =	stileid.u32;
	[bflag:$0x2] =	sbarrier.arrive $0xFFFF  }
0x98: {  	p0 =	sne.s32 s0, $0x0;
	s0 =	rddreg [dreg:$0x3]  }
0x99: {  	s0 =	sadd.s32 @!p0 $0x100000, s0  }
0x9a: {  	[sflag:s0] =	ssyncadd.tile.s32 @!p0 $0x1;
	_ =	shalt  }
.Lfunc_end2:
_tile_overlayer_lowered:
.L_overlay_start_2:
0x9b: {  	(tag) =	ssettag $0x2  }
0x9c: {  	s0 =	rddreg [dreg:$0x0];
	s2 =	stileid.u32  }
0x9d: {  	s1 =	rddreg [dreg:$0x1];
	p0 =	sne.s32 s2, $0x0  }
0x9e: {  	s3 =	rddreg [dreg:$0x2];
	[bflag:$0x3] =	sbarrier.arrive $0xFFFF;
	s2 =	simm.s32 @!p0 $0x1C09  }
0x9f: {  	[timem:s3], [sflag:s2] =	dma.local @!p0 [hbm:s0], s1  }
0xa0: {  	s0 =	simm.s32 @!p0 $0x9  }
0xa1: {  	_ =	swait.ge @!p0 [sflag:s0], s1  }
0xa2: {  	s1 =	ssub.s32 @!p0 $0x0, s1;
	[sflag:s0] =	ssyncset.done @!p0 $0x0  }
0xa3: {  	[sflag:s0] =	ssyncadd.s32 @!p0 s1  }
0xa4: {  	[bflag:$0x3] =	sbarrier.arrive $0xFFFF  }
0xa5: {  	_ =	shalt  }

</sc_bundles>
